<compile_context>
chip_gen: v7x
topology: tpu7x:2x2x1
jax: 0.10.2.dev20260603
libtpu: 0.0.44.dev20260713+nightly
codegen_flags: <defaults>
</compile_context>

<pallas_src>
import functools

import jax
import jax.numpy as jnp
from jax import lax
from jax.experimental import pallas as pl
from jax.experimental.pallas import tpu as pltpu
from jax.experimental.pallas import tpu_sc as plsc

B, S, D = 16, 4096, 512
NC, NS = 2, 16
NW = NC * NS
CH = 32
CPB = S // CH
NCHW = B * CPB // NW
ZLAG = 32

_mesh = plsc.VectorSubcoreMesh(
    core_axis_name="c", subcore_axis_name="s", num_cores=NC, num_subcores=NS)


@functools.partial(
    pl.kernel,
    out_type=jax.ShapeDtypeStruct((B, S, D), jnp.float32),
    mesh=_mesh,
    scratch_types=[
        pltpu.VMEM((32,), jnp.int32),
        [pltpu.VMEM((CH, D), jnp.float32) for _ in range(4)],
        pltpu.VMEM((CH, D), jnp.float32),
        [pltpu.SemaphoreType.DMA for _ in range(4)],
        [pltpu.SemaphoreType.DMA for _ in range(4)],
        pltpu.SemaphoreType.DMA,
    ],
)
def _packpad(x_hbm, len_hbm, out_hbm, len_v, stages, zbuf, gs, ss, zsem):
    c = lax.axis_index("c")
    s = lax.axis_index("s")
    wid = s * NC + c
    zero16 = jnp.zeros((16,), jnp.float32)

    pltpu.sync_copy(len_hbm, len_v.at[pl.ds(0, 16)])

    def chunk(i):
        j = wid + i * NW
        bb = jnp.clip(j // CPB, 0, B - 1)
        row0 = (j % CPB) * CH
        rel = len_v[pl.ds(bb, 16)][0] - row0
        return bb, row0, rel

    def src(i):
        bb, row0, _ = chunk(i)
        return x_hbm.at[bb, pl.ds(row0, CH)]

    def dst(i):
        bb, row0, _ = chunk(i)
        return out_hbm.at[bb, pl.ds(row0, CH)]

    def is_copy(i):
        return chunk(i)[2] >= CH

    def used(i):
        return chunk(i)[2] > 0

    def is_zero(i):
        return chunk(i)[2] <= 0

    @pl.when(used(0))
    def _g0():
        pltpu.async_copy(src(0), stages[0], gs[0])

    @pl.when(used(1))
    def _g1():
        pltpu.async_copy(src(1), stages[1], gs[1])

    def zrow(j, carry):
        for w in range(D // 16):
            zbuf[j, pl.ds(w * 16, 16)] = zero16
        return carry
    lax.fori_loop(0, CH, zrow, 0)

    def outer(k, carry):
        for bb in range(4):
            i = k * 4 + bb
            q = (bb + 2) % 4

            @pl.when(jnp.logical_and(i >= 2, used(i - 2)))
            def _free():
                pltpu.make_async_copy(stages[q], dst(i - 2), ss[q]).wait()

            @pl.when(jnp.logical_and(i + 2 < NCHW, used(i + 2)))
            def _prefetch():
                pltpu.async_copy(src(i + 2), stages[q], gs[q])

            @pl.when(is_copy(i))
            def _copy():
                pltpu.make_async_copy(src(i), stages[bb], gs[bb]).wait()
                pltpu.async_copy(stages[bb], dst(i), ss[bb])

            rel = chunk(i)[2]

            @pl.when(jnp.logical_and(rel > 0, rel < CH))
            def _boundary():
                pltpu.make_async_copy(src(i), stages[bb], gs[bb]).wait()

                def ztail(j, zc):
                    for w in range(D // 16):
                        stages[bb][j, pl.ds(w * 16, 16)] = zero16
                    return zc
                lax.fori_loop(rel, CH, ztail, 0)
                pltpu.async_copy(stages[bb], dst(i), ss[bb])

            @pl.when(is_zero(i))
            def _zfire():
                pltpu.async_copy(zbuf, dst(i), zsem)

            @pl.when(jnp.logical_and(i >= ZLAG, is_zero(i - ZLAG)))
            def _zdrain():
                pltpu.make_async_copy(zbuf, dst(i - ZLAG), zsem).wait()
        return carry
    lax.fori_loop(0, NCHW // 4, outer, 0)

    @pl.when(used(NCHW - 2))
    def _d2():
        pltpu.make_async_copy(stages[(NCHW - 2) % 4], dst(0),
                              ss[(NCHW - 2) % 4]).wait()

    @pl.when(used(NCHW - 1))
    def _d1():
        pltpu.make_async_copy(stages[(NCHW - 1) % 4], dst(0),
                              ss[(NCHW - 1) % 4]).wait()

    def zresid(t, carry):
        @pl.when(is_zero(t))
        def _zd():
            pltpu.make_async_copy(zbuf, dst(t), zsem).wait()
        return carry
    lax.fori_loop(NCHW - ZLAG, NCHW, zresid, 0)


def kernel(x, lengths):
    out = _packpad(x, lengths.astype(jnp.int32))
    return (out, lengths)

# --- scband reference (transcript-rebuilt; emitter-appended) ---
"""Pipeline reference for scband-net-11879879542694 (READ-ONLY COPY).

The authoritative reference and input builder live on the scoring server;
editing this copy changes nothing except your own understanding.
"""

import jax, jax.numpy as jnp
import numpy as np

B, S, D = 16, 4096, 512

def setup_inputs(seed: int = 0) -> dict:
    key = jax.random.key(seed)
    kx, kl = jax.random.split(key)
    x = jax.random.uniform(kx, (B, S, D), dtype=jnp.float32)
    # pack_padded_sequence(enforce_sorted=True) requires lengths sorted DESCENDING,
    # values in [1, S]. Force max length == S so pad_packed output keeps seq dim S.
    lengths = jax.random.randint(kl, (B,), 1, S + 1)
    lengths = jnp.sort(lengths)[::-1]
    lengths = lengths.at[0].set(S)
    return {"x": x, "lengths": lengths}

def reference(x, lengths):
    # pack_padded_sequence followed immediately by pad_packed_sequence(padding_value=0.0)
    # is equivalent to zeroing every position t >= lengths[b] (and truncating to
    # max(lengths), which is S here since lengths[0] == S).
    _, S_, _ = x.shape
    mask = (jnp.arange(S_)[None, :] < lengths[:, None]).astype(x.dtype)
    out = x * mask[:, :, None]
    return (out, lengths)

if __name__ == "__main__":
    import jax
    _d = setup_inputs()
    print(jax.jit(kernel)(*tuple(_d.values())))

</pallas_src>

<mosaic_0001>
#map = affine_map<(d0, d1) -> (0, 0, 0)>
#map1 = affine_map<(d0, d1) -> (0)>
module attributes {stable_mosaic.version = 14 : i64} {
  func.func @_packpad(%arg0: i32, %arg1: i32, %arg2: memref<16x4096x512xf32, #tpu.memory_space<hbm>>, %arg3: memref<16xi32, #tpu.memory_space<hbm>>, %arg4: memref<16x4096x512xf32, #tpu.memory_space<hbm>>, %arg5: memref<32xi32, #tpu.memory_space<vmem>>, %arg6: memref<32x512xf32, #tpu.memory_space<vmem>>, %arg7: memref<32x512xf32, #tpu.memory_space<vmem>>, %arg8: memref<32x512xf32, #tpu.memory_space<vmem>>, %arg9: memref<32x512xf32, #tpu.memory_space<vmem>>, %arg10: memref<32x512xf32, #tpu.memory_space<vmem>>, %arg11: memref<!tpu.dma_semaphore, #tpu.memory_space<semaphore_mem>>, %arg12: memref<!tpu.dma_semaphore, #tpu.memory_space<semaphore_mem>>, %arg13: memref<!tpu.dma_semaphore, #tpu.memory_space<semaphore_mem>>, %arg14: memref<!tpu.dma_semaphore, #tpu.memory_space<semaphore_mem>>, %arg15: memref<!tpu.dma_semaphore, #tpu.memory_space<semaphore_mem>>, %arg16: memref<!tpu.dma_semaphore, #tpu.memory_space<semaphore_mem>>, %arg17: memref<!tpu.dma_semaphore, #tpu.memory_space<semaphore_mem>>, %arg18: memref<!tpu.dma_semaphore, #tpu.memory_space<semaphore_mem>>, %arg19: memref<!tpu.dma_semaphore, #tpu.memory_space<semaphore_mem>>) attributes {dimension_semantics = [#tpu.dimension_semantics<core_parallel>, #tpu.dimension_semantics<subcore_parallel>], iteration_bounds = array<i64: 2, 16>, scalar_prefetch = 0 : i64, scratch_operands = 15 : i64, tpu.core_type = #tpu.core_type<sc_vector_subcore>, window_params = [{transform_indices = #map}, {transform_indices = #map1}, {transform_indices = #map}]} {
    %mul3A = arith.constant 2 : i32
    %mul3A_0 = arith.muli %arg1, %mul3A : i32
    %add3A = arith.addi %mul3A_0, %arg0 : i32
    %broadcast_in_dim3A = arith.constant 0.000000e+00 : f32
    %broadcast_in_dim3A_1 = vector.broadcast %broadcast_in_dim3A : f32 to vector<16xf32>
    "tpu.region"() ({
      %run_scoped3A = tpu.sem_alloc : memref<!tpu.dma_semaphore, #tpu.memory_space<semaphore_mem>>
      %dma_start3A = arith.constant 0 : i32
      %dma_start3A_237 = tpu.memref_slice %arg5[%dma_start3A] : memref<32xi32, #tpu.memory_space<vmem>> -> memref<16xi32, #tpu.memory_space<vmem>>
      %dma_start3A_238 = arith.constant 0 : i32
      %dma_start3A_239 = tpu.memref_slice %arg5[%dma_start3A_238] : memref<32xi32, #tpu.memory_space<vmem>> -> memref<16xi32, #tpu.memory_space<vmem>>
      tpu.enqueue_dma source(%arg3 : memref<16xi32, #tpu.memory_space<hbm>>) target(%dma_start3A_239 : memref<16xi32, #tpu.memory_space<vmem>>) target_semaphore(%run_scoped3A : memref<!tpu.dma_semaphore, #tpu.memory_space<semaphore_mem>>)
      %dma_wait3A = arith.constant 0 : i32
      %dma_wait3A_240 = tpu.memref_slice %arg5[%dma_wait3A] : memref<32xi32, #tpu.memory_space<vmem>> -> memref<16xi32, #tpu.memory_space<vmem>>
      %dma_wait3A_241 = arith.constant 0 : i32
      %dma_wait3A_242 = tpu.memref_slice %arg5[%dma_wait3A_241] : memref<32xi32, #tpu.memory_space<vmem>> -> memref<16xi32, #tpu.memory_space<vmem>>
      tpu.wait_dma2 semaphore(%run_scoped3A : memref<!tpu.dma_semaphore, #tpu.memory_space<semaphore_mem>>) src(%arg3 : memref<16xi32, #tpu.memory_space<hbm>>) dst(%dma_wait3A_242 : memref<16xi32, #tpu.memory_space<vmem>>)
      tpu.yield
    }) : () -> ()
    %add3A_2 = arith.constant 0 : i32
    %add3A_3 = arith.addi %add3A, %add3A_2 : i32
    %jit3A = arith.constant 128 : i32
    %div3A = arith.divsi %add3A_3, %jit3A : i32
    %sign3A = arith.constant 0 : i32
    %sign3A_4 = arith.cmpi sgt, %add3A_3, %sign3A : i32
    %sign3A_5 = arith.extui %sign3A_4 : i1 to i32
    %sign3A_6 = arith.constant 0 : i32
    %sign3A_7 = arith.cmpi slt, %add3A_3, %sign3A_6 : i32
    %sign3A_8 = arith.extui %sign3A_7 : i1 to i32
    %sign3A_9 = arith.subi %sign3A_5, %sign3A_8 : i32
    %sign3A_10 = arith.constant 0 : i32
    %sign3A_11 = arith.cmpi sgt, %jit3A, %sign3A_10 : i32
    %sign3A_12 = arith.extui %sign3A_11 : i1 to i32
    %sign3A_13 = arith.constant 0 : i32
    %sign3A_14 = arith.cmpi slt, %jit3A, %sign3A_13 : i32
    %sign3A_15 = arith.extui %sign3A_14 : i1 to i32
    %sign3A_16 = arith.subi %sign3A_12, %sign3A_15 : i32
    %ne3A = arith.cmpi ne, %sign3A_9, %sign3A_16 : i32
    %rem3A = arith.remsi %add3A_3, %jit3A : i32
    %ne3A_17 = arith.constant 0 : i32
    %ne3A_18 = arith.cmpi ne, %rem3A, %ne3A_17 : i32
    %and3A = arith.andi %ne3A, %ne3A_18 : i1
    %sub3A = arith.constant 1 : i32
    %sub3A_19 = arith.subi %div3A, %sub3A : i32
    %select_n3A = arith.select %and3A, %sub3A_19, %div3A : i32
    %jit3A_20 = arith.constant 0 : i32
    %jit3A_21 = arith.constant 15 : i32
    %max3A = arith.maxsi %jit3A_20, %select_n3A : i32
    %min3A = arith.minsi %jit3A_21, %max3A : i32
    %jit3A_22 = arith.constant 128 : i32
    %eq3A = arith.constant 0 : i32
    %eq3A_23 = arith.cmpi eq, %jit3A_22, %eq3A : i32
    %jit3A_24 = arith.constant 1 : i32
    %select_n3A_25 = arith.select %eq3A_23, %jit3A_24, %jit3A_22 : i32
    %rem3A_26 = arith.remsi %add3A_3, %select_n3A_25 : i32
    %ne3A_27 = arith.constant 0 : i32
    %ne3A_28 = arith.cmpi ne, %rem3A_26, %ne3A_27 : i32
    %lt3A = arith.constant 0 : i32
    %lt3A_29 = arith.cmpi slt, %rem3A_26, %lt3A : i32
    %lt3A_30 = arith.constant 0 : i32
    %lt3A_31 = arith.cmpi slt, %select_n3A_25, %lt3A_30 : i32
    %ne3A_32 = arith.xori %lt3A_29, %lt3A_31 : i1
    %and3A_33 = arith.andi %ne3A_32, %ne3A_28 : i1
    %add3A_34 = arith.addi %rem3A_26, %select_n3A_25 : i32
    %select_n3A_35 = arith.select %and3A_33, %add3A_34, %rem3A_26 : i32
    %mul3A_36 = arith.constant 32 : i32
    %mul3A_37 = arith.muli %select_n3A_35, %mul3A_36 : i32
    %get3A = arith.index_cast %min3A : i32 to index
    %get3A_38 = tpu.vector_load %arg5[%get3A] {strides = array<i32>} : memref<32xi32, #tpu.memory_space<vmem>>, vector<16xi32>,
    %get3A_39 = vector.shape_cast %get3A_38 : vector<16xi32> to vector<16xi32>
    %slice3A = vector.extract_strided_slice %get3A_39 {offsets = [0], sizes = [1], strides = [1]} : vector<16xi32> to vector<1xi32>
    %squeeze3A = vector.extract %slice3A[0] : i32 from vector<1xi32>
    %sub3A_40 = arith.subi %squeeze3A, %mul3A_37 : i32
    %gt3A = arith.constant 0 : i32
    %gt3A_41 = arith.cmpi sgt, %sub3A_40, %gt3A : i32
    %convert_element_type3A = arith.extui %gt3A_41 : i1 to i32
    %cond3A = arith.constant 0 : i32
    %cond3A_42 = arith.cmpi ne, %convert_element_type3A, %cond3A : i32
    scf.if %cond3A_42 {
      %add3A_237 = arith.constant 0 : i32
      %add3A_238 = arith.addi %add3A, %add3A_237 : i32
      %jit3A_239 = arith.constant 128 : i32
      %div3A_240 = arith.divsi %add3A_238, %jit3A_239 : i32
      %sign3A_241 = arith.constant 0 : i32
      %sign3A_242 = arith.cmpi sgt, %add3A_238, %sign3A_241 : i32
      %sign3A_243 = arith.extui %sign3A_242 : i1 to i32
      %sign3A_244 = arith.constant 0 : i32
      %sign3A_245 = arith.cmpi slt, %add3A_238, %sign3A_244 : i32
      %sign3A_246 = arith.extui %sign3A_245 : i1 to i32
      %sign3A_247 = arith.subi %sign3A_243, %sign3A_246 : i32
      %sign3A_248 = arith.constant 0 : i32
      %sign3A_249 = arith.cmpi sgt, %jit3A_239, %sign3A_248 : i32
      %sign3A_250 = arith.extui %sign3A_249 : i1 to i32
      %sign3A_251 = arith.constant 0 : i32
      %sign3A_252 = arith.cmpi slt, %jit3A_239, %sign3A_251 : i32
      %sign3A_253 = arith.extui %sign3A_252 : i1 to i32
      %sign3A_254 = arith.subi %sign3A_250, %sign3A_253 : i32
      %ne3A_255 = arith.cmpi ne, %sign3A_247, %sign3A_254 : i32
      %rem3A_256 = arith.remsi %add3A_238, %jit3A_239 : i32
      %ne3A_257 = arith.constant 0 : i32
      %ne3A_258 = arith.cmpi ne, %rem3A_256, %ne3A_257 : i32
      %and3A_259 = arith.andi %ne3A_255, %ne3A_258 : i1
      %sub3A_260 = arith.constant 1 : i32
      %sub3A_261 = arith.subi %div3A_240, %sub3A_260 : i32
      %select_n3A_262 = arith.select %and3A_259, %sub3A_261, %div3A_240 : i32
      %jit3A_263 = arith.constant 0 : i32
      %jit3A_264 = arith.constant 15 : i32
      %max3A_265 = arith.maxsi %jit3A_263, %select_n3A_262 : i32
      %min3A_266 = arith.minsi %jit3A_264, %max3A_265 : i32
      %jit3A_267 = arith.constant 128 : i32
      %eq3A_268 = arith.constant 0 : i32
      %eq3A_269 = arith.cmpi eq, %jit3A_267, %eq3A_268 : i32
      %jit3A_270 = arith.constant 1 : i32
      %select_n3A_271 = arith.select %eq3A_269, %jit3A_270, %jit3A_267 : i32
      %rem3A_272 = arith.remsi %add3A_238, %select_n3A_271 : i32
      %ne3A_273 = arith.constant 0 : i32
      %ne3A_274 = arith.cmpi ne, %rem3A_272, %ne3A_273 : i32
      %lt3A_275 = arith.constant 0 : i32
      %lt3A_276 = arith.cmpi slt, %rem3A_272, %lt3A_275 : i32
      %lt3A_277 = arith.constant 0 : i32
      %lt3A_278 = arith.cmpi slt, %select_n3A_271, %lt3A_277 : i32
      %ne3A_279 = arith.xori %lt3A_276, %lt3A_278 : i1
      %and3A_280 = arith.andi %ne3A_279, %ne3A_274 : i1
      %add3A_281 = arith.addi %rem3A_272, %select_n3A_271 : i32
      %select_n3A_282 = arith.select %and3A_280, %add3A_281, %rem3A_272 : i32
      %mul3A_283 = arith.constant 32 : i32
      %mul3A_284 = arith.muli %select_n3A_282, %mul3A_283 : i32
      %get3A_285 = arith.index_cast %min3A_266 : i32 to index
      %get3A_286 = tpu.vector_load %arg5[%get3A_285] {strides = array<i32>} : memref<32xi32, #tpu.memory_space<vmem>>, vector<16xi32>,
      %get3A_287 = vector.shape_cast %get3A_286 : vector<16xi32> to vector<16xi32>
      %slice3A_288 = vector.extract_strided_slice %get3A_287 {offsets = [0], sizes = [1], strides = [1]} : vector<16xi32> to vector<1xi32>
      %squeeze3A_289 = vector.extract %slice3A_288[0] : i32 from vector<1xi32>
      %sub3A_290 = arith.subi %squeeze3A_289, %mul3A_284 : i32
      %dma_start3A = arith.constant 0 : i32
      %dma_start3A_291 = tpu.memref_slice %arg2[%min3A_266, %mul3A_284, %dma_start3A] : memref<16x4096x512xf32, #tpu.memory_space<hbm>> -> memref<1x32x512xf32, #tpu.memory_space<hbm>>
      %dma_start3A_292 = tpu.memref_squeeze %dma_start3A_291 : memref<1x32x512xf32, #tpu.memory_space<hbm>> -> memref<32x512xf32, #tpu.memory_space<hbm>>
      %dma_start3A_293 = arith.constant 0 : i32
      %dma_start3A_294 = tpu.memref_slice %arg2[%min3A_266, %mul3A_284, %dma_start3A_293] : memref<16x4096x512xf32, #tpu.memory_space<hbm>> -> memref<1x32x512xf32, #tpu.memory_space<hbm>>
      %dma_start3A_295 = tpu.memref_squeeze %dma_start3A_294 : memref<1x32x512xf32, #tpu.memory_space<hbm>> -> memref<32x512xf32, #tpu.memory_space<hbm>>
      tpu.enqueue_dma source(%dma_start3A_295 : memref<32x512xf32, #tpu.memory_space<hbm>>) target(%arg6 : memref<32x512xf32, #tpu.memory_space<vmem>>) target_semaphore(%arg11 : memref<!tpu.dma_semaphore, #tpu.memory_space<semaphore_mem>>)
    } else {
    }
    %add3A_43 = arith.constant 32 : i32
    %add3A_44 = arith.addi %add3A, %add3A_43 : i32
    %jit3A_45 = arith.constant 128 : i32
    %div3A_46 = arith.divsi %add3A_44, %jit3A_45 : i32
    %sign3A_47 = arith.constant 0 : i32
    %sign3A_48 = arith.cmpi sgt, %add3A_44, %sign3A_47 : i32
    %sign3A_49 = arith.extui %sign3A_48 : i1 to i32
    %sign3A_50 = arith.constant 0 : i32
    %sign3A_51 = arith.cmpi slt, %add3A_44, %sign3A_50 : i32
    %sign3A_52 = arith.extui %sign3A_51 : i1 to i32
    %sign3A_53 = arith.subi %sign3A_49, %sign3A_52 : i32
    %sign3A_54 = arith.constant 0 : i32
    %sign3A_55 = arith.cmpi sgt, %jit3A_45, %sign3A_54 : i32
    %sign3A_56 = arith.extui %sign3A_55 : i1 to i32
    %sign3A_57 = arith.constant 0 : i32
    %sign3A_58 = arith.cmpi slt, %jit3A_45, %sign3A_57 : i32
    %sign3A_59 = arith.extui %sign3A_58 : i1 to i32
    %sign3A_60 = arith.subi %sign3A_56, %sign3A_59 : i32
    %ne3A_61 = arith.cmpi ne, %sign3A_53, %sign3A_60 : i32
    %rem3A_62 = arith.remsi %add3A_44, %jit3A_45 : i32
    %ne3A_63 = arith.constant 0 : i32
    %ne3A_64 = arith.cmpi ne, %rem3A_62, %ne3A_63 : i32
    %and3A_65 = arith.andi %ne3A_61, %ne3A_64 : i1
    %sub3A_66 = arith.constant 1 : i32
    %sub3A_67 = arith.subi %div3A_46, %sub3A_66 : i32
    %select_n3A_68 = arith.select %and3A_65, %sub3A_67, %div3A_46 : i32
    %jit3A_69 = arith.constant 0 : i32
    %jit3A_70 = arith.constant 15 : i32
    %max3A_71 = arith.maxsi %jit3A_69, %select_n3A_68 : i32
    %min3A_72 = arith.minsi %jit3A_70, %max3A_71 : i32
    %jit3A_73 = arith.constant 128 : i32
    %eq3A_74 = arith.constant 0 : i32
    %eq3A_75 = arith.cmpi eq, %jit3A_73, %eq3A_74 : i32
    %jit3A_76 = arith.constant 1 : i32
    %select_n3A_77 = arith.select %eq3A_75, %jit3A_76, %jit3A_73 : i32
    %rem3A_78 = arith.remsi %add3A_44, %select_n3A_77 : i32
    %ne3A_79 = arith.constant 0 : i32
    %ne3A_80 = arith.cmpi ne, %rem3A_78, %ne3A_79 : i32
    %lt3A_81 = arith.constant 0 : i32
    %lt3A_82 = arith.cmpi slt, %rem3A_78, %lt3A_81 : i32
    %lt3A_83 = arith.constant 0 : i32
    %lt3A_84 = arith.cmpi slt, %select_n3A_77, %lt3A_83 : i32
    %ne3A_85 = arith.xori %lt3A_82, %lt3A_84 : i1
    %and3A_86 = arith.andi %ne3A_85, %ne3A_80 : i1
    %add3A_87 = arith.addi %rem3A_78, %select_n3A_77 : i32
    %select_n3A_88 = arith.select %and3A_86, %add3A_87, %rem3A_78 : i32
    %mul3A_89 = arith.constant 32 : i32
    %mul3A_90 = arith.muli %select_n3A_88, %mul3A_89 : i32
    %get3A_91 = arith.index_cast %min3A_72 : i32 to index
    %get3A_92 = tpu.vector_load %arg5[%get3A_91] {strides = array<i32>} : memref<32xi32, #tpu.memory_space<vmem>>, vector<16xi32>,
    %get3A_93 = vector.shape_cast %get3A_92 : vector<16xi32> to vector<16xi32>
    %slice3A_94 = vector.extract_strided_slice %get3A_93 {offsets = [0], sizes = [1], strides = [1]} : vector<16xi32> to vector<1xi32>
    %squeeze3A_95 = vector.extract %slice3A_94[0] : i32 from vector<1xi32>
    %sub3A_96 = arith.subi %squeeze3A_95, %mul3A_90 : i32
    %gt3A_97 = arith.constant 0 : i32
    %gt3A_98 = arith.cmpi sgt, %sub3A_96, %gt3A_97 : i32
    %convert_element_type3A_99 = arith.extui %gt3A_98 : i1 to i32
    %cond3A_100 = arith.constant 0 : i32
    %cond3A_101 = arith.cmpi ne, %convert_element_type3A_99, %cond3A_100 : i32
    scf.if %cond3A_101 {
      %add3A_237 = arith.constant 32 : i32
      %add3A_238 = arith.addi %add3A, %add3A_237 : i32
      %jit3A_239 = arith.constant 128 : i32
      %div3A_240 = arith.divsi %add3A_238, %jit3A_239 : i32
      %sign3A_241 = arith.constant 0 : i32
      %sign3A_242 = arith.cmpi sgt, %add3A_238, %sign3A_241 : i32
      %sign3A_243 = arith.extui %sign3A_242 : i1 to i32
      %sign3A_244 = arith.constant 0 : i32
      %sign3A_245 = arith.cmpi slt, %add3A_238, %sign3A_244 : i32
      %sign3A_246 = arith.extui %sign3A_245 : i1 to i32
      %sign3A_247 = arith.subi %sign3A_243, %sign3A_246 : i32
      %sign3A_248 = arith.constant 0 : i32
      %sign3A_249 = arith.cmpi sgt, %jit3A_239, %sign3A_248 : i32
      %sign3A_250 = arith.extui %sign3A_249 : i1 to i32
      %sign3A_251 = arith.constant 0 : i32
      %sign3A_252 = arith.cmpi slt, %jit3A_239, %sign3A_251 : i32
      %sign3A_253 = arith.extui %sign3A_252 : i1 to i32
      %sign3A_254 = arith.subi %sign3A_250, %sign3A_253 : i32
      %ne3A_255 = arith.cmpi ne, %sign3A_247, %sign3A_254 : i32
      %rem3A_256 = arith.remsi %add3A_238, %jit3A_239 : i32
      %ne3A_257 = arith.constant 0 : i32
      %ne3A_258 = arith.cmpi ne, %rem3A_256, %ne3A_257 : i32
      %and3A_259 = arith.andi %ne3A_255, %ne3A_258 : i1
      %sub3A_260 = arith.constant 1 : i32
      %sub3A_261 = arith.subi %div3A_240, %sub3A_260 : i32
      %select_n3A_262 = arith.select %and3A_259, %sub3A_261, %div3A_240 : i32
      %jit3A_263 = arith.constant 0 : i32
      %jit3A_264 = arith.constant 15 : i32
      %max3A_265 = arith.maxsi %jit3A_263, %select_n3A_262 : i32
      %min3A_266 = arith.minsi %jit3A_264, %max3A_265 : i32
      %jit3A_267 = arith.constant 128 : i32
      %eq3A_268 = arith.constant 0 : i32
      %eq3A_269 = arith.cmpi eq, %jit3A_267, %eq3A_268 : i32
      %jit3A_270 = arith.constant 1 : i32
      %select_n3A_271 = arith.select %eq3A_269, %jit3A_270, %jit3A_267 : i32
      %rem3A_272 = arith.remsi %add3A_238, %select_n3A_271 : i32
      %ne3A_273 = arith.constant 0 : i32
      %ne3A_274 = arith.cmpi ne, %rem3A_272, %ne3A_273 : i32
      %lt3A_275 = arith.constant 0 : i32
      %lt3A_276 = arith.cmpi slt, %rem3A_272, %lt3A_275 : i32
      %lt3A_277 = arith.constant 0 : i32
      %lt3A_278 = arith.cmpi slt, %select_n3A_271, %lt3A_277 : i32
      %ne3A_279 = arith.xori %lt3A_276, %lt3A_278 : i1
      %and3A_280 = arith.andi %ne3A_279, %ne3A_274 : i1
      %add3A_281 = arith.addi %rem3A_272, %select_n3A_271 : i32
      %select_n3A_282 = arith.select %and3A_280, %add3A_281, %rem3A_272 : i32
      %mul3A_283 = arith.constant 32 : i32
      %mul3A_284 = arith.muli %select_n3A_282, %mul3A_283 : i32
      %get3A_285 = arith.index_cast %min3A_266 : i32 to index
      %get3A_286 = tpu.vector_load %arg5[%get3A_285] {strides = array<i32>} : memref<32xi32, #tpu.memory_space<vmem>>, vector<16xi32>,
      %get3A_287 = vector.shape_cast %get3A_286 : vector<16xi32> to vector<16xi32>
      %slice3A_288 = vector.extract_strided_slice %get3A_287 {offsets = [0], sizes = [1], strides = [1]} : vector<16xi32> to vector<1xi32>
      %squeeze3A_289 = vector.extract %slice3A_288[0] : i32 from vector<1xi32>
      %sub3A_290 = arith.subi %squeeze3A_289, %mul3A_284 : i32
      %dma_start3A = arith.constant 0 : i32
      %dma_start3A_291 = tpu.memref_slice %arg2[%min3A_266, %mul3A_284, %dma_start3A] : memref<16x4096x512xf32, #tpu.memory_space<hbm>> -> memref<1x32x512xf32, #tpu.memory_space<hbm>>
      %dma_start3A_292 = tpu.memref_squeeze %dma_start3A_291 : memref<1x32x512xf32, #tpu.memory_space<hbm>> -> memref<32x512xf32, #tpu.memory_space<hbm>>
      %dma_start3A_293 = arith.constant 0 : i32
      %dma_start3A_294 = tpu.memref_slice %arg2[%min3A_266, %mul3A_284, %dma_start3A_293] : memref<16x4096x512xf32, #tpu.memory_space<hbm>> -> memref<1x32x512xf32, #tpu.memory_space<hbm>>
      %dma_start3A_295 = tpu.memref_squeeze %dma_start3A_294 : memref<1x32x512xf32, #tpu.memory_space<hbm>> -> memref<32x512xf32, #tpu.memory_space<hbm>>
      tpu.enqueue_dma source(%dma_start3A_295 : memref<32x512xf32, #tpu.memory_space<hbm>>) target(%arg7 : memref<32x512xf32, #tpu.memory_space<vmem>>) target_semaphore(%arg12 : memref<!tpu.dma_semaphore, #tpu.memory_space<semaphore_mem>>)
    } else {
    }
    %scan3A = arith.constant 0 : i32
    %scan3A_102 = arith.constant 0 : i32
    %scan3A_103 = arith.constant 32 : i32
    %scan3A_104 = arith.addi %scan3A_102, %scan3A_103 : i32
    %scan3A_105 = arith.constant 1 : i32
    scf.for %scan3A_237 = %scan3A_102 to %scan3A_104 step %scan3A_105  : i32 {
      %swap3A = arith.index_cast %scan3A_237 : i32 to index
      %swap3A_238 = arith.constant 0 : index
      %swap3A_239 = tpu.vector_load %arg10[%swap3A, %swap3A_238] {strides = array<i32>} : memref<32x512xf32, #tpu.memory_space<vmem>>, vector<1x16xf32>,
      %swap3A_240 = vector.shape_cast %swap3A_239 : vector<1x16xf32> to vector<16xf32>
      %swap3A_241 = vector.shape_cast %broadcast_in_dim3A_1 : vector<16xf32> to vector<1x16xf32>
      tpu.vector_store %arg10[%swap3A, %swap3A_238], %swap3A_241 {strides = array<i32>} : memref<32x512xf32, #tpu.memory_space<vmem>>, vector<1x16xf32>,
      %swap3A_242 = arith.index_cast %scan3A_237 : i32 to index
      %swap3A_243 = arith.constant 16 : index
      %swap3A_244 = tpu.vector_load %arg10[%swap3A_242, %swap3A_243] {strides = array<i32>} : memref<32x512xf32, #tpu.memory_space<vmem>>, vector<1x16xf32>,
      %swap3A_245 = vector.shape_cast %swap3A_244 : vector<1x16xf32> to vector<16xf32>
      %swap3A_246 = vector.shape_cast %broadcast_in_dim3A_1 : vector<16xf32> to vector<1x16xf32>
      tpu.vector_store %arg10[%swap3A_242, %swap3A_243], %swap3A_246 {strides = array<i32>} : memref<32x512xf32, #tpu.memory_space<vmem>>, vector<1x16xf32>,
      %swap3A_247 = arith.index_cast %scan3A_237 : i32 to index
      %swap3A_248 = arith.constant 32 : index
      %swap3A_249 = tpu.vector_load %arg10[%swap3A_247, %swap3A_248] {strides = array<i32>} : memref<32x512xf32, #tpu.memory_space<vmem>>, vector<1x16xf32>,
      %swap3A_250 = vector.shape_cast %swap3A_249 : vector<1x16xf32> to vector<16xf32>
      %swap3A_251 = vector.shape_cast %broadcast_in_dim3A_1 : vector<16xf32> to vector<1x16xf32>
      tpu.vector_store %arg10[%swap3A_247, %swap3A_248], %swap3A_251 {strides = array<i32>} : memref<32x512xf32, #tpu.memory_space<vmem>>, vector<1x16xf32>,
      %swap3A_252 = arith.index_cast %scan3A_237 : i32 to index
      %swap3A_253 = arith.constant 48 : index
      %swap3A_254 = tpu.vector_load %arg10[%swap3A_252, %swap3A_253] {strides = array<i32>} : memref<32x512xf32, #tpu.memory_space<vmem>>, vector<1x16xf32>,
      %swap3A_255 = vector.shape_cast %swap3A_254 : vector<1x16xf32> to vector<16xf32>
      %swap3A_256 = vector.shape_cast %broadcast_in_dim3A_1 : vector<16xf32> to vector<1x16xf32>
      tpu.vector_store %arg10[%swap3A_252, %swap3A_253], %swap3A_256 {strides = array<i32>} : memref<32x512xf32, #tpu.memory_space<vmem>>, vector<1x16xf32>,
      %swap3A_257 = arith.index_cast %scan3A_237 : i32 to index
      %swap3A_258 = arith.constant 64 : index
      %swap3A_259 = tpu.vector_load %arg10[%swap3A_257, %swap3A_258] {strides = array<i32>} : memref<32x512xf32, #tpu.memory_space<vmem>>, vector<1x16xf32>,
      %swap3A_260 = vector.shape_cast %swap3A_259 : vector<1x16xf32> to vector<16xf32>
      %swap3A_261 = vector.shape_cast %broadcast_in_dim3A_1 : vector<16xf32> to vector<1x16xf32>
      tpu.vector_store %arg10[%swap3A_257, %swap3A_258], %swap3A_261 {strides = array<i32>} : memref<32x512xf32, #tpu.memory_space<vmem>>, vector<1x16xf32>,
      %swap3A_262 = arith.index_cast %scan3A_237 : i32 to index
      %swap3A_263 = arith.constant 80 : index
      %swap3A_264 = tpu.vector_load %arg10[%swap3A_262, %swap3A_263] {strides = array<i32>} : memref<32x512xf32, #tpu.memory_space<vmem>>, vector<1x16xf32>,
      %swap3A_265 = vector.shape_cast %swap3A_264 : vector<1x16xf32> to vector<16xf32>
      %swap3A_266 = vector.shape_cast %broadcast_in_dim3A_1 : vector<16xf32> to vector<1x16xf32>
      tpu.vector_store %arg10[%swap3A_262, %swap3A_263], %swap3A_266 {strides = array<i32>} : memref<32x512xf32, #tpu.memory_space<vmem>>, vector<1x16xf32>,
      %swap3A_267 = arith.index_cast %scan3A_237 : i32 to index
      %swap3A_268 = arith.constant 96 : index
      %swap3A_269 = tpu.vector_load %arg10[%swap3A_267, %swap3A_268] {strides = array<i32>} : memref<32x512xf32, #tpu.memory_space<vmem>>, vector<1x16xf32>,
      %swap3A_270 = vector.shape_cast %swap3A_269 : vector<1x16xf32> to vector<16xf32>
      %swap3A_271 = vector.shape_cast %broadcast_in_dim3A_1 : vector<16xf32> to vector<1x16xf32>
      tpu.vector_store %arg10[%swap3A_267, %swap3A_268], %swap3A_271 {strides = array<i32>} : memref<32x512xf32, #tpu.memory_space<vmem>>, vector<1x16xf32>,
      %swap3A_272 = arith.index_cast %scan3A_237 : i32 to index
      %swap3A_273 = arith.constant 112 : index
      %swap3A_274 = tpu.vector_load %arg10[%swap3A_272, %swap3A_273] {strides = array<i32>} : memref<32x512xf32, #tpu.memory_space<vmem>>, vector<1x16xf32>,
      %swap3A_275 = vector.shape_cast %swap3A_274 : vector<1x16xf32> to vector<16xf32>
      %swap3A_276 = vector.shape_cast %broadcast_in_dim3A_1 : vector<16xf32> to vector<1x16xf32>
      tpu.vector_store %arg10[%swap3A_272, %swap3A_273], %swap3A_276 {strides = array<i32>} : memref<32x512xf32, #tpu.memory_space<vmem>>, vector<1x16xf32>,
      %swap3A_277 = arith.index_cast %scan3A_237 : i32 to index
      %swap3A_278 = arith.constant 128 : index
      %swap3A_279 = tpu.vector_load %arg10[%swap3A_277, %swap3A_278] {strides = array<i32>} : memref<32x512xf32, #tpu.memory_space<vmem>>, vector<1x16xf32>,
      %swap3A_280 = vector.shape_cast %swap3A_279 : vector<1x16xf32> to vector<16xf32>
      %swap3A_281 = vector.shape_cast %broadcast_in_dim3A_1 : vector<16xf32> to vector<1x16xf32>
      tpu.vector_store %arg10[%swap3A_277, %swap3A_278], %swap3A_281 {strides = array<i32>} : memref<32x512xf32, #tpu.memory_space<vmem>>, vector<1x16xf32>,
      %swap3A_282 = arith.index_cast %scan3A_237 : i32 to index
      %swap3A_283 = arith.constant 144 : index
      %swap3A_284 = tpu.vector_load %arg10[%swap3A_282, %swap3A_283] {strides = array<i32>} : memref<32x512xf32, #tpu.memory_space<vmem>>, vector<1x16xf32>,
      %swap3A_285 = vector.shape_cast %swap3A_284 : vector<1x16xf32> to vector<16xf32>
      %swap3A_286 = vector.shape_cast %broadcast_in_dim3A_1 : vector<16xf32> to vector<1x16xf32>
      tpu.vector_store %arg10[%swap3A_282, %swap3A_283], %swap3A_286 {strides = array<i32>} : memref<32x512xf32, #tpu.memory_space<vmem>>, vector<1x16xf32>,
      %swap3A_287 = arith.index_cast %scan3A_237 : i32 to index
      %swap3A_288 = arith.constant 160 : index
      %swap3A_289 = tpu.vector_load %arg10[%swap3A_287, %swap3A_288] {strides = array<i32>} : memref<32x512xf32, #tpu.memory_space<vmem>>, vector<1x16xf32>,
      %swap3A_290 = vector.shape_cast %swap3A_289 : vector<1x16xf32> to vector<16xf32>
      %swap3A_291 = vector.shape_cast %broadcast_in_dim3A_1 : vector<16xf32> to vector<1x16xf32>
      tpu.vector_store %arg10[%swap3A_287, %swap3A_288], %swap3A_291 {strides = array<i32>} : memref<32x512xf32, #tpu.memory_space<vmem>>, vector<1x16xf32>,
      %swap3A_292 = arith.index_cast %scan3A_237 : i32 to index
      %swap3A_293 = arith.constant 176 : index
      %swap3A_294 = tpu.vector_load %arg10[%swap3A_292, %swap3A_293] {strides = array<i32>} : memref<32x512xf32, #tpu.memory_space<vmem>>, vector<1x16xf32>,
      %swap3A_295 = vector.shape_cast %swap3A_294 : vector<1x16xf32> to vector<16xf32>
      %swap3A_296 = vector.shape_cast %broadcast_in_dim3A_1 : vector<16xf32> to vector<1x16xf32>
      tpu.vector_store %arg10[%swap3A_292, %swap3A_293], %swap3A_296 {strides = array<i32>} : memref<32x512xf32, #tpu.memory_space<vmem>>, vector<1x16xf32>,
      %swap3A_297 = arith.index_cast %scan3A_237 : i32 to index
      %swap3A_298 = arith.constant 192 : index
      %swap3A_299 = tpu.vector_load %arg10[%swap3A_297, %swap3A_298] {strides = array<i32>} : memref<32x512xf32, #tpu.memory_space<vmem>>, vector<1x16xf32>,
      %swap3A_300 = vector.shape_cast %swap3A_299 : vector<1x16xf32> to vector<16xf32>
      %swap3A_301 = vector.shape_cast %broadcast_in_dim3A_1 : vector<16xf32> to vector<1x16xf32>
      tpu.vector_store %arg10[%swap3A_297, %swap3A_298], %swap3A_301 {strides = array<i32>} : memref<32x512xf32, #tpu.memory_space<vmem>>, vector<1x16xf32>,
      %swap3A_302 = arith.index_cast %scan3A_237 : i32 to index
      %swap3A_303 = arith.constant 208 : index
      %swap3A_304 = tpu.vector_load %arg10[%swap3A_302, %swap3A_303] {strides = array<i32>} : memref<32x512xf32, #tpu.memory_space<vmem>>, vector<1x16xf32>,
      %swap3A_305 = vector.shape_cast %swap3A_304 : vector<1x16xf32> to vector<16xf32>
      %swap3A_306 = vector.shape_cast %broadcast_in_dim3A_1 : vector<16xf32> to vector<1x16xf32>
      tpu.vector_store %arg10[%swap3A_302, %swap3A_303], %swap3A_306 {strides = array<i32>} : memref<32x512xf32, #tpu.memory_space<vmem>>, vector<1x16xf32>,
      %swap3A_307 = arith.index_cast %scan3A_237 : i32 to index
      %swap3A_308 = arith.constant 224 : index
      %swap3A_309 = tpu.vector_load %arg10[%swap3A_307, %swap3A_308] {strides = array<i32>} : memref<32x512xf32, #tpu.memory_space<vmem>>, vector<1x16xf32>,
      %swap3A_310 = vector.shape_cast %swap3A_309 : vector<1x16xf32> to vector<16xf32>
      %swap3A_311 = vector.shape_cast %broadcast_in_dim3A_1 : vector<16xf32> to vector<1x16xf32>
      tpu.vector_store %arg10[%swap3A_307, %swap3A_308], %swap3A_311 {strides = array<i32>} : memref<32x512xf32, #tpu.memory_space<vmem>>, vector<1x16xf32>,
      %swap3A_312 = arith.index_cast %scan3A_237 : i32 to index
      %swap3A_313 = arith.constant 240 : index
      %swap3A_314 = tpu.vector_load %arg10[%swap3A_312, %swap3A_313] {strides = array<i32>} : memref<32x512xf32, #tpu.memory_space<vmem>>, vector<1x16xf32>,
      %swap3A_315 = vector.shape_cast %swap3A_314 : vector<1x16xf32> to vector<16xf32>
      %swap3A_316 = vector.shape_cast %broadcast_in_dim3A_1 : vector<16xf32> to vector<1x16xf32>
      tpu.vector_store %arg10[%swap3A_312, %swap3A_313], %swap3A_316 {strides = array<i32>} : memref<32x512xf32, #tpu.memory_space<vmem>>, vector<1x16xf32>,
      %swap3A_317 = arith.index_cast %scan3A_237 : i32 to index
      %swap3A_318 = arith.constant 256 : index
      %swap3A_319 = tpu.vector_load %arg10[%swap3A_317, %swap3A_318] {strides = array<i32>} : memref<32x512xf32, #tpu.memory_space<vmem>>, vector<1x16xf32>,
      %swap3A_320 = vector.shape_cast %swap3A_319 : vector<1x16xf32> to vector<16xf32>
      %swap3A_321 = vector.shape_cast %broadcast_in_dim3A_1 : vector<16xf32> to vector<1x16xf32>
      tpu.vector_store %arg10[%swap3A_317, %swap3A_318], %swap3A_321 {strides = array<i32>} : memref<32x512xf32, #tpu.memory_space<vmem>>, vector<1x16xf32>,
      %swap3A_322 = arith.index_cast %scan3A_237 : i32 to index
      %swap3A_323 = arith.constant 272 : index
      %swap3A_324 = tpu.vector_load %arg10[%swap3A_322, %swap3A_323] {strides = array<i32>} : memref<32x512xf32, #tpu.memory_space<vmem>>, vector<1x16xf32>,
      %swap3A_325 = vector.shape_cast %swap3A_324 : vector<1x16xf32> to vector<16xf32>
      %swap3A_326 = vector.shape_cast %broadcast_in_dim3A_1 : vector<16xf32> to vector<1x16xf32>
      tpu.vector_store %arg10[%swap3A_322, %swap3A_323], %swap3A_326 {strides = array<i32>} : memref<32x512xf32, #tpu.memory_space<vmem>>, vector<1x16xf32>,
      %swap3A_327 = arith.index_cast %scan3A_237 : i32 to index
      %swap3A_328 = arith.constant 288 : index
      %swap3A_329 = tpu.vector_load %arg10[%swap3A_327, %swap3A_328] {strides = array<i32>} : memref<32x512xf32, #tpu.memory_space<vmem>>, vector<1x16xf32>,
      %swap3A_330 = vector.shape_cast %swap3A_329 : vector<1x16xf32> to vector<16xf32>
      %swap3A_331 = vector.shape_cast %broadcast_in_dim3A_1 : vector<16xf32> to vector<1x16xf32>
      tpu.vector_store %arg10[%swap3A_327, %swap3A_328], %swap3A_331 {strides = array<i32>} : memref<32x512xf32, #tpu.memory_space<vmem>>, vector<1x16xf32>,
      %swap3A_332 = arith.index_cast %scan3A_237 : i32 to index
      %swap3A_333 = arith.constant 304 : index
      %swap3A_334 = tpu.vector_load %arg10[%swap3A_332, %swap3A_333] {strides = array<i32>} : memref<32x512xf32, #tpu.memory_space<vmem>>, vector<1x16xf32>,
      %swap3A_335 = vector.shape_cast %swap3A_334 : vector<1x16xf32> to vector<16xf32>
      %swap3A_336 = vector.shape_cast %broadcast_in_dim3A_1 : vector<16xf32> to vector<1x16xf32>
      tpu.vector_store %arg10[%swap3A_332, %swap3A_333], %swap3A_336 {strides = array<i32>} : memref<32x512xf32, #tpu.memory_space<vmem>>, vector<1x16xf32>,
      %swap3A_337 = arith.index_cast %scan3A_237 : i32 to index
      %swap3A_338 = arith.constant 320 : index
      %swap3A_339 = tpu.vector_load %arg10[%swap3A_337, %swap3A_338] {strides = array<i32>} : memref<32x512xf32, #tpu.memory_space<vmem>>, vector<1x16xf32>,
      %swap3A_340 = vector.shape_cast %swap3A_339 : vector<1x16xf32> to vector<16xf32>
      %swap3A_341 = vector.shape_cast %broadcast_in_dim3A_1 : vector<16xf32> to vector<1x16xf32>
      tpu.vector_store %arg10[%swap3A_337, %swap3A_338], %swap3A_341 {strides = array<i32>} : memref<32x512xf32, #tpu.memory_space<vmem>>, vector<1x16xf32>,
      %swap3A_342 = arith.index_cast %scan3A_237 : i32 to index
      %swap3A_343 = arith.constant 336 : index
      %swap3A_344 = tpu.vector_load %arg10[%swap3A_342, %swap3A_343] {strides = array<i32>} : memref<32x512xf32, #tpu.memory_space<vmem>>, vector<1x16xf32>,
      %swap3A_345 = vector.shape_cast %swap3A_344 : vector<1x16xf32> to vector<16xf32>
      %swap3A_346 = vector.shape_cast %broadcast_in_dim3A_1 : vector<16xf32> to vector<1x16xf32>
      tpu.vector_store %arg10[%swap3A_342, %swap3A_343], %swap3A_346 {strides = array<i32>} : memref<32x512xf32, #tpu.memory_space<vmem>>, vector<1x16xf32>,
      %swap3A_347 = arith.index_cast %scan3A_237 : i32 to index
      %swap3A_348 = arith.constant 352 : index
      %swap3A_349 = tpu.vector_load %arg10[%swap3A_347, %swap3A_348] {strides = array<i32>} : memref<32x512xf32, #tpu.memory_space<vmem>>, vector<1x16xf32>,
      %swap3A_350 = vector.shape_cast %swap3A_349 : vector<1x16xf32> to vector<16xf32>
      %swap3A_351 = vector.shape_cast %broadcast_in_dim3A_1 : vector<16xf32> to vector<1x16xf32>
      tpu.vector_store %arg10[%swap3A_347, %swap3A_348], %swap3A_351 {strides = array<i32>} : memref<32x512xf32, #tpu.memory_space<vmem>>, vector<1x16xf32>,
      %swap3A_352 = arith.index_cast %scan3A_237 : i32 to index
      %swap3A_353 = arith.constant 368 : index
      %swap3A_354 = tpu.vector_load %arg10[%swap3A_352, %swap3A_353] {strides = array<i32>} : memref<32x512xf32, #tpu.memory_space<vmem>>, vector<1x16xf32>,
      %swap3A_355 = vector.shape_cast %swap3A_354 : vector<1x16xf32> to vector<16xf32>
      %swap3A_356 = vector.shape_cast %broadcast_in_dim3A_1 : vector<16xf32> to vector<1x16xf32>
      tpu.vector_store %arg10[%swap3A_352, %swap3A_353], %swap3A_356 {strides = array<i32>} : memref<32x512xf32, #tpu.memory_space<vmem>>, vector<1x16xf32>,
      %swap3A_357 = arith.index_cast %scan3A_237 : i32 to index
      %swap3A_358 = arith.constant 384 : index
      %swap3A_359 = tpu.vector_load %arg10[%swap3A_357, %swap3A_358] {strides = array<i32>} : memref<32x512xf32, #tpu.memory_space<vmem>>, vector<1x16xf32>,
      %swap3A_360 = vector.shape_cast %swap3A_359 : vector<1x16xf32> to vector<16xf32>
      %swap3A_361 = vector.shape_cast %broadcast_in_dim3A_1 : vector<16xf32> to vector<1x16xf32>
      tpu.vector_store %arg10[%swap3A_357, %swap3A_358], %swap3A_361 {strides = array<i32>} : memref<32x512xf32, #tpu.memory_space<vmem>>, vector<1x16xf32>,
      %swap3A_362 = arith.index_cast %scan3A_237 : i32 to index
      %swap3A_363 = arith.constant 400 : index
      %swap3A_364 = tpu.vector_load %arg10[%swap3A_362, %swap3A_363] {strides = array<i32>} : memref<32x512xf32, #tpu.memory_space<vmem>>, vector<1x16xf32>,
      %swap3A_365 = vector.shape_cast %swap3A_364 : vector<1x16xf32> to vector<16xf32>
      %swap3A_366 = vector.shape_cast %broadcast_in_dim3A_1 : vector<16xf32> to vector<1x16xf32>
      tpu.vector_store %arg10[%swap3A_362, %swap3A_363], %swap3A_366 {strides = array<i32>} : memref<32x512xf32, #tpu.memory_space<vmem>>, vector<1x16xf32>,
      %swap3A_367 = arith.index_cast %scan3A_237 : i32 to index
      %swap3A_368 = arith.constant 416 : index
      %swap3A_369 = tpu.vector_load %arg10[%swap3A_367, %swap3A_368] {strides = array<i32>} : memref<32x512xf32, #tpu.memory_space<vmem>>, vector<1x16xf32>,
      %swap3A_370 = vector.shape_cast %swap3A_369 : vector<1x16xf32> to vector<16xf32>
      %swap3A_371 = vector.shape_cast %broadcast_in_dim3A_1 : vector<16xf32> to vector<1x16xf32>
      tpu.vector_store %arg10[%swap3A_367, %swap3A_368], %swap3A_371 {strides = array<i32>} : memref<32x512xf32, #tpu.memory_space<vmem>>, vector<1x16xf32>,
      %swap3A_372 = arith.index_cast %scan3A_237 : i32 to index
      %swap3A_373 = arith.constant 432 : index
      %swap3A_374 = tpu.vector_load %arg10[%swap3A_372, %swap3A_373] {strides = array<i32>} : memref<32x512xf32, #tpu.memory_space<vmem>>, vector<1x16xf32>,
      %swap3A_375 = vector.shape_cast %swap3A_374 : vector<1x16xf32> to vector<16xf32>
      %swap3A_376 = vector.shape_cast %broadcast_in_dim3A_1 : vector<16xf32> to vector<1x16xf32>
      tpu.vector_store %arg10[%swap3A_372, %swap3A_373], %swap3A_376 {strides = array<i32>} : memref<32x512xf32, #tpu.memory_space<vmem>>, vector<1x16xf32>,
      %swap3A_377 = arith.index_cast %scan3A_237 : i32 to index
      %swap3A_378 = arith.constant 448 : index
      %swap3A_379 = tpu.vector_load %arg10[%swap3A_377, %swap3A_378] {strides = array<i32>} : memref<32x512xf32, #tpu.memory_space<vmem>>, vector<1x16xf32>,
      %swap3A_380 = vector.shape_cast %swap3A_379 : vector<1x16xf32> to vector<16xf32>
      %swap3A_381 = vector.shape_cast %broadcast_in_dim3A_1 : vector<16xf32> to vector<1x16xf32>
      tpu.vector_store %arg10[%swap3A_377, %swap3A_378], %swap3A_381 {strides = array<i32>} : memref<32x512xf32, #tpu.memory_space<vmem>>, vector<1x16xf32>,
      %swap3A_382 = arith.index_cast %scan3A_237 : i32 to index
      %swap3A_383 = arith.constant 464 : index
      %swap3A_384 = tpu.vector_load %arg10[%swap3A_382, %swap3A_383] {strides = array<i32>} : memref<32x512xf32, #tpu.memory_space<vmem>>, vector<1x16xf32>,
      %swap3A_385 = vector.shape_cast %swap3A_384 : vector<1x16xf32> to vector<16xf32>
      %swap3A_386 = vector.shape_cast %broadcast_in_dim3A_1 : vector<16xf32> to vector<1x16xf32>
      tpu.vector_store %arg10[%swap3A_382, %swap3A_383], %swap3A_386 {strides = array<i32>} : memref<32x512xf32, #tpu.memory_space<vmem>>, vector<1x16xf32>,
      %swap3A_387 = arith.index_cast %scan3A_237 : i32 to index
      %swap3A_388 = arith.constant 480 : index
      %swap3A_389 = tpu.vector_load %arg10[%swap3A_387, %swap3A_388] {strides = array<i32>} : memref<32x512xf32, #tpu.memory_space<vmem>>, vector<1x16xf32>,
      %swap3A_390 = vector.shape_cast %swap3A_389 : vector<1x16xf32> to vector<16xf32>
      %swap3A_391 = vector.shape_cast %broadcast_in_dim3A_1 : vector<16xf32> to vector<1x16xf32>
      tpu.vector_store %arg10[%swap3A_387, %swap3A_388], %swap3A_391 {strides = array<i32>} : memref<32x512xf32, #tpu.memory_space<vmem>>, vector<1x16xf32>,
      %swap3A_392 = arith.index_cast %scan3A_237 : i32 to index
      %swap3A_393 = arith.constant 496 : index
      %swap3A_394 = tpu.vector_load %arg10[%swap3A_392, %swap3A_393] {strides = array<i32>} : memref<32x512xf32, #tpu.memory_space<vmem>>, vector<1x16xf32>,
      %swap3A_395 = vector.shape_cast %swap3A_394 : vector<1x16xf32> to vector<16xf32>
      %swap3A_396 = vector.shape_cast %broadcast_in_dim3A_1 : vector<16xf32> to vector<1x16xf32>
      tpu.vector_store %arg10[%swap3A_392, %swap3A_393], %swap3A_396 {strides = array<i32>} : memref<32x512xf32, #tpu.memory_space<vmem>>, vector<1x16xf32>,
    }
    %scan3A_106 = arith.constant 32 : i32
    %scan3A_107 = arith.constant 0 : i32
    %scan3A_108 = arith.constant 0 : i32
    %scan3A_109 = arith.constant 16 : i32
    %scan3A_110 = arith.addi %scan3A_108, %scan3A_109 : i32
    %scan3A_111 = arith.constant 1 : i32
    scf.for %scan3A_237 = %scan3A_108 to %scan3A_110 step %scan3A_111  : i32 {
      %mul3A_238 = arith.constant 4 : i32
      %mul3A_239 = arith.muli %scan3A_237, %mul3A_238 : i32
      %add3A_240 = arith.constant 0 : i32
      %add3A_241 = arith.addi %mul3A_239, %add3A_240 : i32
      %ge3A = arith.constant 2 : i32
      %ge3A_242 = arith.cmpi sge, %add3A_241, %ge3A : i32
      %sub3A_243 = arith.constant 2 : i32
      %sub3A_244 = arith.subi %add3A_241, %sub3A_243 : i32
      %mul3A_245 = arith.constant 32 : i32
      %mul3A_246 = arith.muli %sub3A_244, %mul3A_245 : i32
      %add3A_247 = arith.addi %add3A, %mul3A_246 : i32
      %jit3A_248 = arith.constant 128 : i32
      %div3A_249 = arith.divsi %add3A_247, %jit3A_248 : i32
      %sign3A_250 = arith.constant 0 : i32
      %sign3A_251 = arith.cmpi sgt, %add3A_247, %sign3A_250 : i32
      %sign3A_252 = arith.extui %sign3A_251 : i1 to i32
      %sign3A_253 = arith.constant 0 : i32
      %sign3A_254 = arith.cmpi slt, %add3A_247, %sign3A_253 : i32
      %sign3A_255 = arith.extui %sign3A_254 : i1 to i32
      %sign3A_256 = arith.subi %sign3A_252, %sign3A_255 : i32
      %sign3A_257 = arith.constant 0 : i32
      %sign3A_258 = arith.cmpi sgt, %jit3A_248, %sign3A_257 : i32
      %sign3A_259 = arith.extui %sign3A_258 : i1 to i32
      %sign3A_260 = arith.constant 0 : i32
      %sign3A_261 = arith.cmpi slt, %jit3A_248, %sign3A_260 : i32
      %sign3A_262 = arith.extui %sign3A_261 : i1 to i32
      %sign3A_263 = arith.subi %sign3A_259, %sign3A_262 : i32
      %ne3A_264 = arith.cmpi ne, %sign3A_256, %sign3A_263 : i32
      %rem3A_265 = arith.remsi %add3A_247, %jit3A_248 : i32
      %ne3A_266 = arith.constant 0 : i32
      %ne3A_267 = arith.cmpi ne, %rem3A_265, %ne3A_266 : i32
      %and3A_268 = arith.andi %ne3A_264, %ne3A_267 : i1
      %sub3A_269 = arith.constant 1 : i32
      %sub3A_270 = arith.subi %div3A_249, %sub3A_269 : i32
      %select_n3A_271 = arith.select %and3A_268, %sub3A_270, %div3A_249 : i32
      %jit3A_272 = arith.constant 0 : i32
      %jit3A_273 = arith.constant 15 : i32
      %max3A_274 = arith.maxsi %jit3A_272, %select_n3A_271 : i32
      %min3A_275 = arith.minsi %jit3A_273, %max3A_274 : i32
      %jit3A_276 = arith.constant 128 : i32
      %eq3A_277 = arith.constant 0 : i32
      %eq3A_278 = arith.cmpi eq, %jit3A_276, %eq3A_277 : i32
      %jit3A_279 = arith.constant 1 : i32
      %select_n3A_280 = arith.select %eq3A_278, %jit3A_279, %jit3A_276 : i32
      %rem3A_281 = arith.remsi %add3A_247, %select_n3A_280 : i32
      %ne3A_282 = arith.constant 0 : i32
      %ne3A_283 = arith.cmpi ne, %rem3A_281, %ne3A_282 : i32
      %lt3A_284 = arith.constant 0 : i32
      %lt3A_285 = arith.cmpi slt, %rem3A_281, %lt3A_284 : i32
      %lt3A_286 = arith.constant 0 : i32
      %lt3A_287 = arith.cmpi slt, %select_n3A_280, %lt3A_286 : i32
      %ne3A_288 = arith.xori %lt3A_285, %lt3A_287 : i1
      %and3A_289 = arith.andi %ne3A_288, %ne3A_283 : i1
      %add3A_290 = arith.addi %rem3A_281, %select_n3A_280 : i32
      %select_n3A_291 = arith.select %and3A_289, %add3A_290, %rem3A_281 : i32
      %mul3A_292 = arith.constant 32 : i32
      %mul3A_293 = arith.muli %select_n3A_291, %mul3A_292 : i32
      %get3A_294 = arith.index_cast %min3A_275 : i32 to index
      %get3A_295 = tpu.vector_load %arg5[%get3A_294] {strides = array<i32>} : memref<32xi32, #tpu.memory_space<vmem>>, vector<16xi32>,
      %get3A_296 = vector.shape_cast %get3A_295 : vector<16xi32> to vector<16xi32>
      %slice3A_297 = vector.extract_strided_slice %get3A_296 {offsets = [0], sizes = [1], strides = [1]} : vector<16xi32> to vector<1xi32>
      %squeeze3A_298 = vector.extract %slice3A_297[0] : i32 from vector<1xi32>
      %sub3A_299 = arith.subi %squeeze3A_298, %mul3A_293 : i32
      %gt3A_300 = arith.constant 0 : i32
      %gt3A_301 = arith.cmpi sgt, %sub3A_299, %gt3A_300 : i32
      %and3A_302 = arith.andi %ge3A_242, %gt3A_301 : i1
      %convert_element_type3A_303 = arith.extui %and3A_302 : i1 to i32
      %cond3A_304 = arith.constant 0 : i32
      %cond3A_305 = arith.cmpi ne, %convert_element_type3A_303, %cond3A_304 : i32
      scf.if %cond3A_305 {
        %sub3A_1772 = arith.constant 2 : i32
        %sub3A_1773 = arith.subi %add3A_241, %sub3A_1772 : i32
        %mul3A_1774 = arith.constant 32 : i32
        %mul3A_1775 = arith.muli %sub3A_1773, %mul3A_1774 : i32
        %add3A_1776 = arith.addi %add3A, %mul3A_1775 : i32
        %jit3A_1777 = arith.constant 128 : i32
        %div3A_1778 = arith.divsi %add3A_1776, %jit3A_1777 : i32
        %sign3A_1779 = arith.constant 0 : i32
        %sign3A_1780 = arith.cmpi sgt, %add3A_1776, %sign3A_1779 : i32
        %sign3A_1781 = arith.extui %sign3A_1780 : i1 to i32
        %sign3A_1782 = arith.constant 0 : i32
        %sign3A_1783 = arith.cmpi slt, %add3A_1776, %sign3A_1782 : i32
        %sign3A_1784 = arith.extui %sign3A_1783 : i1 to i32
        %sign3A_1785 = arith.subi %sign3A_1781, %sign3A_1784 : i32
        %sign3A_1786 = arith.constant 0 : i32
        %sign3A_1787 = arith.cmpi sgt, %jit3A_1777, %sign3A_1786 : i32
        %sign3A_1788 = arith.extui %sign3A_1787 : i1 to i32
        %sign3A_1789 = arith.constant 0 : i32
        %sign3A_1790 = arith.cmpi slt, %jit3A_1777, %sign3A_1789 : i32
        %sign3A_1791 = arith.extui %sign3A_1790 : i1 to i32
        %sign3A_1792 = arith.subi %sign3A_1788, %sign3A_1791 : i32
        %ne3A_1793 = arith.cmpi ne, %sign3A_1785, %sign3A_1792 : i32
        %rem3A_1794 = arith.remsi %add3A_1776, %jit3A_1777 : i32
        %ne3A_1795 = arith.constant 0 : i32
        %ne3A_1796 = arith.cmpi ne, %rem3A_1794, %ne3A_1795 : i32
        %and3A_1797 = arith.andi %ne3A_1793, %ne3A_1796 : i1
        %sub3A_1798 = arith.constant 1 : i32
        %sub3A_1799 = arith.subi %div3A_1778, %sub3A_1798 : i32
        %select_n3A_1800 = arith.select %and3A_1797, %sub3A_1799, %div3A_1778 : i32
        %jit3A_1801 = arith.constant 0 : i32
        %jit3A_1802 = arith.constant 15 : i32
        %max3A_1803 = arith.maxsi %jit3A_1801, %select_n3A_1800 : i32
        %min3A_1804 = arith.minsi %jit3A_1802, %max3A_1803 : i32
        %jit3A_1805 = arith.constant 128 : i32
        %eq3A_1806 = arith.constant 0 : i32
        %eq3A_1807 = arith.cmpi eq, %jit3A_1805, %eq3A_1806 : i32
        %jit3A_1808 = arith.constant 1 : i32
        %select_n3A_1809 = arith.select %eq3A_1807, %jit3A_1808, %jit3A_1805 : i32
        %rem3A_1810 = arith.remsi %add3A_1776, %select_n3A_1809 : i32
        %ne3A_1811 = arith.constant 0 : i32
        %ne3A_1812 = arith.cmpi ne, %rem3A_1810, %ne3A_1811 : i32
        %lt3A_1813 = arith.constant 0 : i32
        %lt3A_1814 = arith.cmpi slt, %rem3A_1810, %lt3A_1813 : i32
        %lt3A_1815 = arith.constant 0 : i32
        %lt3A_1816 = arith.cmpi slt, %select_n3A_1809, %lt3A_1815 : i32
        %ne3A_1817 = arith.xori %lt3A_1814, %lt3A_1816 : i1
        %and3A_1818 = arith.andi %ne3A_1817, %ne3A_1812 : i1
        %add3A_1819 = arith.addi %rem3A_1810, %select_n3A_1809 : i32
        %select_n3A_1820 = arith.select %and3A_1818, %add3A_1819, %rem3A_1810 : i32
        %mul3A_1821 = arith.constant 32 : i32
        %mul3A_1822 = arith.muli %select_n3A_1820, %mul3A_1821 : i32
        %get3A_1823 = arith.index_cast %min3A_1804 : i32 to index
        %get3A_1824 = tpu.vector_load %arg5[%get3A_1823] {strides = array<i32>} : memref<32xi32, #tpu.memory_space<vmem>>, vector<16xi32>,
        %get3A_1825 = vector.shape_cast %get3A_1824 : vector<16xi32> to vector<16xi32>
        %slice3A_1826 = vector.extract_strided_slice %get3A_1825 {offsets = [0], sizes = [1], strides = [1]} : vector<16xi32> to vector<1xi32>
        %squeeze3A_1827 = vector.extract %slice3A_1826[0] : i32 from vector<1xi32>
        %sub3A_1828 = arith.subi %squeeze3A_1827, %mul3A_1822 : i32
        %dma_wait3A = arith.constant 0 : i32
        %dma_wait3A_1829 = tpu.memref_slice %arg4[%min3A_1804, %mul3A_1822, %dma_wait3A] : memref<16x4096x512xf32, #tpu.memory_space<hbm>> -> memref<1x32x512xf32, #tpu.memory_space<hbm>>
        %dma_wait3A_1830 = tpu.memref_squeeze %dma_wait3A_1829 : memref<1x32x512xf32, #tpu.memory_space<hbm>> -> memref<32x512xf32, #tpu.memory_space<hbm>>
        %dma_wait3A_1831 = arith.constant 0 : i32
        %dma_wait3A_1832 = tpu.memref_slice %arg4[%min3A_1804, %mul3A_1822, %dma_wait3A_1831] : memref<16x4096x512xf32, #tpu.memory_space<hbm>> -> memref<1x32x512xf32, #tpu.memory_space<hbm>>
        %dma_wait3A_1833 = tpu.memref_squeeze %dma_wait3A_1832 : memref<1x32x512xf32, #tpu.memory_space<hbm>> -> memref<32x512xf32, #tpu.memory_space<hbm>>
        tpu.wait_dma2 semaphore(%arg17 : memref<!tpu.dma_semaphore, #tpu.memory_space<semaphore_mem>>) src(%arg8 : memref<32x512xf32, #tpu.memory_space<vmem>>) dst(%dma_wait3A_1833 : memref<32x512xf32, #tpu.memory_space<hbm>>)
      } else {
      }
      %add3A_306 = arith.constant 2 : i32
      %add3A_307 = arith.addi %add3A_241, %add3A_306 : i32
      %lt3A_308 = arith.constant 64 : i32
      %lt3A_309 = arith.cmpi slt, %add3A_307, %lt3A_308 : i32
      %add3A_310 = arith.constant 2 : i32
      %add3A_311 = arith.addi %add3A_241, %add3A_310 : i32
      %mul3A_312 = arith.constant 32 : i32
      %mul3A_313 = arith.muli %add3A_311, %mul3A_312 : i32
      %add3A_314 = arith.addi %add3A, %mul3A_313 : i32
      %jit3A_315 = arith.constant 128 : i32
      %div3A_316 = arith.divsi %add3A_314, %jit3A_315 : i32
      %sign3A_317 = arith.constant 0 : i32
      %sign3A_318 = arith.cmpi sgt, %add3A_314, %sign3A_317 : i32
      %sign3A_319 = arith.extui %sign3A_318 : i1 to i32
      %sign3A_320 = arith.constant 0 : i32
      %sign3A_321 = arith.cmpi slt, %add3A_314, %sign3A_320 : i32
      %sign3A_322 = arith.extui %sign3A_321 : i1 to i32
      %sign3A_323 = arith.subi %sign3A_319, %sign3A_322 : i32
      %sign3A_324 = arith.constant 0 : i32
      %sign3A_325 = arith.cmpi sgt, %jit3A_315, %sign3A_324 : i32
      %sign3A_326 = arith.extui %sign3A_325 : i1 to i32
      %sign3A_327 = arith.constant 0 : i32
      %sign3A_328 = arith.cmpi slt, %jit3A_315, %sign3A_327 : i32
      %sign3A_329 = arith.extui %sign3A_328 : i1 to i32
      %sign3A_330 = arith.subi %sign3A_326, %sign3A_329 : i32
      %ne3A_331 = arith.cmpi ne, %sign3A_323, %sign3A_330 : i32
      %rem3A_332 = arith.remsi %add3A_314, %jit3A_315 : i32
      %ne3A_333 = arith.constant 0 : i32
      %ne3A_334 = arith.cmpi ne, %rem3A_332, %ne3A_333 : i32
      %and3A_335 = arith.andi %ne3A_331, %ne3A_334 : i1
      %sub3A_336 = arith.constant 1 : i32
      %sub3A_337 = arith.subi %div3A_316, %sub3A_336 : i32
      %select_n3A_338 = arith.select %and3A_335, %sub3A_337, %div3A_316 : i32
      %jit3A_339 = arith.constant 0 : i32
      %jit3A_340 = arith.constant 15 : i32
      %max3A_341 = arith.maxsi %jit3A_339, %select_n3A_338 : i32
      %min3A_342 = arith.minsi %jit3A_340, %max3A_341 : i32
      %jit3A_343 = arith.constant 128 : i32
      %eq3A_344 = arith.constant 0 : i32
      %eq3A_345 = arith.cmpi eq, %jit3A_343, %eq3A_344 : i32
      %jit3A_346 = arith.constant 1 : i32
      %select_n3A_347 = arith.select %eq3A_345, %jit3A_346, %jit3A_343 : i32
      %rem3A_348 = arith.remsi %add3A_314, %select_n3A_347 : i32
      %ne3A_349 = arith.constant 0 : i32
      %ne3A_350 = arith.cmpi ne, %rem3A_348, %ne3A_349 : i32
      %lt3A_351 = arith.constant 0 : i32
      %lt3A_352 = arith.cmpi slt, %rem3A_348, %lt3A_351 : i32
      %lt3A_353 = arith.constant 0 : i32
      %lt3A_354 = arith.cmpi slt, %select_n3A_347, %lt3A_353 : i32
      %ne3A_355 = arith.xori %lt3A_352, %lt3A_354 : i1
      %and3A_356 = arith.andi %ne3A_355, %ne3A_350 : i1
      %add3A_357 = arith.addi %rem3A_348, %select_n3A_347 : i32
      %select_n3A_358 = arith.select %and3A_356, %add3A_357, %rem3A_348 : i32
      %mul3A_359 = arith.constant 32 : i32
      %mul3A_360 = arith.muli %select_n3A_358, %mul3A_359 : i32
      %get3A_361 = arith.index_cast %min3A_342 : i32 to index
      %get3A_362 = tpu.vector_load %arg5[%get3A_361] {strides = array<i32>} : memref<32xi32, #tpu.memory_space<vmem>>, vector<16xi32>,
      %get3A_363 = vector.shape_cast %get3A_362 : vector<16xi32> to vector<16xi32>
      %slice3A_364 = vector.extract_strided_slice %get3A_363 {offsets = [0], sizes = [1], strides = [1]} : vector<16xi32> to vector<1xi32>
      %squeeze3A_365 = vector.extract %slice3A_364[0] : i32 from vector<1xi32>
      %sub3A_366 = arith.subi %squeeze3A_365, %mul3A_360 : i32
      %gt3A_367 = arith.constant 0 : i32
      %gt3A_368 = arith.cmpi sgt, %sub3A_366, %gt3A_367 : i32
      %and3A_369 = arith.andi %lt3A_309, %gt3A_368 : i1
      %convert_element_type3A_370 = arith.extui %and3A_369 : i1 to i32
      %cond3A_371 = arith.constant 0 : i32
      %cond3A_372 = arith.cmpi ne, %convert_element_type3A_370, %cond3A_371 : i32
      scf.if %cond3A_372 {
        %add3A_1772 = arith.constant 2 : i32
        %add3A_1773 = arith.addi %add3A_241, %add3A_1772 : i32
        %mul3A_1774 = arith.constant 32 : i32
        %mul3A_1775 = arith.muli %add3A_1773, %mul3A_1774 : i32
        %add3A_1776 = arith.addi %add3A, %mul3A_1775 : i32
        %jit3A_1777 = arith.constant 128 : i32
        %div3A_1778 = arith.divsi %add3A_1776, %jit3A_1777 : i32
        %sign3A_1779 = arith.constant 0 : i32
        %sign3A_1780 = arith.cmpi sgt, %add3A_1776, %sign3A_1779 : i32
        %sign3A_1781 = arith.extui %sign3A_1780 : i1 to i32
        %sign3A_1782 = arith.constant 0 : i32
        %sign3A_1783 = arith.cmpi slt, %add3A_1776, %sign3A_1782 : i32
        %sign3A_1784 = arith.extui %sign3A_1783 : i1 to i32
        %sign3A_1785 = arith.subi %sign3A_1781, %sign3A_1784 : i32
        %sign3A_1786 = arith.constant 0 : i32
        %sign3A_1787 = arith.cmpi sgt, %jit3A_1777, %sign3A_1786 : i32
        %sign3A_1788 = arith.extui %sign3A_1787 : i1 to i32
        %sign3A_1789 = arith.constant 0 : i32
        %sign3A_1790 = arith.cmpi slt, %jit3A_1777, %sign3A_1789 : i32
        %sign3A_1791 = arith.extui %sign3A_1790 : i1 to i32
        %sign3A_1792 = arith.subi %sign3A_1788, %sign3A_1791 : i32
        %ne3A_1793 = arith.cmpi ne, %sign3A_1785, %sign3A_1792 : i32
        %rem3A_1794 = arith.remsi %add3A_1776, %jit3A_1777 : i32
        %ne3A_1795 = arith.constant 0 : i32
        %ne3A_1796 = arith.cmpi ne, %rem3A_1794, %ne3A_1795 : i32
        %and3A_1797 = arith.andi %ne3A_1793, %ne3A_1796 : i1
        %sub3A_1798 = arith.constant 1 : i32
        %sub3A_1799 = arith.subi %div3A_1778, %sub3A_1798 : i32
        %select_n3A_1800 = arith.select %and3A_1797, %sub3A_1799, %div3A_1778 : i32
        %jit3A_1801 = arith.constant 0 : i32
        %jit3A_1802 = arith.constant 15 : i32
        %max3A_1803 = arith.maxsi %jit3A_1801, %select_n3A_1800 : i32
        %min3A_1804 = arith.minsi %jit3A_1802, %max3A_1803 : i32
        %jit3A_1805 = arith.constant 128 : i32
        %eq3A_1806 = arith.constant 0 : i32
        %eq3A_1807 = arith.cmpi eq, %jit3A_1805, %eq3A_1806 : i32
        %jit3A_1808 = arith.constant 1 : i32
        %select_n3A_1809 = arith.select %eq3A_1807, %jit3A_1808, %jit3A_1805 : i32
        %rem3A_1810 = arith.remsi %add3A_1776, %select_n3A_1809 : i32
        %ne3A_1811 = arith.constant 0 : i32
        %ne3A_1812 = arith.cmpi ne, %rem3A_1810, %ne3A_1811 : i32
        %lt3A_1813 = arith.constant 0 : i32
        %lt3A_1814 = arith.cmpi slt, %rem3A_1810, %lt3A_1813 : i32
        %lt3A_1815 = arith.constant 0 : i32
        %lt3A_1816 = arith.cmpi slt, %select_n3A_1809, %lt3A_1815 : i32
        %ne3A_1817 = arith.xori %lt3A_1814, %lt3A_1816 : i1
        %and3A_1818 = arith.andi %ne3A_1817, %ne3A_1812 : i1
        %add3A_1819 = arith.addi %rem3A_1810, %select_n3A_1809 : i32
        %select_n3A_1820 = arith.select %and3A_1818, %add3A_1819, %rem3A_1810 : i32
        %mul3A_1821 = arith.constant 32 : i32
        %mul3A_1822 = arith.muli %select_n3A_1820, %mul3A_1821 : i32
        %get3A_1823 = arith.index_cast %min3A_1804 : i32 to index
        %get3A_1824 = tpu.vector_load %arg5[%get3A_1823] {strides = array<i32>} : memref<32xi32, #tpu.memory_space<vmem>>, vector<16xi32>,
        %get3A_1825 = vector.shape_cast %get3A_1824 : vector<16xi32> to vector<16xi32>
        %slice3A_1826 = vector.extract_strided_slice %get3A_1825 {offsets = [0], sizes = [1], strides = [1]} : vector<16xi32> to vector<1xi32>
        %squeeze3A_1827 = vector.extract %slice3A_1826[0] : i32 from vector<1xi32>
        %sub3A_1828 = arith.subi %squeeze3A_1827, %mul3A_1822 : i32
        %dma_start3A = arith.constant 0 : i32
        %dma_start3A_1829 = tpu.memref_slice %arg2[%min3A_1804, %mul3A_1822, %dma_start3A] : memref<16x4096x512xf32, #tpu.memory_space<hbm>> -> memref<1x32x512xf32, #tpu.memory_space<hbm>>
        %dma_start3A_1830 = tpu.memref_squeeze %dma_start3A_1829 : memref<1x32x512xf32, #tpu.memory_space<hbm>> -> memref<32x512xf32, #tpu.memory_space<hbm>>
        %dma_start3A_1831 = arith.constant 0 : i32
        %dma_start3A_1832 = tpu.memref_slice %arg2[%min3A_1804, %mul3A_1822, %dma_start3A_1831] : memref<16x4096x512xf32, #tpu.memory_space<hbm>> -> memref<1x32x512xf32, #tpu.memory_space<hbm>>
        %dma_start3A_1833 = tpu.memref_squeeze %dma_start3A_1832 : memref<1x32x512xf32, #tpu.memory_space<hbm>> -> memref<32x512xf32, #tpu.memory_space<hbm>>
        tpu.enqueue_dma source(%dma_start3A_1833 : memref<32x512xf32, #tpu.memory_space<hbm>>) target(%arg8 : memref<32x512xf32, #tpu.memory_space<vmem>>) target_semaphore(%arg13 : memref<!tpu.dma_semaphore, #tpu.memory_space<semaphore_mem>>)
      } else {
      }
      %mul3A_373 = arith.constant 32 : i32
      %mul3A_374 = arith.muli %add3A_241, %mul3A_373 : i32
      %add3A_375 = arith.addi %add3A, %mul3A_374 : i32
      %jit3A_376 = arith.constant 128 : i32
      %div3A_377 = arith.divsi %add3A_375, %jit3A_376 : i32
      %sign3A_378 = arith.constant 0 : i32
      %sign3A_379 = arith.cmpi sgt, %add3A_375, %sign3A_378 : i32
      %sign3A_380 = arith.extui %sign3A_379 : i1 to i32
      %sign3A_381 = arith.constant 0 : i32
      %sign3A_382 = arith.cmpi slt, %add3A_375, %sign3A_381 : i32
      %sign3A_383 = arith.extui %sign3A_382 : i1 to i32
      %sign3A_384 = arith.subi %sign3A_380, %sign3A_383 : i32
      %sign3A_385 = arith.constant 0 : i32
      %sign3A_386 = arith.cmpi sgt, %jit3A_376, %sign3A_385 : i32
      %sign3A_387 = arith.extui %sign3A_386 : i1 to i32
      %sign3A_388 = arith.constant 0 : i32
      %sign3A_389 = arith.cmpi slt, %jit3A_376, %sign3A_388 : i32
      %sign3A_390 = arith.extui %sign3A_389 : i1 to i32
      %sign3A_391 = arith.subi %sign3A_387, %sign3A_390 : i32
      %ne3A_392 = arith.cmpi ne, %sign3A_384, %sign3A_391 : i32
      %rem3A_393 = arith.remsi %add3A_375, %jit3A_376 : i32
      %ne3A_394 = arith.constant 0 : i32
      %ne3A_395 = arith.cmpi ne, %rem3A_393, %ne3A_394 : i32
      %and3A_396 = arith.andi %ne3A_392, %ne3A_395 : i1
      %sub3A_397 = arith.constant 1 : i32
      %sub3A_398 = arith.subi %div3A_377, %sub3A_397 : i32
      %select_n3A_399 = arith.select %and3A_396, %sub3A_398, %div3A_377 : i32
      %jit3A_400 = arith.constant 0 : i32
      %jit3A_401 = arith.constant 15 : i32
      %max3A_402 = arith.maxsi %jit3A_400, %select_n3A_399 : i32
      %min3A_403 = arith.minsi %jit3A_401, %max3A_402 : i32
      %jit3A_404 = arith.constant 128 : i32
      %eq3A_405 = arith.constant 0 : i32
      %eq3A_406 = arith.cmpi eq, %jit3A_404, %eq3A_405 : i32
      %jit3A_407 = arith.constant 1 : i32
      %select_n3A_408 = arith.select %eq3A_406, %jit3A_407, %jit3A_404 : i32
      %rem3A_409 = arith.remsi %add3A_375, %select_n3A_408 : i32
      %ne3A_410 = arith.constant 0 : i32
      %ne3A_411 = arith.cmpi ne, %rem3A_409, %ne3A_410 : i32
      %lt3A_412 = arith.constant 0 : i32
      %lt3A_413 = arith.cmpi slt, %rem3A_409, %lt3A_412 : i32
      %lt3A_414 = arith.constant 0 : i32
      %lt3A_415 = arith.cmpi slt, %select_n3A_408, %lt3A_414 : i32
      %ne3A_416 = arith.xori %lt3A_413, %lt3A_415 : i1
      %and3A_417 = arith.andi %ne3A_416, %ne3A_411 : i1
      %add3A_418 = arith.addi %rem3A_409, %select_n3A_408 : i32
      %select_n3A_419 = arith.select %and3A_417, %add3A_418, %rem3A_409 : i32
      %mul3A_420 = arith.constant 32 : i32
      %mul3A_421 = arith.muli %select_n3A_419, %mul3A_420 : i32
      %get3A_422 = arith.index_cast %min3A_403 : i32 to index
      %get3A_423 = tpu.vector_load %arg5[%get3A_422] {strides = array<i32>} : memref<32xi32, #tpu.memory_space<vmem>>, vector<16xi32>,
      %get3A_424 = vector.shape_cast %get3A_423 : vector<16xi32> to vector<16xi32>
      %slice3A_425 = vector.extract_strided_slice %get3A_424 {offsets = [0], sizes = [1], strides = [1]} : vector<16xi32> to vector<1xi32>
      %squeeze3A_426 = vector.extract %slice3A_425[0] : i32 from vector<1xi32>
      %sub3A_427 = arith.subi %squeeze3A_426, %mul3A_421 : i32
      %ge3A_428 = arith.constant 32 : i32
      %ge3A_429 = arith.cmpi sge, %sub3A_427, %ge3A_428 : i32
      %convert_element_type3A_430 = arith.extui %ge3A_429 : i1 to i32
      %cond3A_431 = arith.constant 0 : i32
      %cond3A_432 = arith.cmpi ne, %convert_element_type3A_430, %cond3A_431 : i32
      scf.if %cond3A_432 {
        %mul3A_1772 = arith.constant 32 : i32
        %mul3A_1773 = arith.muli %add3A_241, %mul3A_1772 : i32
        %add3A_1774 = arith.addi %add3A, %mul3A_1773 : i32
        %jit3A_1775 = arith.constant 128 : i32
        %div3A_1776 = arith.divsi %add3A_1774, %jit3A_1775 : i32
        %sign3A_1777 = arith.constant 0 : i32
        %sign3A_1778 = arith.cmpi sgt, %add3A_1774, %sign3A_1777 : i32
        %sign3A_1779 = arith.extui %sign3A_1778 : i1 to i32
        %sign3A_1780 = arith.constant 0 : i32
        %sign3A_1781 = arith.cmpi slt, %add3A_1774, %sign3A_1780 : i32
        %sign3A_1782 = arith.extui %sign3A_1781 : i1 to i32
        %sign3A_1783 = arith.subi %sign3A_1779, %sign3A_1782 : i32
        %sign3A_1784 = arith.constant 0 : i32
        %sign3A_1785 = arith.cmpi sgt, %jit3A_1775, %sign3A_1784 : i32
        %sign3A_1786 = arith.extui %sign3A_1785 : i1 to i32
        %sign3A_1787 = arith.constant 0 : i32
        %sign3A_1788 = arith.cmpi slt, %jit3A_1775, %sign3A_1787 : i32
        %sign3A_1789 = arith.extui %sign3A_1788 : i1 to i32
        %sign3A_1790 = arith.subi %sign3A_1786, %sign3A_1789 : i32
        %ne3A_1791 = arith.cmpi ne, %sign3A_1783, %sign3A_1790 : i32
        %rem3A_1792 = arith.remsi %add3A_1774, %jit3A_1775 : i32
        %ne3A_1793 = arith.constant 0 : i32
        %ne3A_1794 = arith.cmpi ne, %rem3A_1792, %ne3A_1793 : i32
        %and3A_1795 = arith.andi %ne3A_1791, %ne3A_1794 : i1
        %sub3A_1796 = arith.constant 1 : i32
        %sub3A_1797 = arith.subi %div3A_1776, %sub3A_1796 : i32
        %select_n3A_1798 = arith.select %and3A_1795, %sub3A_1797, %div3A_1776 : i32
        %jit3A_1799 = arith.constant 0 : i32
        %jit3A_1800 = arith.constant 15 : i32
        %max3A_1801 = arith.maxsi %jit3A_1799, %select_n3A_1798 : i32
        %min3A_1802 = arith.minsi %jit3A_1800, %max3A_1801 : i32
        %jit3A_1803 = arith.constant 128 : i32
        %eq3A_1804 = arith.constant 0 : i32
        %eq3A_1805 = arith.cmpi eq, %jit3A_1803, %eq3A_1804 : i32
        %jit3A_1806 = arith.constant 1 : i32
        %select_n3A_1807 = arith.select %eq3A_1805, %jit3A_1806, %jit3A_1803 : i32
        %rem3A_1808 = arith.remsi %add3A_1774, %select_n3A_1807 : i32
        %ne3A_1809 = arith.constant 0 : i32
        %ne3A_1810 = arith.cmpi ne, %rem3A_1808, %ne3A_1809 : i32
        %lt3A_1811 = arith.constant 0 : i32
        %lt3A_1812 = arith.cmpi slt, %rem3A_1808, %lt3A_1811 : i32
        %lt3A_1813 = arith.constant 0 : i32
        %lt3A_1814 = arith.cmpi slt, %select_n3A_1807, %lt3A_1813 : i32
        %ne3A_1815 = arith.xori %lt3A_1812, %lt3A_1814 : i1
        %and3A_1816 = arith.andi %ne3A_1815, %ne3A_1810 : i1
        %add3A_1817 = arith.addi %rem3A_1808, %select_n3A_1807 : i32
        %select_n3A_1818 = arith.select %and3A_1816, %add3A_1817, %rem3A_1808 : i32
        %mul3A_1819 = arith.constant 32 : i32
        %mul3A_1820 = arith.muli %select_n3A_1818, %mul3A_1819 : i32
        %get3A_1821 = arith.index_cast %min3A_1802 : i32 to index
        %get3A_1822 = tpu.vector_load %arg5[%get3A_1821] {strides = array<i32>} : memref<32xi32, #tpu.memory_space<vmem>>, vector<16xi32>,
        %get3A_1823 = vector.shape_cast %get3A_1822 : vector<16xi32> to vector<16xi32>
        %slice3A_1824 = vector.extract_strided_slice %get3A_1823 {offsets = [0], sizes = [1], strides = [1]} : vector<16xi32> to vector<1xi32>
        %squeeze3A_1825 = vector.extract %slice3A_1824[0] : i32 from vector<1xi32>
        %sub3A_1826 = arith.subi %squeeze3A_1825, %mul3A_1820 : i32
        %dma_wait3A = arith.constant 0 : i32
        %dma_wait3A_1827 = tpu.memref_slice %arg2[%min3A_1802, %mul3A_1820, %dma_wait3A] : memref<16x4096x512xf32, #tpu.memory_space<hbm>> -> memref<1x32x512xf32, #tpu.memory_space<hbm>>
        %dma_wait3A_1828 = tpu.memref_squeeze %dma_wait3A_1827 : memref<1x32x512xf32, #tpu.memory_space<hbm>> -> memref<32x512xf32, #tpu.memory_space<hbm>>
        %dma_wait3A_1829 = arith.constant 0 : i32
        %dma_wait3A_1830 = tpu.memref_slice %arg2[%min3A_1802, %mul3A_1820, %dma_wait3A_1829] : memref<16x4096x512xf32, #tpu.memory_space<hbm>> -> memref<1x32x512xf32, #tpu.memory_space<hbm>>
        %dma_wait3A_1831 = tpu.memref_squeeze %dma_wait3A_1830 : memref<1x32x512xf32, #tpu.memory_space<hbm>> -> memref<32x512xf32, #tpu.memory_space<hbm>>
        tpu.wait_dma2 semaphore(%arg11 : memref<!tpu.dma_semaphore, #tpu.memory_space<semaphore_mem>>) src(%dma_wait3A_1831 : memref<32x512xf32, #tpu.memory_space<hbm>>) dst(%arg6 : memref<32x512xf32, #tpu.memory_space<vmem>>)
        %mul3A_1832 = arith.constant 32 : i32
        %mul3A_1833 = arith.muli %add3A_241, %mul3A_1832 : i32
        %add3A_1834 = arith.addi %add3A, %mul3A_1833 : i32
        %jit3A_1835 = arith.constant 128 : i32
        %div3A_1836 = arith.divsi %add3A_1834, %jit3A_1835 : i32
        %sign3A_1837 = arith.constant 0 : i32
        %sign3A_1838 = arith.cmpi sgt, %add3A_1834, %sign3A_1837 : i32
        %sign3A_1839 = arith.extui %sign3A_1838 : i1 to i32
        %sign3A_1840 = arith.constant 0 : i32
        %sign3A_1841 = arith.cmpi slt, %add3A_1834, %sign3A_1840 : i32
        %sign3A_1842 = arith.extui %sign3A_1841 : i1 to i32
        %sign3A_1843 = arith.subi %sign3A_1839, %sign3A_1842 : i32
        %sign3A_1844 = arith.constant 0 : i32
        %sign3A_1845 = arith.cmpi sgt, %jit3A_1835, %sign3A_1844 : i32
        %sign3A_1846 = arith.extui %sign3A_1845 : i1 to i32
        %sign3A_1847 = arith.constant 0 : i32
        %sign3A_1848 = arith.cmpi slt, %jit3A_1835, %sign3A_1847 : i32
        %sign3A_1849 = arith.extui %sign3A_1848 : i1 to i32
        %sign3A_1850 = arith.subi %sign3A_1846, %sign3A_1849 : i32
        %ne3A_1851 = arith.cmpi ne, %sign3A_1843, %sign3A_1850 : i32
        %rem3A_1852 = arith.remsi %add3A_1834, %jit3A_1835 : i32
        %ne3A_1853 = arith.constant 0 : i32
        %ne3A_1854 = arith.cmpi ne, %rem3A_1852, %ne3A_1853 : i32
        %and3A_1855 = arith.andi %ne3A_1851, %ne3A_1854 : i1
        %sub3A_1856 = arith.constant 1 : i32
        %sub3A_1857 = arith.subi %div3A_1836, %sub3A_1856 : i32
        %select_n3A_1858 = arith.select %and3A_1855, %sub3A_1857, %div3A_1836 : i32
        %jit3A_1859 = arith.constant 0 : i32
        %jit3A_1860 = arith.constant 15 : i32
        %max3A_1861 = arith.maxsi %jit3A_1859, %select_n3A_1858 : i32
        %min3A_1862 = arith.minsi %jit3A_1860, %max3A_1861 : i32
        %jit3A_1863 = arith.constant 128 : i32
        %eq3A_1864 = arith.constant 0 : i32
        %eq3A_1865 = arith.cmpi eq, %jit3A_1863, %eq3A_1864 : i32
        %jit3A_1866 = arith.constant 1 : i32
        %select_n3A_1867 = arith.select %eq3A_1865, %jit3A_1866, %jit3A_1863 : i32
        %rem3A_1868 = arith.remsi %add3A_1834, %select_n3A_1867 : i32
        %ne3A_1869 = arith.constant 0 : i32
        %ne3A_1870 = arith.cmpi ne, %rem3A_1868, %ne3A_1869 : i32
        %lt3A_1871 = arith.constant 0 : i32
        %lt3A_1872 = arith.cmpi slt, %rem3A_1868, %lt3A_1871 : i32
        %lt3A_1873 = arith.constant 0 : i32
        %lt3A_1874 = arith.cmpi slt, %select_n3A_1867, %lt3A_1873 : i32
        %ne3A_1875 = arith.xori %lt3A_1872, %lt3A_1874 : i1
        %and3A_1876 = arith.andi %ne3A_1875, %ne3A_1870 : i1
        %add3A_1877 = arith.addi %rem3A_1868, %select_n3A_1867 : i32
        %select_n3A_1878 = arith.select %and3A_1876, %add3A_1877, %rem3A_1868 : i32
        %mul3A_1879 = arith.constant 32 : i32
        %mul3A_1880 = arith.muli %select_n3A_1878, %mul3A_1879 : i32
        %get3A_1881 = arith.index_cast %min3A_1862 : i32 to index
        %get3A_1882 = tpu.vector_load %arg5[%get3A_1881] {strides = array<i32>} : memref<32xi32, #tpu.memory_space<vmem>>, vector<16xi32>,
        %get3A_1883 = vector.shape_cast %get3A_1882 : vector<16xi32> to vector<16xi32>
        %slice3A_1884 = vector.extract_strided_slice %get3A_1883 {offsets = [0], sizes = [1], strides = [1]} : vector<16xi32> to vector<1xi32>
        %squeeze3A_1885 = vector.extract %slice3A_1884[0] : i32 from vector<1xi32>
        %sub3A_1886 = arith.subi %squeeze3A_1885, %mul3A_1880 : i32
        %dma_start3A = arith.constant 0 : i32
        %dma_start3A_1887 = tpu.memref_slice %arg4[%min3A_1862, %mul3A_1880, %dma_start3A] : memref<16x4096x512xf32, #tpu.memory_space<hbm>> -> memref<1x32x512xf32, #tpu.memory_space<hbm>>
        %dma_start3A_1888 = tpu.memref_squeeze %dma_start3A_1887 : memref<1x32x512xf32, #tpu.memory_space<hbm>> -> memref<32x512xf32, #tpu.memory_space<hbm>>
        %dma_start3A_1889 = arith.constant 0 : i32
        %dma_start3A_1890 = tpu.memref_slice %arg4[%min3A_1862, %mul3A_1880, %dma_start3A_1889] : memref<16x4096x512xf32, #tpu.memory_space<hbm>> -> memref<1x32x512xf32, #tpu.memory_space<hbm>>
        %dma_start3A_1891 = tpu.memref_squeeze %dma_start3A_1890 : memref<1x32x512xf32, #tpu.memory_space<hbm>> -> memref<32x512xf32, #tpu.memory_space<hbm>>
        tpu.enqueue_dma source(%arg6 : memref<32x512xf32, #tpu.memory_space<vmem>>) target(%dma_start3A_1891 : memref<32x512xf32, #tpu.memory_space<hbm>>) target_semaphore(%arg15 : memref<!tpu.dma_semaphore, #tpu.memory_space<semaphore_mem>>)
      } else {
      }
      %mul3A_433 = arith.constant 32 : i32
      %mul3A_434 = arith.muli %add3A_241, %mul3A_433 : i32
      %add3A_435 = arith.addi %add3A, %mul3A_434 : i32
      %jit3A_436 = arith.constant 128 : i32
      %div3A_437 = arith.divsi %add3A_435, %jit3A_436 : i32
      %sign3A_438 = arith.constant 0 : i32
      %sign3A_439 = arith.cmpi sgt, %add3A_435, %sign3A_438 : i32
      %sign3A_440 = arith.extui %sign3A_439 : i1 to i32
      %sign3A_441 = arith.constant 0 : i32
      %sign3A_442 = arith.cmpi slt, %add3A_435, %sign3A_441 : i32
      %sign3A_443 = arith.extui %sign3A_442 : i1 to i32
      %sign3A_444 = arith.subi %sign3A_440, %sign3A_443 : i32
      %sign3A_445 = arith.constant 0 : i32
      %sign3A_446 = arith.cmpi sgt, %jit3A_436, %sign3A_445 : i32
      %sign3A_447 = arith.extui %sign3A_446 : i1 to i32
      %sign3A_448 = arith.constant 0 : i32
      %sign3A_449 = arith.cmpi slt, %jit3A_436, %sign3A_448 : i32
      %sign3A_450 = arith.extui %sign3A_449 : i1 to i32
      %sign3A_451 = arith.subi %sign3A_447, %sign3A_450 : i32
      %ne3A_452 = arith.cmpi ne, %sign3A_444, %sign3A_451 : i32
      %rem3A_453 = arith.remsi %add3A_435, %jit3A_436 : i32
      %ne3A_454 = arith.constant 0 : i32
      %ne3A_455 = arith.cmpi ne, %rem3A_453, %ne3A_454 : i32
      %and3A_456 = arith.andi %ne3A_452, %ne3A_455 : i1
      %sub3A_457 = arith.constant 1 : i32
      %sub3A_458 = arith.subi %div3A_437, %sub3A_457 : i32
      %select_n3A_459 = arith.select %and3A_456, %sub3A_458, %div3A_437 : i32
      %jit3A_460 = arith.constant 0 : i32
      %jit3A_461 = arith.constant 15 : i32
      %max3A_462 = arith.maxsi %jit3A_460, %select_n3A_459 : i32
      %min3A_463 = arith.minsi %jit3A_461, %max3A_462 : i32
      %jit3A_464 = arith.constant 128 : i32
      %eq3A_465 = arith.constant 0 : i32
      %eq3A_466 = arith.cmpi eq, %jit3A_464, %eq3A_465 : i32
      %jit3A_467 = arith.constant 1 : i32
      %select_n3A_468 = arith.select %eq3A_466, %jit3A_467, %jit3A_464 : i32
      %rem3A_469 = arith.remsi %add3A_435, %select_n3A_468 : i32
      %ne3A_470 = arith.constant 0 : i32
      %ne3A_471 = arith.cmpi ne, %rem3A_469, %ne3A_470 : i32
      %lt3A_472 = arith.constant 0 : i32
      %lt3A_473 = arith.cmpi slt, %rem3A_469, %lt3A_472 : i32
      %lt3A_474 = arith.constant 0 : i32
      %lt3A_475 = arith.cmpi slt, %select_n3A_468, %lt3A_474 : i32
      %ne3A_476 = arith.xori %lt3A_473, %lt3A_475 : i1
      %and3A_477 = arith.andi %ne3A_476, %ne3A_471 : i1
      %add3A_478 = arith.addi %rem3A_469, %select_n3A_468 : i32
      %select_n3A_479 = arith.select %and3A_477, %add3A_478, %rem3A_469 : i32
      %mul3A_480 = arith.constant 32 : i32
      %mul3A_481 = arith.muli %select_n3A_479, %mul3A_480 : i32
      %get3A_482 = arith.index_cast %min3A_463 : i32 to index
      %get3A_483 = tpu.vector_load %arg5[%get3A_482] {strides = array<i32>} : memref<32xi32, #tpu.memory_space<vmem>>, vector<16xi32>,
      %get3A_484 = vector.shape_cast %get3A_483 : vector<16xi32> to vector<16xi32>
      %slice3A_485 = vector.extract_strided_slice %get3A_484 {offsets = [0], sizes = [1], strides = [1]} : vector<16xi32> to vector<1xi32>
      %squeeze3A_486 = vector.extract %slice3A_485[0] : i32 from vector<1xi32>
      %sub3A_487 = arith.subi %squeeze3A_486, %mul3A_481 : i32
      %gt3A_488 = arith.constant 0 : i32
      %gt3A_489 = arith.cmpi sgt, %sub3A_487, %gt3A_488 : i32
      %lt3A_490 = arith.constant 32 : i32
      %lt3A_491 = arith.cmpi slt, %sub3A_487, %lt3A_490 : i32
      %and3A_492 = arith.andi %gt3A_489, %lt3A_491 : i1
      %convert_element_type3A_493 = arith.extui %and3A_492 : i1 to i32
      %cond3A_494 = arith.constant 0 : i32
      %cond3A_495 = arith.cmpi ne, %convert_element_type3A_493, %cond3A_494 : i32
      scf.if %cond3A_495 {
        %mul3A_1772 = arith.constant 32 : i32
        %mul3A_1773 = arith.muli %add3A_241, %mul3A_1772 : i32
        %add3A_1774 = arith.addi %add3A, %mul3A_1773 : i32
        %jit3A_1775 = arith.constant 128 : i32
        %div3A_1776 = arith.divsi %add3A_1774, %jit3A_1775 : i32
        %sign3A_1777 = arith.constant 0 : i32
        %sign3A_1778 = arith.cmpi sgt, %add3A_1774, %sign3A_1777 : i32
        %sign3A_1779 = arith.extui %sign3A_1778 : i1 to i32
        %sign3A_1780 = arith.constant 0 : i32
        %sign3A_1781 = arith.cmpi slt, %add3A_1774, %sign3A_1780 : i32
        %sign3A_1782 = arith.extui %sign3A_1781 : i1 to i32
        %sign3A_1783 = arith.subi %sign3A_1779, %sign3A_1782 : i32
        %sign3A_1784 = arith.constant 0 : i32
        %sign3A_1785 = arith.cmpi sgt, %jit3A_1775, %sign3A_1784 : i32
        %sign3A_1786 = arith.extui %sign3A_1785 : i1 to i32
        %sign3A_1787 = arith.constant 0 : i32
        %sign3A_1788 = arith.cmpi slt, %jit3A_1775, %sign3A_1787 : i32
        %sign3A_1789 = arith.extui %sign3A_1788 : i1 to i32
        %sign3A_1790 = arith.subi %sign3A_1786, %sign3A_1789 : i32
        %ne3A_1791 = arith.cmpi ne, %sign3A_1783, %sign3A_1790 : i32
        %rem3A_1792 = arith.remsi %add3A_1774, %jit3A_1775 : i32
        %ne3A_1793 = arith.constant 0 : i32
        %ne3A_1794 = arith.cmpi ne, %rem3A_1792, %ne3A_1793 : i32
        %and3A_1795 = arith.andi %ne3A_1791, %ne3A_1794 : i1
        %sub3A_1796 = arith.constant 1 : i32
        %sub3A_1797 = arith.subi %div3A_1776, %sub3A_1796 : i32
        %select_n3A_1798 = arith.select %and3A_1795, %sub3A_1797, %div3A_1776 : i32
        %jit3A_1799 = arith.constant 0 : i32
        %jit3A_1800 = arith.constant 15 : i32
        %max3A_1801 = arith.maxsi %jit3A_1799, %select_n3A_1798 : i32
        %min3A_1802 = arith.minsi %jit3A_1800, %max3A_1801 : i32
        %jit3A_1803 = arith.constant 128 : i32
        %eq3A_1804 = arith.constant 0 : i32
        %eq3A_1805 = arith.cmpi eq, %jit3A_1803, %eq3A_1804 : i32
        %jit3A_1806 = arith.constant 1 : i32
        %select_n3A_1807 = arith.select %eq3A_1805, %jit3A_1806, %jit3A_1803 : i32
        %rem3A_1808 = arith.remsi %add3A_1774, %select_n3A_1807 : i32
        %ne3A_1809 = arith.constant 0 : i32
        %ne3A_1810 = arith.cmpi ne, %rem3A_1808, %ne3A_1809 : i32
        %lt3A_1811 = arith.constant 0 : i32
        %lt3A_1812 = arith.cmpi slt, %rem3A_1808, %lt3A_1811 : i32
        %lt3A_1813 = arith.constant 0 : i32
        %lt3A_1814 = arith.cmpi slt, %select_n3A_1807, %lt3A_1813 : i32
        %ne3A_1815 = arith.xori %lt3A_1812, %lt3A_1814 : i1
        %and3A_1816 = arith.andi %ne3A_1815, %ne3A_1810 : i1
        %add3A_1817 = arith.addi %rem3A_1808, %select_n3A_1807 : i32
        %select_n3A_1818 = arith.select %and3A_1816, %add3A_1817, %rem3A_1808 : i32
        %mul3A_1819 = arith.constant 32 : i32
        %mul3A_1820 = arith.muli %select_n3A_1818, %mul3A_1819 : i32
        %get3A_1821 = arith.index_cast %min3A_1802 : i32 to index
        %get3A_1822 = tpu.vector_load %arg5[%get3A_1821] {strides = array<i32>} : memref<32xi32, #tpu.memory_space<vmem>>, vector<16xi32>,
        %get3A_1823 = vector.shape_cast %get3A_1822 : vector<16xi32> to vector<16xi32>
        %slice3A_1824 = vector.extract_strided_slice %get3A_1823 {offsets = [0], sizes = [1], strides = [1]} : vector<16xi32> to vector<1xi32>
        %squeeze3A_1825 = vector.extract %slice3A_1824[0] : i32 from vector<1xi32>
        %sub3A_1826 = arith.subi %squeeze3A_1825, %mul3A_1820 : i32
        %dma_wait3A = arith.constant 0 : i32
        %dma_wait3A_1827 = tpu.memref_slice %arg2[%min3A_1802, %mul3A_1820, %dma_wait3A] : memref<16x4096x512xf32, #tpu.memory_space<hbm>> -> memref<1x32x512xf32, #tpu.memory_space<hbm>>
        %dma_wait3A_1828 = tpu.memref_squeeze %dma_wait3A_1827 : memref<1x32x512xf32, #tpu.memory_space<hbm>> -> memref<32x512xf32, #tpu.memory_space<hbm>>
        %dma_wait3A_1829 = arith.constant 0 : i32
        %dma_wait3A_1830 = tpu.memref_slice %arg2[%min3A_1802, %mul3A_1820, %dma_wait3A_1829] : memref<16x4096x512xf32, #tpu.memory_space<hbm>> -> memref<1x32x512xf32, #tpu.memory_space<hbm>>
        %dma_wait3A_1831 = tpu.memref_squeeze %dma_wait3A_1830 : memref<1x32x512xf32, #tpu.memory_space<hbm>> -> memref<32x512xf32, #tpu.memory_space<hbm>>
        tpu.wait_dma2 semaphore(%arg11 : memref<!tpu.dma_semaphore, #tpu.memory_space<semaphore_mem>>) src(%dma_wait3A_1831 : memref<32x512xf32, #tpu.memory_space<hbm>>) dst(%arg6 : memref<32x512xf32, #tpu.memory_space<vmem>>)
        %while3A = arith.constant 0 : i32
        %while3A_1832 = arith.constant 32 : i32
        %while3A_1833 = arith.subi %while3A_1832, %sub3A_487 : i32
        %while3A_1834 = arith.addi %sub3A_487, %while3A_1833 : i32
        %while3A_1835 = arith.constant 1 : i32
        %while3A_1836 = arith.divsi %while3A_1833, %while3A_1835 : i32
        %while3A_1837 = arith.muli %while3A_1836, %while3A_1835 : i32
        %while3A_1838 = arith.addi %sub3A_487, %while3A_1837 : i32
        %while3A_1839 = arith.constant 1 : i32
        scf.for %while3A_1901 = %sub3A_487 to %while3A_1838 step %while3A_1839  : i32 {
          %swap3A = arith.index_cast %while3A_1901 : i32 to index
          %swap3A_1902 = arith.constant 0 : index
          %swap3A_1903 = tpu.vector_load %arg6[%swap3A, %swap3A_1902] {strides = array<i32>} : memref<32x512xf32, #tpu.memory_space<vmem>>, vector<1x16xf32>,
          %swap3A_1904 = vector.shape_cast %swap3A_1903 : vector<1x16xf32> to vector<16xf32>
          %swap3A_1905 = vector.shape_cast %broadcast_in_dim3A_1 : vector<16xf32> to vector<1x16xf32>
          tpu.vector_store %arg6[%swap3A, %swap3A_1902], %swap3A_1905 {strides = array<i32>} : memref<32x512xf32, #tpu.memory_space<vmem>>, vector<1x16xf32>,
          %swap3A_1906 = arith.index_cast %while3A_1901 : i32 to index
          %swap3A_1907 = arith.constant 16 : index
          %swap3A_1908 = tpu.vector_load %arg6[%swap3A_1906, %swap3A_1907] {strides = array<i32>} : memref<32x512xf32, #tpu.memory_space<vmem>>, vector<1x16xf32>,
          %swap3A_1909 = vector.shape_cast %swap3A_1908 : vector<1x16xf32> to vector<16xf32>
          %swap3A_1910 = vector.shape_cast %broadcast_in_dim3A_1 : vector<16xf32> to vector<1x16xf32>
          tpu.vector_store %arg6[%swap3A_1906, %swap3A_1907], %swap3A_1910 {strides = array<i32>} : memref<32x512xf32, #tpu.memory_space<vmem>>, vector<1x16xf32>,
          %swap3A_1911 = arith.index_cast %while3A_1901 : i32 to index
          %swap3A_1912 = arith.constant 32 : index
          %swap3A_1913 = tpu.vector_load %arg6[%swap3A_1911, %swap3A_1912] {strides = array<i32>} : memref<32x512xf32, #tpu.memory_space<vmem>>, vector<1x16xf32>,
          %swap3A_1914 = vector.shape_cast %swap3A_1913 : vector<1x16xf32> to vector<16xf32>
          %swap3A_1915 = vector.shape_cast %broadcast_in_dim3A_1 : vector<16xf32> to vector<1x16xf32>
          tpu.vector_store %arg6[%swap3A_1911, %swap3A_1912], %swap3A_1915 {strides = array<i32>} : memref<32x512xf32, #tpu.memory_space<vmem>>, vector<1x16xf32>,
          %swap3A_1916 = arith.index_cast %while3A_1901 : i32 to index
          %swap3A_1917 = arith.constant 48 : index
          %swap3A_1918 = tpu.vector_load %arg6[%swap3A_1916, %swap3A_1917] {strides = array<i32>} : memref<32x512xf32, #tpu.memory_space<vmem>>, vector<1x16xf32>,
          %swap3A_1919 = vector.shape_cast %swap3A_1918 : vector<1x16xf32> to vector<16xf32>
          %swap3A_1920 = vector.shape_cast %broadcast_in_dim3A_1 : vector<16xf32> to vector<1x16xf32>
          tpu.vector_store %arg6[%swap3A_1916, %swap3A_1917], %swap3A_1920 {strides = array<i32>} : memref<32x512xf32, #tpu.memory_space<vmem>>, vector<1x16xf32>,
          %swap3A_1921 = arith.index_cast %while3A_1901 : i32 to index
          %swap3A_1922 = arith.constant 64 : index
          %swap3A_1923 = tpu.vector_load %arg6[%swap3A_1921, %swap3A_1922] {strides = array<i32>} : memref<32x512xf32, #tpu.memory_space<vmem>>, vector<1x16xf32>,
          %swap3A_1924 = vector.shape_cast %swap3A_1923 : vector<1x16xf32> to vector<16xf32>
          %swap3A_1925 = vector.shape_cast %broadcast_in_dim3A_1 : vector<16xf32> to vector<1x16xf32>
          tpu.vector_store %arg6[%swap3A_1921, %swap3A_1922], %swap3A_1925 {strides = array<i32>} : memref<32x512xf32, #tpu.memory_space<vmem>>, vector<1x16xf32>,
          %swap3A_1926 = arith.index_cast %while3A_1901 : i32 to index
          %swap3A_1927 = arith.constant 80 : index
          %swap3A_1928 = tpu.vector_load %arg6[%swap3A_1926, %swap3A_1927] {strides = array<i32>} : memref<32x512xf32, #tpu.memory_space<vmem>>, vector<1x16xf32>,
          %swap3A_1929 = vector.shape_cast %swap3A_1928 : vector<1x16xf32> to vector<16xf32>
          %swap3A_1930 = vector.shape_cast %broadcast_in_dim3A_1 : vector<16xf32> to vector<1x16xf32>
          tpu.vector_store %arg6[%swap3A_1926, %swap3A_1927], %swap3A_1930 {strides = array<i32>} : memref<32x512xf32, #tpu.memory_space<vmem>>, vector<1x16xf32>,
          %swap3A_1931 = arith.index_cast %while3A_1901 : i32 to index
          %swap3A_1932 = arith.constant 96 : index
          %swap3A_1933 = tpu.vector_load %arg6[%swap3A_1931, %swap3A_1932] {strides = array<i32>} : memref<32x512xf32, #tpu.memory_space<vmem>>, vector<1x16xf32>,
          %swap3A_1934 = vector.shape_cast %swap3A_1933 : vector<1x16xf32> to vector<16xf32>
          %swap3A_1935 = vector.shape_cast %broadcast_in_dim3A_1 : vector<16xf32> to vector<1x16xf32>
          tpu.vector_store %arg6[%swap3A_1931, %swap3A_1932], %swap3A_1935 {strides = array<i32>} : memref<32x512xf32, #tpu.memory_space<vmem>>, vector<1x16xf32>,
          %swap3A_1936 = arith.index_cast %while3A_1901 : i32 to index
          %swap3A_1937 = arith.constant 112 : index
          %swap3A_1938 = tpu.vector_load %arg6[%swap3A_1936, %swap3A_1937] {strides = array<i32>} : memref<32x512xf32, #tpu.memory_space<vmem>>, vector<1x16xf32>,
          %swap3A_1939 = vector.shape_cast %swap3A_1938 : vector<1x16xf32> to vector<16xf32>
          %swap3A_1940 = vector.shape_cast %broadcast_in_dim3A_1 : vector<16xf32> to vector<1x16xf32>
          tpu.vector_store %arg6[%swap3A_1936, %swap3A_1937], %swap3A_1940 {strides = array<i32>} : memref<32x512xf32, #tpu.memory_space<vmem>>, vector<1x16xf32>,
          %swap3A_1941 = arith.index_cast %while3A_1901 : i32 to index
          %swap3A_1942 = arith.constant 128 : index
          %swap3A_1943 = tpu.vector_load %arg6[%swap3A_1941, %swap3A_1942] {strides = array<i32>} : memref<32x512xf32, #tpu.memory_space<vmem>>, vector<1x16xf32>,
          %swap3A_1944 = vector.shape_cast %swap3A_1943 : vector<1x16xf32> to vector<16xf32>
          %swap3A_1945 = vector.shape_cast %broadcast_in_dim3A_1 : vector<16xf32> to vector<1x16xf32>
          tpu.vector_store %arg6[%swap3A_1941, %swap3A_1942], %swap3A_1945 {strides = array<i32>} : memref<32x512xf32, #tpu.memory_space<vmem>>, vector<1x16xf32>,
          %swap3A_1946 = arith.index_cast %while3A_1901 : i32 to index
          %swap3A_1947 = arith.constant 144 : index
          %swap3A_1948 = tpu.vector_load %arg6[%swap3A_1946, %swap3A_1947] {strides = array<i32>} : memref<32x512xf32, #tpu.memory_space<vmem>>, vector<1x16xf32>,
          %swap3A_1949 = vector.shape_cast %swap3A_1948 : vector<1x16xf32> to vector<16xf32>
          %swap3A_1950 = vector.shape_cast %broadcast_in_dim3A_1 : vector<16xf32> to vector<1x16xf32>
          tpu.vector_store %arg6[%swap3A_1946, %swap3A_1947], %swap3A_1950 {strides = array<i32>} : memref<32x512xf32, #tpu.memory_space<vmem>>, vector<1x16xf32>,
          %swap3A_1951 = arith.index_cast %while3A_1901 : i32 to index
          %swap3A_1952 = arith.constant 160 : index
          %swap3A_1953 = tpu.vector_load %arg6[%swap3A_1951, %swap3A_1952] {strides = array<i32>} : memref<32x512xf32, #tpu.memory_space<vmem>>, vector<1x16xf32>,
          %swap3A_1954 = vector.shape_cast %swap3A_1953 : vector<1x16xf32> to vector<16xf32>
          %swap3A_1955 = vector.shape_cast %broadcast_in_dim3A_1 : vector<16xf32> to vector<1x16xf32>
          tpu.vector_store %arg6[%swap3A_1951, %swap3A_1952], %swap3A_1955 {strides = array<i32>} : memref<32x512xf32, #tpu.memory_space<vmem>>, vector<1x16xf32>,
          %swap3A_1956 = arith.index_cast %while3A_1901 : i32 to index
          %swap3A_1957 = arith.constant 176 : index
          %swap3A_1958 = tpu.vector_load %arg6[%swap3A_1956, %swap3A_1957] {strides = array<i32>} : memref<32x512xf32, #tpu.memory_space<vmem>>, vector<1x16xf32>,
          %swap3A_1959 = vector.shape_cast %swap3A_1958 : vector<1x16xf32> to vector<16xf32>
          %swap3A_1960 = vector.shape_cast %broadcast_in_dim3A_1 : vector<16xf32> to vector<1x16xf32>
          tpu.vector_store %arg6[%swap3A_1956, %swap3A_1957], %swap3A_1960 {strides = array<i32>} : memref<32x512xf32, #tpu.memory_space<vmem>>, vector<1x16xf32>,
          %swap3A_1961 = arith.index_cast %while3A_1901 : i32 to index
          %swap3A_1962 = arith.constant 192 : index
          %swap3A_1963 = tpu.vector_load %arg6[%swap3A_1961, %swap3A_1962] {strides = array<i32>} : memref<32x512xf32, #tpu.memory_space<vmem>>, vector<1x16xf32>,
          %swap3A_1964 = vector.shape_cast %swap3A_1963 : vector<1x16xf32> to vector<16xf32>
          %swap3A_1965 = vector.shape_cast %broadcast_in_dim3A_1 : vector<16xf32> to vector<1x16xf32>
          tpu.vector_store %arg6[%swap3A_1961, %swap3A_1962], %swap3A_1965 {strides = array<i32>} : memref<32x512xf32, #tpu.memory_space<vmem>>, vector<1x16xf32>,
          %swap3A_1966 = arith.index_cast %while3A_1901 : i32 to index
          %swap3A_1967 = arith.constant 208 : index
          %swap3A_1968 = tpu.vector_load %arg6[%swap3A_1966, %swap3A_1967] {strides = array<i32>} : memref<32x512xf32, #tpu.memory_space<vmem>>, vector<1x16xf32>,
          %swap3A_1969 = vector.shape_cast %swap3A_1968 : vector<1x16xf32> to vector<16xf32>
          %swap3A_1970 = vector.shape_cast %broadcast_in_dim3A_1 : vector<16xf32> to vector<1x16xf32>
          tpu.vector_store %arg6[%swap3A_1966, %swap3A_1967], %swap3A_1970 {strides = array<i32>} : memref<32x512xf32, #tpu.memory_space<vmem>>, vector<1x16xf32>,
          %swap3A_1971 = arith.index_cast %while3A_1901 : i32 to index
          %swap3A_1972 = arith.constant 224 : index
          %swap3A_1973 = tpu.vector_load %arg6[%swap3A_1971, %swap3A_1972] {strides = array<i32>} : memref<32x512xf32, #tpu.memory_space<vmem>>, vector<1x16xf32>,
          %swap3A_1974 = vector.shape_cast %swap3A_1973 : vector<1x16xf32> to vector<16xf32>
          %swap3A_1975 = vector.shape_cast %broadcast_in_dim3A_1 : vector<16xf32> to vector<1x16xf32>
          tpu.vector_store %arg6[%swap3A_1971, %swap3A_1972], %swap3A_1975 {strides = array<i32>} : memref<32x512xf32, #tpu.memory_space<vmem>>, vector<1x16xf32>,
          %swap3A_1976 = arith.index_cast %while3A_1901 : i32 to index
          %swap3A_1977 = arith.constant 240 : index
          %swap3A_1978 = tpu.vector_load %arg6[%swap3A_1976, %swap3A_1977] {strides = array<i32>} : memref<32x512xf32, #tpu.memory_space<vmem>>, vector<1x16xf32>,
          %swap3A_1979 = vector.shape_cast %swap3A_1978 : vector<1x16xf32> to vector<16xf32>
          %swap3A_1980 = vector.shape_cast %broadcast_in_dim3A_1 : vector<16xf32> to vector<1x16xf32>
          tpu.vector_store %arg6[%swap3A_1976, %swap3A_1977], %swap3A_1980 {strides = array<i32>} : memref<32x512xf32, #tpu.memory_space<vmem>>, vector<1x16xf32>,
          %swap3A_1981 = arith.index_cast %while3A_1901 : i32 to index
          %swap3A_1982 = arith.constant 256 : index
          %swap3A_1983 = tpu.vector_load %arg6[%swap3A_1981, %swap3A_1982] {strides = array<i32>} : memref<32x512xf32, #tpu.memory_space<vmem>>, vector<1x16xf32>,
          %swap3A_1984 = vector.shape_cast %swap3A_1983 : vector<1x16xf32> to vector<16xf32>
          %swap3A_1985 = vector.shape_cast %broadcast_in_dim3A_1 : vector<16xf32> to vector<1x16xf32>
          tpu.vector_store %arg6[%swap3A_1981, %swap3A_1982], %swap3A_1985 {strides = array<i32>} : memref<32x512xf32, #tpu.memory_space<vmem>>, vector<1x16xf32>,
          %swap3A_1986 = arith.index_cast %while3A_1901 : i32 to index
          %swap3A_1987 = arith.constant 272 : index
          %swap3A_1988 = tpu.vector_load %arg6[%swap3A_1986, %swap3A_1987] {strides = array<i32>} : memref<32x512xf32, #tpu.memory_space<vmem>>, vector<1x16xf32>,
          %swap3A_1989 = vector.shape_cast %swap3A_1988 : vector<1x16xf32> to vector<16xf32>
          %swap3A_1990 = vector.shape_cast %broadcast_in_dim3A_1 : vector<16xf32> to vector<1x16xf32>
          tpu.vector_store %arg6[%swap3A_1986, %swap3A_1987], %swap3A_1990 {strides = array<i32>} : memref<32x512xf32, #tpu.memory_space<vmem>>, vector<1x16xf32>,
          %swap3A_1991 = arith.index_cast %while3A_1901 : i32 to index
          %swap3A_1992 = arith.constant 288 : index
          %swap3A_1993 = tpu.vector_load %arg6[%swap3A_1991, %swap3A_1992] {strides = array<i32>} : memref<32x512xf32, #tpu.memory_space<vmem>>, vector<1x16xf32>,
          %swap3A_1994 = vector.shape_cast %swap3A_1993 : vector<1x16xf32> to vector<16xf32>
          %swap3A_1995 = vector.shape_cast %broadcast_in_dim3A_1 : vector<16xf32> to vector<1x16xf32>
          tpu.vector_store %arg6[%swap3A_1991, %swap3A_1992], %swap3A_1995 {strides = array<i32>} : memref<32x512xf32, #tpu.memory_space<vmem>>, vector<1x16xf32>,
          %swap3A_1996 = arith.index_cast %while3A_1901 : i32 to index
          %swap3A_1997 = arith.constant 304 : index
          %swap3A_1998 = tpu.vector_load %arg6[%swap3A_1996, %swap3A_1997] {strides = array<i32>} : memref<32x512xf32, #tpu.memory_space<vmem>>, vector<1x16xf32>,
          %swap3A_1999 = vector.shape_cast %swap3A_1998 : vector<1x16xf32> to vector<16xf32>
          %swap3A_2000 = vector.shape_cast %broadcast_in_dim3A_1 : vector<16xf32> to vector<1x16xf32>
          tpu.vector_store %arg6[%swap3A_1996, %swap3A_1997], %swap3A_2000 {strides = array<i32>} : memref<32x512xf32, #tpu.memory_space<vmem>>, vector<1x16xf32>,
          %swap3A_2001 = arith.index_cast %while3A_1901 : i32 to index
          %swap3A_2002 = arith.constant 320 : index
          %swap3A_2003 = tpu.vector_load %arg6[%swap3A_2001, %swap3A_2002] {strides = array<i32>} : memref<32x512xf32, #tpu.memory_space<vmem>>, vector<1x16xf32>,
          %swap3A_2004 = vector.shape_cast %swap3A_2003 : vector<1x16xf32> to vector<16xf32>
          %swap3A_2005 = vector.shape_cast %broadcast_in_dim3A_1 : vector<16xf32> to vector<1x16xf32>
          tpu.vector_store %arg6[%swap3A_2001, %swap3A_2002], %swap3A_2005 {strides = array<i32>} : memref<32x512xf32, #tpu.memory_space<vmem>>, vector<1x16xf32>,
          %swap3A_2006 = arith.index_cast %while3A_1901 : i32 to index
          %swap3A_2007 = arith.constant 336 : index
          %swap3A_2008 = tpu.vector_load %arg6[%swap3A_2006, %swap3A_2007] {strides = array<i32>} : memref<32x512xf32, #tpu.memory_space<vmem>>, vector<1x16xf32>,
          %swap3A_2009 = vector.shape_cast %swap3A_2008 : vector<1x16xf32> to vector<16xf32>
          %swap3A_2010 = vector.shape_cast %broadcast_in_dim3A_1 : vector<16xf32> to vector<1x16xf32>
          tpu.vector_store %arg6[%swap3A_2006, %swap3A_2007], %swap3A_2010 {strides = array<i32>} : memref<32x512xf32, #tpu.memory_space<vmem>>, vector<1x16xf32>,
          %swap3A_2011 = arith.index_cast %while3A_1901 : i32 to index
          %swap3A_2012 = arith.constant 352 : index
          %swap3A_2013 = tpu.vector_load %arg6[%swap3A_2011, %swap3A_2012] {strides = array<i32>} : memref<32x512xf32, #tpu.memory_space<vmem>>, vector<1x16xf32>,
          %swap3A_2014 = vector.shape_cast %swap3A_2013 : vector<1x16xf32> to vector<16xf32>
          %swap3A_2015 = vector.shape_cast %broadcast_in_dim3A_1 : vector<16xf32> to vector<1x16xf32>
          tpu.vector_store %arg6[%swap3A_2011, %swap3A_2012], %swap3A_2015 {strides = array<i32>} : memref<32x512xf32, #tpu.memory_space<vmem>>, vector<1x16xf32>,
          %swap3A_2016 = arith.index_cast %while3A_1901 : i32 to index
          %swap3A_2017 = arith.constant 368 : index
          %swap3A_2018 = tpu.vector_load %arg6[%swap3A_2016, %swap3A_2017] {strides = array<i32>} : memref<32x512xf32, #tpu.memory_space<vmem>>, vector<1x16xf32>,
          %swap3A_2019 = vector.shape_cast %swap3A_2018 : vector<1x16xf32> to vector<16xf32>
          %swap3A_2020 = vector.shape_cast %broadcast_in_dim3A_1 : vector<16xf32> to vector<1x16xf32>
          tpu.vector_store %arg6[%swap3A_2016, %swap3A_2017], %swap3A_2020 {strides = array<i32>} : memref<32x512xf32, #tpu.memory_space<vmem>>, vector<1x16xf32>,
          %swap3A_2021 = arith.index_cast %while3A_1901 : i32 to index
          %swap3A_2022 = arith.constant 384 : index
          %swap3A_2023 = tpu.vector_load %arg6[%swap3A_2021, %swap3A_2022] {strides = array<i32>} : memref<32x512xf32, #tpu.memory_space<vmem>>, vector<1x16xf32>,
          %swap3A_2024 = vector.shape_cast %swap3A_2023 : vector<1x16xf32> to vector<16xf32>
          %swap3A_2025 = vector.shape_cast %broadcast_in_dim3A_1 : vector<16xf32> to vector<1x16xf32>
          tpu.vector_store %arg6[%swap3A_2021, %swap3A_2022], %swap3A_2025 {strides = array<i32>} : memref<32x512xf32, #tpu.memory_space<vmem>>, vector<1x16xf32>,
          %swap3A_2026 = arith.index_cast %while3A_1901 : i32 to index
          %swap3A_2027 = arith.constant 400 : index
          %swap3A_2028 = tpu.vector_load %arg6[%swap3A_2026, %swap3A_2027] {strides = array<i32>} : memref<32x512xf32, #tpu.memory_space<vmem>>, vector<1x16xf32>,
          %swap3A_2029 = vector.shape_cast %swap3A_2028 : vector<1x16xf32> to vector<16xf32>
          %swap3A_2030 = vector.shape_cast %broadcast_in_dim3A_1 : vector<16xf32> to vector<1x16xf32>
          tpu.vector_store %arg6[%swap3A_2026, %swap3A_2027], %swap3A_2030 {strides = array<i32>} : memref<32x512xf32, #tpu.memory_space<vmem>>, vector<1x16xf32>,
          %swap3A_2031 = arith.index_cast %while3A_1901 : i32 to index
          %swap3A_2032 = arith.constant 416 : index
          %swap3A_2033 = tpu.vector_load %arg6[%swap3A_2031, %swap3A_2032] {strides = array<i32>} : memref<32x512xf32, #tpu.memory_space<vmem>>, vector<1x16xf32>,
          %swap3A_2034 = vector.shape_cast %swap3A_2033 : vector<1x16xf32> to vector<16xf32>
          %swap3A_2035 = vector.shape_cast %broadcast_in_dim3A_1 : vector<16xf32> to vector<1x16xf32>
          tpu.vector_store %arg6[%swap3A_2031, %swap3A_2032], %swap3A_2035 {strides = array<i32>} : memref<32x512xf32, #tpu.memory_space<vmem>>, vector<1x16xf32>,
          %swap3A_2036 = arith.index_cast %while3A_1901 : i32 to index
          %swap3A_2037 = arith.constant 432 : index
          %swap3A_2038 = tpu.vector_load %arg6[%swap3A_2036, %swap3A_2037] {strides = array<i32>} : memref<32x512xf32, #tpu.memory_space<vmem>>, vector<1x16xf32>,
          %swap3A_2039 = vector.shape_cast %swap3A_2038 : vector<1x16xf32> to vector<16xf32>
          %swap3A_2040 = vector.shape_cast %broadcast_in_dim3A_1 : vector<16xf32> to vector<1x16xf32>
          tpu.vector_store %arg6[%swap3A_2036, %swap3A_2037], %swap3A_2040 {strides = array<i32>} : memref<32x512xf32, #tpu.memory_space<vmem>>, vector<1x16xf32>,
          %swap3A_2041 = arith.index_cast %while3A_1901 : i32 to index
          %swap3A_2042 = arith.constant 448 : index
          %swap3A_2043 = tpu.vector_load %arg6[%swap3A_2041, %swap3A_2042] {strides = array<i32>} : memref<32x512xf32, #tpu.memory_space<vmem>>, vector<1x16xf32>,
          %swap3A_2044 = vector.shape_cast %swap3A_2043 : vector<1x16xf32> to vector<16xf32>
          %swap3A_2045 = vector.shape_cast %broadcast_in_dim3A_1 : vector<16xf32> to vector<1x16xf32>
          tpu.vector_store %arg6[%swap3A_2041, %swap3A_2042], %swap3A_2045 {strides = array<i32>} : memref<32x512xf32, #tpu.memory_space<vmem>>, vector<1x16xf32>,
          %swap3A_2046 = arith.index_cast %while3A_1901 : i32 to index
          %swap3A_2047 = arith.constant 464 : index
          %swap3A_2048 = tpu.vector_load %arg6[%swap3A_2046, %swap3A_2047] {strides = array<i32>} : memref<32x512xf32, #tpu.memory_space<vmem>>, vector<1x16xf32>,
          %swap3A_2049 = vector.shape_cast %swap3A_2048 : vector<1x16xf32> to vector<16xf32>
          %swap3A_2050 = vector.shape_cast %broadcast_in_dim3A_1 : vector<16xf32> to vector<1x16xf32>
          tpu.vector_store %arg6[%swap3A_2046, %swap3A_2047], %swap3A_2050 {strides = array<i32>} : memref<32x512xf32, #tpu.memory_space<vmem>>, vector<1x16xf32>,
          %swap3A_2051 = arith.index_cast %while3A_1901 : i32 to index
          %swap3A_2052 = arith.constant 480 : index
          %swap3A_2053 = tpu.vector_load %arg6[%swap3A_2051, %swap3A_2052] {strides = array<i32>} : memref<32x512xf32, #tpu.memory_space<vmem>>, vector<1x16xf32>,
          %swap3A_2054 = vector.shape_cast %swap3A_2053 : vector<1x16xf32> to vector<16xf32>
          %swap3A_2055 = vector.shape_cast %broadcast_in_dim3A_1 : vector<16xf32> to vector<1x16xf32>
          tpu.vector_store %arg6[%swap3A_2051, %swap3A_2052], %swap3A_2055 {strides = array<i32>} : memref<32x512xf32, #tpu.memory_space<vmem>>, vector<1x16xf32>,
          %swap3A_2056 = arith.index_cast %while3A_1901 : i32 to index
          %swap3A_2057 = arith.constant 496 : index
          %swap3A_2058 = tpu.vector_load %arg6[%swap3A_2056, %swap3A_2057] {strides = array<i32>} : memref<32x512xf32, #tpu.memory_space<vmem>>, vector<1x16xf32>,
          %swap3A_2059 = vector.shape_cast %swap3A_2058 : vector<1x16xf32> to vector<16xf32>
          %swap3A_2060 = vector.shape_cast %broadcast_in_dim3A_1 : vector<16xf32> to vector<1x16xf32>
          tpu.vector_store %arg6[%swap3A_2056, %swap3A_2057], %swap3A_2060 {strides = array<i32>} : memref<32x512xf32, #tpu.memory_space<vmem>>, vector<1x16xf32>,
        }
        %while3A_1840 = arith.constant 1 : i32
        scf.for %while3A_1901 = %while3A_1838 to %while3A_1834 step %while3A_1840  : i32 {
          %swap3A = arith.index_cast %while3A_1901 : i32 to index
          %swap3A_1902 = arith.constant 0 : index
          %swap3A_1903 = tpu.vector_load %arg6[%swap3A, %swap3A_1902] {strides = array<i32>} : memref<32x512xf32, #tpu.memory_space<vmem>>, vector<1x16xf32>,
          %swap3A_1904 = vector.shape_cast %swap3A_1903 : vector<1x16xf32> to vector<16xf32>
          %swap3A_1905 = vector.shape_cast %broadcast_in_dim3A_1 : vector<16xf32> to vector<1x16xf32>
          tpu.vector_store %arg6[%swap3A, %swap3A_1902], %swap3A_1905 {strides = array<i32>} : memref<32x512xf32, #tpu.memory_space<vmem>>, vector<1x16xf32>,
          %swap3A_1906 = arith.index_cast %while3A_1901 : i32 to index
          %swap3A_1907 = arith.constant 16 : index
          %swap3A_1908 = tpu.vector_load %arg6[%swap3A_1906, %swap3A_1907] {strides = array<i32>} : memref<32x512xf32, #tpu.memory_space<vmem>>, vector<1x16xf32>,
          %swap3A_1909 = vector.shape_cast %swap3A_1908 : vector<1x16xf32> to vector<16xf32>
          %swap3A_1910 = vector.shape_cast %broadcast_in_dim3A_1 : vector<16xf32> to vector<1x16xf32>
          tpu.vector_store %arg6[%swap3A_1906, %swap3A_1907], %swap3A_1910 {strides = array<i32>} : memref<32x512xf32, #tpu.memory_space<vmem>>, vector<1x16xf32>,
          %swap3A_1911 = arith.index_cast %while3A_1901 : i32 to index
          %swap3A_1912 = arith.constant 32 : index
          %swap3A_1913 = tpu.vector_load %arg6[%swap3A_1911, %swap3A_1912] {strides = array<i32>} : memref<32x512xf32, #tpu.memory_space<vmem>>, vector<1x16xf32>,
          %swap3A_1914 = vector.shape_cast %swap3A_1913 : vector<1x16xf32> to vector<16xf32>
          %swap3A_1915 = vector.shape_cast %broadcast_in_dim3A_1 : vector<16xf32> to vector<1x16xf32>
          tpu.vector_store %arg6[%swap3A_1911, %swap3A_1912], %swap3A_1915 {strides = array<i32>} : memref<32x512xf32, #tpu.memory_space<vmem>>, vector<1x16xf32>,
          %swap3A_1916 = arith.index_cast %while3A_1901 : i32 to index
          %swap3A_1917 = arith.constant 48 : index
          %swap3A_1918 = tpu.vector_load %arg6[%swap3A_1916, %swap3A_1917] {strides = array<i32>} : memref<32x512xf32, #tpu.memory_space<vmem>>, vector<1x16xf32>,
          %swap3A_1919 = vector.shape_cast %swap3A_1918 : vector<1x16xf32> to vector<16xf32>
          %swap3A_1920 = vector.shape_cast %broadcast_in_dim3A_1 : vector<16xf32> to vector<1x16xf32>
          tpu.vector_store %arg6[%swap3A_1916, %swap3A_1917], %swap3A_1920 {strides = array<i32>} : memref<32x512xf32, #tpu.memory_space<vmem>>, vector<1x16xf32>,
          %swap3A_1921 = arith.index_cast %while3A_1901 : i32 to index
          %swap3A_1922 = arith.constant 64 : index
          %swap3A_1923 = tpu.vector_load %arg6[%swap3A_1921, %swap3A_1922] {strides = array<i32>} : memref<32x512xf32, #tpu.memory_space<vmem>>, vector<1x16xf32>,
          %swap3A_1924 = vector.shape_cast %swap3A_1923 : vector<1x16xf32> to vector<16xf32>
          %swap3A_1925 = vector.shape_cast %broadcast_in_dim3A_1 : vector<16xf32> to vector<1x16xf32>
          tpu.vector_store %arg6[%swap3A_1921, %swap3A_1922], %swap3A_1925 {strides = array<i32>} : memref<32x512xf32, #tpu.memory_space<vmem>>, vector<1x16xf32>,
          %swap3A_1926 = arith.index_cast %while3A_1901 : i32 to index
          %swap3A_1927 = arith.constant 80 : index
          %swap3A_1928 = tpu.vector_load %arg6[%swap3A_1926, %swap3A_1927] {strides = array<i32>} : memref<32x512xf32, #tpu.memory_space<vmem>>, vector<1x16xf32>,
          %swap3A_1929 = vector.shape_cast %swap3A_1928 : vector<1x16xf32> to vector<16xf32>
          %swap3A_1930 = vector.shape_cast %broadcast_in_dim3A_1 : vector<16xf32> to vector<1x16xf32>
          tpu.vector_store %arg6[%swap3A_1926, %swap3A_1927], %swap3A_1930 {strides = array<i32>} : memref<32x512xf32, #tpu.memory_space<vmem>>, vector<1x16xf32>,
          %swap3A_1931 = arith.index_cast %while3A_1901 : i32 to index
          %swap3A_1932 = arith.constant 96 : index
          %swap3A_1933 = tpu.vector_load %arg6[%swap3A_1931, %swap3A_1932] {strides = array<i32>} : memref<32x512xf32, #tpu.memory_space<vmem>>, vector<1x16xf32>,
          %swap3A_1934 = vector.shape_cast %swap3A_1933 : vector<1x16xf32> to vector<16xf32>
          %swap3A_1935 = vector.shape_cast %broadcast_in_dim3A_1 : vector<16xf32> to vector<1x16xf32>
          tpu.vector_store %arg6[%swap3A_1931, %swap3A_1932], %swap3A_1935 {strides = array<i32>} : memref<32x512xf32, #tpu.memory_space<vmem>>, vector<1x16xf32>,
          %swap3A_1936 = arith.index_cast %while3A_1901 : i32 to index
          %swap3A_1937 = arith.constant 112 : index
          %swap3A_1938 = tpu.vector_load %arg6[%swap3A_1936, %swap3A_1937] {strides = array<i32>} : memref<32x512xf32, #tpu.memory_space<vmem>>, vector<1x16xf32>,
          %swap3A_1939 = vector.shape_cast %swap3A_1938 : vector<1x16xf32> to vector<16xf32>
          %swap3A_1940 = vector.shape_cast %broadcast_in_dim3A_1 : vector<16xf32> to vector<1x16xf32>
          tpu.vector_store %arg6[%swap3A_1936, %swap3A_1937], %swap3A_1940 {strides = array<i32>} : memref<32x512xf32, #tpu.memory_space<vmem>>, vector<1x16xf32>,
          %swap3A_1941 = arith.index_cast %while3A_1901 : i32 to index
          %swap3A_1942 = arith.constant 128 : index
          %swap3A_1943 = tpu.vector_load %arg6[%swap3A_1941, %swap3A_1942] {strides = array<i32>} : memref<32x512xf32, #tpu.memory_space<vmem>>, vector<1x16xf32>,
          %swap3A_1944 = vector.shape_cast %swap3A_1943 : vector<1x16xf32> to vector<16xf32>
          %swap3A_1945 = vector.shape_cast %broadcast_in_dim3A_1 : vector<16xf32> to vector<1x16xf32>
          tpu.vector_store %arg6[%swap3A_1941, %swap3A_1942], %swap3A_1945 {strides = array<i32>} : memref<32x512xf32, #tpu.memory_space<vmem>>, vector<1x16xf32>,
          %swap3A_1946 = arith.index_cast %while3A_1901 : i32 to index
          %swap3A_1947 = arith.constant 144 : index
          %swap3A_1948 = tpu.vector_load %arg6[%swap3A_1946, %swap3A_1947] {strides = array<i32>} : memref<32x512xf32, #tpu.memory_space<vmem>>, vector<1x16xf32>,
          %swap3A_1949 = vector.shape_cast %swap3A_1948 : vector<1x16xf32> to vector<16xf32>
          %swap3A_1950 = vector.shape_cast %broadcast_in_dim3A_1 : vector<16xf32> to vector<1x16xf32>
          tpu.vector_store %arg6[%swap3A_1946, %swap3A_1947], %swap3A_1950 {strides = array<i32>} : memref<32x512xf32, #tpu.memory_space<vmem>>, vector<1x16xf32>,
          %swap3A_1951 = arith.index_cast %while3A_1901 : i32 to index
          %swap3A_1952 = arith.constant 160 : index
          %swap3A_1953 = tpu.vector_load %arg6[%swap3A_1951, %swap3A_1952] {strides = array<i32>} : memref<32x512xf32, #tpu.memory_space<vmem>>, vector<1x16xf32>,
          %swap3A_1954 = vector.shape_cast %swap3A_1953 : vector<1x16xf32> to vector<16xf32>
          %swap3A_1955 = vector.shape_cast %broadcast_in_dim3A_1 : vector<16xf32> to vector<1x16xf32>
          tpu.vector_store %arg6[%swap3A_1951, %swap3A_1952], %swap3A_1955 {strides = array<i32>} : memref<32x512xf32, #tpu.memory_space<vmem>>, vector<1x16xf32>,
          %swap3A_1956 = arith.index_cast %while3A_1901 : i32 to index
          %swap3A_1957 = arith.constant 176 : index
          %swap3A_1958 = tpu.vector_load %arg6[%swap3A_1956, %swap3A_1957] {strides = array<i32>} : memref<32x512xf32, #tpu.memory_space<vmem>>, vector<1x16xf32>,
          %swap3A_1959 = vector.shape_cast %swap3A_1958 : vector<1x16xf32> to vector<16xf32>
          %swap3A_1960 = vector.shape_cast %broadcast_in_dim3A_1 : vector<16xf32> to vector<1x16xf32>
          tpu.vector_store %arg6[%swap3A_1956, %swap3A_1957], %swap3A_1960 {strides = array<i32>} : memref<32x512xf32, #tpu.memory_space<vmem>>, vector<1x16xf32>,
          %swap3A_1961 = arith.index_cast %while3A_1901 : i32 to index
          %swap3A_1962 = arith.constant 192 : index
          %swap3A_1963 = tpu.vector_load %arg6[%swap3A_1961, %swap3A_1962] {strides = array<i32>} : memref<32x512xf32, #tpu.memory_space<vmem>>, vector<1x16xf32>,
          %swap3A_1964 = vector.shape_cast %swap3A_1963 : vector<1x16xf32> to vector<16xf32>
          %swap3A_1965 = vector.shape_cast %broadcast_in_dim3A_1 : vector<16xf32> to vector<1x16xf32>
          tpu.vector_store %arg6[%swap3A_1961, %swap3A_1962], %swap3A_1965 {strides = array<i32>} : memref<32x512xf32, #tpu.memory_space<vmem>>, vector<1x16xf32>,
          %swap3A_1966 = arith.index_cast %while3A_1901 : i32 to index
          %swap3A_1967 = arith.constant 208 : index
          %swap3A_1968 = tpu.vector_load %arg6[%swap3A_1966, %swap3A_1967] {strides = array<i32>} : memref<32x512xf32, #tpu.memory_space<vmem>>, vector<1x16xf32>,
          %swap3A_1969 = vector.shape_cast %swap3A_1968 : vector<1x16xf32> to vector<16xf32>
          %swap3A_1970 = vector.shape_cast %broadcast_in_dim3A_1 : vector<16xf32> to vector<1x16xf32>
          tpu.vector_store %arg6[%swap3A_1966, %swap3A_1967], %swap3A_1970 {strides = array<i32>} : memref<32x512xf32, #tpu.memory_space<vmem>>, vector<1x16xf32>,
          %swap3A_1971 = arith.index_cast %while3A_1901 : i32 to index
          %swap3A_1972 = arith.constant 224 : index
          %swap3A_1973 = tpu.vector_load %arg6[%swap3A_1971, %swap3A_1972] {strides = array<i32>} : memref<32x512xf32, #tpu.memory_space<vmem>>, vector<1x16xf32>,
          %swap3A_1974 = vector.shape_cast %swap3A_1973 : vector<1x16xf32> to vector<16xf32>
          %swap3A_1975 = vector.shape_cast %broadcast_in_dim3A_1 : vector<16xf32> to vector<1x16xf32>
          tpu.vector_store %arg6[%swap3A_1971, %swap3A_1972], %swap3A_1975 {strides = array<i32>} : memref<32x512xf32, #tpu.memory_space<vmem>>, vector<1x16xf32>,
          %swap3A_1976 = arith.index_cast %while3A_1901 : i32 to index
          %swap3A_1977 = arith.constant 240 : index
          %swap3A_1978 = tpu.vector_load %arg6[%swap3A_1976, %swap3A_1977] {strides = array<i32>} : memref<32x512xf32, #tpu.memory_space<vmem>>, vector<1x16xf32>,
          %swap3A_1979 = vector.shape_cast %swap3A_1978 : vector<1x16xf32> to vector<16xf32>
          %swap3A_1980 = vector.shape_cast %broadcast_in_dim3A_1 : vector<16xf32> to vector<1x16xf32>
          tpu.vector_store %arg6[%swap3A_1976, %swap3A_1977], %swap3A_1980 {strides = array<i32>} : memref<32x512xf32, #tpu.memory_space<vmem>>, vector<1x16xf32>,
          %swap3A_1981 = arith.index_cast %while3A_1901 : i32 to index
          %swap3A_1982 = arith.constant 256 : index
          %swap3A_1983 = tpu.vector_load %arg6[%swap3A_1981, %swap3A_1982] {strides = array<i32>} : memref<32x512xf32, #tpu.memory_space<vmem>>, vector<1x16xf32>,
          %swap3A_1984 = vector.shape_cast %swap3A_1983 : vector<1x16xf32> to vector<16xf32>
          %swap3A_1985 = vector.shape_cast %broadcast_in_dim3A_1 : vector<16xf32> to vector<1x16xf32>
          tpu.vector_store %arg6[%swap3A_1981, %swap3A_1982], %swap3A_1985 {strides = array<i32>} : memref<32x512xf32, #tpu.memory_space<vmem>>, vector<1x16xf32>,
          %swap3A_1986 = arith.index_cast %while3A_1901 : i32 to index
          %swap3A_1987 = arith.constant 272 : index
          %swap3A_1988 = tpu.vector_load %arg6[%swap3A_1986, %swap3A_1987] {strides = array<i32>} : memref<32x512xf32, #tpu.memory_space<vmem>>, vector<1x16xf32>,
          %swap3A_1989 = vector.shape_cast %swap3A_1988 : vector<1x16xf32> to vector<16xf32>
          %swap3A_1990 = vector.shape_cast %broadcast_in_dim3A_1 : vector<16xf32> to vector<1x16xf32>
          tpu.vector_store %arg6[%swap3A_1986, %swap3A_1987], %swap3A_1990 {strides = array<i32>} : memref<32x512xf32, #tpu.memory_space<vmem>>, vector<1x16xf32>,
          %swap3A_1991 = arith.index_cast %while3A_1901 : i32 to index
          %swap3A_1992 = arith.constant 288 : index
          %swap3A_1993 = tpu.vector_load %arg6[%swap3A_1991, %swap3A_1992] {strides = array<i32>} : memref<32x512xf32, #tpu.memory_space<vmem>>, vector<1x16xf32>,
          %swap3A_1994 = vector.shape_cast %swap3A_1993 : vector<1x16xf32> to vector<16xf32>
          %swap3A_1995 = vector.shape_cast %broadcast_in_dim3A_1 : vector<16xf32> to vector<1x16xf32>
          tpu.vector_store %arg6[%swap3A_1991, %swap3A_1992], %swap3A_1995 {strides = array<i32>} : memref<32x512xf32, #tpu.memory_space<vmem>>, vector<1x16xf32>,
          %swap3A_1996 = arith.index_cast %while3A_1901 : i32 to index
          %swap3A_1997 = arith.constant 304 : index
          %swap3A_1998 = tpu.vector_load %arg6[%swap3A_1996, %swap3A_1997] {strides = array<i32>} : memref<32x512xf32, #tpu.memory_space<vmem>>, vector<1x16xf32>,
          %swap3A_1999 = vector.shape_cast %swap3A_1998 : vector<1x16xf32> to vector<16xf32>
          %swap3A_2000 = vector.shape_cast %broadcast_in_dim3A_1 : vector<16xf32> to vector<1x16xf32>
          tpu.vector_store %arg6[%swap3A_1996, %swap3A_1997], %swap3A_2000 {strides = array<i32>} : memref<32x512xf32, #tpu.memory_space<vmem>>, vector<1x16xf32>,
          %swap3A_2001 = arith.index_cast %while3A_1901 : i32 to index
          %swap3A_2002 = arith.constant 320 : index
          %swap3A_2003 = tpu.vector_load %arg6[%swap3A_2001, %swap3A_2002] {strides = array<i32>} : memref<32x512xf32, #tpu.memory_space<vmem>>, vector<1x16xf32>,
          %swap3A_2004 = vector.shape_cast %swap3A_2003 : vector<1x16xf32> to vector<16xf32>
          %swap3A_2005 = vector.shape_cast %broadcast_in_dim3A_1 : vector<16xf32> to vector<1x16xf32>
          tpu.vector_store %arg6[%swap3A_2001, %swap3A_2002], %swap3A_2005 {strides = array<i32>} : memref<32x512xf32, #tpu.memory_space<vmem>>, vector<1x16xf32>,
          %swap3A_2006 = arith.index_cast %while3A_1901 : i32 to index
          %swap3A_2007 = arith.constant 336 : index
          %swap3A_2008 = tpu.vector_load %arg6[%swap3A_2006, %swap3A_2007] {strides = array<i32>} : memref<32x512xf32, #tpu.memory_space<vmem>>, vector<1x16xf32>,
          %swap3A_2009 = vector.shape_cast %swap3A_2008 : vector<1x16xf32> to vector<16xf32>
          %swap3A_2010 = vector.shape_cast %broadcast_in_dim3A_1 : vector<16xf32> to vector<1x16xf32>
          tpu.vector_store %arg6[%swap3A_2006, %swap3A_2007], %swap3A_2010 {strides = array<i32>} : memref<32x512xf32, #tpu.memory_space<vmem>>, vector<1x16xf32>,
          %swap3A_2011 = arith.index_cast %while3A_1901 : i32 to index
          %swap3A_2012 = arith.constant 352 : index
          %swap3A_2013 = tpu.vector_load %arg6[%swap3A_2011, %swap3A_2012] {strides = array<i32>} : memref<32x512xf32, #tpu.memory_space<vmem>>, vector<1x16xf32>,
          %swap3A_2014 = vector.shape_cast %swap3A_2013 : vector<1x16xf32> to vector<16xf32>
          %swap3A_2015 = vector.shape_cast %broadcast_in_dim3A_1 : vector<16xf32> to vector<1x16xf32>
          tpu.vector_store %arg6[%swap3A_2011, %swap3A_2012], %swap3A_2015 {strides = array<i32>} : memref<32x512xf32, #tpu.memory_space<vmem>>, vector<1x16xf32>,
          %swap3A_2016 = arith.index_cast %while3A_1901 : i32 to index
          %swap3A_2017 = arith.constant 368 : index
          %swap3A_2018 = tpu.vector_load %arg6[%swap3A_2016, %swap3A_2017] {strides = array<i32>} : memref<32x512xf32, #tpu.memory_space<vmem>>, vector<1x16xf32>,
          %swap3A_2019 = vector.shape_cast %swap3A_2018 : vector<1x16xf32> to vector<16xf32>
          %swap3A_2020 = vector.shape_cast %broadcast_in_dim3A_1 : vector<16xf32> to vector<1x16xf32>
          tpu.vector_store %arg6[%swap3A_2016, %swap3A_2017], %swap3A_2020 {strides = array<i32>} : memref<32x512xf32, #tpu.memory_space<vmem>>, vector<1x16xf32>,
          %swap3A_2021 = arith.index_cast %while3A_1901 : i32 to index
          %swap3A_2022 = arith.constant 384 : index
          %swap3A_2023 = tpu.vector_load %arg6[%swap3A_2021, %swap3A_2022] {strides = array<i32>} : memref<32x512xf32, #tpu.memory_space<vmem>>, vector<1x16xf32>,
          %swap3A_2024 = vector.shape_cast %swap3A_2023 : vector<1x16xf32> to vector<16xf32>
          %swap3A_2025 = vector.shape_cast %broadcast_in_dim3A_1 : vector<16xf32> to vector<1x16xf32>
          tpu.vector_store %arg6[%swap3A_2021, %swap3A_2022], %swap3A_2025 {strides = array<i32>} : memref<32x512xf32, #tpu.memory_space<vmem>>, vector<1x16xf32>,
          %swap3A_2026 = arith.index_cast %while3A_1901 : i32 to index
          %swap3A_2027 = arith.constant 400 : index
          %swap3A_2028 = tpu.vector_load %arg6[%swap3A_2026, %swap3A_2027] {strides = array<i32>} : memref<32x512xf32, #tpu.memory_space<vmem>>, vector<1x16xf32>,
          %swap3A_2029 = vector.shape_cast %swap3A_2028 : vector<1x16xf32> to vector<16xf32>
          %swap3A_2030 = vector.shape_cast %broadcast_in_dim3A_1 : vector<16xf32> to vector<1x16xf32>
          tpu.vector_store %arg6[%swap3A_2026, %swap3A_2027], %swap3A_2030 {strides = array<i32>} : memref<32x512xf32, #tpu.memory_space<vmem>>, vector<1x16xf32>,
          %swap3A_2031 = arith.index_cast %while3A_1901 : i32 to index
          %swap3A_2032 = arith.constant 416 : index
          %swap3A_2033 = tpu.vector_load %arg6[%swap3A_2031, %swap3A_2032] {strides = array<i32>} : memref<32x512xf32, #tpu.memory_space<vmem>>, vector<1x16xf32>,
          %swap3A_2034 = vector.shape_cast %swap3A_2033 : vector<1x16xf32> to vector<16xf32>
          %swap3A_2035 = vector.shape_cast %broadcast_in_dim3A_1 : vector<16xf32> to vector<1x16xf32>
          tpu.vector_store %arg6[%swap3A_2031, %swap3A_2032], %swap3A_2035 {strides = array<i32>} : memref<32x512xf32, #tpu.memory_space<vmem>>, vector<1x16xf32>,
          %swap3A_2036 = arith.index_cast %while3A_1901 : i32 to index
          %swap3A_2037 = arith.constant 432 : index
          %swap3A_2038 = tpu.vector_load %arg6[%swap3A_2036, %swap3A_2037] {strides = array<i32>} : memref<32x512xf32, #tpu.memory_space<vmem>>, vector<1x16xf32>,
          %swap3A_2039 = vector.shape_cast %swap3A_2038 : vector<1x16xf32> to vector<16xf32>
          %swap3A_2040 = vector.shape_cast %broadcast_in_dim3A_1 : vector<16xf32> to vector<1x16xf32>
          tpu.vector_store %arg6[%swap3A_2036, %swap3A_2037], %swap3A_2040 {strides = array<i32>} : memref<32x512xf32, #tpu.memory_space<vmem>>, vector<1x16xf32>,
          %swap3A_2041 = arith.index_cast %while3A_1901 : i32 to index
          %swap3A_2042 = arith.constant 448 : index
          %swap3A_2043 = tpu.vector_load %arg6[%swap3A_2041, %swap3A_2042] {strides = array<i32>} : memref<32x512xf32, #tpu.memory_space<vmem>>, vector<1x16xf32>,
          %swap3A_2044 = vector.shape_cast %swap3A_2043 : vector<1x16xf32> to vector<16xf32>
          %swap3A_2045 = vector.shape_cast %broadcast_in_dim3A_1 : vector<16xf32> to vector<1x16xf32>
          tpu.vector_store %arg6[%swap3A_2041, %swap3A_2042], %swap3A_2045 {strides = array<i32>} : memref<32x512xf32, #tpu.memory_space<vmem>>, vector<1x16xf32>,
          %swap3A_2046 = arith.index_cast %while3A_1901 : i32 to index
          %swap3A_2047 = arith.constant 464 : index
          %swap3A_2048 = tpu.vector_load %arg6[%swap3A_2046, %swap3A_2047] {strides = array<i32>} : memref<32x512xf32, #tpu.memory_space<vmem>>, vector<1x16xf32>,
          %swap3A_2049 = vector.shape_cast %swap3A_2048 : vector<1x16xf32> to vector<16xf32>
          %swap3A_2050 = vector.shape_cast %broadcast_in_dim3A_1 : vector<16xf32> to vector<1x16xf32>
          tpu.vector_store %arg6[%swap3A_2046, %swap3A_2047], %swap3A_2050 {strides = array<i32>} : memref<32x512xf32, #tpu.memory_space<vmem>>, vector<1x16xf32>,
          %swap3A_2051 = arith.index_cast %while3A_1901 : i32 to index
          %swap3A_2052 = arith.constant 480 : index
          %swap3A_2053 = tpu.vector_load %arg6[%swap3A_2051, %swap3A_2052] {strides = array<i32>} : memref<32x512xf32, #tpu.memory_space<vmem>>, vector<1x16xf32>,
          %swap3A_2054 = vector.shape_cast %swap3A_2053 : vector<1x16xf32> to vector<16xf32>
          %swap3A_2055 = vector.shape_cast %broadcast_in_dim3A_1 : vector<16xf32> to vector<1x16xf32>
          tpu.vector_store %arg6[%swap3A_2051, %swap3A_2052], %swap3A_2055 {strides = array<i32>} : memref<32x512xf32, #tpu.memory_space<vmem>>, vector<1x16xf32>,
          %swap3A_2056 = arith.index_cast %while3A_1901 : i32 to index
          %swap3A_2057 = arith.constant 496 : index
          %swap3A_2058 = tpu.vector_load %arg6[%swap3A_2056, %swap3A_2057] {strides = array<i32>} : memref<32x512xf32, #tpu.memory_space<vmem>>, vector<1x16xf32>,
          %swap3A_2059 = vector.shape_cast %swap3A_2058 : vector<1x16xf32> to vector<16xf32>
          %swap3A_2060 = vector.shape_cast %broadcast_in_dim3A_1 : vector<16xf32> to vector<1x16xf32>
          tpu.vector_store %arg6[%swap3A_2056, %swap3A_2057], %swap3A_2060 {strides = array<i32>} : memref<32x512xf32, #tpu.memory_space<vmem>>, vector<1x16xf32>,
        }
        %mul3A_1841 = arith.constant 32 : i32
        %mul3A_1842 = arith.muli %add3A_241, %mul3A_1841 : i32
        %add3A_1843 = arith.addi %add3A, %mul3A_1842 : i32
        %jit3A_1844 = arith.constant 128 : i32
        %div3A_1845 = arith.divsi %add3A_1843, %jit3A_1844 : i32
        %sign3A_1846 = arith.constant 0 : i32
        %sign3A_1847 = arith.cmpi sgt, %add3A_1843, %sign3A_1846 : i32
        %sign3A_1848 = arith.extui %sign3A_1847 : i1 to i32
        %sign3A_1849 = arith.constant 0 : i32
        %sign3A_1850 = arith.cmpi slt, %add3A_1843, %sign3A_1849 : i32
        %sign3A_1851 = arith.extui %sign3A_1850 : i1 to i32
        %sign3A_1852 = arith.subi %sign3A_1848, %sign3A_1851 : i32
        %sign3A_1853 = arith.constant 0 : i32
        %sign3A_1854 = arith.cmpi sgt, %jit3A_1844, %sign3A_1853 : i32
        %sign3A_1855 = arith.extui %sign3A_1854 : i1 to i32
        %sign3A_1856 = arith.constant 0 : i32
        %sign3A_1857 = arith.cmpi slt, %jit3A_1844, %sign3A_1856 : i32
        %sign3A_1858 = arith.extui %sign3A_1857 : i1 to i32
        %sign3A_1859 = arith.subi %sign3A_1855, %sign3A_1858 : i32
        %ne3A_1860 = arith.cmpi ne, %sign3A_1852, %sign3A_1859 : i32
        %rem3A_1861 = arith.remsi %add3A_1843, %jit3A_1844 : i32
        %ne3A_1862 = arith.constant 0 : i32
        %ne3A_1863 = arith.cmpi ne, %rem3A_1861, %ne3A_1862 : i32
        %and3A_1864 = arith.andi %ne3A_1860, %ne3A_1863 : i1
        %sub3A_1865 = arith.constant 1 : i32
        %sub3A_1866 = arith.subi %div3A_1845, %sub3A_1865 : i32
        %select_n3A_1867 = arith.select %and3A_1864, %sub3A_1866, %div3A_1845 : i32
        %jit3A_1868 = arith.constant 0 : i32
        %jit3A_1869 = arith.constant 15 : i32
        %max3A_1870 = arith.maxsi %jit3A_1868, %select_n3A_1867 : i32
        %min3A_1871 = arith.minsi %jit3A_1869, %max3A_1870 : i32
        %jit3A_1872 = arith.constant 128 : i32
        %eq3A_1873 = arith.constant 0 : i32
        %eq3A_1874 = arith.cmpi eq, %jit3A_1872, %eq3A_1873 : i32
        %jit3A_1875 = arith.constant 1 : i32
        %select_n3A_1876 = arith.select %eq3A_1874, %jit3A_1875, %jit3A_1872 : i32
        %rem3A_1877 = arith.remsi %add3A_1843, %select_n3A_1876 : i32
        %ne3A_1878 = arith.constant 0 : i32
        %ne3A_1879 = arith.cmpi ne, %rem3A_1877, %ne3A_1878 : i32
        %lt3A_1880 = arith.constant 0 : i32
        %lt3A_1881 = arith.cmpi slt, %rem3A_1877, %lt3A_1880 : i32
        %lt3A_1882 = arith.constant 0 : i32
        %lt3A_1883 = arith.cmpi slt, %select_n3A_1876, %lt3A_1882 : i32
        %ne3A_1884 = arith.xori %lt3A_1881, %lt3A_1883 : i1
        %and3A_1885 = arith.andi %ne3A_1884, %ne3A_1879 : i1
        %add3A_1886 = arith.addi %rem3A_1877, %select_n3A_1876 : i32
        %select_n3A_1887 = arith.select %and3A_1885, %add3A_1886, %rem3A_1877 : i32
        %mul3A_1888 = arith.constant 32 : i32
        %mul3A_1889 = arith.muli %select_n3A_1887, %mul3A_1888 : i32
        %get3A_1890 = arith.index_cast %min3A_1871 : i32 to index
        %get3A_1891 = tpu.vector_load %arg5[%get3A_1890] {strides = array<i32>} : memref<32xi32, #tpu.memory_space<vmem>>, vector<16xi32>,
        %get3A_1892 = vector.shape_cast %get3A_1891 : vector<16xi32> to vector<16xi32>
        %slice3A_1893 = vector.extract_strided_slice %get3A_1892 {offsets = [0], sizes = [1], strides = [1]} : vector<16xi32> to vector<1xi32>
        %squeeze3A_1894 = vector.extract %slice3A_1893[0] : i32 from vector<1xi32>
        %sub3A_1895 = arith.subi %squeeze3A_1894, %mul3A_1889 : i32
        %dma_start3A = arith.constant 0 : i32
        %dma_start3A_1896 = tpu.memref_slice %arg4[%min3A_1871, %mul3A_1889, %dma_start3A] : memref<16x4096x512xf32, #tpu.memory_space<hbm>> -> memref<1x32x512xf32, #tpu.memory_space<hbm>>
        %dma_start3A_1897 = tpu.memref_squeeze %dma_start3A_1896 : memref<1x32x512xf32, #tpu.memory_space<hbm>> -> memref<32x512xf32, #tpu.memory_space<hbm>>
        %dma_start3A_1898 = arith.constant 0 : i32
        %dma_start3A_1899 = tpu.memref_slice %arg4[%min3A_1871, %mul3A_1889, %dma_start3A_1898] : memref<16x4096x512xf32, #tpu.memory_space<hbm>> -> memref<1x32x512xf32, #tpu.memory_space<hbm>>
        %dma_start3A_1900 = tpu.memref_squeeze %dma_start3A_1899 : memref<1x32x512xf32, #tpu.memory_space<hbm>> -> memref<32x512xf32, #tpu.memory_space<hbm>>
        tpu.enqueue_dma source(%arg6 : memref<32x512xf32, #tpu.memory_space<vmem>>) target(%dma_start3A_1900 : memref<32x512xf32, #tpu.memory_space<hbm>>) target_semaphore(%arg15 : memref<!tpu.dma_semaphore, #tpu.memory_space<semaphore_mem>>)
      } else {
      }
      %mul3A_496 = arith.constant 32 : i32
      %mul3A_497 = arith.muli %add3A_241, %mul3A_496 : i32
      %add3A_498 = arith.addi %add3A, %mul3A_497 : i32
      %jit3A_499 = arith.constant 128 : i32
      %div3A_500 = arith.divsi %add3A_498, %jit3A_499 : i32
      %sign3A_501 = arith.constant 0 : i32
      %sign3A_502 = arith.cmpi sgt, %add3A_498, %sign3A_501 : i32
      %sign3A_503 = arith.extui %sign3A_502 : i1 to i32
      %sign3A_504 = arith.constant 0 : i32
      %sign3A_505 = arith.cmpi slt, %add3A_498, %sign3A_504 : i32
      %sign3A_506 = arith.extui %sign3A_505 : i1 to i32
      %sign3A_507 = arith.subi %sign3A_503, %sign3A_506 : i32
      %sign3A_508 = arith.constant 0 : i32
      %sign3A_509 = arith.cmpi sgt, %jit3A_499, %sign3A_508 : i32
      %sign3A_510 = arith.extui %sign3A_509 : i1 to i32
      %sign3A_511 = arith.constant 0 : i32
      %sign3A_512 = arith.cmpi slt, %jit3A_499, %sign3A_511 : i32
      %sign3A_513 = arith.extui %sign3A_512 : i1 to i32
      %sign3A_514 = arith.subi %sign3A_510, %sign3A_513 : i32
      %ne3A_515 = arith.cmpi ne, %sign3A_507, %sign3A_514 : i32
      %rem3A_516 = arith.remsi %add3A_498, %jit3A_499 : i32
      %ne3A_517 = arith.constant 0 : i32
      %ne3A_518 = arith.cmpi ne, %rem3A_516, %ne3A_517 : i32
      %and3A_519 = arith.andi %ne3A_515, %ne3A_518 : i1
      %sub3A_520 = arith.constant 1 : i32
      %sub3A_521 = arith.subi %div3A_500, %sub3A_520 : i32
      %select_n3A_522 = arith.select %and3A_519, %sub3A_521, %div3A_500 : i32
      %jit3A_523 = arith.constant 0 : i32
      %jit3A_524 = arith.constant 15 : i32
      %max3A_525 = arith.maxsi %jit3A_523, %select_n3A_522 : i32
      %min3A_526 = arith.minsi %jit3A_524, %max3A_525 : i32
      %jit3A_527 = arith.constant 128 : i32
      %eq3A_528 = arith.constant 0 : i32
      %eq3A_529 = arith.cmpi eq, %jit3A_527, %eq3A_528 : i32
      %jit3A_530 = arith.constant 1 : i32
      %select_n3A_531 = arith.select %eq3A_529, %jit3A_530, %jit3A_527 : i32
      %rem3A_532 = arith.remsi %add3A_498, %select_n3A_531 : i32
      %ne3A_533 = arith.constant 0 : i32
      %ne3A_534 = arith.cmpi ne, %rem3A_532, %ne3A_533 : i32
      %lt3A_535 = arith.constant 0 : i32
      %lt3A_536 = arith.cmpi slt, %rem3A_532, %lt3A_535 : i32
      %lt3A_537 = arith.constant 0 : i32
      %lt3A_538 = arith.cmpi slt, %select_n3A_531, %lt3A_537 : i32
      %ne3A_539 = arith.xori %lt3A_536, %lt3A_538 : i1
      %and3A_540 = arith.andi %ne3A_539, %ne3A_534 : i1
      %add3A_541 = arith.addi %rem3A_532, %select_n3A_531 : i32
      %select_n3A_542 = arith.select %and3A_540, %add3A_541, %rem3A_532 : i32
      %mul3A_543 = arith.constant 32 : i32
      %mul3A_544 = arith.muli %select_n3A_542, %mul3A_543 : i32
      %get3A_545 = arith.index_cast %min3A_526 : i32 to index
      %get3A_546 = tpu.vector_load %arg5[%get3A_545] {strides = array<i32>} : memref<32xi32, #tpu.memory_space<vmem>>, vector<16xi32>,
      %get3A_547 = vector.shape_cast %get3A_546 : vector<16xi32> to vector<16xi32>
      %slice3A_548 = vector.extract_strided_slice %get3A_547 {offsets = [0], sizes = [1], strides = [1]} : vector<16xi32> to vector<1xi32>
      %squeeze3A_549 = vector.extract %slice3A_548[0] : i32 from vector<1xi32>
      %sub3A_550 = arith.subi %squeeze3A_549, %mul3A_544 : i32
      %le3A = arith.constant 0 : i32
      %le3A_551 = arith.cmpi sle, %sub3A_550, %le3A : i32
      %convert_element_type3A_552 = arith.extui %le3A_551 : i1 to i32
      %cond3A_553 = arith.constant 0 : i32
      %cond3A_554 = arith.cmpi ne, %convert_element_type3A_552, %cond3A_553 : i32
      scf.if %cond3A_554 {
        %mul3A_1772 = arith.constant 32 : i32
        %mul3A_1773 = arith.muli %add3A_241, %mul3A_1772 : i32
        %add3A_1774 = arith.addi %add3A, %mul3A_1773 : i32
        %jit3A_1775 = arith.constant 128 : i32
        %div3A_1776 = arith.divsi %add3A_1774, %jit3A_1775 : i32
        %sign3A_1777 = arith.constant 0 : i32
        %sign3A_1778 = arith.cmpi sgt, %add3A_1774, %sign3A_1777 : i32
        %sign3A_1779 = arith.extui %sign3A_1778 : i1 to i32
        %sign3A_1780 = arith.constant 0 : i32
        %sign3A_1781 = arith.cmpi slt, %add3A_1774, %sign3A_1780 : i32
        %sign3A_1782 = arith.extui %sign3A_1781 : i1 to i32
        %sign3A_1783 = arith.subi %sign3A_1779, %sign3A_1782 : i32
        %sign3A_1784 = arith.constant 0 : i32
        %sign3A_1785 = arith.cmpi sgt, %jit3A_1775, %sign3A_1784 : i32
        %sign3A_1786 = arith.extui %sign3A_1785 : i1 to i32
        %sign3A_1787 = arith.constant 0 : i32
        %sign3A_1788 = arith.cmpi slt, %jit3A_1775, %sign3A_1787 : i32
        %sign3A_1789 = arith.extui %sign3A_1788 : i1 to i32
        %sign3A_1790 = arith.subi %sign3A_1786, %sign3A_1789 : i32
        %ne3A_1791 = arith.cmpi ne, %sign3A_1783, %sign3A_1790 : i32
        %rem3A_1792 = arith.remsi %add3A_1774, %jit3A_1775 : i32
        %ne3A_1793 = arith.constant 0 : i32
        %ne3A_1794 = arith.cmpi ne, %rem3A_1792, %ne3A_1793 : i32
        %and3A_1795 = arith.andi %ne3A_1791, %ne3A_1794 : i1
        %sub3A_1796 = arith.constant 1 : i32
        %sub3A_1797 = arith.subi %div3A_1776, %sub3A_1796 : i32
        %select_n3A_1798 = arith.select %and3A_1795, %sub3A_1797, %div3A_1776 : i32
        %jit3A_1799 = arith.constant 0 : i32
        %jit3A_1800 = arith.constant 15 : i32
        %max3A_1801 = arith.maxsi %jit3A_1799, %select_n3A_1798 : i32
        %min3A_1802 = arith.minsi %jit3A_1800, %max3A_1801 : i32
        %jit3A_1803 = arith.constant 128 : i32
        %eq3A_1804 = arith.constant 0 : i32
        %eq3A_1805 = arith.cmpi eq, %jit3A_1803, %eq3A_1804 : i32
        %jit3A_1806 = arith.constant 1 : i32
        %select_n3A_1807 = arith.select %eq3A_1805, %jit3A_1806, %jit3A_1803 : i32
        %rem3A_1808 = arith.remsi %add3A_1774, %select_n3A_1807 : i32
        %ne3A_1809 = arith.constant 0 : i32
        %ne3A_1810 = arith.cmpi ne, %rem3A_1808, %ne3A_1809 : i32
        %lt3A_1811 = arith.constant 0 : i32
        %lt3A_1812 = arith.cmpi slt, %rem3A_1808, %lt3A_1811 : i32
        %lt3A_1813 = arith.constant 0 : i32
        %lt3A_1814 = arith.cmpi slt, %select_n3A_1807, %lt3A_1813 : i32
        %ne3A_1815 = arith.xori %lt3A_1812, %lt3A_1814 : i1
        %and3A_1816 = arith.andi %ne3A_1815, %ne3A_1810 : i1
        %add3A_1817 = arith.addi %rem3A_1808, %select_n3A_1807 : i32
        %select_n3A_1818 = arith.select %and3A_1816, %add3A_1817, %rem3A_1808 : i32
        %mul3A_1819 = arith.constant 32 : i32
        %mul3A_1820 = arith.muli %select_n3A_1818, %mul3A_1819 : i32
        %get3A_1821 = arith.index_cast %min3A_1802 : i32 to index
        %get3A_1822 = tpu.vector_load %arg5[%get3A_1821] {strides = array<i32>} : memref<32xi32, #tpu.memory_space<vmem>>, vector<16xi32>,
        %get3A_1823 = vector.shape_cast %get3A_1822 : vector<16xi32> to vector<16xi32>
        %slice3A_1824 = vector.extract_strided_slice %get3A_1823 {offsets = [0], sizes = [1], strides = [1]} : vector<16xi32> to vector<1xi32>
        %squeeze3A_1825 = vector.extract %slice3A_1824[0] : i32 from vector<1xi32>
        %sub3A_1826 = arith.subi %squeeze3A_1825, %mul3A_1820 : i32
        %dma_start3A = arith.constant 0 : i32
        %dma_start3A_1827 = tpu.memref_slice %arg4[%min3A_1802, %mul3A_1820, %dma_start3A] : memref<16x4096x512xf32, #tpu.memory_space<hbm>> -> memref<1x32x512xf32, #tpu.memory_space<hbm>>
        %dma_start3A_1828 = tpu.memref_squeeze %dma_start3A_1827 : memref<1x32x512xf32, #tpu.memory_space<hbm>> -> memref<32x512xf32, #tpu.memory_space<hbm>>
        %dma_start3A_1829 = arith.constant 0 : i32
        %dma_start3A_1830 = tpu.memref_slice %arg4[%min3A_1802, %mul3A_1820, %dma_start3A_1829] : memref<16x4096x512xf32, #tpu.memory_space<hbm>> -> memref<1x32x512xf32, #tpu.memory_space<hbm>>
        %dma_start3A_1831 = tpu.memref_squeeze %dma_start3A_1830 : memref<1x32x512xf32, #tpu.memory_space<hbm>> -> memref<32x512xf32, #tpu.memory_space<hbm>>
        tpu.enqueue_dma source(%arg10 : memref<32x512xf32, #tpu.memory_space<vmem>>) target(%dma_start3A_1831 : memref<32x512xf32, #tpu.memory_space<hbm>>) target_semaphore(%arg19 : memref<!tpu.dma_semaphore, #tpu.memory_space<semaphore_mem>>)
      } else {
      }
      %ge3A_555 = arith.constant 32 : i32
      %ge3A_556 = arith.cmpi sge, %add3A_241, %ge3A_555 : i32
      %sub3A_557 = arith.constant 32 : i32
      %sub3A_558 = arith.subi %add3A_241, %sub3A_557 : i32
      %mul3A_559 = arith.constant 32 : i32
      %mul3A_560 = arith.muli %sub3A_558, %mul3A_559 : i32
      %add3A_561 = arith.addi %add3A, %mul3A_560 : i32
      %jit3A_562 = arith.constant 128 : i32
      %div3A_563 = arith.divsi %add3A_561, %jit3A_562 : i32
      %sign3A_564 = arith.constant 0 : i32
      %sign3A_565 = arith.cmpi sgt, %add3A_561, %sign3A_564 : i32
      %sign3A_566 = arith.extui %sign3A_565 : i1 to i32
      %sign3A_567 = arith.constant 0 : i32
      %sign3A_568 = arith.cmpi slt, %add3A_561, %sign3A_567 : i32
      %sign3A_569 = arith.extui %sign3A_568 : i1 to i32
      %sign3A_570 = arith.subi %sign3A_566, %sign3A_569 : i32
      %sign3A_571 = arith.constant 0 : i32
      %sign3A_572 = arith.cmpi sgt, %jit3A_562, %sign3A_571 : i32
      %sign3A_573 = arith.extui %sign3A_572 : i1 to i32
      %sign3A_574 = arith.constant 0 : i32
      %sign3A_575 = arith.cmpi slt, %jit3A_562, %sign3A_574 : i32
      %sign3A_576 = arith.extui %sign3A_575 : i1 to i32
      %sign3A_577 = arith.subi %sign3A_573, %sign3A_576 : i32
      %ne3A_578 = arith.cmpi ne, %sign3A_570, %sign3A_577 : i32
      %rem3A_579 = arith.remsi %add3A_561, %jit3A_562 : i32
      %ne3A_580 = arith.constant 0 : i32
      %ne3A_581 = arith.cmpi ne, %rem3A_579, %ne3A_580 : i32
      %and3A_582 = arith.andi %ne3A_578, %ne3A_581 : i1
      %sub3A_583 = arith.constant 1 : i32
      %sub3A_584 = arith.subi %div3A_563, %sub3A_583 : i32
      %select_n3A_585 = arith.select %and3A_582, %sub3A_584, %div3A_563 : i32
      %jit3A_586 = arith.constant 0 : i32
      %jit3A_587 = arith.constant 15 : i32
      %max3A_588 = arith.maxsi %jit3A_586, %select_n3A_585 : i32
      %min3A_589 = arith.minsi %jit3A_587, %max3A_588 : i32
      %jit3A_590 = arith.constant 128 : i32
      %eq3A_591 = arith.constant 0 : i32
      %eq3A_592 = arith.cmpi eq, %jit3A_590, %eq3A_591 : i32
      %jit3A_593 = arith.constant 1 : i32
      %select_n3A_594 = arith.select %eq3A_592, %jit3A_593, %jit3A_590 : i32
      %rem3A_595 = arith.remsi %add3A_561, %select_n3A_594 : i32
      %ne3A_596 = arith.constant 0 : i32
      %ne3A_597 = arith.cmpi ne, %rem3A_595, %ne3A_596 : i32
      %lt3A_598 = arith.constant 0 : i32
      %lt3A_599 = arith.cmpi slt, %rem3A_595, %lt3A_598 : i32
      %lt3A_600 = arith.constant 0 : i32
      %lt3A_601 = arith.cmpi slt, %select_n3A_594, %lt3A_600 : i32
      %ne3A_602 = arith.xori %lt3A_599, %lt3A_601 : i1
      %and3A_603 = arith.andi %ne3A_602, %ne3A_597 : i1
      %add3A_604 = arith.addi %rem3A_595, %select_n3A_594 : i32
      %select_n3A_605 = arith.select %and3A_603, %add3A_604, %rem3A_595 : i32
      %mul3A_606 = arith.constant 32 : i32
      %mul3A_607 = arith.muli %select_n3A_605, %mul3A_606 : i32
      %get3A_608 = arith.index_cast %min3A_589 : i32 to index
      %get3A_609 = tpu.vector_load %arg5[%get3A_608] {strides = array<i32>} : memref<32xi32, #tpu.memory_space<vmem>>, vector<16xi32>,
      %get3A_610 = vector.shape_cast %get3A_609 : vector<16xi32> to vector<16xi32>
      %slice3A_611 = vector.extract_strided_slice %get3A_610 {offsets = [0], sizes = [1], strides = [1]} : vector<16xi32> to vector<1xi32>
      %squeeze3A_612 = vector.extract %slice3A_611[0] : i32 from vector<1xi32>
      %sub3A_613 = arith.subi %squeeze3A_612, %mul3A_607 : i32
      %le3A_614 = arith.constant 0 : i32
      %le3A_615 = arith.cmpi sle, %sub3A_613, %le3A_614 : i32
      %and3A_616 = arith.andi %ge3A_556, %le3A_615 : i1
      %convert_element_type3A_617 = arith.extui %and3A_616 : i1 to i32
      %cond3A_618 = arith.constant 0 : i32
      %cond3A_619 = arith.cmpi ne, %convert_element_type3A_617, %cond3A_618 : i32
      scf.if %cond3A_619 {
        %sub3A_1772 = arith.constant 32 : i32
        %sub3A_1773 = arith.subi %add3A_241, %sub3A_1772 : i32
        %mul3A_1774 = arith.constant 32 : i32
        %mul3A_1775 = arith.muli %sub3A_1773, %mul3A_1774 : i32
        %add3A_1776 = arith.addi %add3A, %mul3A_1775 : i32
        %jit3A_1777 = arith.constant 128 : i32
        %div3A_1778 = arith.divsi %add3A_1776, %jit3A_1777 : i32
        %sign3A_1779 = arith.constant 0 : i32
        %sign3A_1780 = arith.cmpi sgt, %add3A_1776, %sign3A_1779 : i32
        %sign3A_1781 = arith.extui %sign3A_1780 : i1 to i32
        %sign3A_1782 = arith.constant 0 : i32
        %sign3A_1783 = arith.cmpi slt, %add3A_1776, %sign3A_1782 : i32
        %sign3A_1784 = arith.extui %sign3A_1783 : i1 to i32
        %sign3A_1785 = arith.subi %sign3A_1781, %sign3A_1784 : i32
        %sign3A_1786 = arith.constant 0 : i32
        %sign3A_1787 = arith.cmpi sgt, %jit3A_1777, %sign3A_1786 : i32
        %sign3A_1788 = arith.extui %sign3A_1787 : i1 to i32
        %sign3A_1789 = arith.constant 0 : i32
        %sign3A_1790 = arith.cmpi slt, %jit3A_1777, %sign3A_1789 : i32
        %sign3A_1791 = arith.extui %sign3A_1790 : i1 to i32
        %sign3A_1792 = arith.subi %sign3A_1788, %sign3A_1791 : i32
        %ne3A_1793 = arith.cmpi ne, %sign3A_1785, %sign3A_1792 : i32
        %rem3A_1794 = arith.remsi %add3A_1776, %jit3A_1777 : i32
        %ne3A_1795 = arith.constant 0 : i32
        %ne3A_1796 = arith.cmpi ne, %rem3A_1794, %ne3A_1795 : i32
        %and3A_1797 = arith.andi %ne3A_1793, %ne3A_1796 : i1
        %sub3A_1798 = arith.constant 1 : i32
        %sub3A_1799 = arith.subi %div3A_1778, %sub3A_1798 : i32
        %select_n3A_1800 = arith.select %and3A_1797, %sub3A_1799, %div3A_1778 : i32
        %jit3A_1801 = arith.constant 0 : i32
        %jit3A_1802 = arith.constant 15 : i32
        %max3A_1803 = arith.maxsi %jit3A_1801, %select_n3A_1800 : i32
        %min3A_1804 = arith.minsi %jit3A_1802, %max3A_1803 : i32
        %jit3A_1805 = arith.constant 128 : i32
        %eq3A_1806 = arith.constant 0 : i32
        %eq3A_1807 = arith.cmpi eq, %jit3A_1805, %eq3A_1806 : i32
        %jit3A_1808 = arith.constant 1 : i32
        %select_n3A_1809 = arith.select %eq3A_1807, %jit3A_1808, %jit3A_1805 : i32
        %rem3A_1810 = arith.remsi %add3A_1776, %select_n3A_1809 : i32
        %ne3A_1811 = arith.constant 0 : i32
        %ne3A_1812 = arith.cmpi ne, %rem3A_1810, %ne3A_1811 : i32
        %lt3A_1813 = arith.constant 0 : i32
        %lt3A_1814 = arith.cmpi slt, %rem3A_1810, %lt3A_1813 : i32
        %lt3A_1815 = arith.constant 0 : i32
        %lt3A_1816 = arith.cmpi slt, %select_n3A_1809, %lt3A_1815 : i32
        %ne3A_1817 = arith.xori %lt3A_1814, %lt3A_1816 : i1
        %and3A_1818 = arith.andi %ne3A_1817, %ne3A_1812 : i1
        %add3A_1819 = arith.addi %rem3A_1810, %select_n3A_1809 : i32
        %select_n3A_1820 = arith.select %and3A_1818, %add3A_1819, %rem3A_1810 : i32
        %mul3A_1821 = arith.constant 32 : i32
        %mul3A_1822 = arith.muli %select_n3A_1820, %mul3A_1821 : i32
        %get3A_1823 = arith.index_cast %min3A_1804 : i32 to index
        %get3A_1824 = tpu.vector_load %arg5[%get3A_1823] {strides = array<i32>} : memref<32xi32, #tpu.memory_space<vmem>>, vector<16xi32>,
        %get3A_1825 = vector.shape_cast %get3A_1824 : vector<16xi32> to vector<16xi32>
        %slice3A_1826 = vector.extract_strided_slice %get3A_1825 {offsets = [0], sizes = [1], strides = [1]} : vector<16xi32> to vector<1xi32>
        %squeeze3A_1827 = vector.extract %slice3A_1826[0] : i32 from vector<1xi32>
        %sub3A_1828 = arith.subi %squeeze3A_1827, %mul3A_1822 : i32
        %dma_wait3A = arith.constant 0 : i32
        %dma_wait3A_1829 = tpu.memref_slice %arg4[%min3A_1804, %mul3A_1822, %dma_wait3A] : memref<16x4096x512xf32, #tpu.memory_space<hbm>> -> memref<1x32x512xf32, #tpu.memory_space<hbm>>
        %dma_wait3A_1830 = tpu.memref_squeeze %dma_wait3A_1829 : memref<1x32x512xf32, #tpu.memory_space<hbm>> -> memref<32x512xf32, #tpu.memory_space<hbm>>
        %dma_wait3A_1831 = arith.constant 0 : i32
        %dma_wait3A_1832 = tpu.memref_slice %arg4[%min3A_1804, %mul3A_1822, %dma_wait3A_1831] : memref<16x4096x512xf32, #tpu.memory_space<hbm>> -> memref<1x32x512xf32, #tpu.memory_space<hbm>>
        %dma_wait3A_1833 = tpu.memref_squeeze %dma_wait3A_1832 : memref<1x32x512xf32, #tpu.memory_space<hbm>> -> memref<32x512xf32, #tpu.memory_space<hbm>>
        tpu.wait_dma2 semaphore(%arg19 : memref<!tpu.dma_semaphore, #tpu.memory_space<semaphore_mem>>) src(%arg10 : memref<32x512xf32, #tpu.memory_space<vmem>>) dst(%dma_wait3A_1833 : memref<32x512xf32, #tpu.memory_space<hbm>>)
      } else {
      }
      %mul3A_620 = arith.constant 4 : i32
      %mul3A_621 = arith.muli %scan3A_237, %mul3A_620 : i32
      %add3A_622 = arith.constant 1 : i32
      %add3A_623 = arith.addi %mul3A_621, %add3A_622 : i32
      %ge3A_624 = arith.constant 2 : i32
      %ge3A_625 = arith.cmpi sge, %add3A_623, %ge3A_624 : i32
      %sub3A_626 = arith.constant 2 : i32
      %sub3A_627 = arith.subi %add3A_623, %sub3A_626 : i32
      %mul3A_628 = arith.constant 32 : i32
      %mul3A_629 = arith.muli %sub3A_627, %mul3A_628 : i32
      %add3A_630 = arith.addi %add3A, %mul3A_629 : i32
      %jit3A_631 = arith.constant 128 : i32
      %div3A_632 = arith.divsi %add3A_630, %jit3A_631 : i32
      %sign3A_633 = arith.constant 0 : i32
      %sign3A_634 = arith.cmpi sgt, %add3A_630, %sign3A_633 : i32
      %sign3A_635 = arith.extui %sign3A_634 : i1 to i32
      %sign3A_636 = arith.constant 0 : i32
      %sign3A_637 = arith.cmpi slt, %add3A_630, %sign3A_636 : i32
      %sign3A_638 = arith.extui %sign3A_637 : i1 to i32
      %sign3A_639 = arith.subi %sign3A_635, %sign3A_638 : i32
      %sign3A_640 = arith.constant 0 : i32
      %sign3A_641 = arith.cmpi sgt, %jit3A_631, %sign3A_640 : i32
      %sign3A_642 = arith.extui %sign3A_641 : i1 to i32
      %sign3A_643 = arith.constant 0 : i32
      %sign3A_644 = arith.cmpi slt, %jit3A_631, %sign3A_643 : i32
      %sign3A_645 = arith.extui %sign3A_644 : i1 to i32
      %sign3A_646 = arith.subi %sign3A_642, %sign3A_645 : i32
      %ne3A_647 = arith.cmpi ne, %sign3A_639, %sign3A_646 : i32
      %rem3A_648 = arith.remsi %add3A_630, %jit3A_631 : i32
      %ne3A_649 = arith.constant 0 : i32
      %ne3A_650 = arith.cmpi ne, %rem3A_648, %ne3A_649 : i32
      %and3A_651 = arith.andi %ne3A_647, %ne3A_650 : i1
      %sub3A_652 = arith.constant 1 : i32
      %sub3A_653 = arith.subi %div3A_632, %sub3A_652 : i32
      %select_n3A_654 = arith.select %and3A_651, %sub3A_653, %div3A_632 : i32
      %jit3A_655 = arith.constant 0 : i32
      %jit3A_656 = arith.constant 15 : i32
      %max3A_657 = arith.maxsi %jit3A_655, %select_n3A_654 : i32
      %min3A_658 = arith.minsi %jit3A_656, %max3A_657 : i32
      %jit3A_659 = arith.constant 128 : i32
      %eq3A_660 = arith.constant 0 : i32
      %eq3A_661 = arith.cmpi eq, %jit3A_659, %eq3A_660 : i32
      %jit3A_662 = arith.constant 1 : i32
      %select_n3A_663 = arith.select %eq3A_661, %jit3A_662, %jit3A_659 : i32
      %rem3A_664 = arith.remsi %add3A_630, %select_n3A_663 : i32
      %ne3A_665 = arith.constant 0 : i32
      %ne3A_666 = arith.cmpi ne, %rem3A_664, %ne3A_665 : i32
      %lt3A_667 = arith.constant 0 : i32
      %lt3A_668 = arith.cmpi slt, %rem3A_664, %lt3A_667 : i32
      %lt3A_669 = arith.constant 0 : i32
      %lt3A_670 = arith.cmpi slt, %select_n3A_663, %lt3A_669 : i32
      %ne3A_671 = arith.xori %lt3A_668, %lt3A_670 : i1
      %and3A_672 = arith.andi %ne3A_671, %ne3A_666 : i1
      %add3A_673 = arith.addi %rem3A_664, %select_n3A_663 : i32
      %select_n3A_674 = arith.select %and3A_672, %add3A_673, %rem3A_664 : i32
      %mul3A_675 = arith.constant 32 : i32
      %mul3A_676 = arith.muli %select_n3A_674, %mul3A_675 : i32
      %get3A_677 = arith.index_cast %min3A_658 : i32 to index
      %get3A_678 = tpu.vector_load %arg5[%get3A_677] {strides = array<i32>} : memref<32xi32, #tpu.memory_space<vmem>>, vector<16xi32>,
      %get3A_679 = vector.shape_cast %get3A_678 : vector<16xi32> to vector<16xi32>
      %slice3A_680 = vector.extract_strided_slice %get3A_679 {offsets = [0], sizes = [1], strides = [1]} : vector<16xi32> to vector<1xi32>
      %squeeze3A_681 = vector.extract %slice3A_680[0] : i32 from vector<1xi32>
      %sub3A_682 = arith.subi %squeeze3A_681, %mul3A_676 : i32
      %gt3A_683 = arith.constant 0 : i32
      %gt3A_684 = arith.cmpi sgt, %sub3A_682, %gt3A_683 : i32
      %and3A_685 = arith.andi %ge3A_625, %gt3A_684 : i1
      %convert_element_type3A_686 = arith.extui %and3A_685 : i1 to i32
      %cond3A_687 = arith.constant 0 : i32
      %cond3A_688 = arith.cmpi ne, %convert_element_type3A_686, %cond3A_687 : i32
      scf.if %cond3A_688 {
        %sub3A_1772 = arith.constant 2 : i32
        %sub3A_1773 = arith.subi %add3A_623, %sub3A_1772 : i32
        %mul3A_1774 = arith.constant 32 : i32
        %mul3A_1775 = arith.muli %sub3A_1773, %mul3A_1774 : i32
        %add3A_1776 = arith.addi %add3A, %mul3A_1775 : i32
        %jit3A_1777 = arith.constant 128 : i32
        %div3A_1778 = arith.divsi %add3A_1776, %jit3A_1777 : i32
        %sign3A_1779 = arith.constant 0 : i32
        %sign3A_1780 = arith.cmpi sgt, %add3A_1776, %sign3A_1779 : i32
        %sign3A_1781 = arith.extui %sign3A_1780 : i1 to i32
        %sign3A_1782 = arith.constant 0 : i32
        %sign3A_1783 = arith.cmpi slt, %add3A_1776, %sign3A_1782 : i32
        %sign3A_1784 = arith.extui %sign3A_1783 : i1 to i32
        %sign3A_1785 = arith.subi %sign3A_1781, %sign3A_1784 : i32
        %sign3A_1786 = arith.constant 0 : i32
        %sign3A_1787 = arith.cmpi sgt, %jit3A_1777, %sign3A_1786 : i32
        %sign3A_1788 = arith.extui %sign3A_1787 : i1 to i32
        %sign3A_1789 = arith.constant 0 : i32
        %sign3A_1790 = arith.cmpi slt, %jit3A_1777, %sign3A_1789 : i32
        %sign3A_1791 = arith.extui %sign3A_1790 : i1 to i32
        %sign3A_1792 = arith.subi %sign3A_1788, %sign3A_1791 : i32
        %ne3A_1793 = arith.cmpi ne, %sign3A_1785, %sign3A_1792 : i32
        %rem3A_1794 = arith.remsi %add3A_1776, %jit3A_1777 : i32
        %ne3A_1795 = arith.constant 0 : i32
        %ne3A_1796 = arith.cmpi ne, %rem3A_1794, %ne3A_1795 : i32
        %and3A_1797 = arith.andi %ne3A_1793, %ne3A_1796 : i1
        %sub3A_1798 = arith.constant 1 : i32
        %sub3A_1799 = arith.subi %div3A_1778, %sub3A_1798 : i32
        %select_n3A_1800 = arith.select %and3A_1797, %sub3A_1799, %div3A_1778 : i32
        %jit3A_1801 = arith.constant 0 : i32
        %jit3A_1802 = arith.constant 15 : i32
        %max3A_1803 = arith.maxsi %jit3A_1801, %select_n3A_1800 : i32
        %min3A_1804 = arith.minsi %jit3A_1802, %max3A_1803 : i32
        %jit3A_1805 = arith.constant 128 : i32
        %eq3A_1806 = arith.constant 0 : i32
        %eq3A_1807 = arith.cmpi eq, %jit3A_1805, %eq3A_1806 : i32
        %jit3A_1808 = arith.constant 1 : i32
        %select_n3A_1809 = arith.select %eq3A_1807, %jit3A_1808, %jit3A_1805 : i32
        %rem3A_1810 = arith.remsi %add3A_1776, %select_n3A_1809 : i32
        %ne3A_1811 = arith.constant 0 : i32
        %ne3A_1812 = arith.cmpi ne, %rem3A_1810, %ne3A_1811 : i32
        %lt3A_1813 = arith.constant 0 : i32
        %lt3A_1814 = arith.cmpi slt, %rem3A_1810, %lt3A_1813 : i32
        %lt3A_1815 = arith.constant 0 : i32
        %lt3A_1816 = arith.cmpi slt, %select_n3A_1809, %lt3A_1815 : i32
        %ne3A_1817 = arith.xori %lt3A_1814, %lt3A_1816 : i1
        %and3A_1818 = arith.andi %ne3A_1817, %ne3A_1812 : i1
        %add3A_1819 = arith.addi %rem3A_1810, %select_n3A_1809 : i32
        %select_n3A_1820 = arith.select %and3A_1818, %add3A_1819, %rem3A_1810 : i32
        %mul3A_1821 = arith.constant 32 : i32
        %mul3A_1822 = arith.muli %select_n3A_1820, %mul3A_1821 : i32
        %get3A_1823 = arith.index_cast %min3A_1804 : i32 to index
        %get3A_1824 = tpu.vector_load %arg5[%get3A_1823] {strides = array<i32>} : memref<32xi32, #tpu.memory_space<vmem>>, vector<16xi32>,
        %get3A_1825 = vector.shape_cast %get3A_1824 : vector<16xi32> to vector<16xi32>
        %slice3A_1826 = vector.extract_strided_slice %get3A_1825 {offsets = [0], sizes = [1], strides = [1]} : vector<16xi32> to vector<1xi32>
        %squeeze3A_1827 = vector.extract %slice3A_1826[0] : i32 from vector<1xi32>
        %sub3A_1828 = arith.subi %squeeze3A_1827, %mul3A_1822 : i32
        %dma_wait3A = arith.constant 0 : i32
        %dma_wait3A_1829 = tpu.memref_slice %arg4[%min3A_1804, %mul3A_1822, %dma_wait3A] : memref<16x4096x512xf32, #tpu.memory_space<hbm>> -> memref<1x32x512xf32, #tpu.memory_space<hbm>>
        %dma_wait3A_1830 = tpu.memref_squeeze %dma_wait3A_1829 : memref<1x32x512xf32, #tpu.memory_space<hbm>> -> memref<32x512xf32, #tpu.memory_space<hbm>>
        %dma_wait3A_1831 = arith.constant 0 : i32
        %dma_wait3A_1832 = tpu.memref_slice %arg4[%min3A_1804, %mul3A_1822, %dma_wait3A_1831] : memref<16x4096x512xf32, #tpu.memory_space<hbm>> -> memref<1x32x512xf32, #tpu.memory_space<hbm>>
        %dma_wait3A_1833 = tpu.memref_squeeze %dma_wait3A_1832 : memref<1x32x512xf32, #tpu.memory_space<hbm>> -> memref<32x512xf32, #tpu.memory_space<hbm>>
        tpu.wait_dma2 semaphore(%arg18 : memref<!tpu.dma_semaphore, #tpu.memory_space<semaphore_mem>>) src(%arg9 : memref<32x512xf32, #tpu.memory_space<vmem>>) dst(%dma_wait3A_1833 : memref<32x512xf32, #tpu.memory_space<hbm>>)
      } else {
      }
      %add3A_689 = arith.constant 2 : i32
      %add3A_690 = arith.addi %add3A_623, %add3A_689 : i32
      %lt3A_691 = arith.constant 64 : i32
      %lt3A_692 = arith.cmpi slt, %add3A_690, %lt3A_691 : i32
      %add3A_693 = arith.constant 2 : i32
      %add3A_694 = arith.addi %add3A_623, %add3A_693 : i32
      %mul3A_695 = arith.constant 32 : i32
      %mul3A_696 = arith.muli %add3A_694, %mul3A_695 : i32
      %add3A_697 = arith.addi %add3A, %mul3A_696 : i32
      %jit3A_698 = arith.constant 128 : i32
      %div3A_699 = arith.divsi %add3A_697, %jit3A_698 : i32
      %sign3A_700 = arith.constant 0 : i32
      %sign3A_701 = arith.cmpi sgt, %add3A_697, %sign3A_700 : i32
      %sign3A_702 = arith.extui %sign3A_701 : i1 to i32
      %sign3A_703 = arith.constant 0 : i32
      %sign3A_704 = arith.cmpi slt, %add3A_697, %sign3A_703 : i32
      %sign3A_705 = arith.extui %sign3A_704 : i1 to i32
      %sign3A_706 = arith.subi %sign3A_702, %sign3A_705 : i32
      %sign3A_707 = arith.constant 0 : i32
      %sign3A_708 = arith.cmpi sgt, %jit3A_698, %sign3A_707 : i32
      %sign3A_709 = arith.extui %sign3A_708 : i1 to i32
      %sign3A_710 = arith.constant 0 : i32
      %sign3A_711 = arith.cmpi slt, %jit3A_698, %sign3A_710 : i32
      %sign3A_712 = arith.extui %sign3A_711 : i1 to i32
      %sign3A_713 = arith.subi %sign3A_709, %sign3A_712 : i32
      %ne3A_714 = arith.cmpi ne, %sign3A_706, %sign3A_713 : i32
      %rem3A_715 = arith.remsi %add3A_697, %jit3A_698 : i32
      %ne3A_716 = arith.constant 0 : i32
      %ne3A_717 = arith.cmpi ne, %rem3A_715, %ne3A_716 : i32
      %and3A_718 = arith.andi %ne3A_714, %ne3A_717 : i1
      %sub3A_719 = arith.constant 1 : i32
      %sub3A_720 = arith.subi %div3A_699, %sub3A_719 : i32
      %select_n3A_721 = arith.select %and3A_718, %sub3A_720, %div3A_699 : i32
      %jit3A_722 = arith.constant 0 : i32
      %jit3A_723 = arith.constant 15 : i32
      %max3A_724 = arith.maxsi %jit3A_722, %select_n3A_721 : i32
      %min3A_725 = arith.minsi %jit3A_723, %max3A_724 : i32
      %jit3A_726 = arith.constant 128 : i32
      %eq3A_727 = arith.constant 0 : i32
      %eq3A_728 = arith.cmpi eq, %jit3A_726, %eq3A_727 : i32
      %jit3A_729 = arith.constant 1 : i32
      %select_n3A_730 = arith.select %eq3A_728, %jit3A_729, %jit3A_726 : i32
      %rem3A_731 = arith.remsi %add3A_697, %select_n3A_730 : i32
      %ne3A_732 = arith.constant 0 : i32
      %ne3A_733 = arith.cmpi ne, %rem3A_731, %ne3A_732 : i32
      %lt3A_734 = arith.constant 0 : i32
      %lt3A_735 = arith.cmpi slt, %rem3A_731, %lt3A_734 : i32
      %lt3A_736 = arith.constant 0 : i32
      %lt3A_737 = arith.cmpi slt, %select_n3A_730, %lt3A_736 : i32
      %ne3A_738 = arith.xori %lt3A_735, %lt3A_737 : i1
      %and3A_739 = arith.andi %ne3A_738, %ne3A_733 : i1
      %add3A_740 = arith.addi %rem3A_731, %select_n3A_730 : i32
      %select_n3A_741 = arith.select %and3A_739, %add3A_740, %rem3A_731 : i32
      %mul3A_742 = arith.constant 32 : i32
      %mul3A_743 = arith.muli %select_n3A_741, %mul3A_742 : i32
      %get3A_744 = arith.index_cast %min3A_725 : i32 to index
      %get3A_745 = tpu.vector_load %arg5[%get3A_744] {strides = array<i32>} : memref<32xi32, #tpu.memory_space<vmem>>, vector<16xi32>,
      %get3A_746 = vector.shape_cast %get3A_745 : vector<16xi32> to vector<16xi32>
      %slice3A_747 = vector.extract_strided_slice %get3A_746 {offsets = [0], sizes = [1], strides = [1]} : vector<16xi32> to vector<1xi32>
      %squeeze3A_748 = vector.extract %slice3A_747[0] : i32 from vector<1xi32>
      %sub3A_749 = arith.subi %squeeze3A_748, %mul3A_743 : i32
      %gt3A_750 = arith.constant 0 : i32
      %gt3A_751 = arith.cmpi sgt, %sub3A_749, %gt3A_750 : i32
      %and3A_752 = arith.andi %lt3A_692, %gt3A_751 : i1
      %convert_element_type3A_753 = arith.extui %and3A_752 : i1 to i32
      %cond3A_754 = arith.constant 0 : i32
      %cond3A_755 = arith.cmpi ne, %convert_element_type3A_753, %cond3A_754 : i32
      scf.if %cond3A_755 {
        %add3A_1772 = arith.constant 2 : i32
        %add3A_1773 = arith.addi %add3A_623, %add3A_1772 : i32
        %mul3A_1774 = arith.constant 32 : i32
        %mul3A_1775 = arith.muli %add3A_1773, %mul3A_1774 : i32
        %add3A_1776 = arith.addi %add3A, %mul3A_1775 : i32
        %jit3A_1777 = arith.constant 128 : i32
        %div3A_1778 = arith.divsi %add3A_1776, %jit3A_1777 : i32
        %sign3A_1779 = arith.constant 0 : i32
        %sign3A_1780 = arith.cmpi sgt, %add3A_1776, %sign3A_1779 : i32
        %sign3A_1781 = arith.extui %sign3A_1780 : i1 to i32
        %sign3A_1782 = arith.constant 0 : i32
        %sign3A_1783 = arith.cmpi slt, %add3A_1776, %sign3A_1782 : i32
        %sign3A_1784 = arith.extui %sign3A_1783 : i1 to i32
        %sign3A_1785 = arith.subi %sign3A_1781, %sign3A_1784 : i32
        %sign3A_1786 = arith.constant 0 : i32
        %sign3A_1787 = arith.cmpi sgt, %jit3A_1777, %sign3A_1786 : i32
        %sign3A_1788 = arith.extui %sign3A_1787 : i1 to i32
        %sign3A_1789 = arith.constant 0 : i32
        %sign3A_1790 = arith.cmpi slt, %jit3A_1777, %sign3A_1789 : i32
        %sign3A_1791 = arith.extui %sign3A_1790 : i1 to i32
        %sign3A_1792 = arith.subi %sign3A_1788, %sign3A_1791 : i32
        %ne3A_1793 = arith.cmpi ne, %sign3A_1785, %sign3A_1792 : i32
        %rem3A_1794 = arith.remsi %add3A_1776, %jit3A_1777 : i32
        %ne3A_1795 = arith.constant 0 : i32
        %ne3A_1796 = arith.cmpi ne, %rem3A_1794, %ne3A_1795 : i32
        %and3A_1797 = arith.andi %ne3A_1793, %ne3A_1796 : i1
        %sub3A_1798 = arith.constant 1 : i32
        %sub3A_1799 = arith.subi %div3A_1778, %sub3A_1798 : i32
        %select_n3A_1800 = arith.select %and3A_1797, %sub3A_1799, %div3A_1778 : i32
        %jit3A_1801 = arith.constant 0 : i32
        %jit3A_1802 = arith.constant 15 : i32
        %max3A_1803 = arith.maxsi %jit3A_1801, %select_n3A_1800 : i32
        %min3A_1804 = arith.minsi %jit3A_1802, %max3A_1803 : i32
        %jit3A_1805 = arith.constant 128 : i32
        %eq3A_1806 = arith.constant 0 : i32
        %eq3A_1807 = arith.cmpi eq, %jit3A_1805, %eq3A_1806 : i32
        %jit3A_1808 = arith.constant 1 : i32
        %select_n3A_1809 = arith.select %eq3A_1807, %jit3A_1808, %jit3A_1805 : i32
        %rem3A_1810 = arith.remsi %add3A_1776, %select_n3A_1809 : i32
        %ne3A_1811 = arith.constant 0 : i32
        %ne3A_1812 = arith.cmpi ne, %rem3A_1810, %ne3A_1811 : i32
        %lt3A_1813 = arith.constant 0 : i32
        %lt3A_1814 = arith.cmpi slt, %rem3A_1810, %lt3A_1813 : i32
        %lt3A_1815 = arith.constant 0 : i32
        %lt3A_1816 = arith.cmpi slt, %select_n3A_1809, %lt3A_1815 : i32
        %ne3A_1817 = arith.xori %lt3A_1814, %lt3A_1816 : i1
        %and3A_1818 = arith.andi %ne3A_1817, %ne3A_1812 : i1
        %add3A_1819 = arith.addi %rem3A_1810, %select_n3A_1809 : i32
        %select_n3A_1820 = arith.select %and3A_1818, %add3A_1819, %rem3A_1810 : i32
        %mul3A_1821 = arith.constant 32 : i32
        %mul3A_1822 = arith.muli %select_n3A_1820, %mul3A_1821 : i32
        %get3A_1823 = arith.index_cast %min3A_1804 : i32 to index
        %get3A_1824 = tpu.vector_load %arg5[%get3A_1823] {strides = array<i32>} : memref<32xi32, #tpu.memory_space<vmem>>, vector<16xi32>,
        %get3A_1825 = vector.shape_cast %get3A_1824 : vector<16xi32> to vector<16xi32>
        %slice3A_1826 = vector.extract_strided_slice %get3A_1825 {offsets = [0], sizes = [1], strides = [1]} : vector<16xi32> to vector<1xi32>
        %squeeze3A_1827 = vector.extract %slice3A_1826[0] : i32 from vector<1xi32>
        %sub3A_1828 = arith.subi %squeeze3A_1827, %mul3A_1822 : i32
        %dma_start3A = arith.constant 0 : i32
        %dma_start3A_1829 = tpu.memref_slice %arg2[%min3A_1804, %mul3A_1822, %dma_start3A] : memref<16x4096x512xf32, #tpu.memory_space<hbm>> -> memref<1x32x512xf32, #tpu.memory_space<hbm>>
        %dma_start3A_1830 = tpu.memref_squeeze %dma_start3A_1829 : memref<1x32x512xf32, #tpu.memory_space<hbm>> -> memref<32x512xf32, #tpu.memory_space<hbm>>
        %dma_start3A_1831 = arith.constant 0 : i32
        %dma_start3A_1832 = tpu.memref_slice %arg2[%min3A_1804, %mul3A_1822, %dma_start3A_1831] : memref<16x4096x512xf32, #tpu.memory_space<hbm>> -> memref<1x32x512xf32, #tpu.memory_space<hbm>>
        %dma_start3A_1833 = tpu.memref_squeeze %dma_start3A_1832 : memref<1x32x512xf32, #tpu.memory_space<hbm>> -> memref<32x512xf32, #tpu.memory_space<hbm>>
        tpu.enqueue_dma source(%dma_start3A_1833 : memref<32x512xf32, #tpu.memory_space<hbm>>) target(%arg9 : memref<32x512xf32, #tpu.memory_space<vmem>>) target_semaphore(%arg14 : memref<!tpu.dma_semaphore, #tpu.memory_space<semaphore_mem>>)
      } else {
      }
      %mul3A_756 = arith.constant 32 : i32
      %mul3A_757 = arith.muli %add3A_623, %mul3A_756 : i32
      %add3A_758 = arith.addi %add3A, %mul3A_757 : i32
      %jit3A_759 = arith.constant 128 : i32
      %div3A_760 = arith.divsi %add3A_758, %jit3A_759 : i32
      %sign3A_761 = arith.constant 0 : i32
      %sign3A_762 = arith.cmpi sgt, %add3A_758, %sign3A_761 : i32
      %sign3A_763 = arith.extui %sign3A_762 : i1 to i32
      %sign3A_764 = arith.constant 0 : i32
      %sign3A_765 = arith.cmpi slt, %add3A_758, %sign3A_764 : i32
      %sign3A_766 = arith.extui %sign3A_765 : i1 to i32
      %sign3A_767 = arith.subi %sign3A_763, %sign3A_766 : i32
      %sign3A_768 = arith.constant 0 : i32
      %sign3A_769 = arith.cmpi sgt, %jit3A_759, %sign3A_768 : i32
      %sign3A_770 = arith.extui %sign3A_769 : i1 to i32
      %sign3A_771 = arith.constant 0 : i32
      %sign3A_772 = arith.cmpi slt, %jit3A_759, %sign3A_771 : i32
      %sign3A_773 = arith.extui %sign3A_772 : i1 to i32
      %sign3A_774 = arith.subi %sign3A_770, %sign3A_773 : i32
      %ne3A_775 = arith.cmpi ne, %sign3A_767, %sign3A_774 : i32
      %rem3A_776 = arith.remsi %add3A_758, %jit3A_759 : i32
      %ne3A_777 = arith.constant 0 : i32
      %ne3A_778 = arith.cmpi ne, %rem3A_776, %ne3A_777 : i32
      %and3A_779 = arith.andi %ne3A_775, %ne3A_778 : i1
      %sub3A_780 = arith.constant 1 : i32
      %sub3A_781 = arith.subi %div3A_760, %sub3A_780 : i32
      %select_n3A_782 = arith.select %and3A_779, %sub3A_781, %div3A_760 : i32
      %jit3A_783 = arith.constant 0 : i32
      %jit3A_784 = arith.constant 15 : i32
      %max3A_785 = arith.maxsi %jit3A_783, %select_n3A_782 : i32
      %min3A_786 = arith.minsi %jit3A_784, %max3A_785 : i32
      %jit3A_787 = arith.constant 128 : i32
      %eq3A_788 = arith.constant 0 : i32
      %eq3A_789 = arith.cmpi eq, %jit3A_787, %eq3A_788 : i32
      %jit3A_790 = arith.constant 1 : i32
      %select_n3A_791 = arith.select %eq3A_789, %jit3A_790, %jit3A_787 : i32
      %rem3A_792 = arith.remsi %add3A_758, %select_n3A_791 : i32
      %ne3A_793 = arith.constant 0 : i32
      %ne3A_794 = arith.cmpi ne, %rem3A_792, %ne3A_793 : i32
      %lt3A_795 = arith.constant 0 : i32
      %lt3A_796 = arith.cmpi slt, %rem3A_792, %lt3A_795 : i32
      %lt3A_797 = arith.constant 0 : i32
      %lt3A_798 = arith.cmpi slt, %select_n3A_791, %lt3A_797 : i32
      %ne3A_799 = arith.xori %lt3A_796, %lt3A_798 : i1
      %and3A_800 = arith.andi %ne3A_799, %ne3A_794 : i1
      %add3A_801 = arith.addi %rem3A_792, %select_n3A_791 : i32
      %select_n3A_802 = arith.select %and3A_800, %add3A_801, %rem3A_792 : i32
      %mul3A_803 = arith.constant 32 : i32
      %mul3A_804 = arith.muli %select_n3A_802, %mul3A_803 : i32
      %get3A_805 = arith.index_cast %min3A_786 : i32 to index
      %get3A_806 = tpu.vector_load %arg5[%get3A_805] {strides = array<i32>} : memref<32xi32, #tpu.memory_space<vmem>>, vector<16xi32>,
      %get3A_807 = vector.shape_cast %get3A_806 : vector<16xi32> to vector<16xi32>
      %slice3A_808 = vector.extract_strided_slice %get3A_807 {offsets = [0], sizes = [1], strides = [1]} : vector<16xi32> to vector<1xi32>
      %squeeze3A_809 = vector.extract %slice3A_808[0] : i32 from vector<1xi32>
      %sub3A_810 = arith.subi %squeeze3A_809, %mul3A_804 : i32
      %ge3A_811 = arith.constant 32 : i32
      %ge3A_812 = arith.cmpi sge, %sub3A_810, %ge3A_811 : i32
      %convert_element_type3A_813 = arith.extui %ge3A_812 : i1 to i32
      %cond3A_814 = arith.constant 0 : i32
      %cond3A_815 = arith.cmpi ne, %convert_element_type3A_813, %cond3A_814 : i32
      scf.if %cond3A_815 {
        %mul3A_1772 = arith.constant 32 : i32
        %mul3A_1773 = arith.muli %add3A_623, %mul3A_1772 : i32
        %add3A_1774 = arith.addi %add3A, %mul3A_1773 : i32
        %jit3A_1775 = arith.constant 128 : i32
        %div3A_1776 = arith.divsi %add3A_1774, %jit3A_1775 : i32
        %sign3A_1777 = arith.constant 0 : i32
        %sign3A_1778 = arith.cmpi sgt, %add3A_1774, %sign3A_1777 : i32
        %sign3A_1779 = arith.extui %sign3A_1778 : i1 to i32
        %sign3A_1780 = arith.constant 0 : i32
        %sign3A_1781 = arith.cmpi slt, %add3A_1774, %sign3A_1780 : i32
        %sign3A_1782 = arith.extui %sign3A_1781 : i1 to i32
        %sign3A_1783 = arith.subi %sign3A_1779, %sign3A_1782 : i32
        %sign3A_1784 = arith.constant 0 : i32
        %sign3A_1785 = arith.cmpi sgt, %jit3A_1775, %sign3A_1784 : i32
        %sign3A_1786 = arith.extui %sign3A_1785 : i1 to i32
        %sign3A_1787 = arith.constant 0 : i32
        %sign3A_1788 = arith.cmpi slt, %jit3A_1775, %sign3A_1787 : i32
        %sign3A_1789 = arith.extui %sign3A_1788 : i1 to i32
        %sign3A_1790 = arith.subi %sign3A_1786, %sign3A_1789 : i32
        %ne3A_1791 = arith.cmpi ne, %sign3A_1783, %sign3A_1790 : i32
        %rem3A_1792 = arith.remsi %add3A_1774, %jit3A_1775 : i32
        %ne3A_1793 = arith.constant 0 : i32
        %ne3A_1794 = arith.cmpi ne, %rem3A_1792, %ne3A_1793 : i32
        %and3A_1795 = arith.andi %ne3A_1791, %ne3A_1794 : i1
        %sub3A_1796 = arith.constant 1 : i32
        %sub3A_1797 = arith.subi %div3A_1776, %sub3A_1796 : i32
        %select_n3A_1798 = arith.select %and3A_1795, %sub3A_1797, %div3A_1776 : i32
        %jit3A_1799 = arith.constant 0 : i32
        %jit3A_1800 = arith.constant 15 : i32
        %max3A_1801 = arith.maxsi %jit3A_1799, %select_n3A_1798 : i32
        %min3A_1802 = arith.minsi %jit3A_1800, %max3A_1801 : i32
        %jit3A_1803 = arith.constant 128 : i32
        %eq3A_1804 = arith.constant 0 : i32
        %eq3A_1805 = arith.cmpi eq, %jit3A_1803, %eq3A_1804 : i32
        %jit3A_1806 = arith.constant 1 : i32
        %select_n3A_1807 = arith.select %eq3A_1805, %jit3A_1806, %jit3A_1803 : i32
        %rem3A_1808 = arith.remsi %add3A_1774, %select_n3A_1807 : i32
        %ne3A_1809 = arith.constant 0 : i32
        %ne3A_1810 = arith.cmpi ne, %rem3A_1808, %ne3A_1809 : i32
        %lt3A_1811 = arith.constant 0 : i32
        %lt3A_1812 = arith.cmpi slt, %rem3A_1808, %lt3A_1811 : i32
        %lt3A_1813 = arith.constant 0 : i32
        %lt3A_1814 = arith.cmpi slt, %select_n3A_1807, %lt3A_1813 : i32
        %ne3A_1815 = arith.xori %lt3A_1812, %lt3A_1814 : i1
        %and3A_1816 = arith.andi %ne3A_1815, %ne3A_1810 : i1
        %add3A_1817 = arith.addi %rem3A_1808, %select_n3A_1807 : i32
        %select_n3A_1818 = arith.select %and3A_1816, %add3A_1817, %rem3A_1808 : i32
        %mul3A_1819 = arith.constant 32 : i32
        %mul3A_1820 = arith.muli %select_n3A_1818, %mul3A_1819 : i32
        %get3A_1821 = arith.index_cast %min3A_1802 : i32 to index
        %get3A_1822 = tpu.vector_load %arg5[%get3A_1821] {strides = array<i32>} : memref<32xi32, #tpu.memory_space<vmem>>, vector<16xi32>,
        %get3A_1823 = vector.shape_cast %get3A_1822 : vector<16xi32> to vector<16xi32>
        %slice3A_1824 = vector.extract_strided_slice %get3A_1823 {offsets = [0], sizes = [1], strides = [1]} : vector<16xi32> to vector<1xi32>
        %squeeze3A_1825 = vector.extract %slice3A_1824[0] : i32 from vector<1xi32>
        %sub3A_1826 = arith.subi %squeeze3A_1825, %mul3A_1820 : i32
        %dma_wait3A = arith.constant 0 : i32
        %dma_wait3A_1827 = tpu.memref_slice %arg2[%min3A_1802, %mul3A_1820, %dma_wait3A] : memref<16x4096x512xf32, #tpu.memory_space<hbm>> -> memref<1x32x512xf32, #tpu.memory_space<hbm>>
        %dma_wait3A_1828 = tpu.memref_squeeze %dma_wait3A_1827 : memref<1x32x512xf32, #tpu.memory_space<hbm>> -> memref<32x512xf32, #tpu.memory_space<hbm>>
        %dma_wait3A_1829 = arith.constant 0 : i32
        %dma_wait3A_1830 = tpu.memref_slice %arg2[%min3A_1802, %mul3A_1820, %dma_wait3A_1829] : memref<16x4096x512xf32, #tpu.memory_space<hbm>> -> memref<1x32x512xf32, #tpu.memory_space<hbm>>
        %dma_wait3A_1831 = tpu.memref_squeeze %dma_wait3A_1830 : memref<1x32x512xf32, #tpu.memory_space<hbm>> -> memref<32x512xf32, #tpu.memory_space<hbm>>
        tpu.wait_dma2 semaphore(%arg12 : memref<!tpu.dma_semaphore, #tpu.memory_space<semaphore_mem>>) src(%dma_wait3A_1831 : memref<32x512xf32, #tpu.memory_space<hbm>>) dst(%arg7 : memref<32x512xf32, #tpu.memory_space<vmem>>)
        %mul3A_1832 = arith.constant 32 : i32
        %mul3A_1833 = arith.muli %add3A_623, %mul3A_1832 : i32
        %add3A_1834 = arith.addi %add3A, %mul3A_1833 : i32
        %jit3A_1835 = arith.constant 128 : i32
        %div3A_1836 = arith.divsi %add3A_1834, %jit3A_1835 : i32
        %sign3A_1837 = arith.constant 0 : i32
        %sign3A_1838 = arith.cmpi sgt, %add3A_1834, %sign3A_1837 : i32
        %sign3A_1839 = arith.extui %sign3A_1838 : i1 to i32
        %sign3A_1840 = arith.constant 0 : i32
        %sign3A_1841 = arith.cmpi slt, %add3A_1834, %sign3A_1840 : i32
        %sign3A_1842 = arith.extui %sign3A_1841 : i1 to i32
        %sign3A_1843 = arith.subi %sign3A_1839, %sign3A_1842 : i32
        %sign3A_1844 = arith.constant 0 : i32
        %sign3A_1845 = arith.cmpi sgt, %jit3A_1835, %sign3A_1844 : i32
        %sign3A_1846 = arith.extui %sign3A_1845 : i1 to i32
        %sign3A_1847 = arith.constant 0 : i32
        %sign3A_1848 = arith.cmpi slt, %jit3A_1835, %sign3A_1847 : i32
        %sign3A_1849 = arith.extui %sign3A_1848 : i1 to i32
        %sign3A_1850 = arith.subi %sign3A_1846, %sign3A_1849 : i32
        %ne3A_1851 = arith.cmpi ne, %sign3A_1843, %sign3A_1850 : i32
        %rem3A_1852 = arith.remsi %add3A_1834, %jit3A_1835 : i32
        %ne3A_1853 = arith.constant 0 : i32
        %ne3A_1854 = arith.cmpi ne, %rem3A_1852, %ne3A_1853 : i32
        %and3A_1855 = arith.andi %ne3A_1851, %ne3A_1854 : i1
        %sub3A_1856 = arith.constant 1 : i32
        %sub3A_1857 = arith.subi %div3A_1836, %sub3A_1856 : i32
        %select_n3A_1858 = arith.select %and3A_1855, %sub3A_1857, %div3A_1836 : i32
        %jit3A_1859 = arith.constant 0 : i32
        %jit3A_1860 = arith.constant 15 : i32
        %max3A_1861 = arith.maxsi %jit3A_1859, %select_n3A_1858 : i32
        %min3A_1862 = arith.minsi %jit3A_1860, %max3A_1861 : i32
        %jit3A_1863 = arith.constant 128 : i32
        %eq3A_1864 = arith.constant 0 : i32
        %eq3A_1865 = arith.cmpi eq, %jit3A_1863, %eq3A_1864 : i32
        %jit3A_1866 = arith.constant 1 : i32
        %select_n3A_1867 = arith.select %eq3A_1865, %jit3A_1866, %jit3A_1863 : i32
        %rem3A_1868 = arith.remsi %add3A_1834, %select_n3A_1867 : i32
        %ne3A_1869 = arith.constant 0 : i32
        %ne3A_1870 = arith.cmpi ne, %rem3A_1868, %ne3A_1869 : i32
        %lt3A_1871 = arith.constant 0 : i32
        %lt3A_1872 = arith.cmpi slt, %rem3A_1868, %lt3A_1871 : i32
        %lt3A_1873 = arith.constant 0 : i32
        %lt3A_1874 = arith.cmpi slt, %select_n3A_1867, %lt3A_1873 : i32
        %ne3A_1875 = arith.xori %lt3A_1872, %lt3A_1874 : i1
        %and3A_1876 = arith.andi %ne3A_1875, %ne3A_1870 : i1
        %add3A_1877 = arith.addi %rem3A_1868, %select_n3A_1867 : i32
        %select_n3A_1878 = arith.select %and3A_1876, %add3A_1877, %rem3A_1868 : i32
        %mul3A_1879 = arith.constant 32 : i32
        %mul3A_1880 = arith.muli %select_n3A_1878, %mul3A_1879 : i32
        %get3A_1881 = arith.index_cast %min3A_1862 : i32 to index
        %get3A_1882 = tpu.vector_load %arg5[%get3A_1881] {strides = array<i32>} : memref<32xi32, #tpu.memory_space<vmem>>, vector<16xi32>,
        %get3A_1883 = vector.shape_cast %get3A_1882 : vector<16xi32> to vector<16xi32>
        %slice3A_1884 = vector.extract_strided_slice %get3A_1883 {offsets = [0], sizes = [1], strides = [1]} : vector<16xi32> to vector<1xi32>
        %squeeze3A_1885 = vector.extract %slice3A_1884[0] : i32 from vector<1xi32>
        %sub3A_1886 = arith.subi %squeeze3A_1885, %mul3A_1880 : i32
        %dma_start3A = arith.constant 0 : i32
        %dma_start3A_1887 = tpu.memref_slice %arg4[%min3A_1862, %mul3A_1880, %dma_start3A] : memref<16x4096x512xf32, #tpu.memory_space<hbm>> -> memref<1x32x512xf32, #tpu.memory_space<hbm>>
        %dma_start3A_1888 = tpu.memref_squeeze %dma_start3A_1887 : memref<1x32x512xf32, #tpu.memory_space<hbm>> -> memref<32x512xf32, #tpu.memory_space<hbm>>
        %dma_start3A_1889 = arith.constant 0 : i32
        %dma_start3A_1890 = tpu.memref_slice %arg4[%min3A_1862, %mul3A_1880, %dma_start3A_1889] : memref<16x4096x512xf32, #tpu.memory_space<hbm>> -> memref<1x32x512xf32, #tpu.memory_space<hbm>>
        %dma_start3A_1891 = tpu.memref_squeeze %dma_start3A_1890 : memref<1x32x512xf32, #tpu.memory_space<hbm>> -> memref<32x512xf32, #tpu.memory_space<hbm>>
        tpu.enqueue_dma source(%arg7 : memref<32x512xf32, #tpu.memory_space<vmem>>) target(%dma_start3A_1891 : memref<32x512xf32, #tpu.memory_space<hbm>>) target_semaphore(%arg16 : memref<!tpu.dma_semaphore, #tpu.memory_space<semaphore_mem>>)
      } else {
      }
      %mul3A_816 = arith.constant 32 : i32
      %mul3A_817 = arith.muli %add3A_623, %mul3A_816 : i32
      %add3A_818 = arith.addi %add3A, %mul3A_817 : i32
      %jit3A_819 = arith.constant 128 : i32
      %div3A_820 = arith.divsi %add3A_818, %jit3A_819 : i32
      %sign3A_821 = arith.constant 0 : i32
      %sign3A_822 = arith.cmpi sgt, %add3A_818, %sign3A_821 : i32
      %sign3A_823 = arith.extui %sign3A_822 : i1 to i32
      %sign3A_824 = arith.constant 0 : i32
      %sign3A_825 = arith.cmpi slt, %add3A_818, %sign3A_824 : i32
      %sign3A_826 = arith.extui %sign3A_825 : i1 to i32
      %sign3A_827 = arith.subi %sign3A_823, %sign3A_826 : i32
      %sign3A_828 = arith.constant 0 : i32
      %sign3A_829 = arith.cmpi sgt, %jit3A_819, %sign3A_828 : i32
      %sign3A_830 = arith.extui %sign3A_829 : i1 to i32
      %sign3A_831 = arith.constant 0 : i32
      %sign3A_832 = arith.cmpi slt, %jit3A_819, %sign3A_831 : i32
      %sign3A_833 = arith.extui %sign3A_832 : i1 to i32
      %sign3A_834 = arith.subi %sign3A_830, %sign3A_833 : i32
      %ne3A_835 = arith.cmpi ne, %sign3A_827, %sign3A_834 : i32
      %rem3A_836 = arith.remsi %add3A_818, %jit3A_819 : i32
      %ne3A_837 = arith.constant 0 : i32
      %ne3A_838 = arith.cmpi ne, %rem3A_836, %ne3A_837 : i32
      %and3A_839 = arith.andi %ne3A_835, %ne3A_838 : i1
      %sub3A_840 = arith.constant 1 : i32
      %sub3A_841 = arith.subi %div3A_820, %sub3A_840 : i32
      %select_n3A_842 = arith.select %and3A_839, %sub3A_841, %div3A_820 : i32
      %jit3A_843 = arith.constant 0 : i32
      %jit3A_844 = arith.constant 15 : i32
      %max3A_845 = arith.maxsi %jit3A_843, %select_n3A_842 : i32
      %min3A_846 = arith.minsi %jit3A_844, %max3A_845 : i32
      %jit3A_847 = arith.constant 128 : i32
      %eq3A_848 = arith.constant 0 : i32
      %eq3A_849 = arith.cmpi eq, %jit3A_847, %eq3A_848 : i32
      %jit3A_850 = arith.constant 1 : i32
      %select_n3A_851 = arith.select %eq3A_849, %jit3A_850, %jit3A_847 : i32
      %rem3A_852 = arith.remsi %add3A_818, %select_n3A_851 : i32
      %ne3A_853 = arith.constant 0 : i32
      %ne3A_854 = arith.cmpi ne, %rem3A_852, %ne3A_853 : i32
      %lt3A_855 = arith.constant 0 : i32
      %lt3A_856 = arith.cmpi slt, %rem3A_852, %lt3A_855 : i32
      %lt3A_857 = arith.constant 0 : i32
      %lt3A_858 = arith.cmpi slt, %select_n3A_851, %lt3A_857 : i32
      %ne3A_859 = arith.xori %lt3A_856, %lt3A_858 : i1
      %and3A_860 = arith.andi %ne3A_859, %ne3A_854 : i1
      %add3A_861 = arith.addi %rem3A_852, %select_n3A_851 : i32
      %select_n3A_862 = arith.select %and3A_860, %add3A_861, %rem3A_852 : i32
      %mul3A_863 = arith.constant 32 : i32
      %mul3A_864 = arith.muli %select_n3A_862, %mul3A_863 : i32
      %get3A_865 = arith.index_cast %min3A_846 : i32 to index
      %get3A_866 = tpu.vector_load %arg5[%get3A_865] {strides = array<i32>} : memref<32xi32, #tpu.memory_space<vmem>>, vector<16xi32>,
      %get3A_867 = vector.shape_cast %get3A_866 : vector<16xi32> to vector<16xi32>
      %slice3A_868 = vector.extract_strided_slice %get3A_867 {offsets = [0], sizes = [1], strides = [1]} : vector<16xi32> to vector<1xi32>
      %squeeze3A_869 = vector.extract %slice3A_868[0] : i32 from vector<1xi32>
      %sub3A_870 = arith.subi %squeeze3A_869, %mul3A_864 : i32
      %gt3A_871 = arith.constant 0 : i32
      %gt3A_872 = arith.cmpi sgt, %sub3A_870, %gt3A_871 : i32
      %lt3A_873 = arith.constant 32 : i32
      %lt3A_874 = arith.cmpi slt, %sub3A_870, %lt3A_873 : i32
      %and3A_875 = arith.andi %gt3A_872, %lt3A_874 : i1
      %convert_element_type3A_876 = arith.extui %and3A_875 : i1 to i32
      %cond3A_877 = arith.constant 0 : i32
      %cond3A_878 = arith.cmpi ne, %convert_element_type3A_876, %cond3A_877 : i32
      scf.if %cond3A_878 {
        %mul3A_1772 = arith.constant 32 : i32
        %mul3A_1773 = arith.muli %add3A_623, %mul3A_1772 : i32
        %add3A_1774 = arith.addi %add3A, %mul3A_1773 : i32
        %jit3A_1775 = arith.constant 128 : i32
        %div3A_1776 = arith.divsi %add3A_1774, %jit3A_1775 : i32
        %sign3A_1777 = arith.constant 0 : i32
        %sign3A_1778 = arith.cmpi sgt, %add3A_1774, %sign3A_1777 : i32
        %sign3A_1779 = arith.extui %sign3A_1778 : i1 to i32
        %sign3A_1780 = arith.constant 0 : i32
        %sign3A_1781 = arith.cmpi slt, %add3A_1774, %sign3A_1780 : i32
        %sign3A_1782 = arith.extui %sign3A_1781 : i1 to i32
        %sign3A_1783 = arith.subi %sign3A_1779, %sign3A_1782 : i32
        %sign3A_1784 = arith.constant 0 : i32
        %sign3A_1785 = arith.cmpi sgt, %jit3A_1775, %sign3A_1784 : i32
        %sign3A_1786 = arith.extui %sign3A_1785 : i1 to i32
        %sign3A_1787 = arith.constant 0 : i32
        %sign3A_1788 = arith.cmpi slt, %jit3A_1775, %sign3A_1787 : i32
        %sign3A_1789 = arith.extui %sign3A_1788 : i1 to i32
        %sign3A_1790 = arith.subi %sign3A_1786, %sign3A_1789 : i32
        %ne3A_1791 = arith.cmpi ne, %sign3A_1783, %sign3A_1790 : i32
        %rem3A_1792 = arith.remsi %add3A_1774, %jit3A_1775 : i32
        %ne3A_1793 = arith.constant 0 : i32
        %ne3A_1794 = arith.cmpi ne, %rem3A_1792, %ne3A_1793 : i32
        %and3A_1795 = arith.andi %ne3A_1791, %ne3A_1794 : i1
        %sub3A_1796 = arith.constant 1 : i32
        %sub3A_1797 = arith.subi %div3A_1776, %sub3A_1796 : i32
        %select_n3A_1798 = arith.select %and3A_1795, %sub3A_1797, %div3A_1776 : i32
        %jit3A_1799 = arith.constant 0 : i32
        %jit3A_1800 = arith.constant 15 : i32
        %max3A_1801 = arith.maxsi %jit3A_1799, %select_n3A_1798 : i32
        %min3A_1802 = arith.minsi %jit3A_1800, %max3A_1801 : i32
        %jit3A_1803 = arith.constant 128 : i32
        %eq3A_1804 = arith.constant 0 : i32
        %eq3A_1805 = arith.cmpi eq, %jit3A_1803, %eq3A_1804 : i32
        %jit3A_1806 = arith.constant 1 : i32
        %select_n3A_1807 = arith.select %eq3A_1805, %jit3A_1806, %jit3A_1803 : i32
        %rem3A_1808 = arith.remsi %add3A_1774, %select_n3A_1807 : i32
        %ne3A_1809 = arith.constant 0 : i32
        %ne3A_1810 = arith.cmpi ne, %rem3A_1808, %ne3A_1809 : i32
        %lt3A_1811 = arith.constant 0 : i32
        %lt3A_1812 = arith.cmpi slt, %rem3A_1808, %lt3A_1811 : i32
        %lt3A_1813 = arith.constant 0 : i32
        %lt3A_1814 = arith.cmpi slt, %select_n3A_1807, %lt3A_1813 : i32
        %ne3A_1815 = arith.xori %lt3A_1812, %lt3A_1814 : i1
        %and3A_1816 = arith.andi %ne3A_1815, %ne3A_1810 : i1
        %add3A_1817 = arith.addi %rem3A_1808, %select_n3A_1807 : i32
        %select_n3A_1818 = arith.select %and3A_1816, %add3A_1817, %rem3A_1808 : i32
        %mul3A_1819 = arith.constant 32 : i32
        %mul3A_1820 = arith.muli %select_n3A_1818, %mul3A_1819 : i32
        %get3A_1821 = arith.index_cast %min3A_1802 : i32 to index
        %get3A_1822 = tpu.vector_load %arg5[%get3A_1821] {strides = array<i32>} : memref<32xi32, #tpu.memory_space<vmem>>, vector<16xi32>,
        %get3A_1823 = vector.shape_cast %get3A_1822 : vector<16xi32> to vector<16xi32>
        %slice3A_1824 = vector.extract_strided_slice %get3A_1823 {offsets = [0], sizes = [1], strides = [1]} : vector<16xi32> to vector<1xi32>
        %squeeze3A_1825 = vector.extract %slice3A_1824[0] : i32 from vector<1xi32>
        %sub3A_1826 = arith.subi %squeeze3A_1825, %mul3A_1820 : i32
        %dma_wait3A = arith.constant 0 : i32
        %dma_wait3A_1827 = tpu.memref_slice %arg2[%min3A_1802, %mul3A_1820, %dma_wait3A] : memref<16x4096x512xf32, #tpu.memory_space<hbm>> -> memref<1x32x512xf32, #tpu.memory_space<hbm>>
        %dma_wait3A_1828 = tpu.memref_squeeze %dma_wait3A_1827 : memref<1x32x512xf32, #tpu.memory_space<hbm>> -> memref<32x512xf32, #tpu.memory_space<hbm>>
        %dma_wait3A_1829 = arith.constant 0 : i32
        %dma_wait3A_1830 = tpu.memref_slice %arg2[%min3A_1802, %mul3A_1820, %dma_wait3A_1829] : memref<16x4096x512xf32, #tpu.memory_space<hbm>> -> memref<1x32x512xf32, #tpu.memory_space<hbm>>
        %dma_wait3A_1831 = tpu.memref_squeeze %dma_wait3A_1830 : memref<1x32x512xf32, #tpu.memory_space<hbm>> -> memref<32x512xf32, #tpu.memory_space<hbm>>
        tpu.wait_dma2 semaphore(%arg12 : memref<!tpu.dma_semaphore, #tpu.memory_space<semaphore_mem>>) src(%dma_wait3A_1831 : memref<32x512xf32, #tpu.memory_space<hbm>>) dst(%arg7 : memref<32x512xf32, #tpu.memory_space<vmem>>)
        %while3A = arith.constant 0 : i32
        %while3A_1832 = arith.constant 32 : i32
        %while3A_1833 = arith.subi %while3A_1832, %sub3A_870 : i32
        %while3A_1834 = arith.addi %sub3A_870, %while3A_1833 : i32
        %while3A_1835 = arith.constant 1 : i32
        %while3A_1836 = arith.divsi %while3A_1833, %while3A_1835 : i32
        %while3A_1837 = arith.muli %while3A_1836, %while3A_1835 : i32
        %while3A_1838 = arith.addi %sub3A_870, %while3A_1837 : i32
        %while3A_1839 = arith.constant 1 : i32
        scf.for %while3A_1901 = %sub3A_870 to %while3A_1838 step %while3A_1839  : i32 {
          %swap3A = arith.index_cast %while3A_1901 : i32 to index
          %swap3A_1902 = arith.constant 0 : index
          %swap3A_1903 = tpu.vector_load %arg7[%swap3A, %swap3A_1902] {strides = array<i32>} : memref<32x512xf32, #tpu.memory_space<vmem>>, vector<1x16xf32>,
          %swap3A_1904 = vector.shape_cast %swap3A_1903 : vector<1x16xf32> to vector<16xf32>
          %swap3A_1905 = vector.shape_cast %broadcast_in_dim3A_1 : vector<16xf32> to vector<1x16xf32>
          tpu.vector_store %arg7[%swap3A, %swap3A_1902], %swap3A_1905 {strides = array<i32>} : memref<32x512xf32, #tpu.memory_space<vmem>>, vector<1x16xf32>,
          %swap3A_1906 = arith.index_cast %while3A_1901 : i32 to index
          %swap3A_1907 = arith.constant 16 : index
          %swap3A_1908 = tpu.vector_load %arg7[%swap3A_1906, %swap3A_1907] {strides = array<i32>} : memref<32x512xf32, #tpu.memory_space<vmem>>, vector<1x16xf32>,
          %swap3A_1909 = vector.shape_cast %swap3A_1908 : vector<1x16xf32> to vector<16xf32>
          %swap3A_1910 = vector.shape_cast %broadcast_in_dim3A_1 : vector<16xf32> to vector<1x16xf32>
          tpu.vector_store %arg7[%swap3A_1906, %swap3A_1907], %swap3A_1910 {strides = array<i32>} : memref<32x512xf32, #tpu.memory_space<vmem>>, vector<1x16xf32>,
          %swap3A_1911 = arith.index_cast %while3A_1901 : i32 to index
          %swap3A_1912 = arith.constant 32 : index
          %swap3A_1913 = tpu.vector_load %arg7[%swap3A_1911, %swap3A_1912] {strides = array<i32>} : memref<32x512xf32, #tpu.memory_space<vmem>>, vector<1x16xf32>,
          %swap3A_1914 = vector.shape_cast %swap3A_1913 : vector<1x16xf32> to vector<16xf32>
          %swap3A_1915 = vector.shape_cast %broadcast_in_dim3A_1 : vector<16xf32> to vector<1x16xf32>
          tpu.vector_store %arg7[%swap3A_1911, %swap3A_1912], %swap3A_1915 {strides = array<i32>} : memref<32x512xf32, #tpu.memory_space<vmem>>, vector<1x16xf32>,
          %swap3A_1916 = arith.index_cast %while3A_1901 : i32 to index
          %swap3A_1917 = arith.constant 48 : index
          %swap3A_1918 = tpu.vector_load %arg7[%swap3A_1916, %swap3A_1917] {strides = array<i32>} : memref<32x512xf32, #tpu.memory_space<vmem>>, vector<1x16xf32>,
          %swap3A_1919 = vector.shape_cast %swap3A_1918 : vector<1x16xf32> to vector<16xf32>
          %swap3A_1920 = vector.shape_cast %broadcast_in_dim3A_1 : vector<16xf32> to vector<1x16xf32>
          tpu.vector_store %arg7[%swap3A_1916, %swap3A_1917], %swap3A_1920 {strides = array<i32>} : memref<32x512xf32, #tpu.memory_space<vmem>>, vector<1x16xf32>,
          %swap3A_1921 = arith.index_cast %while3A_1901 : i32 to index
          %swap3A_1922 = arith.constant 64 : index
          %swap3A_1923 = tpu.vector_load %arg7[%swap3A_1921, %swap3A_1922] {strides = array<i32>} : memref<32x512xf32, #tpu.memory_space<vmem>>, vector<1x16xf32>,
          %swap3A_1924 = vector.shape_cast %swap3A_1923 : vector<1x16xf32> to vector<16xf32>
          %swap3A_1925 = vector.shape_cast %broadcast_in_dim3A_1 : vector<16xf32> to vector<1x16xf32>
          tpu.vector_store %arg7[%swap3A_1921, %swap3A_1922], %swap3A_1925 {strides = array<i32>} : memref<32x512xf32, #tpu.memory_space<vmem>>, vector<1x16xf32>,
          %swap3A_1926 = arith.index_cast %while3A_1901 : i32 to index
          %swap3A_1927 = arith.constant 80 : index
          %swap3A_1928 = tpu.vector_load %arg7[%swap3A_1926, %swap3A_1927] {strides = array<i32>} : memref<32x512xf32, #tpu.memory_space<vmem>>, vector<1x16xf32>,
          %swap3A_1929 = vector.shape_cast %swap3A_1928 : vector<1x16xf32> to vector<16xf32>
          %swap3A_1930 = vector.shape_cast %broadcast_in_dim3A_1 : vector<16xf32> to vector<1x16xf32>
          tpu.vector_store %arg7[%swap3A_1926, %swap3A_1927], %swap3A_1930 {strides = array<i32>} : memref<32x512xf32, #tpu.memory_space<vmem>>, vector<1x16xf32>,
          %swap3A_1931 = arith.index_cast %while3A_1901 : i32 to index
          %swap3A_1932 = arith.constant 96 : index
          %swap3A_1933 = tpu.vector_load %arg7[%swap3A_1931, %swap3A_1932] {strides = array<i32>} : memref<32x512xf32, #tpu.memory_space<vmem>>, vector<1x16xf32>,
          %swap3A_1934 = vector.shape_cast %swap3A_1933 : vector<1x16xf32> to vector<16xf32>
          %swap3A_1935 = vector.shape_cast %broadcast_in_dim3A_1 : vector<16xf32> to vector<1x16xf32>
          tpu.vector_store %arg7[%swap3A_1931, %swap3A_1932], %swap3A_1935 {strides = array<i32>} : memref<32x512xf32, #tpu.memory_space<vmem>>, vector<1x16xf32>,
          %swap3A_1936 = arith.index_cast %while3A_1901 : i32 to index
          %swap3A_1937 = arith.constant 112 : index
          %swap3A_1938 = tpu.vector_load %arg7[%swap3A_1936, %swap3A_1937] {strides = array<i32>} : memref<32x512xf32, #tpu.memory_space<vmem>>, vector<1x16xf32>,
          %swap3A_1939 = vector.shape_cast %swap3A_1938 : vector<1x16xf32> to vector<16xf32>
          %swap3A_1940 = vector.shape_cast %broadcast_in_dim3A_1 : vector<16xf32> to vector<1x16xf32>
          tpu.vector_store %arg7[%swap3A_1936, %swap3A_1937], %swap3A_1940 {strides = array<i32>} : memref<32x512xf32, #tpu.memory_space<vmem>>, vector<1x16xf32>,
          %swap3A_1941 = arith.index_cast %while3A_1901 : i32 to index
          %swap3A_1942 = arith.constant 128 : index
          %swap3A_1943 = tpu.vector_load %arg7[%swap3A_1941, %swap3A_1942] {strides = array<i32>} : memref<32x512xf32, #tpu.memory_space<vmem>>, vector<1x16xf32>,
          %swap3A_1944 = vector.shape_cast %swap3A_1943 : vector<1x16xf32> to vector<16xf32>
          %swap3A_1945 = vector.shape_cast %broadcast_in_dim3A_1 : vector<16xf32> to vector<1x16xf32>
          tpu.vector_store %arg7[%swap3A_1941, %swap3A_1942], %swap3A_1945 {strides = array<i32>} : memref<32x512xf32, #tpu.memory_space<vmem>>, vector<1x16xf32>,
          %swap3A_1946 = arith.index_cast %while3A_1901 : i32 to index
          %swap3A_1947 = arith.constant 144 : index
          %swap3A_1948 = tpu.vector_load %arg7[%swap3A_1946, %swap3A_1947] {strides = array<i32>} : memref<32x512xf32, #tpu.memory_space<vmem>>, vector<1x16xf32>,
          %swap3A_1949 = vector.shape_cast %swap3A_1948 : vector<1x16xf32> to vector<16xf32>
          %swap3A_1950 = vector.shape_cast %broadcast_in_dim3A_1 : vector<16xf32> to vector<1x16xf32>
          tpu.vector_store %arg7[%swap3A_1946, %swap3A_1947], %swap3A_1950 {strides = array<i32>} : memref<32x512xf32, #tpu.memory_space<vmem>>, vector<1x16xf32>,
          %swap3A_1951 = arith.index_cast %while3A_1901 : i32 to index
          %swap3A_1952 = arith.constant 160 : index
          %swap3A_1953 = tpu.vector_load %arg7[%swap3A_1951, %swap3A_1952] {strides = array<i32>} : memref<32x512xf32, #tpu.memory_space<vmem>>, vector<1x16xf32>,
          %swap3A_1954 = vector.shape_cast %swap3A_1953 : vector<1x16xf32> to vector<16xf32>
          %swap3A_1955 = vector.shape_cast %broadcast_in_dim3A_1 : vector<16xf32> to vector<1x16xf32>
          tpu.vector_store %arg7[%swap3A_1951, %swap3A_1952], %swap3A_1955 {strides = array<i32>} : memref<32x512xf32, #tpu.memory_space<vmem>>, vector<1x16xf32>,
          %swap3A_1956 = arith.index_cast %while3A_1901 : i32 to index
          %swap3A_1957 = arith.constant 176 : index
          %swap3A_1958 = tpu.vector_load %arg7[%swap3A_1956, %swap3A_1957] {strides = array<i32>} : memref<32x512xf32, #tpu.memory_space<vmem>>, vector<1x16xf32>,
          %swap3A_1959 = vector.shape_cast %swap3A_1958 : vector<1x16xf32> to vector<16xf32>
          %swap3A_1960 = vector.shape_cast %broadcast_in_dim3A_1 : vector<16xf32> to vector<1x16xf32>
          tpu.vector_store %arg7[%swap3A_1956, %swap3A_1957], %swap3A_1960 {strides = array<i32>} : memref<32x512xf32, #tpu.memory_space<vmem>>, vector<1x16xf32>,
          %swap3A_1961 = arith.index_cast %while3A_1901 : i32 to index
          %swap3A_1962 = arith.constant 192 : index
          %swap3A_1963 = tpu.vector_load %arg7[%swap3A_1961, %swap3A_1962] {strides = array<i32>} : memref<32x512xf32, #tpu.memory_space<vmem>>, vector<1x16xf32>,
          %swap3A_1964 = vector.shape_cast %swap3A_1963 : vector<1x16xf32> to vector<16xf32>
          %swap3A_1965 = vector.shape_cast %broadcast_in_dim3A_1 : vector<16xf32> to vector<1x16xf32>
          tpu.vector_store %arg7[%swap3A_1961, %swap3A_1962], %swap3A_1965 {strides = array<i32>} : memref<32x512xf32, #tpu.memory_space<vmem>>, vector<1x16xf32>,
          %swap3A_1966 = arith.index_cast %while3A_1901 : i32 to index
          %swap3A_1967 = arith.constant 208 : index
          %swap3A_1968 = tpu.vector_load %arg7[%swap3A_1966, %swap3A_1967] {strides = array<i32>} : memref<32x512xf32, #tpu.memory_space<vmem>>, vector<1x16xf32>,
          %swap3A_1969 = vector.shape_cast %swap3A_1968 : vector<1x16xf32> to vector<16xf32>
          %swap3A_1970 = vector.shape_cast %broadcast_in_dim3A_1 : vector<16xf32> to vector<1x16xf32>
          tpu.vector_store %arg7[%swap3A_1966, %swap3A_1967], %swap3A_1970 {strides = array<i32>} : memref<32x512xf32, #tpu.memory_space<vmem>>, vector<1x16xf32>,
          %swap3A_1971 = arith.index_cast %while3A_1901 : i32 to index
          %swap3A_1972 = arith.constant 224 : index
          %swap3A_1973 = tpu.vector_load %arg7[%swap3A_1971, %swap3A_1972] {strides = array<i32>} : memref<32x512xf32, #tpu.memory_space<vmem>>, vector<1x16xf32>,
          %swap3A_1974 = vector.shape_cast %swap3A_1973 : vector<1x16xf32> to vector<16xf32>
          %swap3A_1975 = vector.shape_cast %broadcast_in_dim3A_1 : vector<16xf32> to vector<1x16xf32>
          tpu.vector_store %arg7[%swap3A_1971, %swap3A_1972], %swap3A_1975 {strides = array<i32>} : memref<32x512xf32, #tpu.memory_space<vmem>>, vector<1x16xf32>,
          %swap3A_1976 = arith.index_cast %while3A_1901 : i32 to index
          %swap3A_1977 = arith.constant 240 : index
          %swap3A_1978 = tpu.vector_load %arg7[%swap3A_1976, %swap3A_1977] {strides = array<i32>} : memref<32x512xf32, #tpu.memory_space<vmem>>, vector<1x16xf32>,
          %swap3A_1979 = vector.shape_cast %swap3A_1978 : vector<1x16xf32> to vector<16xf32>
          %swap3A_1980 = vector.shape_cast %broadcast_in_dim3A_1 : vector<16xf32> to vector<1x16xf32>
          tpu.vector_store %arg7[%swap3A_1976, %swap3A_1977], %swap3A_1980 {strides = array<i32>} : memref<32x512xf32, #tpu.memory_space<vmem>>, vector<1x16xf32>,
          %swap3A_1981 = arith.index_cast %while3A_1901 : i32 to index
          %swap3A_1982 = arith.constant 256 : index
          %swap3A_1983 = tpu.vector_load %arg7[%swap3A_1981, %swap3A_1982] {strides = array<i32>} : memref<32x512xf32, #tpu.memory_space<vmem>>, vector<1x16xf32>,
          %swap3A_1984 = vector.shape_cast %swap3A_1983 : vector<1x16xf32> to vector<16xf32>
          %swap3A_1985 = vector.shape_cast %broadcast_in_dim3A_1 : vector<16xf32> to vector<1x16xf32>
          tpu.vector_store %arg7[%swap3A_1981, %swap3A_1982], %swap3A_1985 {strides = array<i32>} : memref<32x512xf32, #tpu.memory_space<vmem>>, vector<1x16xf32>,
          %swap3A_1986 = arith.index_cast %while3A_1901 : i32 to index
          %swap3A_1987 = arith.constant 272 : index
          %swap3A_1988 = tpu.vector_load %arg7[%swap3A_1986, %swap3A_1987] {strides = array<i32>} : memref<32x512xf32, #tpu.memory_space<vmem>>, vector<1x16xf32>,
          %swap3A_1989 = vector.shape_cast %swap3A_1988 : vector<1x16xf32> to vector<16xf32>
          %swap3A_1990 = vector.shape_cast %broadcast_in_dim3A_1 : vector<16xf32> to vector<1x16xf32>
          tpu.vector_store %arg7[%swap3A_1986, %swap3A_1987], %swap3A_1990 {strides = array<i32>} : memref<32x512xf32, #tpu.memory_space<vmem>>, vector<1x16xf32>,
          %swap3A_1991 = arith.index_cast %while3A_1901 : i32 to index
          %swap3A_1992 = arith.constant 288 : index
          %swap3A_1993 = tpu.vector_load %arg7[%swap3A_1991, %swap3A_1992] {strides = array<i32>} : memref<32x512xf32, #tpu.memory_space<vmem>>, vector<1x16xf32>,
          %swap3A_1994 = vector.shape_cast %swap3A_1993 : vector<1x16xf32> to vector<16xf32>
          %swap3A_1995 = vector.shape_cast %broadcast_in_dim3A_1 : vector<16xf32> to vector<1x16xf32>
          tpu.vector_store %arg7[%swap3A_1991, %swap3A_1992], %swap3A_1995 {strides = array<i32>} : memref<32x512xf32, #tpu.memory_space<vmem>>, vector<1x16xf32>,
          %swap3A_1996 = arith.index_cast %while3A_1901 : i32 to index
          %swap3A_1997 = arith.constant 304 : index
          %swap3A_1998 = tpu.vector_load %arg7[%swap3A_1996, %swap3A_1997] {strides = array<i32>} : memref<32x512xf32, #tpu.memory_space<vmem>>, vector<1x16xf32>,
          %swap3A_1999 = vector.shape_cast %swap3A_1998 : vector<1x16xf32> to vector<16xf32>
          %swap3A_2000 = vector.shape_cast %broadcast_in_dim3A_1 : vector<16xf32> to vector<1x16xf32>
          tpu.vector_store %arg7[%swap3A_1996, %swap3A_1997], %swap3A_2000 {strides = array<i32>} : memref<32x512xf32, #tpu.memory_space<vmem>>, vector<1x16xf32>,
          %swap3A_2001 = arith.index_cast %while3A_1901 : i32 to index
          %swap3A_2002 = arith.constant 320 : index
          %swap3A_2003 = tpu.vector_load %arg7[%swap3A_2001, %swap3A_2002] {strides = array<i32>} : memref<32x512xf32, #tpu.memory_space<vmem>>, vector<1x16xf32>,
          %swap3A_2004 = vector.shape_cast %swap3A_2003 : vector<1x16xf32> to vector<16xf32>
          %swap3A_2005 = vector.shape_cast %broadcast_in_dim3A_1 : vector<16xf32> to vector<1x16xf32>
          tpu.vector_store %arg7[%swap3A_2001, %swap3A_2002], %swap3A_2005 {strides = array<i32>} : memref<32x512xf32, #tpu.memory_space<vmem>>, vector<1x16xf32>,
          %swap3A_2006 = arith.index_cast %while3A_1901 : i32 to index
          %swap3A_2007 = arith.constant 336 : index
          %swap3A_2008 = tpu.vector_load %arg7[%swap3A_2006, %swap3A_2007] {strides = array<i32>} : memref<32x512xf32, #tpu.memory_space<vmem>>, vector<1x16xf32>,
          %swap3A_2009 = vector.shape_cast %swap3A_2008 : vector<1x16xf32> to vector<16xf32>
          %swap3A_2010 = vector.shape_cast %broadcast_in_dim3A_1 : vector<16xf32> to vector<1x16xf32>
          tpu.vector_store %arg7[%swap3A_2006, %swap3A_2007], %swap3A_2010 {strides = array<i32>} : memref<32x512xf32, #tpu.memory_space<vmem>>, vector<1x16xf32>,
          %swap3A_2011 = arith.index_cast %while3A_1901 : i32 to index
          %swap3A_2012 = arith.constant 352 : index
          %swap3A_2013 = tpu.vector_load %arg7[%swap3A_2011, %swap3A_2012] {strides = array<i32>} : memref<32x512xf32, #tpu.memory_space<vmem>>, vector<1x16xf32>,
          %swap3A_2014 = vector.shape_cast %swap3A_2013 : vector<1x16xf32> to vector<16xf32>
          %swap3A_2015 = vector.shape_cast %broadcast_in_dim3A_1 : vector<16xf32> to vector<1x16xf32>
          tpu.vector_store %arg7[%swap3A_2011, %swap3A_2012], %swap3A_2015 {strides = array<i32>} : memref<32x512xf32, #tpu.memory_space<vmem>>, vector<1x16xf32>,
          %swap3A_2016 = arith.index_cast %while3A_1901 : i32 to index
          %swap3A_2017 = arith.constant 368 : index
          %swap3A_2018 = tpu.vector_load %arg7[%swap3A_2016, %swap3A_2017] {strides = array<i32>} : memref<32x512xf32, #tpu.memory_space<vmem>>, vector<1x16xf32>,
          %swap3A_2019 = vector.shape_cast %swap3A_2018 : vector<1x16xf32> to vector<16xf32>
          %swap3A_2020 = vector.shape_cast %broadcast_in_dim3A_1 : vector<16xf32> to vector<1x16xf32>
          tpu.vector_store %arg7[%swap3A_2016, %swap3A_2017], %swap3A_2020 {strides = array<i32>} : memref<32x512xf32, #tpu.memory_space<vmem>>, vector<1x16xf32>,
          %swap3A_2021 = arith.index_cast %while3A_1901 : i32 to index
          %swap3A_2022 = arith.constant 384 : index
          %swap3A_2023 = tpu.vector_load %arg7[%swap3A_2021, %swap3A_2022] {strides = array<i32>} : memref<32x512xf32, #tpu.memory_space<vmem>>, vector<1x16xf32>,
          %swap3A_2024 = vector.shape_cast %swap3A_2023 : vector<1x16xf32> to vector<16xf32>
          %swap3A_2025 = vector.shape_cast %broadcast_in_dim3A_1 : vector<16xf32> to vector<1x16xf32>
          tpu.vector_store %arg7[%swap3A_2021, %swap3A_2022], %swap3A_2025 {strides = array<i32>} : memref<32x512xf32, #tpu.memory_space<vmem>>, vector<1x16xf32>,
          %swap3A_2026 = arith.index_cast %while3A_1901 : i32 to index
          %swap3A_2027 = arith.constant 400 : index
          %swap3A_2028 = tpu.vector_load %arg7[%swap3A_2026, %swap3A_2027] {strides = array<i32>} : memref<32x512xf32, #tpu.memory_space<vmem>>, vector<1x16xf32>,
          %swap3A_2029 = vector.shape_cast %swap3A_2028 : vector<1x16xf32> to vector<16xf32>
          %swap3A_2030 = vector.shape_cast %broadcast_in_dim3A_1 : vector<16xf32> to vector<1x16xf32>
          tpu.vector_store %arg7[%swap3A_2026, %swap3A_2027], %swap3A_2030 {strides = array<i32>} : memref<32x512xf32, #tpu.memory_space<vmem>>, vector<1x16xf32>,
          %swap3A_2031 = arith.index_cast %while3A_1901 : i32 to index
          %swap3A_2032 = arith.constant 416 : index
          %swap3A_2033 = tpu.vector_load %arg7[%swap3A_2031, %swap3A_2032] {strides = array<i32>} : memref<32x512xf32, #tpu.memory_space<vmem>>, vector<1x16xf32>,
          %swap3A_2034 = vector.shape_cast %swap3A_2033 : vector<1x16xf32> to vector<16xf32>
          %swap3A_2035 = vector.shape_cast %broadcast_in_dim3A_1 : vector<16xf32> to vector<1x16xf32>
          tpu.vector_store %arg7[%swap3A_2031, %swap3A_2032], %swap3A_2035 {strides = array<i32>} : memref<32x512xf32, #tpu.memory_space<vmem>>, vector<1x16xf32>,
          %swap3A_2036 = arith.index_cast %while3A_1901 : i32 to index
          %swap3A_2037 = arith.constant 432 : index
          %swap3A_2038 = tpu.vector_load %arg7[%swap3A_2036, %swap3A_2037] {strides = array<i32>} : memref<32x512xf32, #tpu.memory_space<vmem>>, vector<1x16xf32>,
          %swap3A_2039 = vector.shape_cast %swap3A_2038 : vector<1x16xf32> to vector<16xf32>
          %swap3A_2040 = vector.shape_cast %broadcast_in_dim3A_1 : vector<16xf32> to vector<1x16xf32>
          tpu.vector_store %arg7[%swap3A_2036, %swap3A_2037], %swap3A_2040 {strides = array<i32>} : memref<32x512xf32, #tpu.memory_space<vmem>>, vector<1x16xf32>,
          %swap3A_2041 = arith.index_cast %while3A_1901 : i32 to index
          %swap3A_2042 = arith.constant 448 : index
          %swap3A_2043 = tpu.vector_load %arg7[%swap3A_2041, %swap3A_2042] {strides = array<i32>} : memref<32x512xf32, #tpu.memory_space<vmem>>, vector<1x16xf32>,
          %swap3A_2044 = vector.shape_cast %swap3A_2043 : vector<1x16xf32> to vector<16xf32>
          %swap3A_2045 = vector.shape_cast %broadcast_in_dim3A_1 : vector<16xf32> to vector<1x16xf32>
          tpu.vector_store %arg7[%swap3A_2041, %swap3A_2042], %swap3A_2045 {strides = array<i32>} : memref<32x512xf32, #tpu.memory_space<vmem>>, vector<1x16xf32>,
          %swap3A_2046 = arith.index_cast %while3A_1901 : i32 to index
          %swap3A_2047 = arith.constant 464 : index
          %swap3A_2048 = tpu.vector_load %arg7[%swap3A_2046, %swap3A_2047] {strides = array<i32>} : memref<32x512xf32, #tpu.memory_space<vmem>>, vector<1x16xf32>,
          %swap3A_2049 = vector.shape_cast %swap3A_2048 : vector<1x16xf32> to vector<16xf32>
          %swap3A_2050 = vector.shape_cast %broadcast_in_dim3A_1 : vector<16xf32> to vector<1x16xf32>
          tpu.vector_store %arg7[%swap3A_2046, %swap3A_2047], %swap3A_2050 {strides = array<i32>} : memref<32x512xf32, #tpu.memory_space<vmem>>, vector<1x16xf32>,
          %swap3A_2051 = arith.index_cast %while3A_1901 : i32 to index
          %swap3A_2052 = arith.constant 480 : index
          %swap3A_2053 = tpu.vector_load %arg7[%swap3A_2051, %swap3A_2052] {strides = array<i32>} : memref<32x512xf32, #tpu.memory_space<vmem>>, vector<1x16xf32>,
          %swap3A_2054 = vector.shape_cast %swap3A_2053 : vector<1x16xf32> to vector<16xf32>
          %swap3A_2055 = vector.shape_cast %broadcast_in_dim3A_1 : vector<16xf32> to vector<1x16xf32>
          tpu.vector_store %arg7[%swap3A_2051, %swap3A_2052], %swap3A_2055 {strides = array<i32>} : memref<32x512xf32, #tpu.memory_space<vmem>>, vector<1x16xf32>,
          %swap3A_2056 = arith.index_cast %while3A_1901 : i32 to index
          %swap3A_2057 = arith.constant 496 : index
          %swap3A_2058 = tpu.vector_load %arg7[%swap3A_2056, %swap3A_2057] {strides = array<i32>} : memref<32x512xf32, #tpu.memory_space<vmem>>, vector<1x16xf32>,
          %swap3A_2059 = vector.shape_cast %swap3A_2058 : vector<1x16xf32> to vector<16xf32>
          %swap3A_2060 = vector.shape_cast %broadcast_in_dim3A_1 : vector<16xf32> to vector<1x16xf32>
          tpu.vector_store %arg7[%swap3A_2056, %swap3A_2057], %swap3A_2060 {strides = array<i32>} : memref<32x512xf32, #tpu.memory_space<vmem>>, vector<1x16xf32>,
        }
        %while3A_1840 = arith.constant 1 : i32
        scf.for %while3A_1901 = %while3A_1838 to %while3A_1834 step %while3A_1840  : i32 {
          %swap3A = arith.index_cast %while3A_1901 : i32 to index
          %swap3A_1902 = arith.constant 0 : index
          %swap3A_1903 = tpu.vector_load %arg7[%swap3A, %swap3A_1902] {strides = array<i32>} : memref<32x512xf32, #tpu.memory_space<vmem>>, vector<1x16xf32>,
          %swap3A_1904 = vector.shape_cast %swap3A_1903 : vector<1x16xf32> to vector<16xf32>
          %swap3A_1905 = vector.shape_cast %broadcast_in_dim3A_1 : vector<16xf32> to vector<1x16xf32>
          tpu.vector_store %arg7[%swap3A, %swap3A_1902], %swap3A_1905 {strides = array<i32>} : memref<32x512xf32, #tpu.memory_space<vmem>>, vector<1x16xf32>,
          %swap3A_1906 = arith.index_cast %while3A_1901 : i32 to index
          %swap3A_1907 = arith.constant 16 : index
          %swap3A_1908 = tpu.vector_load %arg7[%swap3A_1906, %swap3A_1907] {strides = array<i32>} : memref<32x512xf32, #tpu.memory_space<vmem>>, vector<1x16xf32>,
          %swap3A_1909 = vector.shape_cast %swap3A_1908 : vector<1x16xf32> to vector<16xf32>
          %swap3A_1910 = vector.shape_cast %broadcast_in_dim3A_1 : vector<16xf32> to vector<1x16xf32>
          tpu.vector_store %arg7[%swap3A_1906, %swap3A_1907], %swap3A_1910 {strides = array<i32>} : memref<32x512xf32, #tpu.memory_space<vmem>>, vector<1x16xf32>,
          %swap3A_1911 = arith.index_cast %while3A_1901 : i32 to index
          %swap3A_1912 = arith.constant 32 : index
          %swap3A_1913 = tpu.vector_load %arg7[%swap3A_1911, %swap3A_1912] {strides = array<i32>} : memref<32x512xf32, #tpu.memory_space<vmem>>, vector<1x16xf32>,
          %swap3A_1914 = vector.shape_cast %swap3A_1913 : vector<1x16xf32> to vector<16xf32>
          %swap3A_1915 = vector.shape_cast %broadcast_in_dim3A_1 : vector<16xf32> to vector<1x16xf32>
          tpu.vector_store %arg7[%swap3A_1911, %swap3A_1912], %swap3A_1915 {strides = array<i32>} : memref<32x512xf32, #tpu.memory_space<vmem>>, vector<1x16xf32>,
          %swap3A_1916 = arith.index_cast %while3A_1901 : i32 to index
          %swap3A_1917 = arith.constant 48 : index
          %swap3A_1918 = tpu.vector_load %arg7[%swap3A_1916, %swap3A_1917] {strides = array<i32>} : memref<32x512xf32, #tpu.memory_space<vmem>>, vector<1x16xf32>,
          %swap3A_1919 = vector.shape_cast %swap3A_1918 : vector<1x16xf32> to vector<16xf32>
          %swap3A_1920 = vector.shape_cast %broadcast_in_dim3A_1 : vector<16xf32> to vector<1x16xf32>
          tpu.vector_store %arg7[%swap3A_1916, %swap3A_1917], %swap3A_1920 {strides = array<i32>} : memref<32x512xf32, #tpu.memory_space<vmem>>, vector<1x16xf32>,
          %swap3A_1921 = arith.index_cast %while3A_1901 : i32 to index
          %swap3A_1922 = arith.constant 64 : index
          %swap3A_1923 = tpu.vector_load %arg7[%swap3A_1921, %swap3A_1922] {strides = array<i32>} : memref<32x512xf32, #tpu.memory_space<vmem>>, vector<1x16xf32>,
          %swap3A_1924 = vector.shape_cast %swap3A_1923 : vector<1x16xf32> to vector<16xf32>
          %swap3A_1925 = vector.shape_cast %broadcast_in_dim3A_1 : vector<16xf32> to vector<1x16xf32>
          tpu.vector_store %arg7[%swap3A_1921, %swap3A_1922], %swap3A_1925 {strides = array<i32>} : memref<32x512xf32, #tpu.memory_space<vmem>>, vector<1x16xf32>,
          %swap3A_1926 = arith.index_cast %while3A_1901 : i32 to index
          %swap3A_1927 = arith.constant 80 : index
          %swap3A_1928 = tpu.vector_load %arg7[%swap3A_1926, %swap3A_1927] {strides = array<i32>} : memref<32x512xf32, #tpu.memory_space<vmem>>, vector<1x16xf32>,
          %swap3A_1929 = vector.shape_cast %swap3A_1928 : vector<1x16xf32> to vector<16xf32>
          %swap3A_1930 = vector.shape_cast %broadcast_in_dim3A_1 : vector<16xf32> to vector<1x16xf32>
          tpu.vector_store %arg7[%swap3A_1926, %swap3A_1927], %swap3A_1930 {strides = array<i32>} : memref<32x512xf32, #tpu.memory_space<vmem>>, vector<1x16xf32>,
          %swap3A_1931 = arith.index_cast %while3A_1901 : i32 to index
          %swap3A_1932 = arith.constant 96 : index
          %swap3A_1933 = tpu.vector_load %arg7[%swap3A_1931, %swap3A_1932] {strides = array<i32>} : memref<32x512xf32, #tpu.memory_space<vmem>>, vector<1x16xf32>,
          %swap3A_1934 = vector.shape_cast %swap3A_1933 : vector<1x16xf32> to vector<16xf32>
          %swap3A_1935 = vector.shape_cast %broadcast_in_dim3A_1 : vector<16xf32> to vector<1x16xf32>
          tpu.vector_store %arg7[%swap3A_1931, %swap3A_1932], %swap3A_1935 {strides = array<i32>} : memref<32x512xf32, #tpu.memory_space<vmem>>, vector<1x16xf32>,
          %swap3A_1936 = arith.index_cast %while3A_1901 : i32 to index
          %swap3A_1937 = arith.constant 112 : index
          %swap3A_1938 = tpu.vector_load %arg7[%swap3A_1936, %swap3A_1937] {strides = array<i32>} : memref<32x512xf32, #tpu.memory_space<vmem>>, vector<1x16xf32>,
          %swap3A_1939 = vector.shape_cast %swap3A_1938 : vector<1x16xf32> to vector<16xf32>
          %swap3A_1940 = vector.shape_cast %broadcast_in_dim3A_1 : vector<16xf32> to vector<1x16xf32>
          tpu.vector_store %arg7[%swap3A_1936, %swap3A_1937], %swap3A_1940 {strides = array<i32>} : memref<32x512xf32, #tpu.memory_space<vmem>>, vector<1x16xf32>,
          %swap3A_1941 = arith.index_cast %while3A_1901 : i32 to index
          %swap3A_1942 = arith.constant 128 : index
          %swap3A_1943 = tpu.vector_load %arg7[%swap3A_1941, %swap3A_1942] {strides = array<i32>} : memref<32x512xf32, #tpu.memory_space<vmem>>, vector<1x16xf32>,
          %swap3A_1944 = vector.shape_cast %swap3A_1943 : vector<1x16xf32> to vector<16xf32>
          %swap3A_1945 = vector.shape_cast %broadcast_in_dim3A_1 : vector<16xf32> to vector<1x16xf32>
          tpu.vector_store %arg7[%swap3A_1941, %swap3A_1942], %swap3A_1945 {strides = array<i32>} : memref<32x512xf32, #tpu.memory_space<vmem>>, vector<1x16xf32>,
          %swap3A_1946 = arith.index_cast %while3A_1901 : i32 to index
          %swap3A_1947 = arith.constant 144 : index
          %swap3A_1948 = tpu.vector_load %arg7[%swap3A_1946, %swap3A_1947] {strides = array<i32>} : memref<32x512xf32, #tpu.memory_space<vmem>>, vector<1x16xf32>,
          %swap3A_1949 = vector.shape_cast %swap3A_1948 : vector<1x16xf32> to vector<16xf32>
          %swap3A_1950 = vector.shape_cast %broadcast_in_dim3A_1 : vector<16xf32> to vector<1x16xf32>
          tpu.vector_store %arg7[%swap3A_1946, %swap3A_1947], %swap3A_1950 {strides = array<i32>} : memref<32x512xf32, #tpu.memory_space<vmem>>, vector<1x16xf32>,
          %swap3A_1951 = arith.index_cast %while3A_1901 : i32 to index
          %swap3A_1952 = arith.constant 160 : index
          %swap3A_1953 = tpu.vector_load %arg7[%swap3A_1951, %swap3A_1952] {strides = array<i32>} : memref<32x512xf32, #tpu.memory_space<vmem>>, vector<1x16xf32>,
          %swap3A_1954 = vector.shape_cast %swap3A_1953 : vector<1x16xf32> to vector<16xf32>
          %swap3A_1955 = vector.shape_cast %broadcast_in_dim3A_1 : vector<16xf32> to vector<1x16xf32>
          tpu.vector_store %arg7[%swap3A_1951, %swap3A_1952], %swap3A_1955 {strides = array<i32>} : memref<32x512xf32, #tpu.memory_space<vmem>>, vector<1x16xf32>,
          %swap3A_1956 = arith.index_cast %while3A_1901 : i32 to index
          %swap3A_1957 = arith.constant 176 : index
          %swap3A_1958 = tpu.vector_load %arg7[%swap3A_1956, %swap3A_1957] {strides = array<i32>} : memref<32x512xf32, #tpu.memory_space<vmem>>, vector<1x16xf32>,
          %swap3A_1959 = vector.shape_cast %swap3A_1958 : vector<1x16xf32> to vector<16xf32>
          %swap3A_1960 = vector.shape_cast %broadcast_in_dim3A_1 : vector<16xf32> to vector<1x16xf32>
          tpu.vector_store %arg7[%swap3A_1956, %swap3A_1957], %swap3A_1960 {strides = array<i32>} : memref<32x512xf32, #tpu.memory_space<vmem>>, vector<1x16xf32>,
          %swap3A_1961 = arith.index_cast %while3A_1901 : i32 to index
          %swap3A_1962 = arith.constant 192 : index
          %swap3A_1963 = tpu.vector_load %arg7[%swap3A_1961, %swap3A_1962] {strides = array<i32>} : memref<32x512xf32, #tpu.memory_space<vmem>>, vector<1x16xf32>,
          %swap3A_1964 = vector.shape_cast %swap3A_1963 : vector<1x16xf32> to vector<16xf32>
          %swap3A_1965 = vector.shape_cast %broadcast_in_dim3A_1 : vector<16xf32> to vector<1x16xf32>
          tpu.vector_store %arg7[%swap3A_1961, %swap3A_1962], %swap3A_1965 {strides = array<i32>} : memref<32x512xf32, #tpu.memory_space<vmem>>, vector<1x16xf32>,
          %swap3A_1966 = arith.index_cast %while3A_1901 : i32 to index
          %swap3A_1967 = arith.constant 208 : index
          %swap3A_1968 = tpu.vector_load %arg7[%swap3A_1966, %swap3A_1967] {strides = array<i32>} : memref<32x512xf32, #tpu.memory_space<vmem>>, vector<1x16xf32>,
          %swap3A_1969 = vector.shape_cast %swap3A_1968 : vector<1x16xf32> to vector<16xf32>
          %swap3A_1970 = vector.shape_cast %broadcast_in_dim3A_1 : vector<16xf32> to vector<1x16xf32>
          tpu.vector_store %arg7[%swap3A_1966, %swap3A_1967], %swap3A_1970 {strides = array<i32>} : memref<32x512xf32, #tpu.memory_space<vmem>>, vector<1x16xf32>,
          %swap3A_1971 = arith.index_cast %while3A_1901 : i32 to index
          %swap3A_1972 = arith.constant 224 : index
          %swap3A_1973 = tpu.vector_load %arg7[%swap3A_1971, %swap3A_1972] {strides = array<i32>} : memref<32x512xf32, #tpu.memory_space<vmem>>, vector<1x16xf32>,
          %swap3A_1974 = vector.shape_cast %swap3A_1973 : vector<1x16xf32> to vector<16xf32>
          %swap3A_1975 = vector.shape_cast %broadcast_in_dim3A_1 : vector<16xf32> to vector<1x16xf32>
          tpu.vector_store %arg7[%swap3A_1971, %swap3A_1972], %swap3A_1975 {strides = array<i32>} : memref<32x512xf32, #tpu.memory_space<vmem>>, vector<1x16xf32>,
          %swap3A_1976 = arith.index_cast %while3A_1901 : i32 to index
          %swap3A_1977 = arith.constant 240 : index
          %swap3A_1978 = tpu.vector_load %arg7[%swap3A_1976, %swap3A_1977] {strides = array<i32>} : memref<32x512xf32, #tpu.memory_space<vmem>>, vector<1x16xf32>,
          %swap3A_1979 = vector.shape_cast %swap3A_1978 : vector<1x16xf32> to vector<16xf32>
          %swap3A_1980 = vector.shape_cast %broadcast_in_dim3A_1 : vector<16xf32> to vector<1x16xf32>
          tpu.vector_store %arg7[%swap3A_1976, %swap3A_1977], %swap3A_1980 {strides = array<i32>} : memref<32x512xf32, #tpu.memory_space<vmem>>, vector<1x16xf32>,
          %swap3A_1981 = arith.index_cast %while3A_1901 : i32 to index
          %swap3A_1982 = arith.constant 256 : index
          %swap3A_1983 = tpu.vector_load %arg7[%swap3A_1981, %swap3A_1982] {strides = array<i32>} : memref<32x512xf32, #tpu.memory_space<vmem>>, vector<1x16xf32>,
          %swap3A_1984 = vector.shape_cast %swap3A_1983 : vector<1x16xf32> to vector<16xf32>
          %swap3A_1985 = vector.shape_cast %broadcast_in_dim3A_1 : vector<16xf32> to vector<1x16xf32>
          tpu.vector_store %arg7[%swap3A_1981, %swap3A_1982], %swap3A_1985 {strides = array<i32>} : memref<32x512xf32, #tpu.memory_space<vmem>>, vector<1x16xf32>,
          %swap3A_1986 = arith.index_cast %while3A_1901 : i32 to index
          %swap3A_1987 = arith.constant 272 : index
          %swap3A_1988 = tpu.vector_load %arg7[%swap3A_1986, %swap3A_1987] {strides = array<i32>} : memref<32x512xf32, #tpu.memory_space<vmem>>, vector<1x16xf32>,
          %swap3A_1989 = vector.shape_cast %swap3A_1988 : vector<1x16xf32> to vector<16xf32>
          %swap3A_1990 = vector.shape_cast %broadcast_in_dim3A_1 : vector<16xf32> to vector<1x16xf32>
          tpu.vector_store %arg7[%swap3A_1986, %swap3A_1987], %swap3A_1990 {strides = array<i32>} : memref<32x512xf32, #tpu.memory_space<vmem>>, vector<1x16xf32>,
          %swap3A_1991 = arith.index_cast %while3A_1901 : i32 to index
          %swap3A_1992 = arith.constant 288 : index
          %swap3A_1993 = tpu.vector_load %arg7[%swap3A_1991, %swap3A_1992] {strides = array<i32>} : memref<32x512xf32, #tpu.memory_space<vmem>>, vector<1x16xf32>,
          %swap3A_1994 = vector.shape_cast %swap3A_1993 : vector<1x16xf32> to vector<16xf32>
          %swap3A_1995 = vector.shape_cast %broadcast_in_dim3A_1 : vector<16xf32> to vector<1x16xf32>
          tpu.vector_store %arg7[%swap3A_1991, %swap3A_1992], %swap3A_1995 {strides = array<i32>} : memref<32x512xf32, #tpu.memory_space<vmem>>, vector<1x16xf32>,
          %swap3A_1996 = arith.index_cast %while3A_1901 : i32 to index
          %swap3A_1997 = arith.constant 304 : index
          %swap3A_1998 = tpu.vector_load %arg7[%swap3A_1996, %swap3A_1997] {strides = array<i32>} : memref<32x512xf32, #tpu.memory_space<vmem>>, vector<1x16xf32>,
          %swap3A_1999 = vector.shape_cast %swap3A_1998 : vector<1x16xf32> to vector<16xf32>
          %swap3A_2000 = vector.shape_cast %broadcast_in_dim3A_1 : vector<16xf32> to vector<1x16xf32>
          tpu.vector_store %arg7[%swap3A_1996, %swap3A_1997], %swap3A_2000 {strides = array<i32>} : memref<32x512xf32, #tpu.memory_space<vmem>>, vector<1x16xf32>,
          %swap3A_2001 = arith.index_cast %while3A_1901 : i32 to index
          %swap3A_2002 = arith.constant 320 : index
          %swap3A_2003 = tpu.vector_load %arg7[%swap3A_2001, %swap3A_2002] {strides = array<i32>} : memref<32x512xf32, #tpu.memory_space<vmem>>, vector<1x16xf32>,
          %swap3A_2004 = vector.shape_cast %swap3A_2003 : vector<1x16xf32> to vector<16xf32>
          %swap3A_2005 = vector.shape_cast %broadcast_in_dim3A_1 : vector<16xf32> to vector<1x16xf32>
          tpu.vector_store %arg7[%swap3A_2001, %swap3A_2002], %swap3A_2005 {strides = array<i32>} : memref<32x512xf32, #tpu.memory_space<vmem>>, vector<1x16xf32>,
          %swap3A_2006 = arith.index_cast %while3A_1901 : i32 to index
          %swap3A_2007 = arith.constant 336 : index
          %swap3A_2008 = tpu.vector_load %arg7[%swap3A_2006, %swap3A_2007] {strides = array<i32>} : memref<32x512xf32, #tpu.memory_space<vmem>>, vector<1x16xf32>,
          %swap3A_2009 = vector.shape_cast %swap3A_2008 : vector<1x16xf32> to vector<16xf32>
          %swap3A_2010 = vector.shape_cast %broadcast_in_dim3A_1 : vector<16xf32> to vector<1x16xf32>
          tpu.vector_store %arg7[%swap3A_2006, %swap3A_2007], %swap3A_2010 {strides = array<i32>} : memref<32x512xf32, #tpu.memory_space<vmem>>, vector<1x16xf32>,
          %swap3A_2011 = arith.index_cast %while3A_1901 : i32 to index
          %swap3A_2012 = arith.constant 352 : index
          %swap3A_2013 = tpu.vector_load %arg7[%swap3A_2011, %swap3A_2012] {strides = array<i32>} : memref<32x512xf32, #tpu.memory_space<vmem>>, vector<1x16xf32>,
          %swap3A_2014 = vector.shape_cast %swap3A_2013 : vector<1x16xf32> to vector<16xf32>
          %swap3A_2015 = vector.shape_cast %broadcast_in_dim3A_1 : vector<16xf32> to vector<1x16xf32>
          tpu.vector_store %arg7[%swap3A_2011, %swap3A_2012], %swap3A_2015 {strides = array<i32>} : memref<32x512xf32, #tpu.memory_space<vmem>>, vector<1x16xf32>,
          %swap3A_2016 = arith.index_cast %while3A_1901 : i32 to index
          %swap3A_2017 = arith.constant 368 : index
          %swap3A_2018 = tpu.vector_load %arg7[%swap3A_2016, %swap3A_2017] {strides = array<i32>} : memref<32x512xf32, #tpu.memory_space<vmem>>, vector<1x16xf32>,
          %swap3A_2019 = vector.shape_cast %swap3A_2018 : vector<1x16xf32> to vector<16xf32>
          %swap3A_2020 = vector.shape_cast %broadcast_in_dim3A_1 : vector<16xf32> to vector<1x16xf32>
          tpu.vector_store %arg7[%swap3A_2016, %swap3A_2017], %swap3A_2020 {strides = array<i32>} : memref<32x512xf32, #tpu.memory_space<vmem>>, vector<1x16xf32>,
          %swap3A_2021 = arith.index_cast %while3A_1901 : i32 to index
          %swap3A_2022 = arith.constant 384 : index
          %swap3A_2023 = tpu.vector_load %arg7[%swap3A_2021, %swap3A_2022] {strides = array<i32>} : memref<32x512xf32, #tpu.memory_space<vmem>>, vector<1x16xf32>,
          %swap3A_2024 = vector.shape_cast %swap3A_2023 : vector<1x16xf32> to vector<16xf32>
          %swap3A_2025 = vector.shape_cast %broadcast_in_dim3A_1 : vector<16xf32> to vector<1x16xf32>
          tpu.vector_store %arg7[%swap3A_2021, %swap3A_2022], %swap3A_2025 {strides = array<i32>} : memref<32x512xf32, #tpu.memory_space<vmem>>, vector<1x16xf32>,
          %swap3A_2026 = arith.index_cast %while3A_1901 : i32 to index
          %swap3A_2027 = arith.constant 400 : index
          %swap3A_2028 = tpu.vector_load %arg7[%swap3A_2026, %swap3A_2027] {strides = array<i32>} : memref<32x512xf32, #tpu.memory_space<vmem>>, vector<1x16xf32>,
          %swap3A_2029 = vector.shape_cast %swap3A_2028 : vector<1x16xf32> to vector<16xf32>
          %swap3A_2030 = vector.shape_cast %broadcast_in_dim3A_1 : vector<16xf32> to vector<1x16xf32>
          tpu.vector_store %arg7[%swap3A_2026, %swap3A_2027], %swap3A_2030 {strides = array<i32>} : memref<32x512xf32, #tpu.memory_space<vmem>>, vector<1x16xf32>,
          %swap3A_2031 = arith.index_cast %while3A_1901 : i32 to index
          %swap3A_2032 = arith.constant 416 : index
          %swap3A_2033 = tpu.vector_load %arg7[%swap3A_2031, %swap3A_2032] {strides = array<i32>} : memref<32x512xf32, #tpu.memory_space<vmem>>, vector<1x16xf32>,
          %swap3A_2034 = vector.shape_cast %swap3A_2033 : vector<1x16xf32> to vector<16xf32>
          %swap3A_2035 = vector.shape_cast %broadcast_in_dim3A_1 : vector<16xf32> to vector<1x16xf32>
          tpu.vector_store %arg7[%swap3A_2031, %swap3A_2032], %swap3A_2035 {strides = array<i32>} : memref<32x512xf32, #tpu.memory_space<vmem>>, vector<1x16xf32>,
          %swap3A_2036 = arith.index_cast %while3A_1901 : i32 to index
          %swap3A_2037 = arith.constant 432 : index
          %swap3A_2038 = tpu.vector_load %arg7[%swap3A_2036, %swap3A_2037] {strides = array<i32>} : memref<32x512xf32, #tpu.memory_space<vmem>>, vector<1x16xf32>,
          %swap3A_2039 = vector.shape_cast %swap3A_2038 : vector<1x16xf32> to vector<16xf32>
          %swap3A_2040 = vector.shape_cast %broadcast_in_dim3A_1 : vector<16xf32> to vector<1x16xf32>
          tpu.vector_store %arg7[%swap3A_2036, %swap3A_2037], %swap3A_2040 {strides = array<i32>} : memref<32x512xf32, #tpu.memory_space<vmem>>, vector<1x16xf32>,
          %swap3A_2041 = arith.index_cast %while3A_1901 : i32 to index
          %swap3A_2042 = arith.constant 448 : index
          %swap3A_2043 = tpu.vector_load %arg7[%swap3A_2041, %swap3A_2042] {strides = array<i32>} : memref<32x512xf32, #tpu.memory_space<vmem>>, vector<1x16xf32>,
          %swap3A_2044 = vector.shape_cast %swap3A_2043 : vector<1x16xf32> to vector<16xf32>
          %swap3A_2045 = vector.shape_cast %broadcast_in_dim3A_1 : vector<16xf32> to vector<1x16xf32>
          tpu.vector_store %arg7[%swap3A_2041, %swap3A_2042], %swap3A_2045 {strides = array<i32>} : memref<32x512xf32, #tpu.memory_space<vmem>>, vector<1x16xf32>,
          %swap3A_2046 = arith.index_cast %while3A_1901 : i32 to index
          %swap3A_2047 = arith.constant 464 : index
          %swap3A_2048 = tpu.vector_load %arg7[%swap3A_2046, %swap3A_2047] {strides = array<i32>} : memref<32x512xf32, #tpu.memory_space<vmem>>, vector<1x16xf32>,
          %swap3A_2049 = vector.shape_cast %swap3A_2048 : vector<1x16xf32> to vector<16xf32>
          %swap3A_2050 = vector.shape_cast %broadcast_in_dim3A_1 : vector<16xf32> to vector<1x16xf32>
          tpu.vector_store %arg7[%swap3A_2046, %swap3A_2047], %swap3A_2050 {strides = array<i32>} : memref<32x512xf32, #tpu.memory_space<vmem>>, vector<1x16xf32>,
          %swap3A_2051 = arith.index_cast %while3A_1901 : i32 to index
          %swap3A_2052 = arith.constant 480 : index
          %swap3A_2053 = tpu.vector_load %arg7[%swap3A_2051, %swap3A_2052] {strides = array<i32>} : memref<32x512xf32, #tpu.memory_space<vmem>>, vector<1x16xf32>,
          %swap3A_2054 = vector.shape_cast %swap3A_2053 : vector<1x16xf32> to vector<16xf32>
          %swap3A_2055 = vector.shape_cast %broadcast_in_dim3A_1 : vector<16xf32> to vector<1x16xf32>
          tpu.vector_store %arg7[%swap3A_2051, %swap3A_2052], %swap3A_2055 {strides = array<i32>} : memref<32x512xf32, #tpu.memory_space<vmem>>, vector<1x16xf32>,
          %swap3A_2056 = arith.index_cast %while3A_1901 : i32 to index
          %swap3A_2057 = arith.constant 496 : index
          %swap3A_2058 = tpu.vector_load %arg7[%swap3A_2056, %swap3A_2057] {strides = array<i32>} : memref<32x512xf32, #tpu.memory_space<vmem>>, vector<1x16xf32>,
          %swap3A_2059 = vector.shape_cast %swap3A_2058 : vector<1x16xf32> to vector<16xf32>
          %swap3A_2060 = vector.shape_cast %broadcast_in_dim3A_1 : vector<16xf32> to vector<1x16xf32>
          tpu.vector_store %arg7[%swap3A_2056, %swap3A_2057], %swap3A_2060 {strides = array<i32>} : memref<32x512xf32, #tpu.memory_space<vmem>>, vector<1x16xf32>,
        }
        %mul3A_1841 = arith.constant 32 : i32
        %mul3A_1842 = arith.muli %add3A_623, %mul3A_1841 : i32
        %add3A_1843 = arith.addi %add3A, %mul3A_1842 : i32
        %jit3A_1844 = arith.constant 128 : i32
        %div3A_1845 = arith.divsi %add3A_1843, %jit3A_1844 : i32
        %sign3A_1846 = arith.constant 0 : i32
        %sign3A_1847 = arith.cmpi sgt, %add3A_1843, %sign3A_1846 : i32
        %sign3A_1848 = arith.extui %sign3A_1847 : i1 to i32
        %sign3A_1849 = arith.constant 0 : i32
        %sign3A_1850 = arith.cmpi slt, %add3A_1843, %sign3A_1849 : i32
        %sign3A_1851 = arith.extui %sign3A_1850 : i1 to i32
        %sign3A_1852 = arith.subi %sign3A_1848, %sign3A_1851 : i32
        %sign3A_1853 = arith.constant 0 : i32
        %sign3A_1854 = arith.cmpi sgt, %jit3A_1844, %sign3A_1853 : i32
        %sign3A_1855 = arith.extui %sign3A_1854 : i1 to i32
        %sign3A_1856 = arith.constant 0 : i32
        %sign3A_1857 = arith.cmpi slt, %jit3A_1844, %sign3A_1856 : i32
        %sign3A_1858 = arith.extui %sign3A_1857 : i1 to i32
        %sign3A_1859 = arith.subi %sign3A_1855, %sign3A_1858 : i32
        %ne3A_1860 = arith.cmpi ne, %sign3A_1852, %sign3A_1859 : i32
        %rem3A_1861 = arith.remsi %add3A_1843, %jit3A_1844 : i32
        %ne3A_1862 = arith.constant 0 : i32
        %ne3A_1863 = arith.cmpi ne, %rem3A_1861, %ne3A_1862 : i32
        %and3A_1864 = arith.andi %ne3A_1860, %ne3A_1863 : i1
        %sub3A_1865 = arith.constant 1 : i32
        %sub3A_1866 = arith.subi %div3A_1845, %sub3A_1865 : i32
        %select_n3A_1867 = arith.select %and3A_1864, %sub3A_1866, %div3A_1845 : i32
        %jit3A_1868 = arith.constant 0 : i32
        %jit3A_1869 = arith.constant 15 : i32
        %max3A_1870 = arith.maxsi %jit3A_1868, %select_n3A_1867 : i32
        %min3A_1871 = arith.minsi %jit3A_1869, %max3A_1870 : i32
        %jit3A_1872 = arith.constant 128 : i32
        %eq3A_1873 = arith.constant 0 : i32
        %eq3A_1874 = arith.cmpi eq, %jit3A_1872, %eq3A_1873 : i32
        %jit3A_1875 = arith.constant 1 : i32
        %select_n3A_1876 = arith.select %eq3A_1874, %jit3A_1875, %jit3A_1872 : i32
        %rem3A_1877 = arith.remsi %add3A_1843, %select_n3A_1876 : i32
        %ne3A_1878 = arith.constant 0 : i32
        %ne3A_1879 = arith.cmpi ne, %rem3A_1877, %ne3A_1878 : i32
        %lt3A_1880 = arith.constant 0 : i32
        %lt3A_1881 = arith.cmpi slt, %rem3A_1877, %lt3A_1880 : i32
        %lt3A_1882 = arith.constant 0 : i32
        %lt3A_1883 = arith.cmpi slt, %select_n3A_1876, %lt3A_1882 : i32
        %ne3A_1884 = arith.xori %lt3A_1881, %lt3A_1883 : i1
        %and3A_1885 = arith.andi %ne3A_1884, %ne3A_1879 : i1
        %add3A_1886 = arith.addi %rem3A_1877, %select_n3A_1876 : i32
        %select_n3A_1887 = arith.select %and3A_1885, %add3A_1886, %rem3A_1877 : i32
        %mul3A_1888 = arith.constant 32 : i32
        %mul3A_1889 = arith.muli %select_n3A_1887, %mul3A_1888 : i32
        %get3A_1890 = arith.index_cast %min3A_1871 : i32 to index
        %get3A_1891 = tpu.vector_load %arg5[%get3A_1890] {strides = array<i32>} : memref<32xi32, #tpu.memory_space<vmem>>, vector<16xi32>,
        %get3A_1892 = vector.shape_cast %get3A_1891 : vector<16xi32> to vector<16xi32>
        %slice3A_1893 = vector.extract_strided_slice %get3A_1892 {offsets = [0], sizes = [1], strides = [1]} : vector<16xi32> to vector<1xi32>
        %squeeze3A_1894 = vector.extract %slice3A_1893[0] : i32 from vector<1xi32>
        %sub3A_1895 = arith.subi %squeeze3A_1894, %mul3A_1889 : i32
        %dma_start3A = arith.constant 0 : i32
        %dma_start3A_1896 = tpu.memref_slice %arg4[%min3A_1871, %mul3A_1889, %dma_start3A] : memref<16x4096x512xf32, #tpu.memory_space<hbm>> -> memref<1x32x512xf32, #tpu.memory_space<hbm>>
        %dma_start3A_1897 = tpu.memref_squeeze %dma_start3A_1896 : memref<1x32x512xf32, #tpu.memory_space<hbm>> -> memref<32x512xf32, #tpu.memory_space<hbm>>
        %dma_start3A_1898 = arith.constant 0 : i32
        %dma_start3A_1899 = tpu.memref_slice %arg4[%min3A_1871, %mul3A_1889, %dma_start3A_1898] : memref<16x4096x512xf32, #tpu.memory_space<hbm>> -> memref<1x32x512xf32, #tpu.memory_space<hbm>>
        %dma_start3A_1900 = tpu.memref_squeeze %dma_start3A_1899 : memref<1x32x512xf32, #tpu.memory_space<hbm>> -> memref<32x512xf32, #tpu.memory_space<hbm>>
        tpu.enqueue_dma source(%arg7 : memref<32x512xf32, #tpu.memory_space<vmem>>) target(%dma_start3A_1900 : memref<32x512xf32, #tpu.memory_space<hbm>>) target_semaphore(%arg16 : memref<!tpu.dma_semaphore, #tpu.memory_space<semaphore_mem>>)
      } else {
      }
      %mul3A_879 = arith.constant 32 : i32
      %mul3A_880 = arith.muli %add3A_623, %mul3A_879 : i32
      %add3A_881 = arith.addi %add3A, %mul3A_880 : i32
      %jit3A_882 = arith.constant 128 : i32
      %div3A_883 = arith.divsi %add3A_881, %jit3A_882 : i32
      %sign3A_884 = arith.constant 0 : i32
      %sign3A_885 = arith.cmpi sgt, %add3A_881, %sign3A_884 : i32
      %sign3A_886 = arith.extui %sign3A_885 : i1 to i32
      %sign3A_887 = arith.constant 0 : i32
      %sign3A_888 = arith.cmpi slt, %add3A_881, %sign3A_887 : i32
      %sign3A_889 = arith.extui %sign3A_888 : i1 to i32
      %sign3A_890 = arith.subi %sign3A_886, %sign3A_889 : i32
      %sign3A_891 = arith.constant 0 : i32
      %sign3A_892 = arith.cmpi sgt, %jit3A_882, %sign3A_891 : i32
      %sign3A_893 = arith.extui %sign3A_892 : i1 to i32
      %sign3A_894 = arith.constant 0 : i32
      %sign3A_895 = arith.cmpi slt, %jit3A_882, %sign3A_894 : i32
      %sign3A_896 = arith.extui %sign3A_895 : i1 to i32
      %sign3A_897 = arith.subi %sign3A_893, %sign3A_896 : i32
      %ne3A_898 = arith.cmpi ne, %sign3A_890, %sign3A_897 : i32
      %rem3A_899 = arith.remsi %add3A_881, %jit3A_882 : i32
      %ne3A_900 = arith.constant 0 : i32
      %ne3A_901 = arith.cmpi ne, %rem3A_899, %ne3A_900 : i32
      %and3A_902 = arith.andi %ne3A_898, %ne3A_901 : i1
      %sub3A_903 = arith.constant 1 : i32
      %sub3A_904 = arith.subi %div3A_883, %sub3A_903 : i32
      %select_n3A_905 = arith.select %and3A_902, %sub3A_904, %div3A_883 : i32
      %jit3A_906 = arith.constant 0 : i32
      %jit3A_907 = arith.constant 15 : i32
      %max3A_908 = arith.maxsi %jit3A_906, %select_n3A_905 : i32
      %min3A_909 = arith.minsi %jit3A_907, %max3A_908 : i32
      %jit3A_910 = arith.constant 128 : i32
      %eq3A_911 = arith.constant 0 : i32
      %eq3A_912 = arith.cmpi eq, %jit3A_910, %eq3A_911 : i32
      %jit3A_913 = arith.constant 1 : i32
      %select_n3A_914 = arith.select %eq3A_912, %jit3A_913, %jit3A_910 : i32
      %rem3A_915 = arith.remsi %add3A_881, %select_n3A_914 : i32
      %ne3A_916 = arith.constant 0 : i32
      %ne3A_917 = arith.cmpi ne, %rem3A_915, %ne3A_916 : i32
      %lt3A_918 = arith.constant 0 : i32
      %lt3A_919 = arith.cmpi slt, %rem3A_915, %lt3A_918 : i32
      %lt3A_920 = arith.constant 0 : i32
      %lt3A_921 = arith.cmpi slt, %select_n3A_914, %lt3A_920 : i32
      %ne3A_922 = arith.xori %lt3A_919, %lt3A_921 : i1
      %and3A_923 = arith.andi %ne3A_922, %ne3A_917 : i1
      %add3A_924 = arith.addi %rem3A_915, %select_n3A_914 : i32
      %select_n3A_925 = arith.select %and3A_923, %add3A_924, %rem3A_915 : i32
      %mul3A_926 = arith.constant 32 : i32
      %mul3A_927 = arith.muli %select_n3A_925, %mul3A_926 : i32
      %get3A_928 = arith.index_cast %min3A_909 : i32 to index
      %get3A_929 = tpu.vector_load %arg5[%get3A_928] {strides = array<i32>} : memref<32xi32, #tpu.memory_space<vmem>>, vector<16xi32>,
      %get3A_930 = vector.shape_cast %get3A_929 : vector<16xi32> to vector<16xi32>
      %slice3A_931 = vector.extract_strided_slice %get3A_930 {offsets = [0], sizes = [1], strides = [1]} : vector<16xi32> to vector<1xi32>
      %squeeze3A_932 = vector.extract %slice3A_931[0] : i32 from vector<1xi32>
      %sub3A_933 = arith.subi %squeeze3A_932, %mul3A_927 : i32
      %le3A_934 = arith.constant 0 : i32
      %le3A_935 = arith.cmpi sle, %sub3A_933, %le3A_934 : i32
      %convert_element_type3A_936 = arith.extui %le3A_935 : i1 to i32
      %cond3A_937 = arith.constant 0 : i32
      %cond3A_938 = arith.cmpi ne, %convert_element_type3A_936, %cond3A_937 : i32
      scf.if %cond3A_938 {
        %mul3A_1772 = arith.constant 32 : i32
        %mul3A_1773 = arith.muli %add3A_623, %mul3A_1772 : i32
        %add3A_1774 = arith.addi %add3A, %mul3A_1773 : i32
        %jit3A_1775 = arith.constant 128 : i32
        %div3A_1776 = arith.divsi %add3A_1774, %jit3A_1775 : i32
        %sign3A_1777 = arith.constant 0 : i32
        %sign3A_1778 = arith.cmpi sgt, %add3A_1774, %sign3A_1777 : i32
        %sign3A_1779 = arith.extui %sign3A_1778 : i1 to i32
        %sign3A_1780 = arith.constant 0 : i32
        %sign3A_1781 = arith.cmpi slt, %add3A_1774, %sign3A_1780 : i32
        %sign3A_1782 = arith.extui %sign3A_1781 : i1 to i32
        %sign3A_1783 = arith.subi %sign3A_1779, %sign3A_1782 : i32
        %sign3A_1784 = arith.constant 0 : i32
        %sign3A_1785 = arith.cmpi sgt, %jit3A_1775, %sign3A_1784 : i32
        %sign3A_1786 = arith.extui %sign3A_1785 : i1 to i32
        %sign3A_1787 = arith.constant 0 : i32
        %sign3A_1788 = arith.cmpi slt, %jit3A_1775, %sign3A_1787 : i32
        %sign3A_1789 = arith.extui %sign3A_1788 : i1 to i32
        %sign3A_1790 = arith.subi %sign3A_1786, %sign3A_1789 : i32
        %ne3A_1791 = arith.cmpi ne, %sign3A_1783, %sign3A_1790 : i32
        %rem3A_1792 = arith.remsi %add3A_1774, %jit3A_1775 : i32
        %ne3A_1793 = arith.constant 0 : i32
        %ne3A_1794 = arith.cmpi ne, %rem3A_1792, %ne3A_1793 : i32
        %and3A_1795 = arith.andi %ne3A_1791, %ne3A_1794 : i1
        %sub3A_1796 = arith.constant 1 : i32
        %sub3A_1797 = arith.subi %div3A_1776, %sub3A_1796 : i32
        %select_n3A_1798 = arith.select %and3A_1795, %sub3A_1797, %div3A_1776 : i32
        %jit3A_1799 = arith.constant 0 : i32
        %jit3A_1800 = arith.constant 15 : i32
        %max3A_1801 = arith.maxsi %jit3A_1799, %select_n3A_1798 : i32
        %min3A_1802 = arith.minsi %jit3A_1800, %max3A_1801 : i32
        %jit3A_1803 = arith.constant 128 : i32
        %eq3A_1804 = arith.constant 0 : i32
        %eq3A_1805 = arith.cmpi eq, %jit3A_1803, %eq3A_1804 : i32
        %jit3A_1806 = arith.constant 1 : i32
        %select_n3A_1807 = arith.select %eq3A_1805, %jit3A_1806, %jit3A_1803 : i32
        %rem3A_1808 = arith.remsi %add3A_1774, %select_n3A_1807 : i32
        %ne3A_1809 = arith.constant 0 : i32
        %ne3A_1810 = arith.cmpi ne, %rem3A_1808, %ne3A_1809 : i32
        %lt3A_1811 = arith.constant 0 : i32
        %lt3A_1812 = arith.cmpi slt, %rem3A_1808, %lt3A_1811 : i32
        %lt3A_1813 = arith.constant 0 : i32
        %lt3A_1814 = arith.cmpi slt, %select_n3A_1807, %lt3A_1813 : i32
        %ne3A_1815 = arith.xori %lt3A_1812, %lt3A_1814 : i1
        %and3A_1816 = arith.andi %ne3A_1815, %ne3A_1810 : i1
        %add3A_1817 = arith.addi %rem3A_1808, %select_n3A_1807 : i32
        %select_n3A_1818 = arith.select %and3A_1816, %add3A_1817, %rem3A_1808 : i32
        %mul3A_1819 = arith.constant 32 : i32
        %mul3A_1820 = arith.muli %select_n3A_1818, %mul3A_1819 : i32
        %get3A_1821 = arith.index_cast %min3A_1802 : i32 to index
        %get3A_1822 = tpu.vector_load %arg5[%get3A_1821] {strides = array<i32>} : memref<32xi32, #tpu.memory_space<vmem>>, vector<16xi32>,
        %get3A_1823 = vector.shape_cast %get3A_1822 : vector<16xi32> to vector<16xi32>
        %slice3A_1824 = vector.extract_strided_slice %get3A_1823 {offsets = [0], sizes = [1], strides = [1]} : vector<16xi32> to vector<1xi32>
        %squeeze3A_1825 = vector.extract %slice3A_1824[0] : i32 from vector<1xi32>
        %sub3A_1826 = arith.subi %squeeze3A_1825, %mul3A_1820 : i32
        %dma_start3A = arith.constant 0 : i32
        %dma_start3A_1827 = tpu.memref_slice %arg4[%min3A_1802, %mul3A_1820, %dma_start3A] : memref<16x4096x512xf32, #tpu.memory_space<hbm>> -> memref<1x32x512xf32, #tpu.memory_space<hbm>>
        %dma_start3A_1828 = tpu.memref_squeeze %dma_start3A_1827 : memref<1x32x512xf32, #tpu.memory_space<hbm>> -> memref<32x512xf32, #tpu.memory_space<hbm>>
        %dma_start3A_1829 = arith.constant 0 : i32
        %dma_start3A_1830 = tpu.memref_slice %arg4[%min3A_1802, %mul3A_1820, %dma_start3A_1829] : memref<16x4096x512xf32, #tpu.memory_space<hbm>> -> memref<1x32x512xf32, #tpu.memory_space<hbm>>
        %dma_start3A_1831 = tpu.memref_squeeze %dma_start3A_1830 : memref<1x32x512xf32, #tpu.memory_space<hbm>> -> memref<32x512xf32, #tpu.memory_space<hbm>>
        tpu.enqueue_dma source(%arg10 : memref<32x512xf32, #tpu.memory_space<vmem>>) target(%dma_start3A_1831 : memref<32x512xf32, #tpu.memory_space<hbm>>) target_semaphore(%arg19 : memref<!tpu.dma_semaphore, #tpu.memory_space<semaphore_mem>>)
      } else {
      }
      %ge3A_939 = arith.constant 32 : i32
      %ge3A_940 = arith.cmpi sge, %add3A_623, %ge3A_939 : i32
      %sub3A_941 = arith.constant 32 : i32
      %sub3A_942 = arith.subi %add3A_623, %sub3A_941 : i32
      %mul3A_943 = arith.constant 32 : i32
      %mul3A_944 = arith.muli %sub3A_942, %mul3A_943 : i32
      %add3A_945 = arith.addi %add3A, %mul3A_944 : i32
      %jit3A_946 = arith.constant 128 : i32
      %div3A_947 = arith.divsi %add3A_945, %jit3A_946 : i32
      %sign3A_948 = arith.constant 0 : i32
      %sign3A_949 = arith.cmpi sgt, %add3A_945, %sign3A_948 : i32
      %sign3A_950 = arith.extui %sign3A_949 : i1 to i32
      %sign3A_951 = arith.constant 0 : i32
      %sign3A_952 = arith.cmpi slt, %add3A_945, %sign3A_951 : i32
      %sign3A_953 = arith.extui %sign3A_952 : i1 to i32
      %sign3A_954 = arith.subi %sign3A_950, %sign3A_953 : i32
      %sign3A_955 = arith.constant 0 : i32
      %sign3A_956 = arith.cmpi sgt, %jit3A_946, %sign3A_955 : i32
      %sign3A_957 = arith.extui %sign3A_956 : i1 to i32
      %sign3A_958 = arith.constant 0 : i32
      %sign3A_959 = arith.cmpi slt, %jit3A_946, %sign3A_958 : i32
      %sign3A_960 = arith.extui %sign3A_959 : i1 to i32
      %sign3A_961 = arith.subi %sign3A_957, %sign3A_960 : i32
      %ne3A_962 = arith.cmpi ne, %sign3A_954, %sign3A_961 : i32
      %rem3A_963 = arith.remsi %add3A_945, %jit3A_946 : i32
      %ne3A_964 = arith.constant 0 : i32
      %ne3A_965 = arith.cmpi ne, %rem3A_963, %ne3A_964 : i32
      %and3A_966 = arith.andi %ne3A_962, %ne3A_965 : i1
      %sub3A_967 = arith.constant 1 : i32
      %sub3A_968 = arith.subi %div3A_947, %sub3A_967 : i32
      %select_n3A_969 = arith.select %and3A_966, %sub3A_968, %div3A_947 : i32
      %jit3A_970 = arith.constant 0 : i32
      %jit3A_971 = arith.constant 15 : i32
      %max3A_972 = arith.maxsi %jit3A_970, %select_n3A_969 : i32
      %min3A_973 = arith.minsi %jit3A_971, %max3A_972 : i32
      %jit3A_974 = arith.constant 128 : i32
      %eq3A_975 = arith.constant 0 : i32
      %eq3A_976 = arith.cmpi eq, %jit3A_974, %eq3A_975 : i32
      %jit3A_977 = arith.constant 1 : i32
      %select_n3A_978 = arith.select %eq3A_976, %jit3A_977, %jit3A_974 : i32
      %rem3A_979 = arith.remsi %add3A_945, %select_n3A_978 : i32
      %ne3A_980 = arith.constant 0 : i32
      %ne3A_981 = arith.cmpi ne, %rem3A_979, %ne3A_980 : i32
      %lt3A_982 = arith.constant 0 : i32
      %lt3A_983 = arith.cmpi slt, %rem3A_979, %lt3A_982 : i32
      %lt3A_984 = arith.constant 0 : i32
      %lt3A_985 = arith.cmpi slt, %select_n3A_978, %lt3A_984 : i32
      %ne3A_986 = arith.xori %lt3A_983, %lt3A_985 : i1
      %and3A_987 = arith.andi %ne3A_986, %ne3A_981 : i1
      %add3A_988 = arith.addi %rem3A_979, %select_n3A_978 : i32
      %select_n3A_989 = arith.select %and3A_987, %add3A_988, %rem3A_979 : i32
      %mul3A_990 = arith.constant 32 : i32
      %mul3A_991 = arith.muli %select_n3A_989, %mul3A_990 : i32
      %get3A_992 = arith.index_cast %min3A_973 : i32 to index
      %get3A_993 = tpu.vector_load %arg5[%get3A_992] {strides = array<i32>} : memref<32xi32, #tpu.memory_space<vmem>>, vector<16xi32>,
      %get3A_994 = vector.shape_cast %get3A_993 : vector<16xi32> to vector<16xi32>
      %slice3A_995 = vector.extract_strided_slice %get3A_994 {offsets = [0], sizes = [1], strides = [1]} : vector<16xi32> to vector<1xi32>
      %squeeze3A_996 = vector.extract %slice3A_995[0] : i32 from vector<1xi32>
      %sub3A_997 = arith.subi %squeeze3A_996, %mul3A_991 : i32
      %le3A_998 = arith.constant 0 : i32
      %le3A_999 = arith.cmpi sle, %sub3A_997, %le3A_998 : i32
      %and3A_1000 = arith.andi %ge3A_940, %le3A_999 : i1
      %convert_element_type3A_1001 = arith.extui %and3A_1000 : i1 to i32
      %cond3A_1002 = arith.constant 0 : i32
      %cond3A_1003 = arith.cmpi ne, %convert_element_type3A_1001, %cond3A_1002 : i32
      scf.if %cond3A_1003 {
        %sub3A_1772 = arith.constant 32 : i32
        %sub3A_1773 = arith.subi %add3A_623, %sub3A_1772 : i32
        %mul3A_1774 = arith.constant 32 : i32
        %mul3A_1775 = arith.muli %sub3A_1773, %mul3A_1774 : i32
        %add3A_1776 = arith.addi %add3A, %mul3A_1775 : i32
        %jit3A_1777 = arith.constant 128 : i32
        %div3A_1778 = arith.divsi %add3A_1776, %jit3A_1777 : i32
        %sign3A_1779 = arith.constant 0 : i32
        %sign3A_1780 = arith.cmpi sgt, %add3A_1776, %sign3A_1779 : i32
        %sign3A_1781 = arith.extui %sign3A_1780 : i1 to i32
        %sign3A_1782 = arith.constant 0 : i32
        %sign3A_1783 = arith.cmpi slt, %add3A_1776, %sign3A_1782 : i32
        %sign3A_1784 = arith.extui %sign3A_1783 : i1 to i32
        %sign3A_1785 = arith.subi %sign3A_1781, %sign3A_1784 : i32
        %sign3A_1786 = arith.constant 0 : i32
        %sign3A_1787 = arith.cmpi sgt, %jit3A_1777, %sign3A_1786 : i32
        %sign3A_1788 = arith.extui %sign3A_1787 : i1 to i32
        %sign3A_1789 = arith.constant 0 : i32
        %sign3A_1790 = arith.cmpi slt, %jit3A_1777, %sign3A_1789 : i32
        %sign3A_1791 = arith.extui %sign3A_1790 : i1 to i32
        %sign3A_1792 = arith.subi %sign3A_1788, %sign3A_1791 : i32
        %ne3A_1793 = arith.cmpi ne, %sign3A_1785, %sign3A_1792 : i32
        %rem3A_1794 = arith.remsi %add3A_1776, %jit3A_1777 : i32
        %ne3A_1795 = arith.constant 0 : i32
        %ne3A_1796 = arith.cmpi ne, %rem3A_1794, %ne3A_1795 : i32
        %and3A_1797 = arith.andi %ne3A_1793, %ne3A_1796 : i1
        %sub3A_1798 = arith.constant 1 : i32
        %sub3A_1799 = arith.subi %div3A_1778, %sub3A_1798 : i32
        %select_n3A_1800 = arith.select %and3A_1797, %sub3A_1799, %div3A_1778 : i32
        %jit3A_1801 = arith.constant 0 : i32
        %jit3A_1802 = arith.constant 15 : i32
        %max3A_1803 = arith.maxsi %jit3A_1801, %select_n3A_1800 : i32
        %min3A_1804 = arith.minsi %jit3A_1802, %max3A_1803 : i32
        %jit3A_1805 = arith.constant 128 : i32
        %eq3A_1806 = arith.constant 0 : i32
        %eq3A_1807 = arith.cmpi eq, %jit3A_1805, %eq3A_1806 : i32
        %jit3A_1808 = arith.constant 1 : i32
        %select_n3A_1809 = arith.select %eq3A_1807, %jit3A_1808, %jit3A_1805 : i32
        %rem3A_1810 = arith.remsi %add3A_1776, %select_n3A_1809 : i32
        %ne3A_1811 = arith.constant 0 : i32
        %ne3A_1812 = arith.cmpi ne, %rem3A_1810, %ne3A_1811 : i32
        %lt3A_1813 = arith.constant 0 : i32
        %lt3A_1814 = arith.cmpi slt, %rem3A_1810, %lt3A_1813 : i32
        %lt3A_1815 = arith.constant 0 : i32
        %lt3A_1816 = arith.cmpi slt, %select_n3A_1809, %lt3A_1815 : i32
        %ne3A_1817 = arith.xori %lt3A_1814, %lt3A_1816 : i1
        %and3A_1818 = arith.andi %ne3A_1817, %ne3A_1812 : i1
        %add3A_1819 = arith.addi %rem3A_1810, %select_n3A_1809 : i32
        %select_n3A_1820 = arith.select %and3A_1818, %add3A_1819, %rem3A_1810 : i32
        %mul3A_1821 = arith.constant 32 : i32
        %mul3A_1822 = arith.muli %select_n3A_1820, %mul3A_1821 : i32
        %get3A_1823 = arith.index_cast %min3A_1804 : i32 to index
        %get3A_1824 = tpu.vector_load %arg5[%get3A_1823] {strides = array<i32>} : memref<32xi32, #tpu.memory_space<vmem>>, vector<16xi32>,
        %get3A_1825 = vector.shape_cast %get3A_1824 : vector<16xi32> to vector<16xi32>
        %slice3A_1826 = vector.extract_strided_slice %get3A_1825 {offsets = [0], sizes = [1], strides = [1]} : vector<16xi32> to vector<1xi32>
        %squeeze3A_1827 = vector.extract %slice3A_1826[0] : i32 from vector<1xi32>
        %sub3A_1828 = arith.subi %squeeze3A_1827, %mul3A_1822 : i32
        %dma_wait3A = arith.constant 0 : i32
        %dma_wait3A_1829 = tpu.memref_slice %arg4[%min3A_1804, %mul3A_1822, %dma_wait3A] : memref<16x4096x512xf32, #tpu.memory_space<hbm>> -> memref<1x32x512xf32, #tpu.memory_space<hbm>>
        %dma_wait3A_1830 = tpu.memref_squeeze %dma_wait3A_1829 : memref<1x32x512xf32, #tpu.memory_space<hbm>> -> memref<32x512xf32, #tpu.memory_space<hbm>>
        %dma_wait3A_1831 = arith.constant 0 : i32
        %dma_wait3A_1832 = tpu.memref_slice %arg4[%min3A_1804, %mul3A_1822, %dma_wait3A_1831] : memref<16x4096x512xf32, #tpu.memory_space<hbm>> -> memref<1x32x512xf32, #tpu.memory_space<hbm>>
        %dma_wait3A_1833 = tpu.memref_squeeze %dma_wait3A_1832 : memref<1x32x512xf32, #tpu.memory_space<hbm>> -> memref<32x512xf32, #tpu.memory_space<hbm>>
        tpu.wait_dma2 semaphore(%arg19 : memref<!tpu.dma_semaphore, #tpu.memory_space<semaphore_mem>>) src(%arg10 : memref<32x512xf32, #tpu.memory_space<vmem>>) dst(%dma_wait3A_1833 : memref<32x512xf32, #tpu.memory_space<hbm>>)
      } else {
      }
      %mul3A_1004 = arith.constant 4 : i32
      %mul3A_1005 = arith.muli %scan3A_237, %mul3A_1004 : i32
      %add3A_1006 = arith.constant 2 : i32
      %add3A_1007 = arith.addi %mul3A_1005, %add3A_1006 : i32
      %ge3A_1008 = arith.constant 2 : i32
      %ge3A_1009 = arith.cmpi sge, %add3A_1007, %ge3A_1008 : i32
      %sub3A_1010 = arith.constant 2 : i32
      %sub3A_1011 = arith.subi %add3A_1007, %sub3A_1010 : i32
      %mul3A_1012 = arith.constant 32 : i32
      %mul3A_1013 = arith.muli %sub3A_1011, %mul3A_1012 : i32
      %add3A_1014 = arith.addi %add3A, %mul3A_1013 : i32
      %jit3A_1015 = arith.constant 128 : i32
      %div3A_1016 = arith.divsi %add3A_1014, %jit3A_1015 : i32
      %sign3A_1017 = arith.constant 0 : i32
      %sign3A_1018 = arith.cmpi sgt, %add3A_1014, %sign3A_1017 : i32
      %sign3A_1019 = arith.extui %sign3A_1018 : i1 to i32
      %sign3A_1020 = arith.constant 0 : i32
      %sign3A_1021 = arith.cmpi slt, %add3A_1014, %sign3A_1020 : i32
      %sign3A_1022 = arith.extui %sign3A_1021 : i1 to i32
      %sign3A_1023 = arith.subi %sign3A_1019, %sign3A_1022 : i32
      %sign3A_1024 = arith.constant 0 : i32
      %sign3A_1025 = arith.cmpi sgt, %jit3A_1015, %sign3A_1024 : i32
      %sign3A_1026 = arith.extui %sign3A_1025 : i1 to i32
      %sign3A_1027 = arith.constant 0 : i32
      %sign3A_1028 = arith.cmpi slt, %jit3A_1015, %sign3A_1027 : i32
      %sign3A_1029 = arith.extui %sign3A_1028 : i1 to i32
      %sign3A_1030 = arith.subi %sign3A_1026, %sign3A_1029 : i32
      %ne3A_1031 = arith.cmpi ne, %sign3A_1023, %sign3A_1030 : i32
      %rem3A_1032 = arith.remsi %add3A_1014, %jit3A_1015 : i32
      %ne3A_1033 = arith.constant 0 : i32
      %ne3A_1034 = arith.cmpi ne, %rem3A_1032, %ne3A_1033 : i32
      %and3A_1035 = arith.andi %ne3A_1031, %ne3A_1034 : i1
      %sub3A_1036 = arith.constant 1 : i32
      %sub3A_1037 = arith.subi %div3A_1016, %sub3A_1036 : i32
      %select_n3A_1038 = arith.select %and3A_1035, %sub3A_1037, %div3A_1016 : i32
      %jit3A_1039 = arith.constant 0 : i32
      %jit3A_1040 = arith.constant 15 : i32
      %max3A_1041 = arith.maxsi %jit3A_1039, %select_n3A_1038 : i32
      %min3A_1042 = arith.minsi %jit3A_1040, %max3A_1041 : i32
      %jit3A_1043 = arith.constant 128 : i32
      %eq3A_1044 = arith.constant 0 : i32
      %eq3A_1045 = arith.cmpi eq, %jit3A_1043, %eq3A_1044 : i32
      %jit3A_1046 = arith.constant 1 : i32
      %select_n3A_1047 = arith.select %eq3A_1045, %jit3A_1046, %jit3A_1043 : i32
      %rem3A_1048 = arith.remsi %add3A_1014, %select_n3A_1047 : i32
      %ne3A_1049 = arith.constant 0 : i32
      %ne3A_1050 = arith.cmpi ne, %rem3A_1048, %ne3A_1049 : i32
      %lt3A_1051 = arith.constant 0 : i32
      %lt3A_1052 = arith.cmpi slt, %rem3A_1048, %lt3A_1051 : i32
      %lt3A_1053 = arith.constant 0 : i32
      %lt3A_1054 = arith.cmpi slt, %select_n3A_1047, %lt3A_1053 : i32
      %ne3A_1055 = arith.xori %lt3A_1052, %lt3A_1054 : i1
      %and3A_1056 = arith.andi %ne3A_1055, %ne3A_1050 : i1
      %add3A_1057 = arith.addi %rem3A_1048, %select_n3A_1047 : i32
      %select_n3A_1058 = arith.select %and3A_1056, %add3A_1057, %rem3A_1048 : i32
      %mul3A_1059 = arith.constant 32 : i32
      %mul3A_1060 = arith.muli %select_n3A_1058, %mul3A_1059 : i32
      %get3A_1061 = arith.index_cast %min3A_1042 : i32 to index
      %get3A_1062 = tpu.vector_load %arg5[%get3A_1061] {strides = array<i32>} : memref<32xi32, #tpu.memory_space<vmem>>, vector<16xi32>,
      %get3A_1063 = vector.shape_cast %get3A_1062 : vector<16xi32> to vector<16xi32>
      %slice3A_1064 = vector.extract_strided_slice %get3A_1063 {offsets = [0], sizes = [1], strides = [1]} : vector<16xi32> to vector<1xi32>
      %squeeze3A_1065 = vector.extract %slice3A_1064[0] : i32 from vector<1xi32>
      %sub3A_1066 = arith.subi %squeeze3A_1065, %mul3A_1060 : i32
      %gt3A_1067 = arith.constant 0 : i32
      %gt3A_1068 = arith.cmpi sgt, %sub3A_1066, %gt3A_1067 : i32
      %and3A_1069 = arith.andi %ge3A_1009, %gt3A_1068 : i1
      %convert_element_type3A_1070 = arith.extui %and3A_1069 : i1 to i32
      %cond3A_1071 = arith.constant 0 : i32
      %cond3A_1072 = arith.cmpi ne, %convert_element_type3A_1070, %cond3A_1071 : i32
      scf.if %cond3A_1072 {
        %sub3A_1772 = arith.constant 2 : i32
        %sub3A_1773 = arith.subi %add3A_1007, %sub3A_1772 : i32
        %mul3A_1774 = arith.constant 32 : i32
        %mul3A_1775 = arith.muli %sub3A_1773, %mul3A_1774 : i32
        %add3A_1776 = arith.addi %add3A, %mul3A_1775 : i32
        %jit3A_1777 = arith.constant 128 : i32
        %div3A_1778 = arith.divsi %add3A_1776, %jit3A_1777 : i32
        %sign3A_1779 = arith.constant 0 : i32
        %sign3A_1780 = arith.cmpi sgt, %add3A_1776, %sign3A_1779 : i32
        %sign3A_1781 = arith.extui %sign3A_1780 : i1 to i32
        %sign3A_1782 = arith.constant 0 : i32
        %sign3A_1783 = arith.cmpi slt, %add3A_1776, %sign3A_1782 : i32
        %sign3A_1784 = arith.extui %sign3A_1783 : i1 to i32
        %sign3A_1785 = arith.subi %sign3A_1781, %sign3A_1784 : i32
        %sign3A_1786 = arith.constant 0 : i32
        %sign3A_1787 = arith.cmpi sgt, %jit3A_1777, %sign3A_1786 : i32
        %sign3A_1788 = arith.extui %sign3A_1787 : i1 to i32
        %sign3A_1789 = arith.constant 0 : i32
        %sign3A_1790 = arith.cmpi slt, %jit3A_1777, %sign3A_1789 : i32
        %sign3A_1791 = arith.extui %sign3A_1790 : i1 to i32
        %sign3A_1792 = arith.subi %sign3A_1788, %sign3A_1791 : i32
        %ne3A_1793 = arith.cmpi ne, %sign3A_1785, %sign3A_1792 : i32
        %rem3A_1794 = arith.remsi %add3A_1776, %jit3A_1777 : i32
        %ne3A_1795 = arith.constant 0 : i32
        %ne3A_1796 = arith.cmpi ne, %rem3A_1794, %ne3A_1795 : i32
        %and3A_1797 = arith.andi %ne3A_1793, %ne3A_1796 : i1
        %sub3A_1798 = arith.constant 1 : i32
        %sub3A_1799 = arith.subi %div3A_1778, %sub3A_1798 : i32
        %select_n3A_1800 = arith.select %and3A_1797, %sub3A_1799, %div3A_1778 : i32
        %jit3A_1801 = arith.constant 0 : i32
        %jit3A_1802 = arith.constant 15 : i32
        %max3A_1803 = arith.maxsi %jit3A_1801, %select_n3A_1800 : i32
        %min3A_1804 = arith.minsi %jit3A_1802, %max3A_1803 : i32
        %jit3A_1805 = arith.constant 128 : i32
        %eq3A_1806 = arith.constant 0 : i32
        %eq3A_1807 = arith.cmpi eq, %jit3A_1805, %eq3A_1806 : i32
        %jit3A_1808 = arith.constant 1 : i32
        %select_n3A_1809 = arith.select %eq3A_1807, %jit3A_1808, %jit3A_1805 : i32
        %rem3A_1810 = arith.remsi %add3A_1776, %select_n3A_1809 : i32
        %ne3A_1811 = arith.constant 0 : i32
        %ne3A_1812 = arith.cmpi ne, %rem3A_1810, %ne3A_1811 : i32
        %lt3A_1813 = arith.constant 0 : i32
        %lt3A_1814 = arith.cmpi slt, %rem3A_1810, %lt3A_1813 : i32
        %lt3A_1815 = arith.constant 0 : i32
        %lt3A_1816 = arith.cmpi slt, %select_n3A_1809, %lt3A_1815 : i32
        %ne3A_1817 = arith.xori %lt3A_1814, %lt3A_1816 : i1
        %and3A_1818 = arith.andi %ne3A_1817, %ne3A_1812 : i1
        %add3A_1819 = arith.addi %rem3A_1810, %select_n3A_1809 : i32
        %select_n3A_1820 = arith.select %and3A_1818, %add3A_1819, %rem3A_1810 : i32
        %mul3A_1821 = arith.constant 32 : i32
        %mul3A_1822 = arith.muli %select_n3A_1820, %mul3A_1821 : i32
        %get3A_1823 = arith.index_cast %min3A_1804 : i32 to index
        %get3A_1824 = tpu.vector_load %arg5[%get3A_1823] {strides = array<i32>} : memref<32xi32, #tpu.memory_space<vmem>>, vector<16xi32>,
        %get3A_1825 = vector.shape_cast %get3A_1824 : vector<16xi32> to vector<16xi32>
        %slice3A_1826 = vector.extract_strided_slice %get3A_1825 {offsets = [0], sizes = [1], strides = [1]} : vector<16xi32> to vector<1xi32>
        %squeeze3A_1827 = vector.extract %slice3A_1826[0] : i32 from vector<1xi32>
        %sub3A_1828 = arith.subi %squeeze3A_1827, %mul3A_1822 : i32
        %dma_wait3A = arith.constant 0 : i32
        %dma_wait3A_1829 = tpu.memref_slice %arg4[%min3A_1804, %mul3A_1822, %dma_wait3A] : memref<16x4096x512xf32, #tpu.memory_space<hbm>> -> memref<1x32x512xf32, #tpu.memory_space<hbm>>
        %dma_wait3A_1830 = tpu.memref_squeeze %dma_wait3A_1829 : memref<1x32x512xf32, #tpu.memory_space<hbm>> -> memref<32x512xf32, #tpu.memory_space<hbm>>
        %dma_wait3A_1831 = arith.constant 0 : i32
        %dma_wait3A_1832 = tpu.memref_slice %arg4[%min3A_1804, %mul3A_1822, %dma_wait3A_1831] : memref<16x4096x512xf32, #tpu.memory_space<hbm>> -> memref<1x32x512xf32, #tpu.memory_space<hbm>>
        %dma_wait3A_1833 = tpu.memref_squeeze %dma_wait3A_1832 : memref<1x32x512xf32, #tpu.memory_space<hbm>> -> memref<32x512xf32, #tpu.memory_space<hbm>>
        tpu.wait_dma2 semaphore(%arg15 : memref<!tpu.dma_semaphore, #tpu.memory_space<semaphore_mem>>) src(%arg6 : memref<32x512xf32, #tpu.memory_space<vmem>>) dst(%dma_wait3A_1833 : memref<32x512xf32, #tpu.memory_space<hbm>>)
      } else {
      }
      %add3A_1073 = arith.constant 2 : i32
      %add3A_1074 = arith.addi %add3A_1007, %add3A_1073 : i32
      %lt3A_1075 = arith.constant 64 : i32
      %lt3A_1076 = arith.cmpi slt, %add3A_1074, %lt3A_1075 : i32
      %add3A_1077 = arith.constant 2 : i32
      %add3A_1078 = arith.addi %add3A_1007, %add3A_1077 : i32
      %mul3A_1079 = arith.constant 32 : i32
      %mul3A_1080 = arith.muli %add3A_1078, %mul3A_1079 : i32
      %add3A_1081 = arith.addi %add3A, %mul3A_1080 : i32
      %jit3A_1082 = arith.constant 128 : i32
      %div3A_1083 = arith.divsi %add3A_1081, %jit3A_1082 : i32
      %sign3A_1084 = arith.constant 0 : i32
      %sign3A_1085 = arith.cmpi sgt, %add3A_1081, %sign3A_1084 : i32
      %sign3A_1086 = arith.extui %sign3A_1085 : i1 to i32
      %sign3A_1087 = arith.constant 0 : i32
      %sign3A_1088 = arith.cmpi slt, %add3A_1081, %sign3A_1087 : i32
      %sign3A_1089 = arith.extui %sign3A_1088 : i1 to i32
      %sign3A_1090 = arith.subi %sign3A_1086, %sign3A_1089 : i32
      %sign3A_1091 = arith.constant 0 : i32
      %sign3A_1092 = arith.cmpi sgt, %jit3A_1082, %sign3A_1091 : i32
      %sign3A_1093 = arith.extui %sign3A_1092 : i1 to i32
      %sign3A_1094 = arith.constant 0 : i32
      %sign3A_1095 = arith.cmpi slt, %jit3A_1082, %sign3A_1094 : i32
      %sign3A_1096 = arith.extui %sign3A_1095 : i1 to i32
      %sign3A_1097 = arith.subi %sign3A_1093, %sign3A_1096 : i32
      %ne3A_1098 = arith.cmpi ne, %sign3A_1090, %sign3A_1097 : i32
      %rem3A_1099 = arith.remsi %add3A_1081, %jit3A_1082 : i32
      %ne3A_1100 = arith.constant 0 : i32
      %ne3A_1101 = arith.cmpi ne, %rem3A_1099, %ne3A_1100 : i32
      %and3A_1102 = arith.andi %ne3A_1098, %ne3A_1101 : i1
      %sub3A_1103 = arith.constant 1 : i32
      %sub3A_1104 = arith.subi %div3A_1083, %sub3A_1103 : i32
      %select_n3A_1105 = arith.select %and3A_1102, %sub3A_1104, %div3A_1083 : i32
      %jit3A_1106 = arith.constant 0 : i32
      %jit3A_1107 = arith.constant 15 : i32
      %max3A_1108 = arith.maxsi %jit3A_1106, %select_n3A_1105 : i32
      %min3A_1109 = arith.minsi %jit3A_1107, %max3A_1108 : i32
      %jit3A_1110 = arith.constant 128 : i32
      %eq3A_1111 = arith.constant 0 : i32
      %eq3A_1112 = arith.cmpi eq, %jit3A_1110, %eq3A_1111 : i32
      %jit3A_1113 = arith.constant 1 : i32
      %select_n3A_1114 = arith.select %eq3A_1112, %jit3A_1113, %jit3A_1110 : i32
      %rem3A_1115 = arith.remsi %add3A_1081, %select_n3A_1114 : i32
      %ne3A_1116 = arith.constant 0 : i32
      %ne3A_1117 = arith.cmpi ne, %rem3A_1115, %ne3A_1116 : i32
      %lt3A_1118 = arith.constant 0 : i32
      %lt3A_1119 = arith.cmpi slt, %rem3A_1115, %lt3A_1118 : i32
      %lt3A_1120 = arith.constant 0 : i32
      %lt3A_1121 = arith.cmpi slt, %select_n3A_1114, %lt3A_1120 : i32
      %ne3A_1122 = arith.xori %lt3A_1119, %lt3A_1121 : i1
      %and3A_1123 = arith.andi %ne3A_1122, %ne3A_1117 : i1
      %add3A_1124 = arith.addi %rem3A_1115, %select_n3A_1114 : i32
      %select_n3A_1125 = arith.select %and3A_1123, %add3A_1124, %rem3A_1115 : i32
      %mul3A_1126 = arith.constant 32 : i32
      %mul3A_1127 = arith.muli %select_n3A_1125, %mul3A_1126 : i32
      %get3A_1128 = arith.index_cast %min3A_1109 : i32 to index
      %get3A_1129 = tpu.vector_load %arg5[%get3A_1128] {strides = array<i32>} : memref<32xi32, #tpu.memory_space<vmem>>, vector<16xi32>,
      %get3A_1130 = vector.shape_cast %get3A_1129 : vector<16xi32> to vector<16xi32>
      %slice3A_1131 = vector.extract_strided_slice %get3A_1130 {offsets = [0], sizes = [1], strides = [1]} : vector<16xi32> to vector<1xi32>
      %squeeze3A_1132 = vector.extract %slice3A_1131[0] : i32 from vector<1xi32>
      %sub3A_1133 = arith.subi %squeeze3A_1132, %mul3A_1127 : i32
      %gt3A_1134 = arith.constant 0 : i32
      %gt3A_1135 = arith.cmpi sgt, %sub3A_1133, %gt3A_1134 : i32
      %and3A_1136 = arith.andi %lt3A_1076, %gt3A_1135 : i1
      %convert_element_type3A_1137 = arith.extui %and3A_1136 : i1 to i32
      %cond3A_1138 = arith.constant 0 : i32
      %cond3A_1139 = arith.cmpi ne, %convert_element_type3A_1137, %cond3A_1138 : i32
      scf.if %cond3A_1139 {
        %add3A_1772 = arith.constant 2 : i32
        %add3A_1773 = arith.addi %add3A_1007, %add3A_1772 : i32
        %mul3A_1774 = arith.constant 32 : i32
        %mul3A_1775 = arith.muli %add3A_1773, %mul3A_1774 : i32
        %add3A_1776 = arith.addi %add3A, %mul3A_1775 : i32
        %jit3A_1777 = arith.constant 128 : i32
        %div3A_1778 = arith.divsi %add3A_1776, %jit3A_1777 : i32
        %sign3A_1779 = arith.constant 0 : i32
        %sign3A_1780 = arith.cmpi sgt, %add3A_1776, %sign3A_1779 : i32
        %sign3A_1781 = arith.extui %sign3A_1780 : i1 to i32
        %sign3A_1782 = arith.constant 0 : i32
        %sign3A_1783 = arith.cmpi slt, %add3A_1776, %sign3A_1782 : i32
        %sign3A_1784 = arith.extui %sign3A_1783 : i1 to i32
        %sign3A_1785 = arith.subi %sign3A_1781, %sign3A_1784 : i32
        %sign3A_1786 = arith.constant 0 : i32
        %sign3A_1787 = arith.cmpi sgt, %jit3A_1777, %sign3A_1786 : i32
        %sign3A_1788 = arith.extui %sign3A_1787 : i1 to i32
        %sign3A_1789 = arith.constant 0 : i32
        %sign3A_1790 = arith.cmpi slt, %jit3A_1777, %sign3A_1789 : i32
        %sign3A_1791 = arith.extui %sign3A_1790 : i1 to i32
        %sign3A_1792 = arith.subi %sign3A_1788, %sign3A_1791 : i32
        %ne3A_1793 = arith.cmpi ne, %sign3A_1785, %sign3A_1792 : i32
        %rem3A_1794 = arith.remsi %add3A_1776, %jit3A_1777 : i32
        %ne3A_1795 = arith.constant 0 : i32
        %ne3A_1796 = arith.cmpi ne, %rem3A_1794, %ne3A_1795 : i32
        %and3A_1797 = arith.andi %ne3A_1793, %ne3A_1796 : i1
        %sub3A_1798 = arith.constant 1 : i32
        %sub3A_1799 = arith.subi %div3A_1778, %sub3A_1798 : i32
        %select_n3A_1800 = arith.select %and3A_1797, %sub3A_1799, %div3A_1778 : i32
        %jit3A_1801 = arith.constant 0 : i32
        %jit3A_1802 = arith.constant 15 : i32
        %max3A_1803 = arith.maxsi %jit3A_1801, %select_n3A_1800 : i32
        %min3A_1804 = arith.minsi %jit3A_1802, %max3A_1803 : i32
        %jit3A_1805 = arith.constant 128 : i32
        %eq3A_1806 = arith.constant 0 : i32
        %eq3A_1807 = arith.cmpi eq, %jit3A_1805, %eq3A_1806 : i32
        %jit3A_1808 = arith.constant 1 : i32
        %select_n3A_1809 = arith.select %eq3A_1807, %jit3A_1808, %jit3A_1805 : i32
        %rem3A_1810 = arith.remsi %add3A_1776, %select_n3A_1809 : i32
        %ne3A_1811 = arith.constant 0 : i32
        %ne3A_1812 = arith.cmpi ne, %rem3A_1810, %ne3A_1811 : i32
        %lt3A_1813 = arith.constant 0 : i32
        %lt3A_1814 = arith.cmpi slt, %rem3A_1810, %lt3A_1813 : i32
        %lt3A_1815 = arith.constant 0 : i32
        %lt3A_1816 = arith.cmpi slt, %select_n3A_1809, %lt3A_1815 : i32
        %ne3A_1817 = arith.xori %lt3A_1814, %lt3A_1816 : i1
        %and3A_1818 = arith.andi %ne3A_1817, %ne3A_1812 : i1
        %add3A_1819 = arith.addi %rem3A_1810, %select_n3A_1809 : i32
        %select_n3A_1820 = arith.select %and3A_1818, %add3A_1819, %rem3A_1810 : i32
        %mul3A_1821 = arith.constant 32 : i32
        %mul3A_1822 = arith.muli %select_n3A_1820, %mul3A_1821 : i32
        %get3A_1823 = arith.index_cast %min3A_1804 : i32 to index
        %get3A_1824 = tpu.vector_load %arg5[%get3A_1823] {strides = array<i32>} : memref<32xi32, #tpu.memory_space<vmem>>, vector<16xi32>,
        %get3A_1825 = vector.shape_cast %get3A_1824 : vector<16xi32> to vector<16xi32>
        %slice3A_1826 = vector.extract_strided_slice %get3A_1825 {offsets = [0], sizes = [1], strides = [1]} : vector<16xi32> to vector<1xi32>
        %squeeze3A_1827 = vector.extract %slice3A_1826[0] : i32 from vector<1xi32>
        %sub3A_1828 = arith.subi %squeeze3A_1827, %mul3A_1822 : i32
        %dma_start3A = arith.constant 0 : i32
        %dma_start3A_1829 = tpu.memref_slice %arg2[%min3A_1804, %mul3A_1822, %dma_start3A] : memref<16x4096x512xf32, #tpu.memory_space<hbm>> -> memref<1x32x512xf32, #tpu.memory_space<hbm>>
        %dma_start3A_1830 = tpu.memref_squeeze %dma_start3A_1829 : memref<1x32x512xf32, #tpu.memory_space<hbm>> -> memref<32x512xf32, #tpu.memory_space<hbm>>
        %dma_start3A_1831 = arith.constant 0 : i32
        %dma_start3A_1832 = tpu.memref_slice %arg2[%min3A_1804, %mul3A_1822, %dma_start3A_1831] : memref<16x4096x512xf32, #tpu.memory_space<hbm>> -> memref<1x32x512xf32, #tpu.memory_space<hbm>>
        %dma_start3A_1833 = tpu.memref_squeeze %dma_start3A_1832 : memref<1x32x512xf32, #tpu.memory_space<hbm>> -> memref<32x512xf32, #tpu.memory_space<hbm>>
        tpu.enqueue_dma source(%dma_start3A_1833 : memref<32x512xf32, #tpu.memory_space<hbm>>) target(%arg6 : memref<32x512xf32, #tpu.memory_space<vmem>>) target_semaphore(%arg11 : memref<!tpu.dma_semaphore, #tpu.memory_space<semaphore_mem>>)
      } else {
      }
      %mul3A_1140 = arith.constant 32 : i32
      %mul3A_1141 = arith.muli %add3A_1007, %mul3A_1140 : i32
      %add3A_1142 = arith.addi %add3A, %mul3A_1141 : i32
      %jit3A_1143 = arith.constant 128 : i32
      %div3A_1144 = arith.divsi %add3A_1142, %jit3A_1143 : i32
      %sign3A_1145 = arith.constant 0 : i32
      %sign3A_1146 = arith.cmpi sgt, %add3A_1142, %sign3A_1145 : i32
      %sign3A_1147 = arith.extui %sign3A_1146 : i1 to i32
      %sign3A_1148 = arith.constant 0 : i32
      %sign3A_1149 = arith.cmpi slt, %add3A_1142, %sign3A_1148 : i32
      %sign3A_1150 = arith.extui %sign3A_1149 : i1 to i32
      %sign3A_1151 = arith.subi %sign3A_1147, %sign3A_1150 : i32
      %sign3A_1152 = arith.constant 0 : i32
      %sign3A_1153 = arith.cmpi sgt, %jit3A_1143, %sign3A_1152 : i32
      %sign3A_1154 = arith.extui %sign3A_1153 : i1 to i32
      %sign3A_1155 = arith.constant 0 : i32
      %sign3A_1156 = arith.cmpi slt, %jit3A_1143, %sign3A_1155 : i32
      %sign3A_1157 = arith.extui %sign3A_1156 : i1 to i32
      %sign3A_1158 = arith.subi %sign3A_1154, %sign3A_1157 : i32
      %ne3A_1159 = arith.cmpi ne, %sign3A_1151, %sign3A_1158 : i32
      %rem3A_1160 = arith.remsi %add3A_1142, %jit3A_1143 : i32
      %ne3A_1161 = arith.constant 0 : i32
      %ne3A_1162 = arith.cmpi ne, %rem3A_1160, %ne3A_1161 : i32
      %and3A_1163 = arith.andi %ne3A_1159, %ne3A_1162 : i1
      %sub3A_1164 = arith.constant 1 : i32
      %sub3A_1165 = arith.subi %div3A_1144, %sub3A_1164 : i32
      %select_n3A_1166 = arith.select %and3A_1163, %sub3A_1165, %div3A_1144 : i32
      %jit3A_1167 = arith.constant 0 : i32
      %jit3A_1168 = arith.constant 15 : i32
      %max3A_1169 = arith.maxsi %jit3A_1167, %select_n3A_1166 : i32
      %min3A_1170 = arith.minsi %jit3A_1168, %max3A_1169 : i32
      %jit3A_1171 = arith.constant 128 : i32
      %eq3A_1172 = arith.constant 0 : i32
      %eq3A_1173 = arith.cmpi eq, %jit3A_1171, %eq3A_1172 : i32
      %jit3A_1174 = arith.constant 1 : i32
      %select_n3A_1175 = arith.select %eq3A_1173, %jit3A_1174, %jit3A_1171 : i32
      %rem3A_1176 = arith.remsi %add3A_1142, %select_n3A_1175 : i32
      %ne3A_1177 = arith.constant 0 : i32
      %ne3A_1178 = arith.cmpi ne, %rem3A_1176, %ne3A_1177 : i32
      %lt3A_1179 = arith.constant 0 : i32
      %lt3A_1180 = arith.cmpi slt, %rem3A_1176, %lt3A_1179 : i32
      %lt3A_1181 = arith.constant 0 : i32
      %lt3A_1182 = arith.cmpi slt, %select_n3A_1175, %lt3A_1181 : i32
      %ne3A_1183 = arith.xori %lt3A_1180, %lt3A_1182 : i1
      %and3A_1184 = arith.andi %ne3A_1183, %ne3A_1178 : i1
      %add3A_1185 = arith.addi %rem3A_1176, %select_n3A_1175 : i32
      %select_n3A_1186 = arith.select %and3A_1184, %add3A_1185, %rem3A_1176 : i32
      %mul3A_1187 = arith.constant 32 : i32
      %mul3A_1188 = arith.muli %select_n3A_1186, %mul3A_1187 : i32
      %get3A_1189 = arith.index_cast %min3A_1170 : i32 to index
      %get3A_1190 = tpu.vector_load %arg5[%get3A_1189] {strides = array<i32>} : memref<32xi32, #tpu.memory_space<vmem>>, vector<16xi32>,
      %get3A_1191 = vector.shape_cast %get3A_1190 : vector<16xi32> to vector<16xi32>
      %slice3A_1192 = vector.extract_strided_slice %get3A_1191 {offsets = [0], sizes = [1], strides = [1]} : vector<16xi32> to vector<1xi32>
      %squeeze3A_1193 = vector.extract %slice3A_1192[0] : i32 from vector<1xi32>
      %sub3A_1194 = arith.subi %squeeze3A_1193, %mul3A_1188 : i32
      %ge3A_1195 = arith.constant 32 : i32
      %ge3A_1196 = arith.cmpi sge, %sub3A_1194, %ge3A_1195 : i32
      %convert_element_type3A_1197 = arith.extui %ge3A_1196 : i1 to i32
      %cond3A_1198 = arith.constant 0 : i32
      %cond3A_1199 = arith.cmpi ne, %convert_element_type3A_1197, %cond3A_1198 : i32
      scf.if %cond3A_1199 {
        %mul3A_1772 = arith.constant 32 : i32
        %mul3A_1773 = arith.muli %add3A_1007, %mul3A_1772 : i32
        %add3A_1774 = arith.addi %add3A, %mul3A_1773 : i32
        %jit3A_1775 = arith.constant 128 : i32
        %div3A_1776 = arith.divsi %add3A_1774, %jit3A_1775 : i32
        %sign3A_1777 = arith.constant 0 : i32
        %sign3A_1778 = arith.cmpi sgt, %add3A_1774, %sign3A_1777 : i32
        %sign3A_1779 = arith.extui %sign3A_1778 : i1 to i32
        %sign3A_1780 = arith.constant 0 : i32
        %sign3A_1781 = arith.cmpi slt, %add3A_1774, %sign3A_1780 : i32
        %sign3A_1782 = arith.extui %sign3A_1781 : i1 to i32
        %sign3A_1783 = arith.subi %sign3A_1779, %sign3A_1782 : i32
        %sign3A_1784 = arith.constant 0 : i32
        %sign3A_1785 = arith.cmpi sgt, %jit3A_1775, %sign3A_1784 : i32
        %sign3A_1786 = arith.extui %sign3A_1785 : i1 to i32
        %sign3A_1787 = arith.constant 0 : i32
        %sign3A_1788 = arith.cmpi slt, %jit3A_1775, %sign3A_1787 : i32
        %sign3A_1789 = arith.extui %sign3A_1788 : i1 to i32
        %sign3A_1790 = arith.subi %sign3A_1786, %sign3A_1789 : i32
        %ne3A_1791 = arith.cmpi ne, %sign3A_1783, %sign3A_1790 : i32
        %rem3A_1792 = arith.remsi %add3A_1774, %jit3A_1775 : i32
        %ne3A_1793 = arith.constant 0 : i32
        %ne3A_1794 = arith.cmpi ne, %rem3A_1792, %ne3A_1793 : i32
        %and3A_1795 = arith.andi %ne3A_1791, %ne3A_1794 : i1
        %sub3A_1796 = arith.constant 1 : i32
        %sub3A_1797 = arith.subi %div3A_1776, %sub3A_1796 : i32
        %select_n3A_1798 = arith.select %and3A_1795, %sub3A_1797, %div3A_1776 : i32
        %jit3A_1799 = arith.constant 0 : i32
        %jit3A_1800 = arith.constant 15 : i32
        %max3A_1801 = arith.maxsi %jit3A_1799, %select_n3A_1798 : i32
        %min3A_1802 = arith.minsi %jit3A_1800, %max3A_1801 : i32
        %jit3A_1803 = arith.constant 128 : i32
        %eq3A_1804 = arith.constant 0 : i32
        %eq3A_1805 = arith.cmpi eq, %jit3A_1803, %eq3A_1804 : i32
        %jit3A_1806 = arith.constant 1 : i32
        %select_n3A_1807 = arith.select %eq3A_1805, %jit3A_1806, %jit3A_1803 : i32
        %rem3A_1808 = arith.remsi %add3A_1774, %select_n3A_1807 : i32
        %ne3A_1809 = arith.constant 0 : i32
        %ne3A_1810 = arith.cmpi ne, %rem3A_1808, %ne3A_1809 : i32
        %lt3A_1811 = arith.constant 0 : i32
        %lt3A_1812 = arith.cmpi slt, %rem3A_1808, %lt3A_1811 : i32
        %lt3A_1813 = arith.constant 0 : i32
        %lt3A_1814 = arith.cmpi slt, %select_n3A_1807, %lt3A_1813 : i32
        %ne3A_1815 = arith.xori %lt3A_1812, %lt3A_1814 : i1
        %and3A_1816 = arith.andi %ne3A_1815, %ne3A_1810 : i1
        %add3A_1817 = arith.addi %rem3A_1808, %select_n3A_1807 : i32
        %select_n3A_1818 = arith.select %and3A_1816, %add3A_1817, %rem3A_1808 : i32
        %mul3A_1819 = arith.constant 32 : i32
        %mul3A_1820 = arith.muli %select_n3A_1818, %mul3A_1819 : i32
        %get3A_1821 = arith.index_cast %min3A_1802 : i32 to index
        %get3A_1822 = tpu.vector_load %arg5[%get3A_1821] {strides = array<i32>} : memref<32xi32, #tpu.memory_space<vmem>>, vector<16xi32>,
        %get3A_1823 = vector.shape_cast %get3A_1822 : vector<16xi32> to vector<16xi32>
        %slice3A_1824 = vector.extract_strided_slice %get3A_1823 {offsets = [0], sizes = [1], strides = [1]} : vector<16xi32> to vector<1xi32>
        %squeeze3A_1825 = vector.extract %slice3A_1824[0] : i32 from vector<1xi32>
        %sub3A_1826 = arith.subi %squeeze3A_1825, %mul3A_1820 : i32
        %dma_wait3A = arith.constant 0 : i32
        %dma_wait3A_1827 = tpu.memref_slice %arg2[%min3A_1802, %mul3A_1820, %dma_wait3A] : memref<16x4096x512xf32, #tpu.memory_space<hbm>> -> memref<1x32x512xf32, #tpu.memory_space<hbm>>
        %dma_wait3A_1828 = tpu.memref_squeeze %dma_wait3A_1827 : memref<1x32x512xf32, #tpu.memory_space<hbm>> -> memref<32x512xf32, #tpu.memory_space<hbm>>
        %dma_wait3A_1829 = arith.constant 0 : i32
        %dma_wait3A_1830 = tpu.memref_slice %arg2[%min3A_1802, %mul3A_1820, %dma_wait3A_1829] : memref<16x4096x512xf32, #tpu.memory_space<hbm>> -> memref<1x32x512xf32, #tpu.memory_space<hbm>>
        %dma_wait3A_1831 = tpu.memref_squeeze %dma_wait3A_1830 : memref<1x32x512xf32, #tpu.memory_space<hbm>> -> memref<32x512xf32, #tpu.memory_space<hbm>>
        tpu.wait_dma2 semaphore(%arg13 : memref<!tpu.dma_semaphore, #tpu.memory_space<semaphore_mem>>) src(%dma_wait3A_1831 : memref<32x512xf32, #tpu.memory_space<hbm>>) dst(%arg8 : memref<32x512xf32, #tpu.memory_space<vmem>>)
        %mul3A_1832 = arith.constant 32 : i32
        %mul3A_1833 = arith.muli %add3A_1007, %mul3A_1832 : i32
        %add3A_1834 = arith.addi %add3A, %mul3A_1833 : i32
        %jit3A_1835 = arith.constant 128 : i32
        %div3A_1836 = arith.divsi %add3A_1834, %jit3A_1835 : i32
        %sign3A_1837 = arith.constant 0 : i32
        %sign3A_1838 = arith.cmpi sgt, %add3A_1834, %sign3A_1837 : i32
        %sign3A_1839 = arith.extui %sign3A_1838 : i1 to i32
        %sign3A_1840 = arith.constant 0 : i32
        %sign3A_1841 = arith.cmpi slt, %add3A_1834, %sign3A_1840 : i32
        %sign3A_1842 = arith.extui %sign3A_1841 : i1 to i32
        %sign3A_1843 = arith.subi %sign3A_1839, %sign3A_1842 : i32
        %sign3A_1844 = arith.constant 0 : i32
        %sign3A_1845 = arith.cmpi sgt, %jit3A_1835, %sign3A_1844 : i32
        %sign3A_1846 = arith.extui %sign3A_1845 : i1 to i32
        %sign3A_1847 = arith.constant 0 : i32
        %sign3A_1848 = arith.cmpi slt, %jit3A_1835, %sign3A_1847 : i32
        %sign3A_1849 = arith.extui %sign3A_1848 : i1 to i32
        %sign3A_1850 = arith.subi %sign3A_1846, %sign3A_1849 : i32
        %ne3A_1851 = arith.cmpi ne, %sign3A_1843, %sign3A_1850 : i32
        %rem3A_1852 = arith.remsi %add3A_1834, %jit3A_1835 : i32
        %ne3A_1853 = arith.constant 0 : i32
        %ne3A_1854 = arith.cmpi ne, %rem3A_1852, %ne3A_1853 : i32
        %and3A_1855 = arith.andi %ne3A_1851, %ne3A_1854 : i1
        %sub3A_1856 = arith.constant 1 : i32
        %sub3A_1857 = arith.subi %div3A_1836, %sub3A_1856 : i32
        %select_n3A_1858 = arith.select %and3A_1855, %sub3A_1857, %div3A_1836 : i32
        %jit3A_1859 = arith.constant 0 : i32
        %jit3A_1860 = arith.constant 15 : i32
        %max3A_1861 = arith.maxsi %jit3A_1859, %select_n3A_1858 : i32
        %min3A_1862 = arith.minsi %jit3A_1860, %max3A_1861 : i32
        %jit3A_1863 = arith.constant 128 : i32
        %eq3A_1864 = arith.constant 0 : i32
        %eq3A_1865 = arith.cmpi eq, %jit3A_1863, %eq3A_1864 : i32
        %jit3A_1866 = arith.constant 1 : i32
        %select_n3A_1867 = arith.select %eq3A_1865, %jit3A_1866, %jit3A_1863 : i32
        %rem3A_1868 = arith.remsi %add3A_1834, %select_n3A_1867 : i32
        %ne3A_1869 = arith.constant 0 : i32
        %ne3A_1870 = arith.cmpi ne, %rem3A_1868, %ne3A_1869 : i32
        %lt3A_1871 = arith.constant 0 : i32
        %lt3A_1872 = arith.cmpi slt, %rem3A_1868, %lt3A_1871 : i32
        %lt3A_1873 = arith.constant 0 : i32
        %lt3A_1874 = arith.cmpi slt, %select_n3A_1867, %lt3A_1873 : i32
        %ne3A_1875 = arith.xori %lt3A_1872, %lt3A_1874 : i1
        %and3A_1876 = arith.andi %ne3A_1875, %ne3A_1870 : i1
        %add3A_1877 = arith.addi %rem3A_1868, %select_n3A_1867 : i32
        %select_n3A_1878 = arith.select %and3A_1876, %add3A_1877, %rem3A_1868 : i32
        %mul3A_1879 = arith.constant 32 : i32
        %mul3A_1880 = arith.muli %select_n3A_1878, %mul3A_1879 : i32
        %get3A_1881 = arith.index_cast %min3A_1862 : i32 to index
        %get3A_1882 = tpu.vector_load %arg5[%get3A_1881] {strides = array<i32>} : memref<32xi32, #tpu.memory_space<vmem>>, vector<16xi32>,
        %get3A_1883 = vector.shape_cast %get3A_1882 : vector<16xi32> to vector<16xi32>
        %slice3A_1884 = vector.extract_strided_slice %get3A_1883 {offsets = [0], sizes = [1], strides = [1]} : vector<16xi32> to vector<1xi32>
        %squeeze3A_1885 = vector.extract %slice3A_1884[0] : i32 from vector<1xi32>
        %sub3A_1886 = arith.subi %squeeze3A_1885, %mul3A_1880 : i32
        %dma_start3A = arith.constant 0 : i32
        %dma_start3A_1887 = tpu.memref_slice %arg4[%min3A_1862, %mul3A_1880, %dma_start3A] : memref<16x4096x512xf32, #tpu.memory_space<hbm>> -> memref<1x32x512xf32, #tpu.memory_space<hbm>>
        %dma_start3A_1888 = tpu.memref_squeeze %dma_start3A_1887 : memref<1x32x512xf32, #tpu.memory_space<hbm>> -> memref<32x512xf32, #tpu.memory_space<hbm>>
        %dma_start3A_1889 = arith.constant 0 : i32
        %dma_start3A_1890 = tpu.memref_slice %arg4[%min3A_1862, %mul3A_1880, %dma_start3A_1889] : memref<16x4096x512xf32, #tpu.memory_space<hbm>> -> memref<1x32x512xf32, #tpu.memory_space<hbm>>
        %dma_start3A_1891 = tpu.memref_squeeze %dma_start3A_1890 : memref<1x32x512xf32, #tpu.memory_space<hbm>> -> memref<32x512xf32, #tpu.memory_space<hbm>>
        tpu.enqueue_dma source(%arg8 : memref<32x512xf32, #tpu.memory_space<vmem>>) target(%dma_start3A_1891 : memref<32x512xf32, #tpu.memory_space<hbm>>) target_semaphore(%arg17 : memref<!tpu.dma_semaphore, #tpu.memory_space<semaphore_mem>>)
      } else {
      }
      %mul3A_1200 = arith.constant 32 : i32
      %mul3A_1201 = arith.muli %add3A_1007, %mul3A_1200 : i32
      %add3A_1202 = arith.addi %add3A, %mul3A_1201 : i32
      %jit3A_1203 = arith.constant 128 : i32
      %div3A_1204 = arith.divsi %add3A_1202, %jit3A_1203 : i32
      %sign3A_1205 = arith.constant 0 : i32
      %sign3A_1206 = arith.cmpi sgt, %add3A_1202, %sign3A_1205 : i32
      %sign3A_1207 = arith.extui %sign3A_1206 : i1 to i32
      %sign3A_1208 = arith.constant 0 : i32
      %sign3A_1209 = arith.cmpi slt, %add3A_1202, %sign3A_1208 : i32
      %sign3A_1210 = arith.extui %sign3A_1209 : i1 to i32
      %sign3A_1211 = arith.subi %sign3A_1207, %sign3A_1210 : i32
      %sign3A_1212 = arith.constant 0 : i32
      %sign3A_1213 = arith.cmpi sgt, %jit3A_1203, %sign3A_1212 : i32
      %sign3A_1214 = arith.extui %sign3A_1213 : i1 to i32
      %sign3A_1215 = arith.constant 0 : i32
      %sign3A_1216 = arith.cmpi slt, %jit3A_1203, %sign3A_1215 : i32
      %sign3A_1217 = arith.extui %sign3A_1216 : i1 to i32
      %sign3A_1218 = arith.subi %sign3A_1214, %sign3A_1217 : i32
      %ne3A_1219 = arith.cmpi ne, %sign3A_1211, %sign3A_1218 : i32
      %rem3A_1220 = arith.remsi %add3A_1202, %jit3A_1203 : i32
      %ne3A_1221 = arith.constant 0 : i32
      %ne3A_1222 = arith.cmpi ne, %rem3A_1220, %ne3A_1221 : i32
      %and3A_1223 = arith.andi %ne3A_1219, %ne3A_1222 : i1
      %sub3A_1224 = arith.constant 1 : i32
      %sub3A_1225 = arith.subi %div3A_1204, %sub3A_1224 : i32
      %select_n3A_1226 = arith.select %and3A_1223, %sub3A_1225, %div3A_1204 : i32
      %jit3A_1227 = arith.constant 0 : i32
      %jit3A_1228 = arith.constant 15 : i32
      %max3A_1229 = arith.maxsi %jit3A_1227, %select_n3A_1226 : i32
      %min3A_1230 = arith.minsi %jit3A_1228, %max3A_1229 : i32
      %jit3A_1231 = arith.constant 128 : i32
      %eq3A_1232 = arith.constant 0 : i32
      %eq3A_1233 = arith.cmpi eq, %jit3A_1231, %eq3A_1232 : i32
      %jit3A_1234 = arith.constant 1 : i32
      %select_n3A_1235 = arith.select %eq3A_1233, %jit3A_1234, %jit3A_1231 : i32
      %rem3A_1236 = arith.remsi %add3A_1202, %select_n3A_1235 : i32
      %ne3A_1237 = arith.constant 0 : i32
      %ne3A_1238 = arith.cmpi ne, %rem3A_1236, %ne3A_1237 : i32
      %lt3A_1239 = arith.constant 0 : i32
      %lt3A_1240 = arith.cmpi slt, %rem3A_1236, %lt3A_1239 : i32
      %lt3A_1241 = arith.constant 0 : i32
      %lt3A_1242 = arith.cmpi slt, %select_n3A_1235, %lt3A_1241 : i32
      %ne3A_1243 = arith.xori %lt3A_1240, %lt3A_1242 : i1
      %and3A_1244 = arith.andi %ne3A_1243, %ne3A_1238 : i1
      %add3A_1245 = arith.addi %rem3A_1236, %select_n3A_1235 : i32
      %select_n3A_1246 = arith.select %and3A_1244, %add3A_1245, %rem3A_1236 : i32
      %mul3A_1247 = arith.constant 32 : i32
      %mul3A_1248 = arith.muli %select_n3A_1246, %mul3A_1247 : i32
      %get3A_1249 = arith.index_cast %min3A_1230 : i32 to index
      %get3A_1250 = tpu.vector_load %arg5[%get3A_1249] {strides = array<i32>} : memref<32xi32, #tpu.memory_space<vmem>>, vector<16xi32>,
      %get3A_1251 = vector.shape_cast %get3A_1250 : vector<16xi32> to vector<16xi32>
      %slice3A_1252 = vector.extract_strided_slice %get3A_1251 {offsets = [0], sizes = [1], strides = [1]} : vector<16xi32> to vector<1xi32>
      %squeeze3A_1253 = vector.extract %slice3A_1252[0] : i32 from vector<1xi32>
      %sub3A_1254 = arith.subi %squeeze3A_1253, %mul3A_1248 : i32
      %gt3A_1255 = arith.constant 0 : i32
      %gt3A_1256 = arith.cmpi sgt, %sub3A_1254, %gt3A_1255 : i32
      %lt3A_1257 = arith.constant 32 : i32
      %lt3A_1258 = arith.cmpi slt, %sub3A_1254, %lt3A_1257 : i32
      %and3A_1259 = arith.andi %gt3A_1256, %lt3A_1258 : i1
      %convert_element_type3A_1260 = arith.extui %and3A_1259 : i1 to i32
      %cond3A_1261 = arith.constant 0 : i32
      %cond3A_1262 = arith.cmpi ne, %convert_element_type3A_1260, %cond3A_1261 : i32
      scf.if %cond3A_1262 {
        %mul3A_1772 = arith.constant 32 : i32
        %mul3A_1773 = arith.muli %add3A_1007, %mul3A_1772 : i32
        %add3A_1774 = arith.addi %add3A, %mul3A_1773 : i32
        %jit3A_1775 = arith.constant 128 : i32
        %div3A_1776 = arith.divsi %add3A_1774, %jit3A_1775 : i32
        %sign3A_1777 = arith.constant 0 : i32
        %sign3A_1778 = arith.cmpi sgt, %add3A_1774, %sign3A_1777 : i32
        %sign3A_1779 = arith.extui %sign3A_1778 : i1 to i32
        %sign3A_1780 = arith.constant 0 : i32
        %sign3A_1781 = arith.cmpi slt, %add3A_1774, %sign3A_1780 : i32
        %sign3A_1782 = arith.extui %sign3A_1781 : i1 to i32
        %sign3A_1783 = arith.subi %sign3A_1779, %sign3A_1782 : i32
        %sign3A_1784 = arith.constant 0 : i32
        %sign3A_1785 = arith.cmpi sgt, %jit3A_1775, %sign3A_1784 : i32
        %sign3A_1786 = arith.extui %sign3A_1785 : i1 to i32
        %sign3A_1787 = arith.constant 0 : i32
        %sign3A_1788 = arith.cmpi slt, %jit3A_1775, %sign3A_1787 : i32
        %sign3A_1789 = arith.extui %sign3A_1788 : i1 to i32
        %sign3A_1790 = arith.subi %sign3A_1786, %sign3A_1789 : i32
        %ne3A_1791 = arith.cmpi ne, %sign3A_1783, %sign3A_1790 : i32
        %rem3A_1792 = arith.remsi %add3A_1774, %jit3A_1775 : i32
        %ne3A_1793 = arith.constant 0 : i32
        %ne3A_1794 = arith.cmpi ne, %rem3A_1792, %ne3A_1793 : i32
        %and3A_1795 = arith.andi %ne3A_1791, %ne3A_1794 : i1
        %sub3A_1796 = arith.constant 1 : i32
        %sub3A_1797 = arith.subi %div3A_1776, %sub3A_1796 : i32
        %select_n3A_1798 = arith.select %and3A_1795, %sub3A_1797, %div3A_1776 : i32
        %jit3A_1799 = arith.constant 0 : i32
        %jit3A_1800 = arith.constant 15 : i32
        %max3A_1801 = arith.maxsi %jit3A_1799, %select_n3A_1798 : i32
        %min3A_1802 = arith.minsi %jit3A_1800, %max3A_1801 : i32
        %jit3A_1803 = arith.constant 128 : i32
        %eq3A_1804 = arith.constant 0 : i32
        %eq3A_1805 = arith.cmpi eq, %jit3A_1803, %eq3A_1804 : i32
        %jit3A_1806 = arith.constant 1 : i32
        %select_n3A_1807 = arith.select %eq3A_1805, %jit3A_1806, %jit3A_1803 : i32
        %rem3A_1808 = arith.remsi %add3A_1774, %select_n3A_1807 : i32
        %ne3A_1809 = arith.constant 0 : i32
        %ne3A_1810 = arith.cmpi ne, %rem3A_1808, %ne3A_1809 : i32
        %lt3A_1811 = arith.constant 0 : i32
        %lt3A_1812 = arith.cmpi slt, %rem3A_1808, %lt3A_1811 : i32
        %lt3A_1813 = arith.constant 0 : i32
        %lt3A_1814 = arith.cmpi slt, %select_n3A_1807, %lt3A_1813 : i32
        %ne3A_1815 = arith.xori %lt3A_1812, %lt3A_1814 : i1
        %and3A_1816 = arith.andi %ne3A_1815, %ne3A_1810 : i1
        %add3A_1817 = arith.addi %rem3A_1808, %select_n3A_1807 : i32
        %select_n3A_1818 = arith.select %and3A_1816, %add3A_1817, %rem3A_1808 : i32
        %mul3A_1819 = arith.constant 32 : i32
        %mul3A_1820 = arith.muli %select_n3A_1818, %mul3A_1819 : i32
        %get3A_1821 = arith.index_cast %min3A_1802 : i32 to index
        %get3A_1822 = tpu.vector_load %arg5[%get3A_1821] {strides = array<i32>} : memref<32xi32, #tpu.memory_space<vmem>>, vector<16xi32>,
        %get3A_1823 = vector.shape_cast %get3A_1822 : vector<16xi32> to vector<16xi32>
        %slice3A_1824 = vector.extract_strided_slice %get3A_1823 {offsets = [0], sizes = [1], strides = [1]} : vector<16xi32> to vector<1xi32>
        %squeeze3A_1825 = vector.extract %slice3A_1824[0] : i32 from vector<1xi32>
        %sub3A_1826 = arith.subi %squeeze3A_1825, %mul3A_1820 : i32
        %dma_wait3A = arith.constant 0 : i32
        %dma_wait3A_1827 = tpu.memref_slice %arg2[%min3A_1802, %mul3A_1820, %dma_wait3A] : memref<16x4096x512xf32, #tpu.memory_space<hbm>> -> memref<1x32x512xf32, #tpu.memory_space<hbm>>
        %dma_wait3A_1828 = tpu.memref_squeeze %dma_wait3A_1827 : memref<1x32x512xf32, #tpu.memory_space<hbm>> -> memref<32x512xf32, #tpu.memory_space<hbm>>
        %dma_wait3A_1829 = arith.constant 0 : i32
        %dma_wait3A_1830 = tpu.memref_slice %arg2[%min3A_1802, %mul3A_1820, %dma_wait3A_1829] : memref<16x4096x512xf32, #tpu.memory_space<hbm>> -> memref<1x32x512xf32, #tpu.memory_space<hbm>>
        %dma_wait3A_1831 = tpu.memref_squeeze %dma_wait3A_1830 : memref<1x32x512xf32, #tpu.memory_space<hbm>> -> memref<32x512xf32, #tpu.memory_space<hbm>>
        tpu.wait_dma2 semaphore(%arg13 : memref<!tpu.dma_semaphore, #tpu.memory_space<semaphore_mem>>) src(%dma_wait3A_1831 : memref<32x512xf32, #tpu.memory_space<hbm>>) dst(%arg8 : memref<32x512xf32, #tpu.memory_space<vmem>>)
        %while3A = arith.constant 0 : i32
        %while3A_1832 = arith.constant 32 : i32
        %while3A_1833 = arith.subi %while3A_1832, %sub3A_1254 : i32
        %while3A_1834 = arith.addi %sub3A_1254, %while3A_1833 : i32
        %while3A_1835 = arith.constant 1 : i32
        %while3A_1836 = arith.divsi %while3A_1833, %while3A_1835 : i32
        %while3A_1837 = arith.muli %while3A_1836, %while3A_1835 : i32
        %while3A_1838 = arith.addi %sub3A_1254, %while3A_1837 : i32
        %while3A_1839 = arith.constant 1 : i32
        scf.for %while3A_1901 = %sub3A_1254 to %while3A_1838 step %while3A_1839  : i32 {
          %swap3A = arith.index_cast %while3A_1901 : i32 to index
          %swap3A_1902 = arith.constant 0 : index
          %swap3A_1903 = tpu.vector_load %arg8[%swap3A, %swap3A_1902] {strides = array<i32>} : memref<32x512xf32, #tpu.memory_space<vmem>>, vector<1x16xf32>,
          %swap3A_1904 = vector.shape_cast %swap3A_1903 : vector<1x16xf32> to vector<16xf32>
          %swap3A_1905 = vector.shape_cast %broadcast_in_dim3A_1 : vector<16xf32> to vector<1x16xf32>
          tpu.vector_store %arg8[%swap3A, %swap3A_1902], %swap3A_1905 {strides = array<i32>} : memref<32x512xf32, #tpu.memory_space<vmem>>, vector<1x16xf32>,
          %swap3A_1906 = arith.index_cast %while3A_1901 : i32 to index
          %swap3A_1907 = arith.constant 16 : index
          %swap3A_1908 = tpu.vector_load %arg8[%swap3A_1906, %swap3A_1907] {strides = array<i32>} : memref<32x512xf32, #tpu.memory_space<vmem>>, vector<1x16xf32>,
          %swap3A_1909 = vector.shape_cast %swap3A_1908 : vector<1x16xf32> to vector<16xf32>
          %swap3A_1910 = vector.shape_cast %broadcast_in_dim3A_1 : vector<16xf32> to vector<1x16xf32>
          tpu.vector_store %arg8[%swap3A_1906, %swap3A_1907], %swap3A_1910 {strides = array<i32>} : memref<32x512xf32, #tpu.memory_space<vmem>>, vector<1x16xf32>,
          %swap3A_1911 = arith.index_cast %while3A_1901 : i32 to index
          %swap3A_1912 = arith.constant 32 : index
          %swap3A_1913 = tpu.vector_load %arg8[%swap3A_1911, %swap3A_1912] {strides = array<i32>} : memref<32x512xf32, #tpu.memory_space<vmem>>, vector<1x16xf32>,
          %swap3A_1914 = vector.shape_cast %swap3A_1913 : vector<1x16xf32> to vector<16xf32>
          %swap3A_1915 = vector.shape_cast %broadcast_in_dim3A_1 : vector<16xf32> to vector<1x16xf32>
          tpu.vector_store %arg8[%swap3A_1911, %swap3A_1912], %swap3A_1915 {strides = array<i32>} : memref<32x512xf32, #tpu.memory_space<vmem>>, vector<1x16xf32>,
          %swap3A_1916 = arith.index_cast %while3A_1901 : i32 to index
          %swap3A_1917 = arith.constant 48 : index
          %swap3A_1918 = tpu.vector_load %arg8[%swap3A_1916, %swap3A_1917] {strides = array<i32>} : memref<32x512xf32, #tpu.memory_space<vmem>>, vector<1x16xf32>,
          %swap3A_1919 = vector.shape_cast %swap3A_1918 : vector<1x16xf32> to vector<16xf32>
          %swap3A_1920 = vector.shape_cast %broadcast_in_dim3A_1 : vector<16xf32> to vector<1x16xf32>
          tpu.vector_store %arg8[%swap3A_1916, %swap3A_1917], %swap3A_1920 {strides = array<i32>} : memref<32x512xf32, #tpu.memory_space<vmem>>, vector<1x16xf32>,
          %swap3A_1921 = arith.index_cast %while3A_1901 : i32 to index
          %swap3A_1922 = arith.constant 64 : index
          %swap3A_1923 = tpu.vector_load %arg8[%swap3A_1921, %swap3A_1922] {strides = array<i32>} : memref<32x512xf32, #tpu.memory_space<vmem>>, vector<1x16xf32>,
          %swap3A_1924 = vector.shape_cast %swap3A_1923 : vector<1x16xf32> to vector<16xf32>
          %swap3A_1925 = vector.shape_cast %broadcast_in_dim3A_1 : vector<16xf32> to vector<1x16xf32>
          tpu.vector_store %arg8[%swap3A_1921, %swap3A_1922], %swap3A_1925 {strides = array<i32>} : memref<32x512xf32, #tpu.memory_space<vmem>>, vector<1x16xf32>,
          %swap3A_1926 = arith.index_cast %while3A_1901 : i32 to index
          %swap3A_1927 = arith.constant 80 : index
          %swap3A_1928 = tpu.vector_load %arg8[%swap3A_1926, %swap3A_1927] {strides = array<i32>} : memref<32x512xf32, #tpu.memory_space<vmem>>, vector<1x16xf32>,
          %swap3A_1929 = vector.shape_cast %swap3A_1928 : vector<1x16xf32> to vector<16xf32>
          %swap3A_1930 = vector.shape_cast %broadcast_in_dim3A_1 : vector<16xf32> to vector<1x16xf32>
          tpu.vector_store %arg8[%swap3A_1926, %swap3A_1927], %swap3A_1930 {strides = array<i32>} : memref<32x512xf32, #tpu.memory_space<vmem>>, vector<1x16xf32>,
          %swap3A_1931 = arith.index_cast %while3A_1901 : i32 to index
          %swap3A_1932 = arith.constant 96 : index
          %swap3A_1933 = tpu.vector_load %arg8[%swap3A_1931, %swap3A_1932] {strides = array<i32>} : memref<32x512xf32, #tpu.memory_space<vmem>>, vector<1x16xf32>,
          %swap3A_1934 = vector.shape_cast %swap3A_1933 : vector<1x16xf32> to vector<16xf32>
          %swap3A_1935 = vector.shape_cast %broadcast_in_dim3A_1 : vector<16xf32> to vector<1x16xf32>
          tpu.vector_store %arg8[%swap3A_1931, %swap3A_1932], %swap3A_1935 {strides = array<i32>} : memref<32x512xf32, #tpu.memory_space<vmem>>, vector<1x16xf32>,
          %swap3A_1936 = arith.index_cast %while3A_1901 : i32 to index
          %swap3A_1937 = arith.constant 112 : index
          %swap3A_1938 = tpu.vector_load %arg8[%swap3A_1936, %swap3A_1937] {strides = array<i32>} : memref<32x512xf32, #tpu.memory_space<vmem>>, vector<1x16xf32>,
          %swap3A_1939 = vector.shape_cast %swap3A_1938 : vector<1x16xf32> to vector<16xf32>
          %swap3A_1940 = vector.shape_cast %broadcast_in_dim3A_1 : vector<16xf32> to vector<1x16xf32>
          tpu.vector_store %arg8[%swap3A_1936, %swap3A_1937], %swap3A_1940 {strides = array<i32>} : memref<32x512xf32, #tpu.memory_space<vmem>>, vector<1x16xf32>,
          %swap3A_1941 = arith.index_cast %while3A_1901 : i32 to index
          %swap3A_1942 = arith.constant 128 : index
          %swap3A_1943 = tpu.vector_load %arg8[%swap3A_1941, %swap3A_1942] {strides = array<i32>} : memref<32x512xf32, #tpu.memory_space<vmem>>, vector<1x16xf32>,
          %swap3A_1944 = vector.shape_cast %swap3A_1943 : vector<1x16xf32> to vector<16xf32>
          %swap3A_1945 = vector.shape_cast %broadcast_in_dim3A_1 : vector<16xf32> to vector<1x16xf32>
          tpu.vector_store %arg8[%swap3A_1941, %swap3A_1942], %swap3A_1945 {strides = array<i32>} : memref<32x512xf32, #tpu.memory_space<vmem>>, vector<1x16xf32>,
          %swap3A_1946 = arith.index_cast %while3A_1901 : i32 to index
          %swap3A_1947 = arith.constant 144 : index
          %swap3A_1948 = tpu.vector_load %arg8[%swap3A_1946, %swap3A_1947] {strides = array<i32>} : memref<32x512xf32, #tpu.memory_space<vmem>>, vector<1x16xf32>,
          %swap3A_1949 = vector.shape_cast %swap3A_1948 : vector<1x16xf32> to vector<16xf32>
          %swap3A_1950 = vector.shape_cast %broadcast_in_dim3A_1 : vector<16xf32> to vector<1x16xf32>
          tpu.vector_store %arg8[%swap3A_1946, %swap3A_1947], %swap3A_1950 {strides = array<i32>} : memref<32x512xf32, #tpu.memory_space<vmem>>, vector<1x16xf32>,
          %swap3A_1951 = arith.index_cast %while3A_1901 : i32 to index
          %swap3A_1952 = arith.constant 160 : index
          %swap3A_1953 = tpu.vector_load %arg8[%swap3A_1951, %swap3A_1952] {strides = array<i32>} : memref<32x512xf32, #tpu.memory_space<vmem>>, vector<1x16xf32>,
          %swap3A_1954 = vector.shape_cast %swap3A_1953 : vector<1x16xf32> to vector<16xf32>
          %swap3A_1955 = vector.shape_cast %broadcast_in_dim3A_1 : vector<16xf32> to vector<1x16xf32>
          tpu.vector_store %arg8[%swap3A_1951, %swap3A_1952], %swap3A_1955 {strides = array<i32>} : memref<32x512xf32, #tpu.memory_space<vmem>>, vector<1x16xf32>,
          %swap3A_1956 = arith.index_cast %while3A_1901 : i32 to index
          %swap3A_1957 = arith.constant 176 : index
          %swap3A_1958 = tpu.vector_load %arg8[%swap3A_1956, %swap3A_1957] {strides = array<i32>} : memref<32x512xf32, #tpu.memory_space<vmem>>, vector<1x16xf32>,
          %swap3A_1959 = vector.shape_cast %swap3A_1958 : vector<1x16xf32> to vector<16xf32>
          %swap3A_1960 = vector.shape_cast %broadcast_in_dim3A_1 : vector<16xf32> to vector<1x16xf32>
          tpu.vector_store %arg8[%swap3A_1956, %swap3A_1957], %swap3A_1960 {strides = array<i32>} : memref<32x512xf32, #tpu.memory_space<vmem>>, vector<1x16xf32>,
          %swap3A_1961 = arith.index_cast %while3A_1901 : i32 to index
          %swap3A_1962 = arith.constant 192 : index
          %swap3A_1963 = tpu.vector_load %arg8[%swap3A_1961, %swap3A_1962] {strides = array<i32>} : memref<32x512xf32, #tpu.memory_space<vmem>>, vector<1x16xf32>,
          %swap3A_1964 = vector.shape_cast %swap3A_1963 : vector<1x16xf32> to vector<16xf32>
          %swap3A_1965 = vector.shape_cast %broadcast_in_dim3A_1 : vector<16xf32> to vector<1x16xf32>
          tpu.vector_store %arg8[%swap3A_1961, %swap3A_1962], %swap3A_1965 {strides = array<i32>} : memref<32x512xf32, #tpu.memory_space<vmem>>, vector<1x16xf32>,
          %swap3A_1966 = arith.index_cast %while3A_1901 : i32 to index
          %swap3A_1967 = arith.constant 208 : index
          %swap3A_1968 = tpu.vector_load %arg8[%swap3A_1966, %swap3A_1967] {strides = array<i32>} : memref<32x512xf32, #tpu.memory_space<vmem>>, vector<1x16xf32>,
          %swap3A_1969 = vector.shape_cast %swap3A_1968 : vector<1x16xf32> to vector<16xf32>
          %swap3A_1970 = vector.shape_cast %broadcast_in_dim3A_1 : vector<16xf32> to vector<1x16xf32>
          tpu.vector_store %arg8[%swap3A_1966, %swap3A_1967], %swap3A_1970 {strides = array<i32>} : memref<32x512xf32, #tpu.memory_space<vmem>>, vector<1x16xf32>,
          %swap3A_1971 = arith.index_cast %while3A_1901 : i32 to index
          %swap3A_1972 = arith.constant 224 : index
          %swap3A_1973 = tpu.vector_load %arg8[%swap3A_1971, %swap3A_1972] {strides = array<i32>} : memref<32x512xf32, #tpu.memory_space<vmem>>, vector<1x16xf32>,
          %swap3A_1974 = vector.shape_cast %swap3A_1973 : vector<1x16xf32> to vector<16xf32>
          %swap3A_1975 = vector.shape_cast %broadcast_in_dim3A_1 : vector<16xf32> to vector<1x16xf32>
          tpu.vector_store %arg8[%swap3A_1971, %swap3A_1972], %swap3A_1975 {strides = array<i32>} : memref<32x512xf32, #tpu.memory_space<vmem>>, vector<1x16xf32>,
          %swap3A_1976 = arith.index_cast %while3A_1901 : i32 to index
          %swap3A_1977 = arith.constant 240 : index
          %swap3A_1978 = tpu.vector_load %arg8[%swap3A_1976, %swap3A_1977] {strides = array<i32>} : memref<32x512xf32, #tpu.memory_space<vmem>>, vector<1x16xf32>,
          %swap3A_1979 = vector.shape_cast %swap3A_1978 : vector<1x16xf32> to vector<16xf32>
          %swap3A_1980 = vector.shape_cast %broadcast_in_dim3A_1 : vector<16xf32> to vector<1x16xf32>
          tpu.vector_store %arg8[%swap3A_1976, %swap3A_1977], %swap3A_1980 {strides = array<i32>} : memref<32x512xf32, #tpu.memory_space<vmem>>, vector<1x16xf32>,
          %swap3A_1981 = arith.index_cast %while3A_1901 : i32 to index
          %swap3A_1982 = arith.constant 256 : index
          %swap3A_1983 = tpu.vector_load %arg8[%swap3A_1981, %swap3A_1982] {strides = array<i32>} : memref<32x512xf32, #tpu.memory_space<vmem>>, vector<1x16xf32>,
          %swap3A_1984 = vector.shape_cast %swap3A_1983 : vector<1x16xf32> to vector<16xf32>
          %swap3A_1985 = vector.shape_cast %broadcast_in_dim3A_1 : vector<16xf32> to vector<1x16xf32>
          tpu.vector_store %arg8[%swap3A_1981, %swap3A_1982], %swap3A_1985 {strides = array<i32>} : memref<32x512xf32, #tpu.memory_space<vmem>>, vector<1x16xf32>,
          %swap3A_1986 = arith.index_cast %while3A_1901 : i32 to index
          %swap3A_1987 = arith.constant 272 : index
          %swap3A_1988 = tpu.vector_load %arg8[%swap3A_1986, %swap3A_1987] {strides = array<i32>} : memref<32x512xf32, #tpu.memory_space<vmem>>, vector<1x16xf32>,
          %swap3A_1989 = vector.shape_cast %swap3A_1988 : vector<1x16xf32> to vector<16xf32>
          %swap3A_1990 = vector.shape_cast %broadcast_in_dim3A_1 : vector<16xf32> to vector<1x16xf32>
          tpu.vector_store %arg8[%swap3A_1986, %swap3A_1987], %swap3A_1990 {strides = array<i32>} : memref<32x512xf32, #tpu.memory_space<vmem>>, vector<1x16xf32>,
          %swap3A_1991 = arith.index_cast %while3A_1901 : i32 to index
          %swap3A_1992 = arith.constant 288 : index
          %swap3A_1993 = tpu.vector_load %arg8[%swap3A_1991, %swap3A_1992] {strides = array<i32>} : memref<32x512xf32, #tpu.memory_space<vmem>>, vector<1x16xf32>,
          %swap3A_1994 = vector.shape_cast %swap3A_1993 : vector<1x16xf32> to vector<16xf32>
          %swap3A_1995 = vector.shape_cast %broadcast_in_dim3A_1 : vector<16xf32> to vector<1x16xf32>
          tpu.vector_store %arg8[%swap3A_1991, %swap3A_1992], %swap3A_1995 {strides = array<i32>} : memref<32x512xf32, #tpu.memory_space<vmem>>, vector<1x16xf32>,
          %swap3A_1996 = arith.index_cast %while3A_1901 : i32 to index
          %swap3A_1997 = arith.constant 304 : index
          %swap3A_1998 = tpu.vector_load %arg8[%swap3A_1996, %swap3A_1997] {strides = array<i32>} : memref<32x512xf32, #tpu.memory_space<vmem>>, vector<1x16xf32>,
          %swap3A_1999 = vector.shape_cast %swap3A_1998 : vector<1x16xf32> to vector<16xf32>
          %swap3A_2000 = vector.shape_cast %broadcast_in_dim3A_1 : vector<16xf32> to vector<1x16xf32>
          tpu.vector_store %arg8[%swap3A_1996, %swap3A_1997], %swap3A_2000 {strides = array<i32>} : memref<32x512xf32, #tpu.memory_space<vmem>>, vector<1x16xf32>,
          %swap3A_2001 = arith.index_cast %while3A_1901 : i32 to index
          %swap3A_2002 = arith.constant 320 : index
          %swap3A_2003 = tpu.vector_load %arg8[%swap3A_2001, %swap3A_2002] {strides = array<i32>} : memref<32x512xf32, #tpu.memory_space<vmem>>, vector<1x16xf32>,
          %swap3A_2004 = vector.shape_cast %swap3A_2003 : vector<1x16xf32> to vector<16xf32>
          %swap3A_2005 = vector.shape_cast %broadcast_in_dim3A_1 : vector<16xf32> to vector<1x16xf32>
          tpu.vector_store %arg8[%swap3A_2001, %swap3A_2002], %swap3A_2005 {strides = array<i32>} : memref<32x512xf32, #tpu.memory_space<vmem>>, vector<1x16xf32>,
          %swap3A_2006 = arith.index_cast %while3A_1901 : i32 to index
          %swap3A_2007 = arith.constant 336 : index
          %swap3A_2008 = tpu.vector_load %arg8[%swap3A_2006, %swap3A_2007] {strides = array<i32>} : memref<32x512xf32, #tpu.memory_space<vmem>>, vector<1x16xf32>,
          %swap3A_2009 = vector.shape_cast %swap3A_2008 : vector<1x16xf32> to vector<16xf32>
          %swap3A_2010 = vector.shape_cast %broadcast_in_dim3A_1 : vector<16xf32> to vector<1x16xf32>
          tpu.vector_store %arg8[%swap3A_2006, %swap3A_2007], %swap3A_2010 {strides = array<i32>} : memref<32x512xf32, #tpu.memory_space<vmem>>, vector<1x16xf32>,
          %swap3A_2011 = arith.index_cast %while3A_1901 : i32 to index
          %swap3A_2012 = arith.constant 352 : index
          %swap3A_2013 = tpu.vector_load %arg8[%swap3A_2011, %swap3A_2012] {strides = array<i32>} : memref<32x512xf32, #tpu.memory_space<vmem>>, vector<1x16xf32>,
          %swap3A_2014 = vector.shape_cast %swap3A_2013 : vector<1x16xf32> to vector<16xf32>
          %swap3A_2015 = vector.shape_cast %broadcast_in_dim3A_1 : vector<16xf32> to vector<1x16xf32>
          tpu.vector_store %arg8[%swap3A_2011, %swap3A_2012], %swap3A_2015 {strides = array<i32>} : memref<32x512xf32, #tpu.memory_space<vmem>>, vector<1x16xf32>,
          %swap3A_2016 = arith.index_cast %while3A_1901 : i32 to index
          %swap3A_2017 = arith.constant 368 : index
          %swap3A_2018 = tpu.vector_load %arg8[%swap3A_2016, %swap3A_2017] {strides = array<i32>} : memref<32x512xf32, #tpu.memory_space<vmem>>, vector<1x16xf32>,
          %swap3A_2019 = vector.shape_cast %swap3A_2018 : vector<1x16xf32> to vector<16xf32>
          %swap3A_2020 = vector.shape_cast %broadcast_in_dim3A_1 : vector<16xf32> to vector<1x16xf32>
          tpu.vector_store %arg8[%swap3A_2016, %swap3A_2017], %swap3A_2020 {strides = array<i32>} : memref<32x512xf32, #tpu.memory_space<vmem>>, vector<1x16xf32>,
          %swap3A_2021 = arith.index_cast %while3A_1901 : i32 to index
          %swap3A_2022 = arith.constant 384 : index
          %swap3A_2023 = tpu.vector_load %arg8[%swap3A_2021, %swap3A_2022] {strides = array<i32>} : memref<32x512xf32, #tpu.memory_space<vmem>>, vector<1x16xf32>,
          %swap3A_2024 = vector.shape_cast %swap3A_2023 : vector<1x16xf32> to vector<16xf32>
          %swap3A_2025 = vector.shape_cast %broadcast_in_dim3A_1 : vector<16xf32> to vector<1x16xf32>
          tpu.vector_store %arg8[%swap3A_2021, %swap3A_2022], %swap3A_2025 {strides = array<i32>} : memref<32x512xf32, #tpu.memory_space<vmem>>, vector<1x16xf32>,
          %swap3A_2026 = arith.index_cast %while3A_1901 : i32 to index
          %swap3A_2027 = arith.constant 400 : index
          %swap3A_2028 = tpu.vector_load %arg8[%swap3A_2026, %swap3A_2027] {strides = array<i32>} : memref<32x512xf32, #tpu.memory_space<vmem>>, vector<1x16xf32>,
          %swap3A_2029 = vector.shape_cast %swap3A_2028 : vector<1x16xf32> to vector<16xf32>
          %swap3A_2030 = vector.shape_cast %broadcast_in_dim3A_1 : vector<16xf32> to vector<1x16xf32>
          tpu.vector_store %arg8[%swap3A_2026, %swap3A_2027], %swap3A_2030 {strides = array<i32>} : memref<32x512xf32, #tpu.memory_space<vmem>>, vector<1x16xf32>,
          %swap3A_2031 = arith.index_cast %while3A_1901 : i32 to index
          %swap3A_2032 = arith.constant 416 : index
          %swap3A_2033 = tpu.vector_load %arg8[%swap3A_2031, %swap3A_2032] {strides = array<i32>} : memref<32x512xf32, #tpu.memory_space<vmem>>, vector<1x16xf32>,
          %swap3A_2034 = vector.shape_cast %swap3A_2033 : vector<1x16xf32> to vector<16xf32>
          %swap3A_2035 = vector.shape_cast %broadcast_in_dim3A_1 : vector<16xf32> to vector<1x16xf32>
          tpu.vector_store %arg8[%swap3A_2031, %swap3A_2032], %swap3A_2035 {strides = array<i32>} : memref<32x512xf32, #tpu.memory_space<vmem>>, vector<1x16xf32>,
          %swap3A_2036 = arith.index_cast %while3A_1901 : i32 to index
          %swap3A_2037 = arith.constant 432 : index
          %swap3A_2038 = tpu.vector_load %arg8[%swap3A_2036, %swap3A_2037] {strides = array<i32>} : memref<32x512xf32, #tpu.memory_space<vmem>>, vector<1x16xf32>,
          %swap3A_2039 = vector.shape_cast %swap3A_2038 : vector<1x16xf32> to vector<16xf32>
          %swap3A_2040 = vector.shape_cast %broadcast_in_dim3A_1 : vector<16xf32> to vector<1x16xf32>
          tpu.vector_store %arg8[%swap3A_2036, %swap3A_2037], %swap3A_2040 {strides = array<i32>} : memref<32x512xf32, #tpu.memory_space<vmem>>, vector<1x16xf32>,
          %swap3A_2041 = arith.index_cast %while3A_1901 : i32 to index
          %swap3A_2042 = arith.constant 448 : index
          %swap3A_2043 = tpu.vector_load %arg8[%swap3A_2041, %swap3A_2042] {strides = array<i32>} : memref<32x512xf32, #tpu.memory_space<vmem>>, vector<1x16xf32>,
          %swap3A_2044 = vector.shape_cast %swap3A_2043 : vector<1x16xf32> to vector<16xf32>
          %swap3A_2045 = vector.shape_cast %broadcast_in_dim3A_1 : vector<16xf32> to vector<1x16xf32>
          tpu.vector_store %arg8[%swap3A_2041, %swap3A_2042], %swap3A_2045 {strides = array<i32>} : memref<32x512xf32, #tpu.memory_space<vmem>>, vector<1x16xf32>,
          %swap3A_2046 = arith.index_cast %while3A_1901 : i32 to index
          %swap3A_2047 = arith.constant 464 : index
          %swap3A_2048 = tpu.vector_load %arg8[%swap3A_2046, %swap3A_2047] {strides = array<i32>} : memref<32x512xf32, #tpu.memory_space<vmem>>, vector<1x16xf32>,
          %swap3A_2049 = vector.shape_cast %swap3A_2048 : vector<1x16xf32> to vector<16xf32>
          %swap3A_2050 = vector.shape_cast %broadcast_in_dim3A_1 : vector<16xf32> to vector<1x16xf32>
          tpu.vector_store %arg8[%swap3A_2046, %swap3A_2047], %swap3A_2050 {strides = array<i32>} : memref<32x512xf32, #tpu.memory_space<vmem>>, vector<1x16xf32>,
          %swap3A_2051 = arith.index_cast %while3A_1901 : i32 to index
          %swap3A_2052 = arith.constant 480 : index
          %swap3A_2053 = tpu.vector_load %arg8[%swap3A_2051, %swap3A_2052] {strides = array<i32>} : memref<32x512xf32, #tpu.memory_space<vmem>>, vector<1x16xf32>,
          %swap3A_2054 = vector.shape_cast %swap3A_2053 : vector<1x16xf32> to vector<16xf32>
          %swap3A_2055 = vector.shape_cast %broadcast_in_dim3A_1 : vector<16xf32> to vector<1x16xf32>
          tpu.vector_store %arg8[%swap3A_2051, %swap3A_2052], %swap3A_2055 {strides = array<i32>} : memref<32x512xf32, #tpu.memory_space<vmem>>, vector<1x16xf32>,
          %swap3A_2056 = arith.index_cast %while3A_1901 : i32 to index
          %swap3A_2057 = arith.constant 496 : index
          %swap3A_2058 = tpu.vector_load %arg8[%swap3A_2056, %swap3A_2057] {strides = array<i32>} : memref<32x512xf32, #tpu.memory_space<vmem>>, vector<1x16xf32>,
          %swap3A_2059 = vector.shape_cast %swap3A_2058 : vector<1x16xf32> to vector<16xf32>
          %swap3A_2060 = vector.shape_cast %broadcast_in_dim3A_1 : vector<16xf32> to vector<1x16xf32>
          tpu.vector_store %arg8[%swap3A_2056, %swap3A_2057], %swap3A_2060 {strides = array<i32>} : memref<32x512xf32, #tpu.memory_space<vmem>>, vector<1x16xf32>,
        }
        %while3A_1840 = arith.constant 1 : i32
        scf.for %while3A_1901 = %while3A_1838 to %while3A_1834 step %while3A_1840  : i32 {
          %swap3A = arith.index_cast %while3A_1901 : i32 to index
          %swap3A_1902 = arith.constant 0 : index
          %swap3A_1903 = tpu.vector_load %arg8[%swap3A, %swap3A_1902] {strides = array<i32>} : memref<32x512xf32, #tpu.memory_space<vmem>>, vector<1x16xf32>,
          %swap3A_1904 = vector.shape_cast %swap3A_1903 : vector<1x16xf32> to vector<16xf32>
          %swap3A_1905 = vector.shape_cast %broadcast_in_dim3A_1 : vector<16xf32> to vector<1x16xf32>
          tpu.vector_store %arg8[%swap3A, %swap3A_1902], %swap3A_1905 {strides = array<i32>} : memref<32x512xf32, #tpu.memory_space<vmem>>, vector<1x16xf32>,
          %swap3A_1906 = arith.index_cast %while3A_1901 : i32 to index
          %swap3A_1907 = arith.constant 16 : index
          %swap3A_1908 = tpu.vector_load %arg8[%swap3A_1906, %swap3A_1907] {strides = array<i32>} : memref<32x512xf32, #tpu.memory_space<vmem>>, vector<1x16xf32>,
          %swap3A_1909 = vector.shape_cast %swap3A_1908 : vector<1x16xf32> to vector<16xf32>
          %swap3A_1910 = vector.shape_cast %broadcast_in_dim3A_1 : vector<16xf32> to vector<1x16xf32>
          tpu.vector_store %arg8[%swap3A_1906, %swap3A_1907], %swap3A_1910 {strides = array<i32>} : memref<32x512xf32, #tpu.memory_space<vmem>>, vector<1x16xf32>,
          %swap3A_1911 = arith.index_cast %while3A_1901 : i32 to index
          %swap3A_1912 = arith.constant 32 : index
          %swap3A_1913 = tpu.vector_load %arg8[%swap3A_1911, %swap3A_1912] {strides = array<i32>} : memref<32x512xf32, #tpu.memory_space<vmem>>, vector<1x16xf32>,
          %swap3A_1914 = vector.shape_cast %swap3A_1913 : vector<1x16xf32> to vector<16xf32>
          %swap3A_1915 = vector.shape_cast %broadcast_in_dim3A_1 : vector<16xf32> to vector<1x16xf32>
          tpu.vector_store %arg8[%swap3A_1911, %swap3A_1912], %swap3A_1915 {strides = array<i32>} : memref<32x512xf32, #tpu.memory_space<vmem>>, vector<1x16xf32>,
          %swap3A_1916 = arith.index_cast %while3A_1901 : i32 to index
          %swap3A_1917 = arith.constant 48 : index
          %swap3A_1918 = tpu.vector_load %arg8[%swap3A_1916, %swap3A_1917] {strides = array<i32>} : memref<32x512xf32, #tpu.memory_space<vmem>>, vector<1x16xf32>,
          %swap3A_1919 = vector.shape_cast %swap3A_1918 : vector<1x16xf32> to vector<16xf32>
          %swap3A_1920 = vector.shape_cast %broadcast_in_dim3A_1 : vector<16xf32> to vector<1x16xf32>
          tpu.vector_store %arg8[%swap3A_1916, %swap3A_1917], %swap3A_1920 {strides = array<i32>} : memref<32x512xf32, #tpu.memory_space<vmem>>, vector<1x16xf32>,
          %swap3A_1921 = arith.index_cast %while3A_1901 : i32 to index
          %swap3A_1922 = arith.constant 64 : index
          %swap3A_1923 = tpu.vector_load %arg8[%swap3A_1921, %swap3A_1922] {strides = array<i32>} : memref<32x512xf32, #tpu.memory_space<vmem>>, vector<1x16xf32>,
          %swap3A_1924 = vector.shape_cast %swap3A_1923 : vector<1x16xf32> to vector<16xf32>
          %swap3A_1925 = vector.shape_cast %broadcast_in_dim3A_1 : vector<16xf32> to vector<1x16xf32>
          tpu.vector_store %arg8[%swap3A_1921, %swap3A_1922], %swap3A_1925 {strides = array<i32>} : memref<32x512xf32, #tpu.memory_space<vmem>>, vector<1x16xf32>,
          %swap3A_1926 = arith.index_cast %while3A_1901 : i32 to index
          %swap3A_1927 = arith.constant 80 : index
          %swap3A_1928 = tpu.vector_load %arg8[%swap3A_1926, %swap3A_1927] {strides = array<i32>} : memref<32x512xf32, #tpu.memory_space<vmem>>, vector<1x16xf32>,
          %swap3A_1929 = vector.shape_cast %swap3A_1928 : vector<1x16xf32> to vector<16xf32>
          %swap3A_1930 = vector.shape_cast %broadcast_in_dim3A_1 : vector<16xf32> to vector<1x16xf32>
          tpu.vector_store %arg8[%swap3A_1926, %swap3A_1927], %swap3A_1930 {strides = array<i32>} : memref<32x512xf32, #tpu.memory_space<vmem>>, vector<1x16xf32>,
          %swap3A_1931 = arith.index_cast %while3A_1901 : i32 to index
          %swap3A_1932 = arith.constant 96 : index
          %swap3A_1933 = tpu.vector_load %arg8[%swap3A_1931, %swap3A_1932] {strides = array<i32>} : memref<32x512xf32, #tpu.memory_space<vmem>>, vector<1x16xf32>,
          %swap3A_1934 = vector.shape_cast %swap3A_1933 : vector<1x16xf32> to vector<16xf32>
          %swap3A_1935 = vector.shape_cast %broadcast_in_dim3A_1 : vector<16xf32> to vector<1x16xf32>
          tpu.vector_store %arg8[%swap3A_1931, %swap3A_1932], %swap3A_1935 {strides = array<i32>} : memref<32x512xf32, #tpu.memory_space<vmem>>, vector<1x16xf32>,
          %swap3A_1936 = arith.index_cast %while3A_1901 : i32 to index
          %swap3A_1937 = arith.constant 112 : index
          %swap3A_1938 = tpu.vector_load %arg8[%swap3A_1936, %swap3A_1937] {strides = array<i32>} : memref<32x512xf32, #tpu.memory_space<vmem>>, vector<1x16xf32>,
          %swap3A_1939 = vector.shape_cast %swap3A_1938 : vector<1x16xf32> to vector<16xf32>
          %swap3A_1940 = vector.shape_cast %broadcast_in_dim3A_1 : vector<16xf32> to vector<1x16xf32>
          tpu.vector_store %arg8[%swap3A_1936, %swap3A_1937], %swap3A_1940 {strides = array<i32>} : memref<32x512xf32, #tpu.memory_space<vmem>>, vector<1x16xf32>,
          %swap3A_1941 = arith.index_cast %while3A_1901 : i32 to index
          %swap3A_1942 = arith.constant 128 : index
          %swap3A_1943 = tpu.vector_load %arg8[%swap3A_1941, %swap3A_1942] {strides = array<i32>} : memref<32x512xf32, #tpu.memory_space<vmem>>, vector<1x16xf32>,
          %swap3A_1944 = vector.shape_cast %swap3A_1943 : vector<1x16xf32> to vector<16xf32>
          %swap3A_1945 = vector.shape_cast %broadcast_in_dim3A_1 : vector<16xf32> to vector<1x16xf32>
          tpu.vector_store %arg8[%swap3A_1941, %swap3A_1942], %swap3A_1945 {strides = array<i32>} : memref<32x512xf32, #tpu.memory_space<vmem>>, vector<1x16xf32>,
          %swap3A_1946 = arith.index_cast %while3A_1901 : i32 to index
          %swap3A_1947 = arith.constant 144 : index
          %swap3A_1948 = tpu.vector_load %arg8[%swap3A_1946, %swap3A_1947] {strides = array<i32>} : memref<32x512xf32, #tpu.memory_space<vmem>>, vector<1x16xf32>,
          %swap3A_1949 = vector.shape_cast %swap3A_1948 : vector<1x16xf32> to vector<16xf32>
          %swap3A_1950 = vector.shape_cast %broadcast_in_dim3A_1 : vector<16xf32> to vector<1x16xf32>
          tpu.vector_store %arg8[%swap3A_1946, %swap3A_1947], %swap3A_1950 {strides = array<i32>} : memref<32x512xf32, #tpu.memory_space<vmem>>, vector<1x16xf32>,
          %swap3A_1951 = arith.index_cast %while3A_1901 : i32 to index
          %swap3A_1952 = arith.constant 160 : index
          %swap3A_1953 = tpu.vector_load %arg8[%swap3A_1951, %swap3A_1952] {strides = array<i32>} : memref<32x512xf32, #tpu.memory_space<vmem>>, vector<1x16xf32>,
          %swap3A_1954 = vector.shape_cast %swap3A_1953 : vector<1x16xf32> to vector<16xf32>
          %swap3A_1955 = vector.shape_cast %broadcast_in_dim3A_1 : vector<16xf32> to vector<1x16xf32>
          tpu.vector_store %arg8[%swap3A_1951, %swap3A_1952], %swap3A_1955 {strides = array<i32>} : memref<32x512xf32, #tpu.memory_space<vmem>>, vector<1x16xf32>,
          %swap3A_1956 = arith.index_cast %while3A_1901 : i32 to index
          %swap3A_1957 = arith.constant 176 : index
          %swap3A_1958 = tpu.vector_load %arg8[%swap3A_1956, %swap3A_1957] {strides = array<i32>} : memref<32x512xf32, #tpu.memory_space<vmem>>, vector<1x16xf32>,
          %swap3A_1959 = vector.shape_cast %swap3A_1958 : vector<1x16xf32> to vector<16xf32>
          %swap3A_1960 = vector.shape_cast %broadcast_in_dim3A_1 : vector<16xf32> to vector<1x16xf32>
          tpu.vector_store %arg8[%swap3A_1956, %swap3A_1957], %swap3A_1960 {strides = array<i32>} : memref<32x512xf32, #tpu.memory_space<vmem>>, vector<1x16xf32>,
          %swap3A_1961 = arith.index_cast %while3A_1901 : i32 to index
          %swap3A_1962 = arith.constant 192 : index
          %swap3A_1963 = tpu.vector_load %arg8[%swap3A_1961, %swap3A_1962] {strides = array<i32>} : memref<32x512xf32, #tpu.memory_space<vmem>>, vector<1x16xf32>,
          %swap3A_1964 = vector.shape_cast %swap3A_1963 : vector<1x16xf32> to vector<16xf32>
          %swap3A_1965 = vector.shape_cast %broadcast_in_dim3A_1 : vector<16xf32> to vector<1x16xf32>
          tpu.vector_store %arg8[%swap3A_1961, %swap3A_1962], %swap3A_1965 {strides = array<i32>} : memref<32x512xf32, #tpu.memory_space<vmem>>, vector<1x16xf32>,
          %swap3A_1966 = arith.index_cast %while3A_1901 : i32 to index
          %swap3A_1967 = arith.constant 208 : index
          %swap3A_1968 = tpu.vector_load %arg8[%swap3A_1966, %swap3A_1967] {strides = array<i32>} : memref<32x512xf32, #tpu.memory_space<vmem>>, vector<1x16xf32>,
          %swap3A_1969 = vector.shape_cast %swap3A_1968 : vector<1x16xf32> to vector<16xf32>
          %swap3A_1970 = vector.shape_cast %broadcast_in_dim3A_1 : vector<16xf32> to vector<1x16xf32>
          tpu.vector_store %arg8[%swap3A_1966, %swap3A_1967], %swap3A_1970 {strides = array<i32>} : memref<32x512xf32, #tpu.memory_space<vmem>>, vector<1x16xf32>,
          %swap3A_1971 = arith.index_cast %while3A_1901 : i32 to index
          %swap3A_1972 = arith.constant 224 : index
          %swap3A_1973 = tpu.vector_load %arg8[%swap3A_1971, %swap3A_1972] {strides = array<i32>} : memref<32x512xf32, #tpu.memory_space<vmem>>, vector<1x16xf32>,
          %swap3A_1974 = vector.shape_cast %swap3A_1973 : vector<1x16xf32> to vector<16xf32>
          %swap3A_1975 = vector.shape_cast %broadcast_in_dim3A_1 : vector<16xf32> to vector<1x16xf32>
          tpu.vector_store %arg8[%swap3A_1971, %swap3A_1972], %swap3A_1975 {strides = array<i32>} : memref<32x512xf32, #tpu.memory_space<vmem>>, vector<1x16xf32>,
          %swap3A_1976 = arith.index_cast %while3A_1901 : i32 to index
          %swap3A_1977 = arith.constant 240 : index
          %swap3A_1978 = tpu.vector_load %arg8[%swap3A_1976, %swap3A_1977] {strides = array<i32>} : memref<32x512xf32, #tpu.memory_space<vmem>>, vector<1x16xf32>,
          %swap3A_1979 = vector.shape_cast %swap3A_1978 : vector<1x16xf32> to vector<16xf32>
          %swap3A_1980 = vector.shape_cast %broadcast_in_dim3A_1 : vector<16xf32> to vector<1x16xf32>
          tpu.vector_store %arg8[%swap3A_1976, %swap3A_1977], %swap3A_1980 {strides = array<i32>} : memref<32x512xf32, #tpu.memory_space<vmem>>, vector<1x16xf32>,
          %swap3A_1981 = arith.index_cast %while3A_1901 : i32 to index
          %swap3A_1982 = arith.constant 256 : index
          %swap3A_1983 = tpu.vector_load %arg8[%swap3A_1981, %swap3A_1982] {strides = array<i32>} : memref<32x512xf32, #tpu.memory_space<vmem>>, vector<1x16xf32>,
          %swap3A_1984 = vector.shape_cast %swap3A_1983 : vector<1x16xf32> to vector<16xf32>
          %swap3A_1985 = vector.shape_cast %broadcast_in_dim3A_1 : vector<16xf32> to vector<1x16xf32>
          tpu.vector_store %arg8[%swap3A_1981, %swap3A_1982], %swap3A_1985 {strides = array<i32>} : memref<32x512xf32, #tpu.memory_space<vmem>>, vector<1x16xf32>,
          %swap3A_1986 = arith.index_cast %while3A_1901 : i32 to index
          %swap3A_1987 = arith.constant 272 : index
          %swap3A_1988 = tpu.vector_load %arg8[%swap3A_1986, %swap3A_1987] {strides = array<i32>} : memref<32x512xf32, #tpu.memory_space<vmem>>, vector<1x16xf32>,
          %swap3A_1989 = vector.shape_cast %swap3A_1988 : vector<1x16xf32> to vector<16xf32>
          %swap3A_1990 = vector.shape_cast %broadcast_in_dim3A_1 : vector<16xf32> to vector<1x16xf32>
          tpu.vector_store %arg8[%swap3A_1986, %swap3A_1987], %swap3A_1990 {strides = array<i32>} : memref<32x512xf32, #tpu.memory_space<vmem>>, vector<1x16xf32>,
          %swap3A_1991 = arith.index_cast %while3A_1901 : i32 to index
          %swap3A_1992 = arith.constant 288 : index
          %swap3A_1993 = tpu.vector_load %arg8[%swap3A_1991, %swap3A_1992] {strides = array<i32>} : memref<32x512xf32, #tpu.memory_space<vmem>>, vector<1x16xf32>,
          %swap3A_1994 = vector.shape_cast %swap3A_1993 : vector<1x16xf32> to vector<16xf32>
          %swap3A_1995 = vector.shape_cast %broadcast_in_dim3A_1 : vector<16xf32> to vector<1x16xf32>
          tpu.vector_store %arg8[%swap3A_1991, %swap3A_1992], %swap3A_1995 {strides = array<i32>} : memref<32x512xf32, #tpu.memory_space<vmem>>, vector<1x16xf32>,
          %swap3A_1996 = arith.index_cast %while3A_1901 : i32 to index
          %swap3A_1997 = arith.constant 304 : index
          %swap3A_1998 = tpu.vector_load %arg8[%swap3A_1996, %swap3A_1997] {strides = array<i32>} : memref<32x512xf32, #tpu.memory_space<vmem>>, vector<1x16xf32>,
          %swap3A_1999 = vector.shape_cast %swap3A_1998 : vector<1x16xf32> to vector<16xf32>
          %swap3A_2000 = vector.shape_cast %broadcast_in_dim3A_1 : vector<16xf32> to vector<1x16xf32>
          tpu.vector_store %arg8[%swap3A_1996, %swap3A_1997], %swap3A_2000 {strides = array<i32>} : memref<32x512xf32, #tpu.memory_space<vmem>>, vector<1x16xf32>,
          %swap3A_2001 = arith.index_cast %while3A_1901 : i32 to index
          %swap3A_2002 = arith.constant 320 : index
          %swap3A_2003 = tpu.vector_load %arg8[%swap3A_2001, %swap3A_2002] {strides = array<i32>} : memref<32x512xf32, #tpu.memory_space<vmem>>, vector<1x16xf32>,
          %swap3A_2004 = vector.shape_cast %swap3A_2003 : vector<1x16xf32> to vector<16xf32>
          %swap3A_2005 = vector.shape_cast %broadcast_in_dim3A_1 : vector<16xf32> to vector<1x16xf32>
          tpu.vector_store %arg8[%swap3A_2001, %swap3A_2002], %swap3A_2005 {strides = array<i32>} : memref<32x512xf32, #tpu.memory_space<vmem>>, vector<1x16xf32>,
          %swap3A_2006 = arith.index_cast %while3A_1901 : i32 to index
          %swap3A_2007 = arith.constant 336 : index
          %swap3A_2008 = tpu.vector_load %arg8[%swap3A_2006, %swap3A_2007] {strides = array<i32>} : memref<32x512xf32, #tpu.memory_space<vmem>>, vector<1x16xf32>,
          %swap3A_2009 = vector.shape_cast %swap3A_2008 : vector<1x16xf32> to vector<16xf32>
          %swap3A_2010 = vector.shape_cast %broadcast_in_dim3A_1 : vector<16xf32> to vector<1x16xf32>
          tpu.vector_store %arg8[%swap3A_2006, %swap3A_2007], %swap3A_2010 {strides = array<i32>} : memref<32x512xf32, #tpu.memory_space<vmem>>, vector<1x16xf32>,
          %swap3A_2011 = arith.index_cast %while3A_1901 : i32 to index
          %swap3A_2012 = arith.constant 352 : index
          %swap3A_2013 = tpu.vector_load %arg8[%swap3A_2011, %swap3A_2012] {strides = array<i32>} : memref<32x512xf32, #tpu.memory_space<vmem>>, vector<1x16xf32>,
          %swap3A_2014 = vector.shape_cast %swap3A_2013 : vector<1x16xf32> to vector<16xf32>
          %swap3A_2015 = vector.shape_cast %broadcast_in_dim3A_1 : vector<16xf32> to vector<1x16xf32>
          tpu.vector_store %arg8[%swap3A_2011, %swap3A_2012], %swap3A_2015 {strides = array<i32>} : memref<32x512xf32, #tpu.memory_space<vmem>>, vector<1x16xf32>,
          %swap3A_2016 = arith.index_cast %while3A_1901 : i32 to index
          %swap3A_2017 = arith.constant 368 : index
          %swap3A_2018 = tpu.vector_load %arg8[%swap3A_2016, %swap3A_2017] {strides = array<i32>} : memref<32x512xf32, #tpu.memory_space<vmem>>, vector<1x16xf32>,
          %swap3A_2019 = vector.shape_cast %swap3A_2018 : vector<1x16xf32> to vector<16xf32>
          %swap3A_2020 = vector.shape_cast %broadcast_in_dim3A_1 : vector<16xf32> to vector<1x16xf32>
          tpu.vector_store %arg8[%swap3A_2016, %swap3A_2017], %swap3A_2020 {strides = array<i32>} : memref<32x512xf32, #tpu.memory_space<vmem>>, vector<1x16xf32>,
          %swap3A_2021 = arith.index_cast %while3A_1901 : i32 to index
          %swap3A_2022 = arith.constant 384 : index
          %swap3A_2023 = tpu.vector_load %arg8[%swap3A_2021, %swap3A_2022] {strides = array<i32>} : memref<32x512xf32, #tpu.memory_space<vmem>>, vector<1x16xf32>,
          %swap3A_2024 = vector.shape_cast %swap3A_2023 : vector<1x16xf32> to vector<16xf32>
          %swap3A_2025 = vector.shape_cast %broadcast_in_dim3A_1 : vector<16xf32> to vector<1x16xf32>
          tpu.vector_store %arg8[%swap3A_2021, %swap3A_2022], %swap3A_2025 {strides = array<i32>} : memref<32x512xf32, #tpu.memory_space<vmem>>, vector<1x16xf32>,
          %swap3A_2026 = arith.index_cast %while3A_1901 : i32 to index
          %swap3A_2027 = arith.constant 400 : index
          %swap3A_2028 = tpu.vector_load %arg8[%swap3A_2026, %swap3A_2027] {strides = array<i32>} : memref<32x512xf32, #tpu.memory_space<vmem>>, vector<1x16xf32>,
          %swap3A_2029 = vector.shape_cast %swap3A_2028 : vector<1x16xf32> to vector<16xf32>
          %swap3A_2030 = vector.shape_cast %broadcast_in_dim3A_1 : vector<16xf32> to vector<1x16xf32>
          tpu.vector_store %arg8[%swap3A_2026, %swap3A_2027], %swap3A_2030 {strides = array<i32>} : memref<32x512xf32, #tpu.memory_space<vmem>>, vector<1x16xf32>,
          %swap3A_2031 = arith.index_cast %while3A_1901 : i32 to index
          %swap3A_2032 = arith.constant 416 : index
          %swap3A_2033 = tpu.vector_load %arg8[%swap3A_2031, %swap3A_2032] {strides = array<i32>} : memref<32x512xf32, #tpu.memory_space<vmem>>, vector<1x16xf32>,
          %swap3A_2034 = vector.shape_cast %swap3A_2033 : vector<1x16xf32> to vector<16xf32>
          %swap3A_2035 = vector.shape_cast %broadcast_in_dim3A_1 : vector<16xf32> to vector<1x16xf32>
          tpu.vector_store %arg8[%swap3A_2031, %swap3A_2032], %swap3A_2035 {strides = array<i32>} : memref<32x512xf32, #tpu.memory_space<vmem>>, vector<1x16xf32>,
          %swap3A_2036 = arith.index_cast %while3A_1901 : i32 to index
          %swap3A_2037 = arith.constant 432 : index
          %swap3A_2038 = tpu.vector_load %arg8[%swap3A_2036, %swap3A_2037] {strides = array<i32>} : memref<32x512xf32, #tpu.memory_space<vmem>>, vector<1x16xf32>,
          %swap3A_2039 = vector.shape_cast %swap3A_2038 : vector<1x16xf32> to vector<16xf32>
          %swap3A_2040 = vector.shape_cast %broadcast_in_dim3A_1 : vector<16xf32> to vector<1x16xf32>
          tpu.vector_store %arg8[%swap3A_2036, %swap3A_2037], %swap3A_2040 {strides = array<i32>} : memref<32x512xf32, #tpu.memory_space<vmem>>, vector<1x16xf32>,
          %swap3A_2041 = arith.index_cast %while3A_1901 : i32 to index
          %swap3A_2042 = arith.constant 448 : index
          %swap3A_2043 = tpu.vector_load %arg8[%swap3A_2041, %swap3A_2042] {strides = array<i32>} : memref<32x512xf32, #tpu.memory_space<vmem>>, vector<1x16xf32>,
          %swap3A_2044 = vector.shape_cast %swap3A_2043 : vector<1x16xf32> to vector<16xf32>
          %swap3A_2045 = vector.shape_cast %broadcast_in_dim3A_1 : vector<16xf32> to vector<1x16xf32>
          tpu.vector_store %arg8[%swap3A_2041, %swap3A_2042], %swap3A_2045 {strides = array<i32>} : memref<32x512xf32, #tpu.memory_space<vmem>>, vector<1x16xf32>,
          %swap3A_2046 = arith.index_cast %while3A_1901 : i32 to index
          %swap3A_2047 = arith.constant 464 : index
          %swap3A_2048 = tpu.vector_load %arg8[%swap3A_2046, %swap3A_2047] {strides = array<i32>} : memref<32x512xf32, #tpu.memory_space<vmem>>, vector<1x16xf32>,
          %swap3A_2049 = vector.shape_cast %swap3A_2048 : vector<1x16xf32> to vector<16xf32>
          %swap3A_2050 = vector.shape_cast %broadcast_in_dim3A_1 : vector<16xf32> to vector<1x16xf32>
          tpu.vector_store %arg8[%swap3A_2046, %swap3A_2047], %swap3A_2050 {strides = array<i32>} : memref<32x512xf32, #tpu.memory_space<vmem>>, vector<1x16xf32>,
          %swap3A_2051 = arith.index_cast %while3A_1901 : i32 to index
          %swap3A_2052 = arith.constant 480 : index
          %swap3A_2053 = tpu.vector_load %arg8[%swap3A_2051, %swap3A_2052] {strides = array<i32>} : memref<32x512xf32, #tpu.memory_space<vmem>>, vector<1x16xf32>,
          %swap3A_2054 = vector.shape_cast %swap3A_2053 : vector<1x16xf32> to vector<16xf32>
          %swap3A_2055 = vector.shape_cast %broadcast_in_dim3A_1 : vector<16xf32> to vector<1x16xf32>
          tpu.vector_store %arg8[%swap3A_2051, %swap3A_2052], %swap3A_2055 {strides = array<i32>} : memref<32x512xf32, #tpu.memory_space<vmem>>, vector<1x16xf32>,
          %swap3A_2056 = arith.index_cast %while3A_1901 : i32 to index
          %swap3A_2057 = arith.constant 496 : index
          %swap3A_2058 = tpu.vector_load %arg8[%swap3A_2056, %swap3A_2057] {strides = array<i32>} : memref<32x512xf32, #tpu.memory_space<vmem>>, vector<1x16xf32>,
          %swap3A_2059 = vector.shape_cast %swap3A_2058 : vector<1x16xf32> to vector<16xf32>
          %swap3A_2060 = vector.shape_cast %broadcast_in_dim3A_1 : vector<16xf32> to vector<1x16xf32>
          tpu.vector_store %arg8[%swap3A_2056, %swap3A_2057], %swap3A_2060 {strides = array<i32>} : memref<32x512xf32, #tpu.memory_space<vmem>>, vector<1x16xf32>,
        }
        %mul3A_1841 = arith.constant 32 : i32
        %mul3A_1842 = arith.muli %add3A_1007, %mul3A_1841 : i32
        %add3A_1843 = arith.addi %add3A, %mul3A_1842 : i32
        %jit3A_1844 = arith.constant 128 : i32
        %div3A_1845 = arith.divsi %add3A_1843, %jit3A_1844 : i32
        %sign3A_1846 = arith.constant 0 : i32
        %sign3A_1847 = arith.cmpi sgt, %add3A_1843, %sign3A_1846 : i32
        %sign3A_1848 = arith.extui %sign3A_1847 : i1 to i32
        %sign3A_1849 = arith.constant 0 : i32
        %sign3A_1850 = arith.cmpi slt, %add3A_1843, %sign3A_1849 : i32
        %sign3A_1851 = arith.extui %sign3A_1850 : i1 to i32
        %sign3A_1852 = arith.subi %sign3A_1848, %sign3A_1851 : i32
        %sign3A_1853 = arith.constant 0 : i32
        %sign3A_1854 = arith.cmpi sgt, %jit3A_1844, %sign3A_1853 : i32
        %sign3A_1855 = arith.extui %sign3A_1854 : i1 to i32
        %sign3A_1856 = arith.constant 0 : i32
        %sign3A_1857 = arith.cmpi slt, %jit3A_1844, %sign3A_1856 : i32
        %sign3A_1858 = arith.extui %sign3A_1857 : i1 to i32
        %sign3A_1859 = arith.subi %sign3A_1855, %sign3A_1858 : i32
        %ne3A_1860 = arith.cmpi ne, %sign3A_1852, %sign3A_1859 : i32
        %rem3A_1861 = arith.remsi %add3A_1843, %jit3A_1844 : i32
        %ne3A_1862 = arith.constant 0 : i32
        %ne3A_1863 = arith.cmpi ne, %rem3A_1861, %ne3A_1862 : i32
        %and3A_1864 = arith.andi %ne3A_1860, %ne3A_1863 : i1
        %sub3A_1865 = arith.constant 1 : i32
        %sub3A_1866 = arith.subi %div3A_1845, %sub3A_1865 : i32
        %select_n3A_1867 = arith.select %and3A_1864, %sub3A_1866, %div3A_1845 : i32
        %jit3A_1868 = arith.constant 0 : i32
        %jit3A_1869 = arith.constant 15 : i32
        %max3A_1870 = arith.maxsi %jit3A_1868, %select_n3A_1867 : i32
        %min3A_1871 = arith.minsi %jit3A_1869, %max3A_1870 : i32
        %jit3A_1872 = arith.constant 128 : i32
        %eq3A_1873 = arith.constant 0 : i32
        %eq3A_1874 = arith.cmpi eq, %jit3A_1872, %eq3A_1873 : i32
        %jit3A_1875 = arith.constant 1 : i32
        %select_n3A_1876 = arith.select %eq3A_1874, %jit3A_1875, %jit3A_1872 : i32
        %rem3A_1877 = arith.remsi %add3A_1843, %select_n3A_1876 : i32
        %ne3A_1878 = arith.constant 0 : i32
        %ne3A_1879 = arith.cmpi ne, %rem3A_1877, %ne3A_1878 : i32
        %lt3A_1880 = arith.constant 0 : i32
        %lt3A_1881 = arith.cmpi slt, %rem3A_1877, %lt3A_1880 : i32
        %lt3A_1882 = arith.constant 0 : i32
        %lt3A_1883 = arith.cmpi slt, %select_n3A_1876, %lt3A_1882 : i32
        %ne3A_1884 = arith.xori %lt3A_1881, %lt3A_1883 : i1
        %and3A_1885 = arith.andi %ne3A_1884, %ne3A_1879 : i1
        %add3A_1886 = arith.addi %rem3A_1877, %select_n3A_1876 : i32
        %select_n3A_1887 = arith.select %and3A_1885, %add3A_1886, %rem3A_1877 : i32
        %mul3A_1888 = arith.constant 32 : i32
        %mul3A_1889 = arith.muli %select_n3A_1887, %mul3A_1888 : i32
        %get3A_1890 = arith.index_cast %min3A_1871 : i32 to index
        %get3A_1891 = tpu.vector_load %arg5[%get3A_1890] {strides = array<i32>} : memref<32xi32, #tpu.memory_space<vmem>>, vector<16xi32>,
        %get3A_1892 = vector.shape_cast %get3A_1891 : vector<16xi32> to vector<16xi32>
        %slice3A_1893 = vector.extract_strided_slice %get3A_1892 {offsets = [0], sizes = [1], strides = [1]} : vector<16xi32> to vector<1xi32>
        %squeeze3A_1894 = vector.extract %slice3A_1893[0] : i32 from vector<1xi32>
        %sub3A_1895 = arith.subi %squeeze3A_1894, %mul3A_1889 : i32
        %dma_start3A = arith.constant 0 : i32
        %dma_start3A_1896 = tpu.memref_slice %arg4[%min3A_1871, %mul3A_1889, %dma_start3A] : memref<16x4096x512xf32, #tpu.memory_space<hbm>> -> memref<1x32x512xf32, #tpu.memory_space<hbm>>
        %dma_start3A_1897 = tpu.memref_squeeze %dma_start3A_1896 : memref<1x32x512xf32, #tpu.memory_space<hbm>> -> memref<32x512xf32, #tpu.memory_space<hbm>>
        %dma_start3A_1898 = arith.constant 0 : i32
        %dma_start3A_1899 = tpu.memref_slice %arg4[%min3A_1871, %mul3A_1889, %dma_start3A_1898] : memref<16x4096x512xf32, #tpu.memory_space<hbm>> -> memref<1x32x512xf32, #tpu.memory_space<hbm>>
        %dma_start3A_1900 = tpu.memref_squeeze %dma_start3A_1899 : memref<1x32x512xf32, #tpu.memory_space<hbm>> -> memref<32x512xf32, #tpu.memory_space<hbm>>
        tpu.enqueue_dma source(%arg8 : memref<32x512xf32, #tpu.memory_space<vmem>>) target(%dma_start3A_1900 : memref<32x512xf32, #tpu.memory_space<hbm>>) target_semaphore(%arg17 : memref<!tpu.dma_semaphore, #tpu.memory_space<semaphore_mem>>)
      } else {
      }
      %mul3A_1263 = arith.constant 32 : i32
      %mul3A_1264 = arith.muli %add3A_1007, %mul3A_1263 : i32
      %add3A_1265 = arith.addi %add3A, %mul3A_1264 : i32
      %jit3A_1266 = arith.constant 128 : i32
      %div3A_1267 = arith.divsi %add3A_1265, %jit3A_1266 : i32
      %sign3A_1268 = arith.constant 0 : i32
      %sign3A_1269 = arith.cmpi sgt, %add3A_1265, %sign3A_1268 : i32
      %sign3A_1270 = arith.extui %sign3A_1269 : i1 to i32
      %sign3A_1271 = arith.constant 0 : i32
      %sign3A_1272 = arith.cmpi slt, %add3A_1265, %sign3A_1271 : i32
      %sign3A_1273 = arith.extui %sign3A_1272 : i1 to i32
      %sign3A_1274 = arith.subi %sign3A_1270, %sign3A_1273 : i32
      %sign3A_1275 = arith.constant 0 : i32
      %sign3A_1276 = arith.cmpi sgt, %jit3A_1266, %sign3A_1275 : i32
      %sign3A_1277 = arith.extui %sign3A_1276 : i1 to i32
      %sign3A_1278 = arith.constant 0 : i32
      %sign3A_1279 = arith.cmpi slt, %jit3A_1266, %sign3A_1278 : i32
      %sign3A_1280 = arith.extui %sign3A_1279 : i1 to i32
      %sign3A_1281 = arith.subi %sign3A_1277, %sign3A_1280 : i32
      %ne3A_1282 = arith.cmpi ne, %sign3A_1274, %sign3A_1281 : i32
      %rem3A_1283 = arith.remsi %add3A_1265, %jit3A_1266 : i32
      %ne3A_1284 = arith.constant 0 : i32
      %ne3A_1285 = arith.cmpi ne, %rem3A_1283, %ne3A_1284 : i32
      %and3A_1286 = arith.andi %ne3A_1282, %ne3A_1285 : i1
      %sub3A_1287 = arith.constant 1 : i32
      %sub3A_1288 = arith.subi %div3A_1267, %sub3A_1287 : i32
      %select_n3A_1289 = arith.select %and3A_1286, %sub3A_1288, %div3A_1267 : i32
      %jit3A_1290 = arith.constant 0 : i32
      %jit3A_1291 = arith.constant 15 : i32
      %max3A_1292 = arith.maxsi %jit3A_1290, %select_n3A_1289 : i32
      %min3A_1293 = arith.minsi %jit3A_1291, %max3A_1292 : i32
      %jit3A_1294 = arith.constant 128 : i32
      %eq3A_1295 = arith.constant 0 : i32
      %eq3A_1296 = arith.cmpi eq, %jit3A_1294, %eq3A_1295 : i32
      %jit3A_1297 = arith.constant 1 : i32
      %select_n3A_1298 = arith.select %eq3A_1296, %jit3A_1297, %jit3A_1294 : i32
      %rem3A_1299 = arith.remsi %add3A_1265, %select_n3A_1298 : i32
      %ne3A_1300 = arith.constant 0 : i32
      %ne3A_1301 = arith.cmpi ne, %rem3A_1299, %ne3A_1300 : i32
      %lt3A_1302 = arith.constant 0 : i32
      %lt3A_1303 = arith.cmpi slt, %rem3A_1299, %lt3A_1302 : i32
      %lt3A_1304 = arith.constant 0 : i32
      %lt3A_1305 = arith.cmpi slt, %select_n3A_1298, %lt3A_1304 : i32
      %ne3A_1306 = arith.xori %lt3A_1303, %lt3A_1305 : i1
      %and3A_1307 = arith.andi %ne3A_1306, %ne3A_1301 : i1
      %add3A_1308 = arith.addi %rem3A_1299, %select_n3A_1298 : i32
      %select_n3A_1309 = arith.select %and3A_1307, %add3A_1308, %rem3A_1299 : i32
      %mul3A_1310 = arith.constant 32 : i32
      %mul3A_1311 = arith.muli %select_n3A_1309, %mul3A_1310 : i32
      %get3A_1312 = arith.index_cast %min3A_1293 : i32 to index
      %get3A_1313 = tpu.vector_load %arg5[%get3A_1312] {strides = array<i32>} : memref<32xi32, #tpu.memory_space<vmem>>, vector<16xi32>,
      %get3A_1314 = vector.shape_cast %get3A_1313 : vector<16xi32> to vector<16xi32>
      %slice3A_1315 = vector.extract_strided_slice %get3A_1314 {offsets = [0], sizes = [1], strides = [1]} : vector<16xi32> to vector<1xi32>
      %squeeze3A_1316 = vector.extract %slice3A_1315[0] : i32 from vector<1xi32>
      %sub3A_1317 = arith.subi %squeeze3A_1316, %mul3A_1311 : i32
      %le3A_1318 = arith.constant 0 : i32
      %le3A_1319 = arith.cmpi sle, %sub3A_1317, %le3A_1318 : i32
      %convert_element_type3A_1320 = arith.extui %le3A_1319 : i1 to i32
      %cond3A_1321 = arith.constant 0 : i32
      %cond3A_1322 = arith.cmpi ne, %convert_element_type3A_1320, %cond3A_1321 : i32
      scf.if %cond3A_1322 {
        %mul3A_1772 = arith.constant 32 : i32
        %mul3A_1773 = arith.muli %add3A_1007, %mul3A_1772 : i32
        %add3A_1774 = arith.addi %add3A, %mul3A_1773 : i32
        %jit3A_1775 = arith.constant 128 : i32
        %div3A_1776 = arith.divsi %add3A_1774, %jit3A_1775 : i32
        %sign3A_1777 = arith.constant 0 : i32
        %sign3A_1778 = arith.cmpi sgt, %add3A_1774, %sign3A_1777 : i32
        %sign3A_1779 = arith.extui %sign3A_1778 : i1 to i32
        %sign3A_1780 = arith.constant 0 : i32
        %sign3A_1781 = arith.cmpi slt, %add3A_1774, %sign3A_1780 : i32
        %sign3A_1782 = arith.extui %sign3A_1781 : i1 to i32
        %sign3A_1783 = arith.subi %sign3A_1779, %sign3A_1782 : i32
        %sign3A_1784 = arith.constant 0 : i32
        %sign3A_1785 = arith.cmpi sgt, %jit3A_1775, %sign3A_1784 : i32
        %sign3A_1786 = arith.extui %sign3A_1785 : i1 to i32
        %sign3A_1787 = arith.constant 0 : i32
        %sign3A_1788 = arith.cmpi slt, %jit3A_1775, %sign3A_1787 : i32
        %sign3A_1789 = arith.extui %sign3A_1788 : i1 to i32
        %sign3A_1790 = arith.subi %sign3A_1786, %sign3A_1789 : i32
        %ne3A_1791 = arith.cmpi ne, %sign3A_1783, %sign3A_1790 : i32
        %rem3A_1792 = arith.remsi %add3A_1774, %jit3A_1775 : i32
        %ne3A_1793 = arith.constant 0 : i32
        %ne3A_1794 = arith.cmpi ne, %rem3A_1792, %ne3A_1793 : i32
        %and3A_1795 = arith.andi %ne3A_1791, %ne3A_1794 : i1
        %sub3A_1796 = arith.constant 1 : i32
        %sub3A_1797 = arith.subi %div3A_1776, %sub3A_1796 : i32
        %select_n3A_1798 = arith.select %and3A_1795, %sub3A_1797, %div3A_1776 : i32
        %jit3A_1799 = arith.constant 0 : i32
        %jit3A_1800 = arith.constant 15 : i32
        %max3A_1801 = arith.maxsi %jit3A_1799, %select_n3A_1798 : i32
        %min3A_1802 = arith.minsi %jit3A_1800, %max3A_1801 : i32
        %jit3A_1803 = arith.constant 128 : i32
        %eq3A_1804 = arith.constant 0 : i32
        %eq3A_1805 = arith.cmpi eq, %jit3A_1803, %eq3A_1804 : i32
        %jit3A_1806 = arith.constant 1 : i32
        %select_n3A_1807 = arith.select %eq3A_1805, %jit3A_1806, %jit3A_1803 : i32
        %rem3A_1808 = arith.remsi %add3A_1774, %select_n3A_1807 : i32
        %ne3A_1809 = arith.constant 0 : i32
        %ne3A_1810 = arith.cmpi ne, %rem3A_1808, %ne3A_1809 : i32
        %lt3A_1811 = arith.constant 0 : i32
        %lt3A_1812 = arith.cmpi slt, %rem3A_1808, %lt3A_1811 : i32
        %lt3A_1813 = arith.constant 0 : i32
        %lt3A_1814 = arith.cmpi slt, %select_n3A_1807, %lt3A_1813 : i32
        %ne3A_1815 = arith.xori %lt3A_1812, %lt3A_1814 : i1
        %and3A_1816 = arith.andi %ne3A_1815, %ne3A_1810 : i1
        %add3A_1817 = arith.addi %rem3A_1808, %select_n3A_1807 : i32
        %select_n3A_1818 = arith.select %and3A_1816, %add3A_1817, %rem3A_1808 : i32
        %mul3A_1819 = arith.constant 32 : i32
        %mul3A_1820 = arith.muli %select_n3A_1818, %mul3A_1819 : i32
        %get3A_1821 = arith.index_cast %min3A_1802 : i32 to index
        %get3A_1822 = tpu.vector_load %arg5[%get3A_1821] {strides = array<i32>} : memref<32xi32, #tpu.memory_space<vmem>>, vector<16xi32>,
        %get3A_1823 = vector.shape_cast %get3A_1822 : vector<16xi32> to vector<16xi32>
        %slice3A_1824 = vector.extract_strided_slice %get3A_1823 {offsets = [0], sizes = [1], strides = [1]} : vector<16xi32> to vector<1xi32>
        %squeeze3A_1825 = vector.extract %slice3A_1824[0] : i32 from vector<1xi32>
        %sub3A_1826 = arith.subi %squeeze3A_1825, %mul3A_1820 : i32
        %dma_start3A = arith.constant 0 : i32
        %dma_start3A_1827 = tpu.memref_slice %arg4[%min3A_1802, %mul3A_1820, %dma_start3A] : memref<16x4096x512xf32, #tpu.memory_space<hbm>> -> memref<1x32x512xf32, #tpu.memory_space<hbm>>
        %dma_start3A_1828 = tpu.memref_squeeze %dma_start3A_1827 : memref<1x32x512xf32, #tpu.memory_space<hbm>> -> memref<32x512xf32, #tpu.memory_space<hbm>>
        %dma_start3A_1829 = arith.constant 0 : i32
        %dma_start3A_1830 = tpu.memref_slice %arg4[%min3A_1802, %mul3A_1820, %dma_start3A_1829] : memref<16x4096x512xf32, #tpu.memory_space<hbm>> -> memref<1x32x512xf32, #tpu.memory_space<hbm>>
        %dma_start3A_1831 = tpu.memref_squeeze %dma_start3A_1830 : memref<1x32x512xf32, #tpu.memory_space<hbm>> -> memref<32x512xf32, #tpu.memory_space<hbm>>
        tpu.enqueue_dma source(%arg10 : memref<32x512xf32, #tpu.memory_space<vmem>>) target(%dma_start3A_1831 : memref<32x512xf32, #tpu.memory_space<hbm>>) target_semaphore(%arg19 : memref<!tpu.dma_semaphore, #tpu.memory_space<semaphore_mem>>)
      } else {
      }
      %ge3A_1323 = arith.constant 32 : i32
      %ge3A_1324 = arith.cmpi sge, %add3A_1007, %ge3A_1323 : i32
      %sub3A_1325 = arith.constant 32 : i32
      %sub3A_1326 = arith.subi %add3A_1007, %sub3A_1325 : i32
      %mul3A_1327 = arith.constant 32 : i32
      %mul3A_1328 = arith.muli %sub3A_1326, %mul3A_1327 : i32
      %add3A_1329 = arith.addi %add3A, %mul3A_1328 : i32
      %jit3A_1330 = arith.constant 128 : i32
      %div3A_1331 = arith.divsi %add3A_1329, %jit3A_1330 : i32
      %sign3A_1332 = arith.constant 0 : i32
      %sign3A_1333 = arith.cmpi sgt, %add3A_1329, %sign3A_1332 : i32
      %sign3A_1334 = arith.extui %sign3A_1333 : i1 to i32
      %sign3A_1335 = arith.constant 0 : i32
      %sign3A_1336 = arith.cmpi slt, %add3A_1329, %sign3A_1335 : i32
      %sign3A_1337 = arith.extui %sign3A_1336 : i1 to i32
      %sign3A_1338 = arith.subi %sign3A_1334, %sign3A_1337 : i32
      %sign3A_1339 = arith.constant 0 : i32
      %sign3A_1340 = arith.cmpi sgt, %jit3A_1330, %sign3A_1339 : i32
      %sign3A_1341 = arith.extui %sign3A_1340 : i1 to i32
      %sign3A_1342 = arith.constant 0 : i32
      %sign3A_1343 = arith.cmpi slt, %jit3A_1330, %sign3A_1342 : i32
      %sign3A_1344 = arith.extui %sign3A_1343 : i1 to i32
      %sign3A_1345 = arith.subi %sign3A_1341, %sign3A_1344 : i32
      %ne3A_1346 = arith.cmpi ne, %sign3A_1338, %sign3A_1345 : i32
      %rem3A_1347 = arith.remsi %add3A_1329, %jit3A_1330 : i32
      %ne3A_1348 = arith.constant 0 : i32
      %ne3A_1349 = arith.cmpi ne, %rem3A_1347, %ne3A_1348 : i32
      %and3A_1350 = arith.andi %ne3A_1346, %ne3A_1349 : i1
      %sub3A_1351 = arith.constant 1 : i32
      %sub3A_1352 = arith.subi %div3A_1331, %sub3A_1351 : i32
      %select_n3A_1353 = arith.select %and3A_1350, %sub3A_1352, %div3A_1331 : i32
      %jit3A_1354 = arith.constant 0 : i32
      %jit3A_1355 = arith.constant 15 : i32
      %max3A_1356 = arith.maxsi %jit3A_1354, %select_n3A_1353 : i32
      %min3A_1357 = arith.minsi %jit3A_1355, %max3A_1356 : i32
      %jit3A_1358 = arith.constant 128 : i32
      %eq3A_1359 = arith.constant 0 : i32
      %eq3A_1360 = arith.cmpi eq, %jit3A_1358, %eq3A_1359 : i32
      %jit3A_1361 = arith.constant 1 : i32
      %select_n3A_1362 = arith.select %eq3A_1360, %jit3A_1361, %jit3A_1358 : i32
      %rem3A_1363 = arith.remsi %add3A_1329, %select_n3A_1362 : i32
      %ne3A_1364 = arith.constant 0 : i32
      %ne3A_1365 = arith.cmpi ne, %rem3A_1363, %ne3A_1364 : i32
      %lt3A_1366 = arith.constant 0 : i32
      %lt3A_1367 = arith.cmpi slt, %rem3A_1363, %lt3A_1366 : i32
      %lt3A_1368 = arith.constant 0 : i32
      %lt3A_1369 = arith.cmpi slt, %select_n3A_1362, %lt3A_1368 : i32
      %ne3A_1370 = arith.xori %lt3A_1367, %lt3A_1369 : i1
      %and3A_1371 = arith.andi %ne3A_1370, %ne3A_1365 : i1
      %add3A_1372 = arith.addi %rem3A_1363, %select_n3A_1362 : i32
      %select_n3A_1373 = arith.select %and3A_1371, %add3A_1372, %rem3A_1363 : i32
      %mul3A_1374 = arith.constant 32 : i32
      %mul3A_1375 = arith.muli %select_n3A_1373, %mul3A_1374 : i32
      %get3A_1376 = arith.index_cast %min3A_1357 : i32 to index
      %get3A_1377 = tpu.vector_load %arg5[%get3A_1376] {strides = array<i32>} : memref<32xi32, #tpu.memory_space<vmem>>, vector<16xi32>,
      %get3A_1378 = vector.shape_cast %get3A_1377 : vector<16xi32> to vector<16xi32>
      %slice3A_1379 = vector.extract_strided_slice %get3A_1378 {offsets = [0], sizes = [1], strides = [1]} : vector<16xi32> to vector<1xi32>
      %squeeze3A_1380 = vector.extract %slice3A_1379[0] : i32 from vector<1xi32>
      %sub3A_1381 = arith.subi %squeeze3A_1380, %mul3A_1375 : i32
      %le3A_1382 = arith.constant 0 : i32
      %le3A_1383 = arith.cmpi sle, %sub3A_1381, %le3A_1382 : i32
      %and3A_1384 = arith.andi %ge3A_1324, %le3A_1383 : i1
      %convert_element_type3A_1385 = arith.extui %and3A_1384 : i1 to i32
      %cond3A_1386 = arith.constant 0 : i32
      %cond3A_1387 = arith.cmpi ne, %convert_element_type3A_1385, %cond3A_1386 : i32
      scf.if %cond3A_1387 {
        %sub3A_1772 = arith.constant 32 : i32
        %sub3A_1773 = arith.subi %add3A_1007, %sub3A_1772 : i32
        %mul3A_1774 = arith.constant 32 : i32
        %mul3A_1775 = arith.muli %sub3A_1773, %mul3A_1774 : i32
        %add3A_1776 = arith.addi %add3A, %mul3A_1775 : i32
        %jit3A_1777 = arith.constant 128 : i32
        %div3A_1778 = arith.divsi %add3A_1776, %jit3A_1777 : i32
        %sign3A_1779 = arith.constant 0 : i32
        %sign3A_1780 = arith.cmpi sgt, %add3A_1776, %sign3A_1779 : i32
        %sign3A_1781 = arith.extui %sign3A_1780 : i1 to i32
        %sign3A_1782 = arith.constant 0 : i32
        %sign3A_1783 = arith.cmpi slt, %add3A_1776, %sign3A_1782 : i32
        %sign3A_1784 = arith.extui %sign3A_1783 : i1 to i32
        %sign3A_1785 = arith.subi %sign3A_1781, %sign3A_1784 : i32
        %sign3A_1786 = arith.constant 0 : i32
        %sign3A_1787 = arith.cmpi sgt, %jit3A_1777, %sign3A_1786 : i32
        %sign3A_1788 = arith.extui %sign3A_1787 : i1 to i32
        %sign3A_1789 = arith.constant 0 : i32
        %sign3A_1790 = arith.cmpi slt, %jit3A_1777, %sign3A_1789 : i32
        %sign3A_1791 = arith.extui %sign3A_1790 : i1 to i32
        %sign3A_1792 = arith.subi %sign3A_1788, %sign3A_1791 : i32
        %ne3A_1793 = arith.cmpi ne, %sign3A_1785, %sign3A_1792 : i32
        %rem3A_1794 = arith.remsi %add3A_1776, %jit3A_1777 : i32
        %ne3A_1795 = arith.constant 0 : i32
        %ne3A_1796 = arith.cmpi ne, %rem3A_1794, %ne3A_1795 : i32
        %and3A_1797 = arith.andi %ne3A_1793, %ne3A_1796 : i1
        %sub3A_1798 = arith.constant 1 : i32
        %sub3A_1799 = arith.subi %div3A_1778, %sub3A_1798 : i32
        %select_n3A_1800 = arith.select %and3A_1797, %sub3A_1799, %div3A_1778 : i32
        %jit3A_1801 = arith.constant 0 : i32
        %jit3A_1802 = arith.constant 15 : i32
        %max3A_1803 = arith.maxsi %jit3A_1801, %select_n3A_1800 : i32
        %min3A_1804 = arith.minsi %jit3A_1802, %max3A_1803 : i32
        %jit3A_1805 = arith.constant 128 : i32
        %eq3A_1806 = arith.constant 0 : i32
        %eq3A_1807 = arith.cmpi eq, %jit3A_1805, %eq3A_1806 : i32
        %jit3A_1808 = arith.constant 1 : i32
        %select_n3A_1809 = arith.select %eq3A_1807, %jit3A_1808, %jit3A_1805 : i32
        %rem3A_1810 = arith.remsi %add3A_1776, %select_n3A_1809 : i32
        %ne3A_1811 = arith.constant 0 : i32
        %ne3A_1812 = arith.cmpi ne, %rem3A_1810, %ne3A_1811 : i32
        %lt3A_1813 = arith.constant 0 : i32
        %lt3A_1814 = arith.cmpi slt, %rem3A_1810, %lt3A_1813 : i32
        %lt3A_1815 = arith.constant 0 : i32
        %lt3A_1816 = arith.cmpi slt, %select_n3A_1809, %lt3A_1815 : i32
        %ne3A_1817 = arith.xori %lt3A_1814, %lt3A_1816 : i1
        %and3A_1818 = arith.andi %ne3A_1817, %ne3A_1812 : i1
        %add3A_1819 = arith.addi %rem3A_1810, %select_n3A_1809 : i32
        %select_n3A_1820 = arith.select %and3A_1818, %add3A_1819, %rem3A_1810 : i32
        %mul3A_1821 = arith.constant 32 : i32
        %mul3A_1822 = arith.muli %select_n3A_1820, %mul3A_1821 : i32
        %get3A_1823 = arith.index_cast %min3A_1804 : i32 to index
        %get3A_1824 = tpu.vector_load %arg5[%get3A_1823] {strides = array<i32>} : memref<32xi32, #tpu.memory_space<vmem>>, vector<16xi32>,
        %get3A_1825 = vector.shape_cast %get3A_1824 : vector<16xi32> to vector<16xi32>
        %slice3A_1826 = vector.extract_strided_slice %get3A_1825 {offsets = [0], sizes = [1], strides = [1]} : vector<16xi32> to vector<1xi32>
        %squeeze3A_1827 = vector.extract %slice3A_1826[0] : i32 from vector<1xi32>
        %sub3A_1828 = arith.subi %squeeze3A_1827, %mul3A_1822 : i32
        %dma_wait3A = arith.constant 0 : i32
        %dma_wait3A_1829 = tpu.memref_slice %arg4[%min3A_1804, %mul3A_1822, %dma_wait3A] : memref<16x4096x512xf32, #tpu.memory_space<hbm>> -> memref<1x32x512xf32, #tpu.memory_space<hbm>>
        %dma_wait3A_1830 = tpu.memref_squeeze %dma_wait3A_1829 : memref<1x32x512xf32, #tpu.memory_space<hbm>> -> memref<32x512xf32, #tpu.memory_space<hbm>>
        %dma_wait3A_1831 = arith.constant 0 : i32
        %dma_wait3A_1832 = tpu.memref_slice %arg4[%min3A_1804, %mul3A_1822, %dma_wait3A_1831] : memref<16x4096x512xf32, #tpu.memory_space<hbm>> -> memref<1x32x512xf32, #tpu.memory_space<hbm>>
        %dma_wait3A_1833 = tpu.memref_squeeze %dma_wait3A_1832 : memref<1x32x512xf32, #tpu.memory_space<hbm>> -> memref<32x512xf32, #tpu.memory_space<hbm>>
        tpu.wait_dma2 semaphore(%arg19 : memref<!tpu.dma_semaphore, #tpu.memory_space<semaphore_mem>>) src(%arg10 : memref<32x512xf32, #tpu.memory_space<vmem>>) dst(%dma_wait3A_1833 : memref<32x512xf32, #tpu.memory_space<hbm>>)
      } else {
      }
      %mul3A_1388 = arith.constant 4 : i32
      %mul3A_1389 = arith.muli %scan3A_237, %mul3A_1388 : i32
      %add3A_1390 = arith.constant 3 : i32
      %add3A_1391 = arith.addi %mul3A_1389, %add3A_1390 : i32
      %ge3A_1392 = arith.constant 2 : i32
      %ge3A_1393 = arith.cmpi sge, %add3A_1391, %ge3A_1392 : i32
      %sub3A_1394 = arith.constant 2 : i32
      %sub3A_1395 = arith.subi %add3A_1391, %sub3A_1394 : i32
      %mul3A_1396 = arith.constant 32 : i32
      %mul3A_1397 = arith.muli %sub3A_1395, %mul3A_1396 : i32
      %add3A_1398 = arith.addi %add3A, %mul3A_1397 : i32
      %jit3A_1399 = arith.constant 128 : i32
      %div3A_1400 = arith.divsi %add3A_1398, %jit3A_1399 : i32
      %sign3A_1401 = arith.constant 0 : i32
      %sign3A_1402 = arith.cmpi sgt, %add3A_1398, %sign3A_1401 : i32
      %sign3A_1403 = arith.extui %sign3A_1402 : i1 to i32
      %sign3A_1404 = arith.constant 0 : i32
      %sign3A_1405 = arith.cmpi slt, %add3A_1398, %sign3A_1404 : i32
      %sign3A_1406 = arith.extui %sign3A_1405 : i1 to i32
      %sign3A_1407 = arith.subi %sign3A_1403, %sign3A_1406 : i32
      %sign3A_1408 = arith.constant 0 : i32
      %sign3A_1409 = arith.cmpi sgt, %jit3A_1399, %sign3A_1408 : i32
      %sign3A_1410 = arith.extui %sign3A_1409 : i1 to i32
      %sign3A_1411 = arith.constant 0 : i32
      %sign3A_1412 = arith.cmpi slt, %jit3A_1399, %sign3A_1411 : i32
      %sign3A_1413 = arith.extui %sign3A_1412 : i1 to i32
      %sign3A_1414 = arith.subi %sign3A_1410, %sign3A_1413 : i32
      %ne3A_1415 = arith.cmpi ne, %sign3A_1407, %sign3A_1414 : i32
      %rem3A_1416 = arith.remsi %add3A_1398, %jit3A_1399 : i32
      %ne3A_1417 = arith.constant 0 : i32
      %ne3A_1418 = arith.cmpi ne, %rem3A_1416, %ne3A_1417 : i32
      %and3A_1419 = arith.andi %ne3A_1415, %ne3A_1418 : i1
      %sub3A_1420 = arith.constant 1 : i32
      %sub3A_1421 = arith.subi %div3A_1400, %sub3A_1420 : i32
      %select_n3A_1422 = arith.select %and3A_1419, %sub3A_1421, %div3A_1400 : i32
      %jit3A_1423 = arith.constant 0 : i32
      %jit3A_1424 = arith.constant 15 : i32
      %max3A_1425 = arith.maxsi %jit3A_1423, %select_n3A_1422 : i32
      %min3A_1426 = arith.minsi %jit3A_1424, %max3A_1425 : i32
      %jit3A_1427 = arith.constant 128 : i32
      %eq3A_1428 = arith.constant 0 : i32
      %eq3A_1429 = arith.cmpi eq, %jit3A_1427, %eq3A_1428 : i32
      %jit3A_1430 = arith.constant 1 : i32
      %select_n3A_1431 = arith.select %eq3A_1429, %jit3A_1430, %jit3A_1427 : i32
      %rem3A_1432 = arith.remsi %add3A_1398, %select_n3A_1431 : i32
      %ne3A_1433 = arith.constant 0 : i32
      %ne3A_1434 = arith.cmpi ne, %rem3A_1432, %ne3A_1433 : i32
      %lt3A_1435 = arith.constant 0 : i32
      %lt3A_1436 = arith.cmpi slt, %rem3A_1432, %lt3A_1435 : i32
      %lt3A_1437 = arith.constant 0 : i32
      %lt3A_1438 = arith.cmpi slt, %select_n3A_1431, %lt3A_1437 : i32
      %ne3A_1439 = arith.xori %lt3A_1436, %lt3A_1438 : i1
      %and3A_1440 = arith.andi %ne3A_1439, %ne3A_1434 : i1
      %add3A_1441 = arith.addi %rem3A_1432, %select_n3A_1431 : i32
      %select_n3A_1442 = arith.select %and3A_1440, %add3A_1441, %rem3A_1432 : i32
      %mul3A_1443 = arith.constant 32 : i32
      %mul3A_1444 = arith.muli %select_n3A_1442, %mul3A_1443 : i32
      %get3A_1445 = arith.index_cast %min3A_1426 : i32 to index
      %get3A_1446 = tpu.vector_load %arg5[%get3A_1445] {strides = array<i32>} : memref<32xi32, #tpu.memory_space<vmem>>, vector<16xi32>,
      %get3A_1447 = vector.shape_cast %get3A_1446 : vector<16xi32> to vector<16xi32>
      %slice3A_1448 = vector.extract_strided_slice %get3A_1447 {offsets = [0], sizes = [1], strides = [1]} : vector<16xi32> to vector<1xi32>
      %squeeze3A_1449 = vector.extract %slice3A_1448[0] : i32 from vector<1xi32>
      %sub3A_1450 = arith.subi %squeeze3A_1449, %mul3A_1444 : i32
      %gt3A_1451 = arith.constant 0 : i32
      %gt3A_1452 = arith.cmpi sgt, %sub3A_1450, %gt3A_1451 : i32
      %and3A_1453 = arith.andi %ge3A_1393, %gt3A_1452 : i1
      %convert_element_type3A_1454 = arith.extui %and3A_1453 : i1 to i32
      %cond3A_1455 = arith.constant 0 : i32
      %cond3A_1456 = arith.cmpi ne, %convert_element_type3A_1454, %cond3A_1455 : i32
      scf.if %cond3A_1456 {
        %sub3A_1772 = arith.constant 2 : i32
        %sub3A_1773 = arith.subi %add3A_1391, %sub3A_1772 : i32
        %mul3A_1774 = arith.constant 32 : i32
        %mul3A_1775 = arith.muli %sub3A_1773, %mul3A_1774 : i32
        %add3A_1776 = arith.addi %add3A, %mul3A_1775 : i32
        %jit3A_1777 = arith.constant 128 : i32
        %div3A_1778 = arith.divsi %add3A_1776, %jit3A_1777 : i32
        %sign3A_1779 = arith.constant 0 : i32
        %sign3A_1780 = arith.cmpi sgt, %add3A_1776, %sign3A_1779 : i32
        %sign3A_1781 = arith.extui %sign3A_1780 : i1 to i32
        %sign3A_1782 = arith.constant 0 : i32
        %sign3A_1783 = arith.cmpi slt, %add3A_1776, %sign3A_1782 : i32
        %sign3A_1784 = arith.extui %sign3A_1783 : i1 to i32
        %sign3A_1785 = arith.subi %sign3A_1781, %sign3A_1784 : i32
        %sign3A_1786 = arith.constant 0 : i32
        %sign3A_1787 = arith.cmpi sgt, %jit3A_1777, %sign3A_1786 : i32
        %sign3A_1788 = arith.extui %sign3A_1787 : i1 to i32
        %sign3A_1789 = arith.constant 0 : i32
        %sign3A_1790 = arith.cmpi slt, %jit3A_1777, %sign3A_1789 : i32
        %sign3A_1791 = arith.extui %sign3A_1790 : i1 to i32
        %sign3A_1792 = arith.subi %sign3A_1788, %sign3A_1791 : i32
        %ne3A_1793 = arith.cmpi ne, %sign3A_1785, %sign3A_1792 : i32
        %rem3A_1794 = arith.remsi %add3A_1776, %jit3A_1777 : i32
        %ne3A_1795 = arith.constant 0 : i32
        %ne3A_1796 = arith.cmpi ne, %rem3A_1794, %ne3A_1795 : i32
        %and3A_1797 = arith.andi %ne3A_1793, %ne3A_1796 : i1
        %sub3A_1798 = arith.constant 1 : i32
        %sub3A_1799 = arith.subi %div3A_1778, %sub3A_1798 : i32
        %select_n3A_1800 = arith.select %and3A_1797, %sub3A_1799, %div3A_1778 : i32
        %jit3A_1801 = arith.constant 0 : i32
        %jit3A_1802 = arith.constant 15 : i32
        %max3A_1803 = arith.maxsi %jit3A_1801, %select_n3A_1800 : i32
        %min3A_1804 = arith.minsi %jit3A_1802, %max3A_1803 : i32
        %jit3A_1805 = arith.constant 128 : i32
        %eq3A_1806 = arith.constant 0 : i32
        %eq3A_1807 = arith.cmpi eq, %jit3A_1805, %eq3A_1806 : i32
        %jit3A_1808 = arith.constant 1 : i32
        %select_n3A_1809 = arith.select %eq3A_1807, %jit3A_1808, %jit3A_1805 : i32
        %rem3A_1810 = arith.remsi %add3A_1776, %select_n3A_1809 : i32
        %ne3A_1811 = arith.constant 0 : i32
        %ne3A_1812 = arith.cmpi ne, %rem3A_1810, %ne3A_1811 : i32
        %lt3A_1813 = arith.constant 0 : i32
        %lt3A_1814 = arith.cmpi slt, %rem3A_1810, %lt3A_1813 : i32
        %lt3A_1815 = arith.constant 0 : i32
        %lt3A_1816 = arith.cmpi slt, %select_n3A_1809, %lt3A_1815 : i32
        %ne3A_1817 = arith.xori %lt3A_1814, %lt3A_1816 : i1
        %and3A_1818 = arith.andi %ne3A_1817, %ne3A_1812 : i1
        %add3A_1819 = arith.addi %rem3A_1810, %select_n3A_1809 : i32
        %select_n3A_1820 = arith.select %and3A_1818, %add3A_1819, %rem3A_1810 : i32
        %mul3A_1821 = arith.constant 32 : i32
        %mul3A_1822 = arith.muli %select_n3A_1820, %mul3A_1821 : i32
        %get3A_1823 = arith.index_cast %min3A_1804 : i32 to index
        %get3A_1824 = tpu.vector_load %arg5[%get3A_1823] {strides = array<i32>} : memref<32xi32, #tpu.memory_space<vmem>>, vector<16xi32>,
        %get3A_1825 = vector.shape_cast %get3A_1824 : vector<16xi32> to vector<16xi32>
        %slice3A_1826 = vector.extract_strided_slice %get3A_1825 {offsets = [0], sizes = [1], strides = [1]} : vector<16xi32> to vector<1xi32>
        %squeeze3A_1827 = vector.extract %slice3A_1826[0] : i32 from vector<1xi32>
        %sub3A_1828 = arith.subi %squeeze3A_1827, %mul3A_1822 : i32
        %dma_wait3A = arith.constant 0 : i32
        %dma_wait3A_1829 = tpu.memref_slice %arg4[%min3A_1804, %mul3A_1822, %dma_wait3A] : memref<16x4096x512xf32, #tpu.memory_space<hbm>> -> memref<1x32x512xf32, #tpu.memory_space<hbm>>
        %dma_wait3A_1830 = tpu.memref_squeeze %dma_wait3A_1829 : memref<1x32x512xf32, #tpu.memory_space<hbm>> -> memref<32x512xf32, #tpu.memory_space<hbm>>
        %dma_wait3A_1831 = arith.constant 0 : i32
        %dma_wait3A_1832 = tpu.memref_slice %arg4[%min3A_1804, %mul3A_1822, %dma_wait3A_1831] : memref<16x4096x512xf32, #tpu.memory_space<hbm>> -> memref<1x32x512xf32, #tpu.memory_space<hbm>>
        %dma_wait3A_1833 = tpu.memref_squeeze %dma_wait3A_1832 : memref<1x32x512xf32, #tpu.memory_space<hbm>> -> memref<32x512xf32, #tpu.memory_space<hbm>>
        tpu.wait_dma2 semaphore(%arg16 : memref<!tpu.dma_semaphore, #tpu.memory_space<semaphore_mem>>) src(%arg7 : memref<32x512xf32, #tpu.memory_space<vmem>>) dst(%dma_wait3A_1833 : memref<32x512xf32, #tpu.memory_space<hbm>>)
      } else {
      }
      %add3A_1457 = arith.constant 2 : i32
      %add3A_1458 = arith.addi %add3A_1391, %add3A_1457 : i32
      %lt3A_1459 = arith.constant 64 : i32
      %lt3A_1460 = arith.cmpi slt, %add3A_1458, %lt3A_1459 : i32
      %add3A_1461 = arith.constant 2 : i32
      %add3A_1462 = arith.addi %add3A_1391, %add3A_1461 : i32
      %mul3A_1463 = arith.constant 32 : i32
      %mul3A_1464 = arith.muli %add3A_1462, %mul3A_1463 : i32
      %add3A_1465 = arith.addi %add3A, %mul3A_1464 : i32
      %jit3A_1466 = arith.constant 128 : i32
      %div3A_1467 = arith.divsi %add3A_1465, %jit3A_1466 : i32
      %sign3A_1468 = arith.constant 0 : i32
      %sign3A_1469 = arith.cmpi sgt, %add3A_1465, %sign3A_1468 : i32
      %sign3A_1470 = arith.extui %sign3A_1469 : i1 to i32
      %sign3A_1471 = arith.constant 0 : i32
      %sign3A_1472 = arith.cmpi slt, %add3A_1465, %sign3A_1471 : i32
      %sign3A_1473 = arith.extui %sign3A_1472 : i1 to i32
      %sign3A_1474 = arith.subi %sign3A_1470, %sign3A_1473 : i32
      %sign3A_1475 = arith.constant 0 : i32
      %sign3A_1476 = arith.cmpi sgt, %jit3A_1466, %sign3A_1475 : i32
      %sign3A_1477 = arith.extui %sign3A_1476 : i1 to i32
      %sign3A_1478 = arith.constant 0 : i32
      %sign3A_1479 = arith.cmpi slt, %jit3A_1466, %sign3A_1478 : i32
      %sign3A_1480 = arith.extui %sign3A_1479 : i1 to i32
      %sign3A_1481 = arith.subi %sign3A_1477, %sign3A_1480 : i32
      %ne3A_1482 = arith.cmpi ne, %sign3A_1474, %sign3A_1481 : i32
      %rem3A_1483 = arith.remsi %add3A_1465, %jit3A_1466 : i32
      %ne3A_1484 = arith.constant 0 : i32
      %ne3A_1485 = arith.cmpi ne, %rem3A_1483, %ne3A_1484 : i32
      %and3A_1486 = arith.andi %ne3A_1482, %ne3A_1485 : i1
      %sub3A_1487 = arith.constant 1 : i32
      %sub3A_1488 = arith.subi %div3A_1467, %sub3A_1487 : i32
      %select_n3A_1489 = arith.select %and3A_1486, %sub3A_1488, %div3A_1467 : i32
      %jit3A_1490 = arith.constant 0 : i32
      %jit3A_1491 = arith.constant 15 : i32
      %max3A_1492 = arith.maxsi %jit3A_1490, %select_n3A_1489 : i32
      %min3A_1493 = arith.minsi %jit3A_1491, %max3A_1492 : i32
      %jit3A_1494 = arith.constant 128 : i32
      %eq3A_1495 = arith.constant 0 : i32
      %eq3A_1496 = arith.cmpi eq, %jit3A_1494, %eq3A_1495 : i32
      %jit3A_1497 = arith.constant 1 : i32
      %select_n3A_1498 = arith.select %eq3A_1496, %jit3A_1497, %jit3A_1494 : i32
      %rem3A_1499 = arith.remsi %add3A_1465, %select_n3A_1498 : i32
      %ne3A_1500 = arith.constant 0 : i32
      %ne3A_1501 = arith.cmpi ne, %rem3A_1499, %ne3A_1500 : i32
      %lt3A_1502 = arith.constant 0 : i32
      %lt3A_1503 = arith.cmpi slt, %rem3A_1499, %lt3A_1502 : i32
      %lt3A_1504 = arith.constant 0 : i32
      %lt3A_1505 = arith.cmpi slt, %select_n3A_1498, %lt3A_1504 : i32
      %ne3A_1506 = arith.xori %lt3A_1503, %lt3A_1505 : i1
      %and3A_1507 = arith.andi %ne3A_1506, %ne3A_1501 : i1
      %add3A_1508 = arith.addi %rem3A_1499, %select_n3A_1498 : i32
      %select_n3A_1509 = arith.select %and3A_1507, %add3A_1508, %rem3A_1499 : i32
      %mul3A_1510 = arith.constant 32 : i32
      %mul3A_1511 = arith.muli %select_n3A_1509, %mul3A_1510 : i32
      %get3A_1512 = arith.index_cast %min3A_1493 : i32 to index
      %get3A_1513 = tpu.vector_load %arg5[%get3A_1512] {strides = array<i32>} : memref<32xi32, #tpu.memory_space<vmem>>, vector<16xi32>,
      %get3A_1514 = vector.shape_cast %get3A_1513 : vector<16xi32> to vector<16xi32>
      %slice3A_1515 = vector.extract_strided_slice %get3A_1514 {offsets = [0], sizes = [1], strides = [1]} : vector<16xi32> to vector<1xi32>
      %squeeze3A_1516 = vector.extract %slice3A_1515[0] : i32 from vector<1xi32>
      %sub3A_1517 = arith.subi %squeeze3A_1516, %mul3A_1511 : i32
      %gt3A_1518 = arith.constant 0 : i32
      %gt3A_1519 = arith.cmpi sgt, %sub3A_1517, %gt3A_1518 : i32
      %and3A_1520 = arith.andi %lt3A_1460, %gt3A_1519 : i1
      %convert_element_type3A_1521 = arith.extui %and3A_1520 : i1 to i32
      %cond3A_1522 = arith.constant 0 : i32
      %cond3A_1523 = arith.cmpi ne, %convert_element_type3A_1521, %cond3A_1522 : i32
      scf.if %cond3A_1523 {
        %add3A_1772 = arith.constant 2 : i32
        %add3A_1773 = arith.addi %add3A_1391, %add3A_1772 : i32
        %mul3A_1774 = arith.constant 32 : i32
        %mul3A_1775 = arith.muli %add3A_1773, %mul3A_1774 : i32
        %add3A_1776 = arith.addi %add3A, %mul3A_1775 : i32
        %jit3A_1777 = arith.constant 128 : i32
        %div3A_1778 = arith.divsi %add3A_1776, %jit3A_1777 : i32
        %sign3A_1779 = arith.constant 0 : i32
        %sign3A_1780 = arith.cmpi sgt, %add3A_1776, %sign3A_1779 : i32
        %sign3A_1781 = arith.extui %sign3A_1780 : i1 to i32
        %sign3A_1782 = arith.constant 0 : i32
        %sign3A_1783 = arith.cmpi slt, %add3A_1776, %sign3A_1782 : i32
        %sign3A_1784 = arith.extui %sign3A_1783 : i1 to i32
        %sign3A_1785 = arith.subi %sign3A_1781, %sign3A_1784 : i32
        %sign3A_1786 = arith.constant 0 : i32
        %sign3A_1787 = arith.cmpi sgt, %jit3A_1777, %sign3A_1786 : i32
        %sign3A_1788 = arith.extui %sign3A_1787 : i1 to i32
        %sign3A_1789 = arith.constant 0 : i32
        %sign3A_1790 = arith.cmpi slt, %jit3A_1777, %sign3A_1789 : i32
        %sign3A_1791 = arith.extui %sign3A_1790 : i1 to i32
        %sign3A_1792 = arith.subi %sign3A_1788, %sign3A_1791 : i32
        %ne3A_1793 = arith.cmpi ne, %sign3A_1785, %sign3A_1792 : i32
        %rem3A_1794 = arith.remsi %add3A_1776, %jit3A_1777 : i32
        %ne3A_1795 = arith.constant 0 : i32
        %ne3A_1796 = arith.cmpi ne, %rem3A_1794, %ne3A_1795 : i32
        %and3A_1797 = arith.andi %ne3A_1793, %ne3A_1796 : i1
        %sub3A_1798 = arith.constant 1 : i32
        %sub3A_1799 = arith.subi %div3A_1778, %sub3A_1798 : i32
        %select_n3A_1800 = arith.select %and3A_1797, %sub3A_1799, %div3A_1778 : i32
        %jit3A_1801 = arith.constant 0 : i32
        %jit3A_1802 = arith.constant 15 : i32
        %max3A_1803 = arith.maxsi %jit3A_1801, %select_n3A_1800 : i32
        %min3A_1804 = arith.minsi %jit3A_1802, %max3A_1803 : i32
        %jit3A_1805 = arith.constant 128 : i32
        %eq3A_1806 = arith.constant 0 : i32
        %eq3A_1807 = arith.cmpi eq, %jit3A_1805, %eq3A_1806 : i32
        %jit3A_1808 = arith.constant 1 : i32
        %select_n3A_1809 = arith.select %eq3A_1807, %jit3A_1808, %jit3A_1805 : i32
        %rem3A_1810 = arith.remsi %add3A_1776, %select_n3A_1809 : i32
        %ne3A_1811 = arith.constant 0 : i32
        %ne3A_1812 = arith.cmpi ne, %rem3A_1810, %ne3A_1811 : i32
        %lt3A_1813 = arith.constant 0 : i32
        %lt3A_1814 = arith.cmpi slt, %rem3A_1810, %lt3A_1813 : i32
        %lt3A_1815 = arith.constant 0 : i32
        %lt3A_1816 = arith.cmpi slt, %select_n3A_1809, %lt3A_1815 : i32
        %ne3A_1817 = arith.xori %lt3A_1814, %lt3A_1816 : i1
        %and3A_1818 = arith.andi %ne3A_1817, %ne3A_1812 : i1
        %add3A_1819 = arith.addi %rem3A_1810, %select_n3A_1809 : i32
        %select_n3A_1820 = arith.select %and3A_1818, %add3A_1819, %rem3A_1810 : i32
        %mul3A_1821 = arith.constant 32 : i32
        %mul3A_1822 = arith.muli %select_n3A_1820, %mul3A_1821 : i32
        %get3A_1823 = arith.index_cast %min3A_1804 : i32 to index
        %get3A_1824 = tpu.vector_load %arg5[%get3A_1823] {strides = array<i32>} : memref<32xi32, #tpu.memory_space<vmem>>, vector<16xi32>,
        %get3A_1825 = vector.shape_cast %get3A_1824 : vector<16xi32> to vector<16xi32>
        %slice3A_1826 = vector.extract_strided_slice %get3A_1825 {offsets = [0], sizes = [1], strides = [1]} : vector<16xi32> to vector<1xi32>
        %squeeze3A_1827 = vector.extract %slice3A_1826[0] : i32 from vector<1xi32>
        %sub3A_1828 = arith.subi %squeeze3A_1827, %mul3A_1822 : i32
        %dma_start3A = arith.constant 0 : i32
        %dma_start3A_1829 = tpu.memref_slice %arg2[%min3A_1804, %mul3A_1822, %dma_start3A] : memref<16x4096x512xf32, #tpu.memory_space<hbm>> -> memref<1x32x512xf32, #tpu.memory_space<hbm>>
        %dma_start3A_1830 = tpu.memref_squeeze %dma_start3A_1829 : memref<1x32x512xf32, #tpu.memory_space<hbm>> -> memref<32x512xf32, #tpu.memory_space<hbm>>
        %dma_start3A_1831 = arith.constant 0 : i32
        %dma_start3A_1832 = tpu.memref_slice %arg2[%min3A_1804, %mul3A_1822, %dma_start3A_1831] : memref<16x4096x512xf32, #tpu.memory_space<hbm>> -> memref<1x32x512xf32, #tpu.memory_space<hbm>>
        %dma_start3A_1833 = tpu.memref_squeeze %dma_start3A_1832 : memref<1x32x512xf32, #tpu.memory_space<hbm>> -> memref<32x512xf32, #tpu.memory_space<hbm>>
        tpu.enqueue_dma source(%dma_start3A_1833 : memref<32x512xf32, #tpu.memory_space<hbm>>) target(%arg7 : memref<32x512xf32, #tpu.memory_space<vmem>>) target_semaphore(%arg12 : memref<!tpu.dma_semaphore, #tpu.memory_space<semaphore_mem>>)
      } else {
      }
      %mul3A_1524 = arith.constant 32 : i32
      %mul3A_1525 = arith.muli %add3A_1391, %mul3A_1524 : i32
      %add3A_1526 = arith.addi %add3A, %mul3A_1525 : i32
      %jit3A_1527 = arith.constant 128 : i32
      %div3A_1528 = arith.divsi %add3A_1526, %jit3A_1527 : i32
      %sign3A_1529 = arith.constant 0 : i32
      %sign3A_1530 = arith.cmpi sgt, %add3A_1526, %sign3A_1529 : i32
      %sign3A_1531 = arith.extui %sign3A_1530 : i1 to i32
      %sign3A_1532 = arith.constant 0 : i32
      %sign3A_1533 = arith.cmpi slt, %add3A_1526, %sign3A_1532 : i32
      %sign3A_1534 = arith.extui %sign3A_1533 : i1 to i32
      %sign3A_1535 = arith.subi %sign3A_1531, %sign3A_1534 : i32
      %sign3A_1536 = arith.constant 0 : i32
      %sign3A_1537 = arith.cmpi sgt, %jit3A_1527, %sign3A_1536 : i32
      %sign3A_1538 = arith.extui %sign3A_1537 : i1 to i32
      %sign3A_1539 = arith.constant 0 : i32
      %sign3A_1540 = arith.cmpi slt, %jit3A_1527, %sign3A_1539 : i32
      %sign3A_1541 = arith.extui %sign3A_1540 : i1 to i32
      %sign3A_1542 = arith.subi %sign3A_1538, %sign3A_1541 : i32
      %ne3A_1543 = arith.cmpi ne, %sign3A_1535, %sign3A_1542 : i32
      %rem3A_1544 = arith.remsi %add3A_1526, %jit3A_1527 : i32
      %ne3A_1545 = arith.constant 0 : i32
      %ne3A_1546 = arith.cmpi ne, %rem3A_1544, %ne3A_1545 : i32
      %and3A_1547 = arith.andi %ne3A_1543, %ne3A_1546 : i1
      %sub3A_1548 = arith.constant 1 : i32
      %sub3A_1549 = arith.subi %div3A_1528, %sub3A_1548 : i32
      %select_n3A_1550 = arith.select %and3A_1547, %sub3A_1549, %div3A_1528 : i32
      %jit3A_1551 = arith.constant 0 : i32
      %jit3A_1552 = arith.constant 15 : i32
      %max3A_1553 = arith.maxsi %jit3A_1551, %select_n3A_1550 : i32
      %min3A_1554 = arith.minsi %jit3A_1552, %max3A_1553 : i32
      %jit3A_1555 = arith.constant 128 : i32
      %eq3A_1556 = arith.constant 0 : i32
      %eq3A_1557 = arith.cmpi eq, %jit3A_1555, %eq3A_1556 : i32
      %jit3A_1558 = arith.constant 1 : i32
      %select_n3A_1559 = arith.select %eq3A_1557, %jit3A_1558, %jit3A_1555 : i32
      %rem3A_1560 = arith.remsi %add3A_1526, %select_n3A_1559 : i32
      %ne3A_1561 = arith.constant 0 : i32
      %ne3A_1562 = arith.cmpi ne, %rem3A_1560, %ne3A_1561 : i32
      %lt3A_1563 = arith.constant 0 : i32
      %lt3A_1564 = arith.cmpi slt, %rem3A_1560, %lt3A_1563 : i32
      %lt3A_1565 = arith.constant 0 : i32
      %lt3A_1566 = arith.cmpi slt, %select_n3A_1559, %lt3A_1565 : i32
      %ne3A_1567 = arith.xori %lt3A_1564, %lt3A_1566 : i1
      %and3A_1568 = arith.andi %ne3A_1567, %ne3A_1562 : i1
      %add3A_1569 = arith.addi %rem3A_1560, %select_n3A_1559 : i32
      %select_n3A_1570 = arith.select %and3A_1568, %add3A_1569, %rem3A_1560 : i32
      %mul3A_1571 = arith.constant 32 : i32
      %mul3A_1572 = arith.muli %select_n3A_1570, %mul3A_1571 : i32
      %get3A_1573 = arith.index_cast %min3A_1554 : i32 to index
      %get3A_1574 = tpu.vector_load %arg5[%get3A_1573] {strides = array<i32>} : memref<32xi32, #tpu.memory_space<vmem>>, vector<16xi32>,
      %get3A_1575 = vector.shape_cast %get3A_1574 : vector<16xi32> to vector<16xi32>
      %slice3A_1576 = vector.extract_strided_slice %get3A_1575 {offsets = [0], sizes = [1], strides = [1]} : vector<16xi32> to vector<1xi32>
      %squeeze3A_1577 = vector.extract %slice3A_1576[0] : i32 from vector<1xi32>
      %sub3A_1578 = arith.subi %squeeze3A_1577, %mul3A_1572 : i32
      %ge3A_1579 = arith.constant 32 : i32
      %ge3A_1580 = arith.cmpi sge, %sub3A_1578, %ge3A_1579 : i32
      %convert_element_type3A_1581 = arith.extui %ge3A_1580 : i1 to i32
      %cond3A_1582 = arith.constant 0 : i32
      %cond3A_1583 = arith.cmpi ne, %convert_element_type3A_1581, %cond3A_1582 : i32
      scf.if %cond3A_1583 {
        %mul3A_1772 = arith.constant 32 : i32
        %mul3A_1773 = arith.muli %add3A_1391, %mul3A_1772 : i32
        %add3A_1774 = arith.addi %add3A, %mul3A_1773 : i32
        %jit3A_1775 = arith.constant 128 : i32
        %div3A_1776 = arith.divsi %add3A_1774, %jit3A_1775 : i32
        %sign3A_1777 = arith.constant 0 : i32
        %sign3A_1778 = arith.cmpi sgt, %add3A_1774, %sign3A_1777 : i32
        %sign3A_1779 = arith.extui %sign3A_1778 : i1 to i32
        %sign3A_1780 = arith.constant 0 : i32
        %sign3A_1781 = arith.cmpi slt, %add3A_1774, %sign3A_1780 : i32
        %sign3A_1782 = arith.extui %sign3A_1781 : i1 to i32
        %sign3A_1783 = arith.subi %sign3A_1779, %sign3A_1782 : i32
        %sign3A_1784 = arith.constant 0 : i32
        %sign3A_1785 = arith.cmpi sgt, %jit3A_1775, %sign3A_1784 : i32
        %sign3A_1786 = arith.extui %sign3A_1785 : i1 to i32
        %sign3A_1787 = arith.constant 0 : i32
        %sign3A_1788 = arith.cmpi slt, %jit3A_1775, %sign3A_1787 : i32
        %sign3A_1789 = arith.extui %sign3A_1788 : i1 to i32
        %sign3A_1790 = arith.subi %sign3A_1786, %sign3A_1789 : i32
        %ne3A_1791 = arith.cmpi ne, %sign3A_1783, %sign3A_1790 : i32
        %rem3A_1792 = arith.remsi %add3A_1774, %jit3A_1775 : i32
        %ne3A_1793 = arith.constant 0 : i32
        %ne3A_1794 = arith.cmpi ne, %rem3A_1792, %ne3A_1793 : i32
        %and3A_1795 = arith.andi %ne3A_1791, %ne3A_1794 : i1
        %sub3A_1796 = arith.constant 1 : i32
        %sub3A_1797 = arith.subi %div3A_1776, %sub3A_1796 : i32
        %select_n3A_1798 = arith.select %and3A_1795, %sub3A_1797, %div3A_1776 : i32
        %jit3A_1799 = arith.constant 0 : i32
        %jit3A_1800 = arith.constant 15 : i32
        %max3A_1801 = arith.maxsi %jit3A_1799, %select_n3A_1798 : i32
        %min3A_1802 = arith.minsi %jit3A_1800, %max3A_1801 : i32
        %jit3A_1803 = arith.constant 128 : i32
        %eq3A_1804 = arith.constant 0 : i32
        %eq3A_1805 = arith.cmpi eq, %jit3A_1803, %eq3A_1804 : i32
        %jit3A_1806 = arith.constant 1 : i32
        %select_n3A_1807 = arith.select %eq3A_1805, %jit3A_1806, %jit3A_1803 : i32
        %rem3A_1808 = arith.remsi %add3A_1774, %select_n3A_1807 : i32
        %ne3A_1809 = arith.constant 0 : i32
        %ne3A_1810 = arith.cmpi ne, %rem3A_1808, %ne3A_1809 : i32
        %lt3A_1811 = arith.constant 0 : i32
        %lt3A_1812 = arith.cmpi slt, %rem3A_1808, %lt3A_1811 : i32
        %lt3A_1813 = arith.constant 0 : i32
        %lt3A_1814 = arith.cmpi slt, %select_n3A_1807, %lt3A_1813 : i32
        %ne3A_1815 = arith.xori %lt3A_1812, %lt3A_1814 : i1
        %and3A_1816 = arith.andi %ne3A_1815, %ne3A_1810 : i1
        %add3A_1817 = arith.addi %rem3A_1808, %select_n3A_1807 : i32
        %select_n3A_1818 = arith.select %and3A_1816, %add3A_1817, %rem3A_1808 : i32
        %mul3A_1819 = arith.constant 32 : i32
        %mul3A_1820 = arith.muli %select_n3A_1818, %mul3A_1819 : i32
        %get3A_1821 = arith.index_cast %min3A_1802 : i32 to index
        %get3A_1822 = tpu.vector_load %arg5[%get3A_1821] {strides = array<i32>} : memref<32xi32, #tpu.memory_space<vmem>>, vector<16xi32>,
        %get3A_1823 = vector.shape_cast %get3A_1822 : vector<16xi32> to vector<16xi32>
        %slice3A_1824 = vector.extract_strided_slice %get3A_1823 {offsets = [0], sizes = [1], strides = [1]} : vector<16xi32> to vector<1xi32>
        %squeeze3A_1825 = vector.extract %slice3A_1824[0] : i32 from vector<1xi32>
        %sub3A_1826 = arith.subi %squeeze3A_1825, %mul3A_1820 : i32
        %dma_wait3A = arith.constant 0 : i32
        %dma_wait3A_1827 = tpu.memref_slice %arg2[%min3A_1802, %mul3A_1820, %dma_wait3A] : memref<16x4096x512xf32, #tpu.memory_space<hbm>> -> memref<1x32x512xf32, #tpu.memory_space<hbm>>
        %dma_wait3A_1828 = tpu.memref_squeeze %dma_wait3A_1827 : memref<1x32x512xf32, #tpu.memory_space<hbm>> -> memref<32x512xf32, #tpu.memory_space<hbm>>
        %dma_wait3A_1829 = arith.constant 0 : i32
        %dma_wait3A_1830 = tpu.memref_slice %arg2[%min3A_1802, %mul3A_1820, %dma_wait3A_1829] : memref<16x4096x512xf32, #tpu.memory_space<hbm>> -> memref<1x32x512xf32, #tpu.memory_space<hbm>>
        %dma_wait3A_1831 = tpu.memref_squeeze %dma_wait3A_1830 : memref<1x32x512xf32, #tpu.memory_space<hbm>> -> memref<32x512xf32, #tpu.memory_space<hbm>>
        tpu.wait_dma2 semaphore(%arg14 : memref<!tpu.dma_semaphore, #tpu.memory_space<semaphore_mem>>) src(%dma_wait3A_1831 : memref<32x512xf32, #tpu.memory_space<hbm>>) dst(%arg9 : memref<32x512xf32, #tpu.memory_space<vmem>>)
        %mul3A_1832 = arith.constant 32 : i32
        %mul3A_1833 = arith.muli %add3A_1391, %mul3A_1832 : i32
        %add3A_1834 = arith.addi %add3A, %mul3A_1833 : i32
        %jit3A_1835 = arith.constant 128 : i32
        %div3A_1836 = arith.divsi %add3A_1834, %jit3A_1835 : i32
        %sign3A_1837 = arith.constant 0 : i32
        %sign3A_1838 = arith.cmpi sgt, %add3A_1834, %sign3A_1837 : i32
        %sign3A_1839 = arith.extui %sign3A_1838 : i1 to i32
        %sign3A_1840 = arith.constant 0 : i32
        %sign3A_1841 = arith.cmpi slt, %add3A_1834, %sign3A_1840 : i32
        %sign3A_1842 = arith.extui %sign3A_1841 : i1 to i32
        %sign3A_1843 = arith.subi %sign3A_1839, %sign3A_1842 : i32
        %sign3A_1844 = arith.constant 0 : i32
        %sign3A_1845 = arith.cmpi sgt, %jit3A_1835, %sign3A_1844 : i32
        %sign3A_1846 = arith.extui %sign3A_1845 : i1 to i32
        %sign3A_1847 = arith.constant 0 : i32
        %sign3A_1848 = arith.cmpi slt, %jit3A_1835, %sign3A_1847 : i32
        %sign3A_1849 = arith.extui %sign3A_1848 : i1 to i32
        %sign3A_1850 = arith.subi %sign3A_1846, %sign3A_1849 : i32
        %ne3A_1851 = arith.cmpi ne, %sign3A_1843, %sign3A_1850 : i32
        %rem3A_1852 = arith.remsi %add3A_1834, %jit3A_1835 : i32
        %ne3A_1853 = arith.constant 0 : i32
        %ne3A_1854 = arith.cmpi ne, %rem3A_1852, %ne3A_1853 : i32
        %and3A_1855 = arith.andi %ne3A_1851, %ne3A_1854 : i1
        %sub3A_1856 = arith.constant 1 : i32
        %sub3A_1857 = arith.subi %div3A_1836, %sub3A_1856 : i32
        %select_n3A_1858 = arith.select %and3A_1855, %sub3A_1857, %div3A_1836 : i32
        %jit3A_1859 = arith.constant 0 : i32
        %jit3A_1860 = arith.constant 15 : i32
        %max3A_1861 = arith.maxsi %jit3A_1859, %select_n3A_1858 : i32
        %min3A_1862 = arith.minsi %jit3A_1860, %max3A_1861 : i32
        %jit3A_1863 = arith.constant 128 : i32
        %eq3A_1864 = arith.constant 0 : i32
        %eq3A_1865 = arith.cmpi eq, %jit3A_1863, %eq3A_1864 : i32
        %jit3A_1866 = arith.constant 1 : i32
        %select_n3A_1867 = arith.select %eq3A_1865, %jit3A_1866, %jit3A_1863 : i32
        %rem3A_1868 = arith.remsi %add3A_1834, %select_n3A_1867 : i32
        %ne3A_1869 = arith.constant 0 : i32
        %ne3A_1870 = arith.cmpi ne, %rem3A_1868, %ne3A_1869 : i32
        %lt3A_1871 = arith.constant 0 : i32
        %lt3A_1872 = arith.cmpi slt, %rem3A_1868, %lt3A_1871 : i32
        %lt3A_1873 = arith.constant 0 : i32
        %lt3A_1874 = arith.cmpi slt, %select_n3A_1867, %lt3A_1873 : i32
        %ne3A_1875 = arith.xori %lt3A_1872, %lt3A_1874 : i1
        %and3A_1876 = arith.andi %ne3A_1875, %ne3A_1870 : i1
        %add3A_1877 = arith.addi %rem3A_1868, %select_n3A_1867 : i32
        %select_n3A_1878 = arith.select %and3A_1876, %add3A_1877, %rem3A_1868 : i32
        %mul3A_1879 = arith.constant 32 : i32
        %mul3A_1880 = arith.muli %select_n3A_1878, %mul3A_1879 : i32
        %get3A_1881 = arith.index_cast %min3A_1862 : i32 to index
        %get3A_1882 = tpu.vector_load %arg5[%get3A_1881] {strides = array<i32>} : memref<32xi32, #tpu.memory_space<vmem>>, vector<16xi32>,
        %get3A_1883 = vector.shape_cast %get3A_1882 : vector<16xi32> to vector<16xi32>
        %slice3A_1884 = vector.extract_strided_slice %get3A_1883 {offsets = [0], sizes = [1], strides = [1]} : vector<16xi32> to vector<1xi32>
        %squeeze3A_1885 = vector.extract %slice3A_1884[0] : i32 from vector<1xi32>
        %sub3A_1886 = arith.subi %squeeze3A_1885, %mul3A_1880 : i32
        %dma_start3A = arith.constant 0 : i32
        %dma_start3A_1887 = tpu.memref_slice %arg4[%min3A_1862, %mul3A_1880, %dma_start3A] : memref<16x4096x512xf32, #tpu.memory_space<hbm>> -> memref<1x32x512xf32, #tpu.memory_space<hbm>>
        %dma_start3A_1888 = tpu.memref_squeeze %dma_start3A_1887 : memref<1x32x512xf32, #tpu.memory_space<hbm>> -> memref<32x512xf32, #tpu.memory_space<hbm>>
        %dma_start3A_1889 = arith.constant 0 : i32
        %dma_start3A_1890 = tpu.memref_slice %arg4[%min3A_1862, %mul3A_1880, %dma_start3A_1889] : memref<16x4096x512xf32, #tpu.memory_space<hbm>> -> memref<1x32x512xf32, #tpu.memory_space<hbm>>
        %dma_start3A_1891 = tpu.memref_squeeze %dma_start3A_1890 : memref<1x32x512xf32, #tpu.memory_space<hbm>> -> memref<32x512xf32, #tpu.memory_space<hbm>>
        tpu.enqueue_dma source(%arg9 : memref<32x512xf32, #tpu.memory_space<vmem>>) target(%dma_start3A_1891 : memref<32x512xf32, #tpu.memory_space<hbm>>) target_semaphore(%arg18 : memref<!tpu.dma_semaphore, #tpu.memory_space<semaphore_mem>>)
      } else {
      }
      %mul3A_1584 = arith.constant 32 : i32
      %mul3A_1585 = arith.muli %add3A_1391, %mul3A_1584 : i32
      %add3A_1586 = arith.addi %add3A, %mul3A_1585 : i32
      %jit3A_1587 = arith.constant 128 : i32
      %div3A_1588 = arith.divsi %add3A_1586, %jit3A_1587 : i32
      %sign3A_1589 = arith.constant 0 : i32
      %sign3A_1590 = arith.cmpi sgt, %add3A_1586, %sign3A_1589 : i32
      %sign3A_1591 = arith.extui %sign3A_1590 : i1 to i32
      %sign3A_1592 = arith.constant 0 : i32
      %sign3A_1593 = arith.cmpi slt, %add3A_1586, %sign3A_1592 : i32
      %sign3A_1594 = arith.extui %sign3A_1593 : i1 to i32
      %sign3A_1595 = arith.subi %sign3A_1591, %sign3A_1594 : i32
      %sign3A_1596 = arith.constant 0 : i32
      %sign3A_1597 = arith.cmpi sgt, %jit3A_1587, %sign3A_1596 : i32
      %sign3A_1598 = arith.extui %sign3A_1597 : i1 to i32
      %sign3A_1599 = arith.constant 0 : i32
      %sign3A_1600 = arith.cmpi slt, %jit3A_1587, %sign3A_1599 : i32
      %sign3A_1601 = arith.extui %sign3A_1600 : i1 to i32
      %sign3A_1602 = arith.subi %sign3A_1598, %sign3A_1601 : i32
      %ne3A_1603 = arith.cmpi ne, %sign3A_1595, %sign3A_1602 : i32
      %rem3A_1604 = arith.remsi %add3A_1586, %jit3A_1587 : i32
      %ne3A_1605 = arith.constant 0 : i32
      %ne3A_1606 = arith.cmpi ne, %rem3A_1604, %ne3A_1605 : i32
      %and3A_1607 = arith.andi %ne3A_1603, %ne3A_1606 : i1
      %sub3A_1608 = arith.constant 1 : i32
      %sub3A_1609 = arith.subi %div3A_1588, %sub3A_1608 : i32
      %select_n3A_1610 = arith.select %and3A_1607, %sub3A_1609, %div3A_1588 : i32
      %jit3A_1611 = arith.constant 0 : i32
      %jit3A_1612 = arith.constant 15 : i32
      %max3A_1613 = arith.maxsi %jit3A_1611, %select_n3A_1610 : i32
      %min3A_1614 = arith.minsi %jit3A_1612, %max3A_1613 : i32
      %jit3A_1615 = arith.constant 128 : i32
      %eq3A_1616 = arith.constant 0 : i32
      %eq3A_1617 = arith.cmpi eq, %jit3A_1615, %eq3A_1616 : i32
      %jit3A_1618 = arith.constant 1 : i32
      %select_n3A_1619 = arith.select %eq3A_1617, %jit3A_1618, %jit3A_1615 : i32
      %rem3A_1620 = arith.remsi %add3A_1586, %select_n3A_1619 : i32
      %ne3A_1621 = arith.constant 0 : i32
      %ne3A_1622 = arith.cmpi ne, %rem3A_1620, %ne3A_1621 : i32
      %lt3A_1623 = arith.constant 0 : i32
      %lt3A_1624 = arith.cmpi slt, %rem3A_1620, %lt3A_1623 : i32
      %lt3A_1625 = arith.constant 0 : i32
      %lt3A_1626 = arith.cmpi slt, %select_n3A_1619, %lt3A_1625 : i32
      %ne3A_1627 = arith.xori %lt3A_1624, %lt3A_1626 : i1
      %and3A_1628 = arith.andi %ne3A_1627, %ne3A_1622 : i1
      %add3A_1629 = arith.addi %rem3A_1620, %select_n3A_1619 : i32
      %select_n3A_1630 = arith.select %and3A_1628, %add3A_1629, %rem3A_1620 : i32
      %mul3A_1631 = arith.constant 32 : i32
      %mul3A_1632 = arith.muli %select_n3A_1630, %mul3A_1631 : i32
      %get3A_1633 = arith.index_cast %min3A_1614 : i32 to index
      %get3A_1634 = tpu.vector_load %arg5[%get3A_1633] {strides = array<i32>} : memref<32xi32, #tpu.memory_space<vmem>>, vector<16xi32>,
      %get3A_1635 = vector.shape_cast %get3A_1634 : vector<16xi32> to vector<16xi32>
      %slice3A_1636 = vector.extract_strided_slice %get3A_1635 {offsets = [0], sizes = [1], strides = [1]} : vector<16xi32> to vector<1xi32>
      %squeeze3A_1637 = vector.extract %slice3A_1636[0] : i32 from vector<1xi32>
      %sub3A_1638 = arith.subi %squeeze3A_1637, %mul3A_1632 : i32
      %gt3A_1639 = arith.constant 0 : i32
      %gt3A_1640 = arith.cmpi sgt, %sub3A_1638, %gt3A_1639 : i32
      %lt3A_1641 = arith.constant 32 : i32
      %lt3A_1642 = arith.cmpi slt, %sub3A_1638, %lt3A_1641 : i32
      %and3A_1643 = arith.andi %gt3A_1640, %lt3A_1642 : i1
      %convert_element_type3A_1644 = arith.extui %and3A_1643 : i1 to i32
      %cond3A_1645 = arith.constant 0 : i32
      %cond3A_1646 = arith.cmpi ne, %convert_element_type3A_1644, %cond3A_1645 : i32
      scf.if %cond3A_1646 {
        %mul3A_1772 = arith.constant 32 : i32
        %mul3A_1773 = arith.muli %add3A_1391, %mul3A_1772 : i32
        %add3A_1774 = arith.addi %add3A, %mul3A_1773 : i32
        %jit3A_1775 = arith.constant 128 : i32
        %div3A_1776 = arith.divsi %add3A_1774, %jit3A_1775 : i32
        %sign3A_1777 = arith.constant 0 : i32
        %sign3A_1778 = arith.cmpi sgt, %add3A_1774, %sign3A_1777 : i32
        %sign3A_1779 = arith.extui %sign3A_1778 : i1 to i32
        %sign3A_1780 = arith.constant 0 : i32
        %sign3A_1781 = arith.cmpi slt, %add3A_1774, %sign3A_1780 : i32
        %sign3A_1782 = arith.extui %sign3A_1781 : i1 to i32
        %sign3A_1783 = arith.subi %sign3A_1779, %sign3A_1782 : i32
        %sign3A_1784 = arith.constant 0 : i32
        %sign3A_1785 = arith.cmpi sgt, %jit3A_1775, %sign3A_1784 : i32
        %sign3A_1786 = arith.extui %sign3A_1785 : i1 to i32
        %sign3A_1787 = arith.constant 0 : i32
        %sign3A_1788 = arith.cmpi slt, %jit3A_1775, %sign3A_1787 : i32
        %sign3A_1789 = arith.extui %sign3A_1788 : i1 to i32
        %sign3A_1790 = arith.subi %sign3A_1786, %sign3A_1789 : i32
        %ne3A_1791 = arith.cmpi ne, %sign3A_1783, %sign3A_1790 : i32
        %rem3A_1792 = arith.remsi %add3A_1774, %jit3A_1775 : i32
        %ne3A_1793 = arith.constant 0 : i32
        %ne3A_1794 = arith.cmpi ne, %rem3A_1792, %ne3A_1793 : i32
        %and3A_1795 = arith.andi %ne3A_1791, %ne3A_1794 : i1
        %sub3A_1796 = arith.constant 1 : i32
        %sub3A_1797 = arith.subi %div3A_1776, %sub3A_1796 : i32
        %select_n3A_1798 = arith.select %and3A_1795, %sub3A_1797, %div3A_1776 : i32
        %jit3A_1799 = arith.constant 0 : i32
        %jit3A_1800 = arith.constant 15 : i32
        %max3A_1801 = arith.maxsi %jit3A_1799, %select_n3A_1798 : i32
        %min3A_1802 = arith.minsi %jit3A_1800, %max3A_1801 : i32
        %jit3A_1803 = arith.constant 128 : i32
        %eq3A_1804 = arith.constant 0 : i32
        %eq3A_1805 = arith.cmpi eq, %jit3A_1803, %eq3A_1804 : i32
        %jit3A_1806 = arith.constant 1 : i32
        %select_n3A_1807 = arith.select %eq3A_1805, %jit3A_1806, %jit3A_1803 : i32
        %rem3A_1808 = arith.remsi %add3A_1774, %select_n3A_1807 : i32
        %ne3A_1809 = arith.constant 0 : i32
        %ne3A_1810 = arith.cmpi ne, %rem3A_1808, %ne3A_1809 : i32
        %lt3A_1811 = arith.constant 0 : i32
        %lt3A_1812 = arith.cmpi slt, %rem3A_1808, %lt3A_1811 : i32
        %lt3A_1813 = arith.constant 0 : i32
        %lt3A_1814 = arith.cmpi slt, %select_n3A_1807, %lt3A_1813 : i32
        %ne3A_1815 = arith.xori %lt3A_1812, %lt3A_1814 : i1
        %and3A_1816 = arith.andi %ne3A_1815, %ne3A_1810 : i1
        %add3A_1817 = arith.addi %rem3A_1808, %select_n3A_1807 : i32
        %select_n3A_1818 = arith.select %and3A_1816, %add3A_1817, %rem3A_1808 : i32
        %mul3A_1819 = arith.constant 32 : i32
        %mul3A_1820 = arith.muli %select_n3A_1818, %mul3A_1819 : i32
        %get3A_1821 = arith.index_cast %min3A_1802 : i32 to index
        %get3A_1822 = tpu.vector_load %arg5[%get3A_1821] {strides = array<i32>} : memref<32xi32, #tpu.memory_space<vmem>>, vector<16xi32>,
        %get3A_1823 = vector.shape_cast %get3A_1822 : vector<16xi32> to vector<16xi32>
        %slice3A_1824 = vector.extract_strided_slice %get3A_1823 {offsets = [0], sizes = [1], strides = [1]} : vector<16xi32> to vector<1xi32>
        %squeeze3A_1825 = vector.extract %slice3A_1824[0] : i32 from vector<1xi32>
        %sub3A_1826 = arith.subi %squeeze3A_1825, %mul3A_1820 : i32
        %dma_wait3A = arith.constant 0 : i32
        %dma_wait3A_1827 = tpu.memref_slice %arg2[%min3A_1802, %mul3A_1820, %dma_wait3A] : memref<16x4096x512xf32, #tpu.memory_space<hbm>> -> memref<1x32x512xf32, #tpu.memory_space<hbm>>
        %dma_wait3A_1828 = tpu.memref_squeeze %dma_wait3A_1827 : memref<1x32x512xf32, #tpu.memory_space<hbm>> -> memref<32x512xf32, #tpu.memory_space<hbm>>
        %dma_wait3A_1829 = arith.constant 0 : i32
        %dma_wait3A_1830 = tpu.memref_slice %arg2[%min3A_1802, %mul3A_1820, %dma_wait3A_1829] : memref<16x4096x512xf32, #tpu.memory_space<hbm>> -> memref<1x32x512xf32, #tpu.memory_space<hbm>>
        %dma_wait3A_1831 = tpu.memref_squeeze %dma_wait3A_1830 : memref<1x32x512xf32, #tpu.memory_space<hbm>> -> memref<32x512xf32, #tpu.memory_space<hbm>>
        tpu.wait_dma2 semaphore(%arg14 : memref<!tpu.dma_semaphore, #tpu.memory_space<semaphore_mem>>) src(%dma_wait3A_1831 : memref<32x512xf32, #tpu.memory_space<hbm>>) dst(%arg9 : memref<32x512xf32, #tpu.memory_space<vmem>>)
        %while3A = arith.constant 0 : i32
        %while3A_1832 = arith.constant 32 : i32
        %while3A_1833 = arith.subi %while3A_1832, %sub3A_1638 : i32
        %while3A_1834 = arith.addi %sub3A_1638, %while3A_1833 : i32
        %while3A_1835 = arith.constant 1 : i32
        %while3A_1836 = arith.divsi %while3A_1833, %while3A_1835 : i32
        %while3A_1837 = arith.muli %while3A_1836, %while3A_1835 : i32
        %while3A_1838 = arith.addi %sub3A_1638, %while3A_1837 : i32
        %while3A_1839 = arith.constant 1 : i32
        scf.for %while3A_1901 = %sub3A_1638 to %while3A_1838 step %while3A_1839  : i32 {
          %swap3A = arith.index_cast %while3A_1901 : i32 to index
          %swap3A_1902 = arith.constant 0 : index
          %swap3A_1903 = tpu.vector_load %arg9[%swap3A, %swap3A_1902] {strides = array<i32>} : memref<32x512xf32, #tpu.memory_space<vmem>>, vector<1x16xf32>,
          %swap3A_1904 = vector.shape_cast %swap3A_1903 : vector<1x16xf32> to vector<16xf32>
          %swap3A_1905 = vector.shape_cast %broadcast_in_dim3A_1 : vector<16xf32> to vector<1x16xf32>
          tpu.vector_store %arg9[%swap3A, %swap3A_1902], %swap3A_1905 {strides = array<i32>} : memref<32x512xf32, #tpu.memory_space<vmem>>, vector<1x16xf32>,
          %swap3A_1906 = arith.index_cast %while3A_1901 : i32 to index
          %swap3A_1907 = arith.constant 16 : index
          %swap3A_1908 = tpu.vector_load %arg9[%swap3A_1906, %swap3A_1907] {strides = array<i32>} : memref<32x512xf32, #tpu.memory_space<vmem>>, vector<1x16xf32>,
          %swap3A_1909 = vector.shape_cast %swap3A_1908 : vector<1x16xf32> to vector<16xf32>
          %swap3A_1910 = vector.shape_cast %broadcast_in_dim3A_1 : vector<16xf32> to vector<1x16xf32>
          tpu.vector_store %arg9[%swap3A_1906, %swap3A_1907], %swap3A_1910 {strides = array<i32>} : memref<32x512xf32, #tpu.memory_space<vmem>>, vector<1x16xf32>,
          %swap3A_1911 = arith.index_cast %while3A_1901 : i32 to index
          %swap3A_1912 = arith.constant 32 : index
          %swap3A_1913 = tpu.vector_load %arg9[%swap3A_1911, %swap3A_1912] {strides = array<i32>} : memref<32x512xf32, #tpu.memory_space<vmem>>, vector<1x16xf32>,
          %swap3A_1914 = vector.shape_cast %swap3A_1913 : vector<1x16xf32> to vector<16xf32>
          %swap3A_1915 = vector.shape_cast %broadcast_in_dim3A_1 : vector<16xf32> to vector<1x16xf32>
          tpu.vector_store %arg9[%swap3A_1911, %swap3A_1912], %swap3A_1915 {strides = array<i32>} : memref<32x512xf32, #tpu.memory_space<vmem>>, vector<1x16xf32>,
          %swap3A_1916 = arith.index_cast %while3A_1901 : i32 to index
          %swap3A_1917 = arith.constant 48 : index
          %swap3A_1918 = tpu.vector_load %arg9[%swap3A_1916, %swap3A_1917] {strides = array<i32>} : memref<32x512xf32, #tpu.memory_space<vmem>>, vector<1x16xf32>,
          %swap3A_1919 = vector.shape_cast %swap3A_1918 : vector<1x16xf32> to vector<16xf32>
          %swap3A_1920 = vector.shape_cast %broadcast_in_dim3A_1 : vector<16xf32> to vector<1x16xf32>
          tpu.vector_store %arg9[%swap3A_1916, %swap3A_1917], %swap3A_1920 {strides = array<i32>} : memref<32x512xf32, #tpu.memory_space<vmem>>, vector<1x16xf32>,
          %swap3A_1921 = arith.index_cast %while3A_1901 : i32 to index
          %swap3A_1922 = arith.constant 64 : index
          %swap3A_1923 = tpu.vector_load %arg9[%swap3A_1921, %swap3A_1922] {strides = array<i32>} : memref<32x512xf32, #tpu.memory_space<vmem>>, vector<1x16xf32>,
          %swap3A_1924 = vector.shape_cast %swap3A_1923 : vector<1x16xf32> to vector<16xf32>
          %swap3A_1925 = vector.shape_cast %broadcast_in_dim3A_1 : vector<16xf32> to vector<1x16xf32>
          tpu.vector_store %arg9[%swap3A_1921, %swap3A_1922], %swap3A_1925 {strides = array<i32>} : memref<32x512xf32, #tpu.memory_space<vmem>>, vector<1x16xf32>,
          %swap3A_1926 = arith.index_cast %while3A_1901 : i32 to index
          %swap3A_1927 = arith.constant 80 : index
          %swap3A_1928 = tpu.vector_load %arg9[%swap3A_1926, %swap3A_1927] {strides = array<i32>} : memref<32x512xf32, #tpu.memory_space<vmem>>, vector<1x16xf32>,
          %swap3A_1929 = vector.shape_cast %swap3A_1928 : vector<1x16xf32> to vector<16xf32>
          %swap3A_1930 = vector.shape_cast %broadcast_in_dim3A_1 : vector<16xf32> to vector<1x16xf32>
          tpu.vector_store %arg9[%swap3A_1926, %swap3A_1927], %swap3A_1930 {strides = array<i32>} : memref<32x512xf32, #tpu.memory_space<vmem>>, vector<1x16xf32>,
          %swap3A_1931 = arith.index_cast %while3A_1901 : i32 to index
          %swap3A_1932 = arith.constant 96 : index
          %swap3A_1933 = tpu.vector_load %arg9[%swap3A_1931, %swap3A_1932] {strides = array<i32>} : memref<32x512xf32, #tpu.memory_space<vmem>>, vector<1x16xf32>,
          %swap3A_1934 = vector.shape_cast %swap3A_1933 : vector<1x16xf32> to vector<16xf32>
          %swap3A_1935 = vector.shape_cast %broadcast_in_dim3A_1 : vector<16xf32> to vector<1x16xf32>
          tpu.vector_store %arg9[%swap3A_1931, %swap3A_1932], %swap3A_1935 {strides = array<i32>} : memref<32x512xf32, #tpu.memory_space<vmem>>, vector<1x16xf32>,
          %swap3A_1936 = arith.index_cast %while3A_1901 : i32 to index
          %swap3A_1937 = arith.constant 112 : index
          %swap3A_1938 = tpu.vector_load %arg9[%swap3A_1936, %swap3A_1937] {strides = array<i32>} : memref<32x512xf32, #tpu.memory_space<vmem>>, vector<1x16xf32>,
          %swap3A_1939 = vector.shape_cast %swap3A_1938 : vector<1x16xf32> to vector<16xf32>
          %swap3A_1940 = vector.shape_cast %broadcast_in_dim3A_1 : vector<16xf32> to vector<1x16xf32>
          tpu.vector_store %arg9[%swap3A_1936, %swap3A_1937], %swap3A_1940 {strides = array<i32>} : memref<32x512xf32, #tpu.memory_space<vmem>>, vector<1x16xf32>,
          %swap3A_1941 = arith.index_cast %while3A_1901 : i32 to index
          %swap3A_1942 = arith.constant 128 : index
          %swap3A_1943 = tpu.vector_load %arg9[%swap3A_1941, %swap3A_1942] {strides = array<i32>} : memref<32x512xf32, #tpu.memory_space<vmem>>, vector<1x16xf32>,
          %swap3A_1944 = vector.shape_cast %swap3A_1943 : vector<1x16xf32> to vector<16xf32>
          %swap3A_1945 = vector.shape_cast %broadcast_in_dim3A_1 : vector<16xf32> to vector<1x16xf32>
          tpu.vector_store %arg9[%swap3A_1941, %swap3A_1942], %swap3A_1945 {strides = array<i32>} : memref<32x512xf32, #tpu.memory_space<vmem>>, vector<1x16xf32>,
          %swap3A_1946 = arith.index_cast %while3A_1901 : i32 to index
          %swap3A_1947 = arith.constant 144 : index
          %swap3A_1948 = tpu.vector_load %arg9[%swap3A_1946, %swap3A_1947] {strides = array<i32>} : memref<32x512xf32, #tpu.memory_space<vmem>>, vector<1x16xf32>,
          %swap3A_1949 = vector.shape_cast %swap3A_1948 : vector<1x16xf32> to vector<16xf32>
          %swap3A_1950 = vector.shape_cast %broadcast_in_dim3A_1 : vector<16xf32> to vector<1x16xf32>
          tpu.vector_store %arg9[%swap3A_1946, %swap3A_1947], %swap3A_1950 {strides = array<i32>} : memref<32x512xf32, #tpu.memory_space<vmem>>, vector<1x16xf32>,
          %swap3A_1951 = arith.index_cast %while3A_1901 : i32 to index
          %swap3A_1952 = arith.constant 160 : index
          %swap3A_1953 = tpu.vector_load %arg9[%swap3A_1951, %swap3A_1952] {strides = array<i32>} : memref<32x512xf32, #tpu.memory_space<vmem>>, vector<1x16xf32>,
          %swap3A_1954 = vector.shape_cast %swap3A_1953 : vector<1x16xf32> to vector<16xf32>
          %swap3A_1955 = vector.shape_cast %broadcast_in_dim3A_1 : vector<16xf32> to vector<1x16xf32>
          tpu.vector_store %arg9[%swap3A_1951, %swap3A_1952], %swap3A_1955 {strides = array<i32>} : memref<32x512xf32, #tpu.memory_space<vmem>>, vector<1x16xf32>,
          %swap3A_1956 = arith.index_cast %while3A_1901 : i32 to index
          %swap3A_1957 = arith.constant 176 : index
          %swap3A_1958 = tpu.vector_load %arg9[%swap3A_1956, %swap3A_1957] {strides = array<i32>} : memref<32x512xf32, #tpu.memory_space<vmem>>, vector<1x16xf32>,
          %swap3A_1959 = vector.shape_cast %swap3A_1958 : vector<1x16xf32> to vector<16xf32>
          %swap3A_1960 = vector.shape_cast %broadcast_in_dim3A_1 : vector<16xf32> to vector<1x16xf32>
          tpu.vector_store %arg9[%swap3A_1956, %swap3A_1957], %swap3A_1960 {strides = array<i32>} : memref<32x512xf32, #tpu.memory_space<vmem>>, vector<1x16xf32>,
          %swap3A_1961 = arith.index_cast %while3A_1901 : i32 to index
          %swap3A_1962 = arith.constant 192 : index
          %swap3A_1963 = tpu.vector_load %arg9[%swap3A_1961, %swap3A_1962] {strides = array<i32>} : memref<32x512xf32, #tpu.memory_space<vmem>>, vector<1x16xf32>,
          %swap3A_1964 = vector.shape_cast %swap3A_1963 : vector<1x16xf32> to vector<16xf32>
          %swap3A_1965 = vector.shape_cast %broadcast_in_dim3A_1 : vector<16xf32> to vector<1x16xf32>
          tpu.vector_store %arg9[%swap3A_1961, %swap3A_1962], %swap3A_1965 {strides = array<i32>} : memref<32x512xf32, #tpu.memory_space<vmem>>, vector<1x16xf32>,
          %swap3A_1966 = arith.index_cast %while3A_1901 : i32 to index
          %swap3A_1967 = arith.constant 208 : index
          %swap3A_1968 = tpu.vector_load %arg9[%swap3A_1966, %swap3A_1967] {strides = array<i32>} : memref<32x512xf32, #tpu.memory_space<vmem>>, vector<1x16xf32>,
          %swap3A_1969 = vector.shape_cast %swap3A_1968 : vector<1x16xf32> to vector<16xf32>
          %swap3A_1970 = vector.shape_cast %broadcast_in_dim3A_1 : vector<16xf32> to vector<1x16xf32>
          tpu.vector_store %arg9[%swap3A_1966, %swap3A_1967], %swap3A_1970 {strides = array<i32>} : memref<32x512xf32, #tpu.memory_space<vmem>>, vector<1x16xf32>,
          %swap3A_1971 = arith.index_cast %while3A_1901 : i32 to index
          %swap3A_1972 = arith.constant 224 : index
          %swap3A_1973 = tpu.vector_load %arg9[%swap3A_1971, %swap3A_1972] {strides = array<i32>} : memref<32x512xf32, #tpu.memory_space<vmem>>, vector<1x16xf32>,
          %swap3A_1974 = vector.shape_cast %swap3A_1973 : vector<1x16xf32> to vector<16xf32>
          %swap3A_1975 = vector.shape_cast %broadcast_in_dim3A_1 : vector<16xf32> to vector<1x16xf32>
          tpu.vector_store %arg9[%swap3A_1971, %swap3A_1972], %swap3A_1975 {strides = array<i32>} : memref<32x512xf32, #tpu.memory_space<vmem>>, vector<1x16xf32>,
          %swap3A_1976 = arith.index_cast %while3A_1901 : i32 to index
          %swap3A_1977 = arith.constant 240 : index
          %swap3A_1978 = tpu.vector_load %arg9[%swap3A_1976, %swap3A_1977] {strides = array<i32>} : memref<32x512xf32, #tpu.memory_space<vmem>>, vector<1x16xf32>,
          %swap3A_1979 = vector.shape_cast %swap3A_1978 : vector<1x16xf32> to vector<16xf32>
          %swap3A_1980 = vector.shape_cast %broadcast_in_dim3A_1 : vector<16xf32> to vector<1x16xf32>
          tpu.vector_store %arg9[%swap3A_1976, %swap3A_1977], %swap3A_1980 {strides = array<i32>} : memref<32x512xf32, #tpu.memory_space<vmem>>, vector<1x16xf32>,
          %swap3A_1981 = arith.index_cast %while3A_1901 : i32 to index
          %swap3A_1982 = arith.constant 256 : index
          %swap3A_1983 = tpu.vector_load %arg9[%swap3A_1981, %swap3A_1982] {strides = array<i32>} : memref<32x512xf32, #tpu.memory_space<vmem>>, vector<1x16xf32>,
          %swap3A_1984 = vector.shape_cast %swap3A_1983 : vector<1x16xf32> to vector<16xf32>
          %swap3A_1985 = vector.shape_cast %broadcast_in_dim3A_1 : vector<16xf32> to vector<1x16xf32>
          tpu.vector_store %arg9[%swap3A_1981, %swap3A_1982], %swap3A_1985 {strides = array<i32>} : memref<32x512xf32, #tpu.memory_space<vmem>>, vector<1x16xf32>,
          %swap3A_1986 = arith.index_cast %while3A_1901 : i32 to index
          %swap3A_1987 = arith.constant 272 : index
          %swap3A_1988 = tpu.vector_load %arg9[%swap3A_1986, %swap3A_1987] {strides = array<i32>} : memref<32x512xf32, #tpu.memory_space<vmem>>, vector<1x16xf32>,
          %swap3A_1989 = vector.shape_cast %swap3A_1988 : vector<1x16xf32> to vector<16xf32>
          %swap3A_1990 = vector.shape_cast %broadcast_in_dim3A_1 : vector<16xf32> to vector<1x16xf32>
          tpu.vector_store %arg9[%swap3A_1986, %swap3A_1987], %swap3A_1990 {strides = array<i32>} : memref<32x512xf32, #tpu.memory_space<vmem>>, vector<1x16xf32>,
          %swap3A_1991 = arith.index_cast %while3A_1901 : i32 to index
          %swap3A_1992 = arith.constant 288 : index
          %swap3A_1993 = tpu.vector_load %arg9[%swap3A_1991, %swap3A_1992] {strides = array<i32>} : memref<32x512xf32, #tpu.memory_space<vmem>>, vector<1x16xf32>,
          %swap3A_1994 = vector.shape_cast %swap3A_1993 : vector<1x16xf32> to vector<16xf32>
          %swap3A_1995 = vector.shape_cast %broadcast_in_dim3A_1 : vector<16xf32> to vector<1x16xf32>
          tpu.vector_store %arg9[%swap3A_1991, %swap3A_1992], %swap3A_1995 {strides = array<i32>} : memref<32x512xf32, #tpu.memory_space<vmem>>, vector<1x16xf32>,
          %swap3A_1996 = arith.index_cast %while3A_1901 : i32 to index
          %swap3A_1997 = arith.constant 304 : index
          %swap3A_1998 = tpu.vector_load %arg9[%swap3A_1996, %swap3A_1997] {strides = array<i32>} : memref<32x512xf32, #tpu.memory_space<vmem>>, vector<1x16xf32>,
          %swap3A_1999 = vector.shape_cast %swap3A_1998 : vector<1x16xf32> to vector<16xf32>
          %swap3A_2000 = vector.shape_cast %broadcast_in_dim3A_1 : vector<16xf32> to vector<1x16xf32>
          tpu.vector_store %arg9[%swap3A_1996, %swap3A_1997], %swap3A_2000 {strides = array<i32>} : memref<32x512xf32, #tpu.memory_space<vmem>>, vector<1x16xf32>,
          %swap3A_2001 = arith.index_cast %while3A_1901 : i32 to index
          %swap3A_2002 = arith.constant 320 : index
          %swap3A_2003 = tpu.vector_load %arg9[%swap3A_2001, %swap3A_2002] {strides = array<i32>} : memref<32x512xf32, #tpu.memory_space<vmem>>, vector<1x16xf32>,
          %swap3A_2004 = vector.shape_cast %swap3A_2003 : vector<1x16xf32> to vector<16xf32>
          %swap3A_2005 = vector.shape_cast %broadcast_in_dim3A_1 : vector<16xf32> to vector<1x16xf32>
          tpu.vector_store %arg9[%swap3A_2001, %swap3A_2002], %swap3A_2005 {strides = array<i32>} : memref<32x512xf32, #tpu.memory_space<vmem>>, vector<1x16xf32>,
          %swap3A_2006 = arith.index_cast %while3A_1901 : i32 to index
          %swap3A_2007 = arith.constant 336 : index
          %swap3A_2008 = tpu.vector_load %arg9[%swap3A_2006, %swap3A_2007] {strides = array<i32>} : memref<32x512xf32, #tpu.memory_space<vmem>>, vector<1x16xf32>,
          %swap3A_2009 = vector.shape_cast %swap3A_2008 : vector<1x16xf32> to vector<16xf32>
          %swap3A_2010 = vector.shape_cast %broadcast_in_dim3A_1 : vector<16xf32> to vector<1x16xf32>
          tpu.vector_store %arg9[%swap3A_2006, %swap3A_2007], %swap3A_2010 {strides = array<i32>} : memref<32x512xf32, #tpu.memory_space<vmem>>, vector<1x16xf32>,
          %swap3A_2011 = arith.index_cast %while3A_1901 : i32 to index
          %swap3A_2012 = arith.constant 352 : index
          %swap3A_2013 = tpu.vector_load %arg9[%swap3A_2011, %swap3A_2012] {strides = array<i32>} : memref<32x512xf32, #tpu.memory_space<vmem>>, vector<1x16xf32>,
          %swap3A_2014 = vector.shape_cast %swap3A_2013 : vector<1x16xf32> to vector<16xf32>
          %swap3A_2015 = vector.shape_cast %broadcast_in_dim3A_1 : vector<16xf32> to vector<1x16xf32>
          tpu.vector_store %arg9[%swap3A_2011, %swap3A_2012], %swap3A_2015 {strides = array<i32>} : memref<32x512xf32, #tpu.memory_space<vmem>>, vector<1x16xf32>,
          %swap3A_2016 = arith.index_cast %while3A_1901 : i32 to index
          %swap3A_2017 = arith.constant 368 : index
          %swap3A_2018 = tpu.vector_load %arg9[%swap3A_2016, %swap3A_2017] {strides = array<i32>} : memref<32x512xf32, #tpu.memory_space<vmem>>, vector<1x16xf32>,
          %swap3A_2019 = vector.shape_cast %swap3A_2018 : vector<1x16xf32> to vector<16xf32>
          %swap3A_2020 = vector.shape_cast %broadcast_in_dim3A_1 : vector<16xf32> to vector<1x16xf32>
          tpu.vector_store %arg9[%swap3A_2016, %swap3A_2017], %swap3A_2020 {strides = array<i32>} : memref<32x512xf32, #tpu.memory_space<vmem>>, vector<1x16xf32>,
          %swap3A_2021 = arith.index_cast %while3A_1901 : i32 to index
          %swap3A_2022 = arith.constant 384 : index
          %swap3A_2023 = tpu.vector_load %arg9[%swap3A_2021, %swap3A_2022] {strides = array<i32>} : memref<32x512xf32, #tpu.memory_space<vmem>>, vector<1x16xf32>,
          %swap3A_2024 = vector.shape_cast %swap3A_2023 : vector<1x16xf32> to vector<16xf32>
          %swap3A_2025 = vector.shape_cast %broadcast_in_dim3A_1 : vector<16xf32> to vector<1x16xf32>
          tpu.vector_store %arg9[%swap3A_2021, %swap3A_2022], %swap3A_2025 {strides = array<i32>} : memref<32x512xf32, #tpu.memory_space<vmem>>, vector<1x16xf32>,
          %swap3A_2026 = arith.index_cast %while3A_1901 : i32 to index
          %swap3A_2027 = arith.constant 400 : index
          %swap3A_2028 = tpu.vector_load %arg9[%swap3A_2026, %swap3A_2027] {strides = array<i32>} : memref<32x512xf32, #tpu.memory_space<vmem>>, vector<1x16xf32>,
          %swap3A_2029 = vector.shape_cast %swap3A_2028 : vector<1x16xf32> to vector<16xf32>
          %swap3A_2030 = vector.shape_cast %broadcast_in_dim3A_1 : vector<16xf32> to vector<1x16xf32>
          tpu.vector_store %arg9[%swap3A_2026, %swap3A_2027], %swap3A_2030 {strides = array<i32>} : memref<32x512xf32, #tpu.memory_space<vmem>>, vector<1x16xf32>,
          %swap3A_2031 = arith.index_cast %while3A_1901 : i32 to index
          %swap3A_2032 = arith.constant 416 : index
          %swap3A_2033 = tpu.vector_load %arg9[%swap3A_2031, %swap3A_2032] {strides = array<i32>} : memref<32x512xf32, #tpu.memory_space<vmem>>, vector<1x16xf32>,
          %swap3A_2034 = vector.shape_cast %swap3A_2033 : vector<1x16xf32> to vector<16xf32>
          %swap3A_2035 = vector.shape_cast %broadcast_in_dim3A_1 : vector<16xf32> to vector<1x16xf32>
          tpu.vector_store %arg9[%swap3A_2031, %swap3A_2032], %swap3A_2035 {strides = array<i32>} : memref<32x512xf32, #tpu.memory_space<vmem>>, vector<1x16xf32>,
          %swap3A_2036 = arith.index_cast %while3A_1901 : i32 to index
          %swap3A_2037 = arith.constant 432 : index
          %swap3A_2038 = tpu.vector_load %arg9[%swap3A_2036, %swap3A_2037] {strides = array<i32>} : memref<32x512xf32, #tpu.memory_space<vmem>>, vector<1x16xf32>,
          %swap3A_2039 = vector.shape_cast %swap3A_2038 : vector<1x16xf32> to vector<16xf32>
          %swap3A_2040 = vector.shape_cast %broadcast_in_dim3A_1 : vector<16xf32> to vector<1x16xf32>
          tpu.vector_store %arg9[%swap3A_2036, %swap3A_2037], %swap3A_2040 {strides = array<i32>} : memref<32x512xf32, #tpu.memory_space<vmem>>, vector<1x16xf32>,
          %swap3A_2041 = arith.index_cast %while3A_1901 : i32 to index
          %swap3A_2042 = arith.constant 448 : index
          %swap3A_2043 = tpu.vector_load %arg9[%swap3A_2041, %swap3A_2042] {strides = array<i32>} : memref<32x512xf32, #tpu.memory_space<vmem>>, vector<1x16xf32>,
          %swap3A_2044 = vector.shape_cast %swap3A_2043 : vector<1x16xf32> to vector<16xf32>
          %swap3A_2045 = vector.shape_cast %broadcast_in_dim3A_1 : vector<16xf32> to vector<1x16xf32>
          tpu.vector_store %arg9[%swap3A_2041, %swap3A_2042], %swap3A_2045 {strides = array<i32>} : memref<32x512xf32, #tpu.memory_space<vmem>>, vector<1x16xf32>,
          %swap3A_2046 = arith.index_cast %while3A_1901 : i32 to index
          %swap3A_2047 = arith.constant 464 : index
          %swap3A_2048 = tpu.vector_load %arg9[%swap3A_2046, %swap3A_2047] {strides = array<i32>} : memref<32x512xf32, #tpu.memory_space<vmem>>, vector<1x16xf32>,
          %swap3A_2049 = vector.shape_cast %swap3A_2048 : vector<1x16xf32> to vector<16xf32>
          %swap3A_2050 = vector.shape_cast %broadcast_in_dim3A_1 : vector<16xf32> to vector<1x16xf32>
          tpu.vector_store %arg9[%swap3A_2046, %swap3A_2047], %swap3A_2050 {strides = array<i32>} : memref<32x512xf32, #tpu.memory_space<vmem>>, vector<1x16xf32>,
          %swap3A_2051 = arith.index_cast %while3A_1901 : i32 to index
          %swap3A_2052 = arith.constant 480 : index
          %swap3A_2053 = tpu.vector_load %arg9[%swap3A_2051, %swap3A_2052] {strides = array<i32>} : memref<32x512xf32, #tpu.memory_space<vmem>>, vector<1x16xf32>,
          %swap3A_2054 = vector.shape_cast %swap3A_2053 : vector<1x16xf32> to vector<16xf32>
          %swap3A_2055 = vector.shape_cast %broadcast_in_dim3A_1 : vector<16xf32> to vector<1x16xf32>
          tpu.vector_store %arg9[%swap3A_2051, %swap3A_2052], %swap3A_2055 {strides = array<i32>} : memref<32x512xf32, #tpu.memory_space<vmem>>, vector<1x16xf32>,
          %swap3A_2056 = arith.index_cast %while3A_1901 : i32 to index
          %swap3A_2057 = arith.constant 496 : index
          %swap3A_2058 = tpu.vector_load %arg9[%swap3A_2056, %swap3A_2057] {strides = array<i32>} : memref<32x512xf32, #tpu.memory_space<vmem>>, vector<1x16xf32>,
          %swap3A_2059 = vector.shape_cast %swap3A_2058 : vector<1x16xf32> to vector<16xf32>
          %swap3A_2060 = vector.shape_cast %broadcast_in_dim3A_1 : vector<16xf32> to vector<1x16xf32>
          tpu.vector_store %arg9[%swap3A_2056, %swap3A_2057], %swap3A_2060 {strides = array<i32>} : memref<32x512xf32, #tpu.memory_space<vmem>>, vector<1x16xf32>,
        }
        %while3A_1840 = arith.constant 1 : i32
        scf.for %while3A_1901 = %while3A_1838 to %while3A_1834 step %while3A_1840  : i32 {
          %swap3A = arith.index_cast %while3A_1901 : i32 to index
          %swap3A_1902 = arith.constant 0 : index
          %swap3A_1903 = tpu.vector_load %arg9[%swap3A, %swap3A_1902] {strides = array<i32>} : memref<32x512xf32, #tpu.memory_space<vmem>>, vector<1x16xf32>,
          %swap3A_1904 = vector.shape_cast %swap3A_1903 : vector<1x16xf32> to vector<16xf32>
          %swap3A_1905 = vector.shape_cast %broadcast_in_dim3A_1 : vector<16xf32> to vector<1x16xf32>
          tpu.vector_store %arg9[%swap3A, %swap3A_1902], %swap3A_1905 {strides = array<i32>} : memref<32x512xf32, #tpu.memory_space<vmem>>, vector<1x16xf32>,
          %swap3A_1906 = arith.index_cast %while3A_1901 : i32 to index
          %swap3A_1907 = arith.constant 16 : index
          %swap3A_1908 = tpu.vector_load %arg9[%swap3A_1906, %swap3A_1907] {strides = array<i32>} : memref<32x512xf32, #tpu.memory_space<vmem>>, vector<1x16xf32>,
          %swap3A_1909 = vector.shape_cast %swap3A_1908 : vector<1x16xf32> to vector<16xf32>
          %swap3A_1910 = vector.shape_cast %broadcast_in_dim3A_1 : vector<16xf32> to vector<1x16xf32>
          tpu.vector_store %arg9[%swap3A_1906, %swap3A_1907], %swap3A_1910 {strides = array<i32>} : memref<32x512xf32, #tpu.memory_space<vmem>>, vector<1x16xf32>,
          %swap3A_1911 = arith.index_cast %while3A_1901 : i32 to index
          %swap3A_1912 = arith.constant 32 : index
          %swap3A_1913 = tpu.vector_load %arg9[%swap3A_1911, %swap3A_1912] {strides = array<i32>} : memref<32x512xf32, #tpu.memory_space<vmem>>, vector<1x16xf32>,
          %swap3A_1914 = vector.shape_cast %swap3A_1913 : vector<1x16xf32> to vector<16xf32>
          %swap3A_1915 = vector.shape_cast %broadcast_in_dim3A_1 : vector<16xf32> to vector<1x16xf32>
          tpu.vector_store %arg9[%swap3A_1911, %swap3A_1912], %swap3A_1915 {strides = array<i32>} : memref<32x512xf32, #tpu.memory_space<vmem>>, vector<1x16xf32>,
          %swap3A_1916 = arith.index_cast %while3A_1901 : i32 to index
          %swap3A_1917 = arith.constant 48 : index
          %swap3A_1918 = tpu.vector_load %arg9[%swap3A_1916, %swap3A_1917] {strides = array<i32>} : memref<32x512xf32, #tpu.memory_space<vmem>>, vector<1x16xf32>,
          %swap3A_1919 = vector.shape_cast %swap3A_1918 : vector<1x16xf32> to vector<16xf32>
          %swap3A_1920 = vector.shape_cast %broadcast_in_dim3A_1 : vector<16xf32> to vector<1x16xf32>
          tpu.vector_store %arg9[%swap3A_1916, %swap3A_1917], %swap3A_1920 {strides = array<i32>} : memref<32x512xf32, #tpu.memory_space<vmem>>, vector<1x16xf32>,
          %swap3A_1921 = arith.index_cast %while3A_1901 : i32 to index
          %swap3A_1922 = arith.constant 64 : index
          %swap3A_1923 = tpu.vector_load %arg9[%swap3A_1921, %swap3A_1922] {strides = array<i32>} : memref<32x512xf32, #tpu.memory_space<vmem>>, vector<1x16xf32>,
          %swap3A_1924 = vector.shape_cast %swap3A_1923 : vector<1x16xf32> to vector<16xf32>
          %swap3A_1925 = vector.shape_cast %broadcast_in_dim3A_1 : vector<16xf32> to vector<1x16xf32>
          tpu.vector_store %arg9[%swap3A_1921, %swap3A_1922], %swap3A_1925 {strides = array<i32>} : memref<32x512xf32, #tpu.memory_space<vmem>>, vector<1x16xf32>,
          %swap3A_1926 = arith.index_cast %while3A_1901 : i32 to index
          %swap3A_1927 = arith.constant 80 : index
          %swap3A_1928 = tpu.vector_load %arg9[%swap3A_1926, %swap3A_1927] {strides = array<i32>} : memref<32x512xf32, #tpu.memory_space<vmem>>, vector<1x16xf32>,
          %swap3A_1929 = vector.shape_cast %swap3A_1928 : vector<1x16xf32> to vector<16xf32>
          %swap3A_1930 = vector.shape_cast %broadcast_in_dim3A_1 : vector<16xf32> to vector<1x16xf32>
          tpu.vector_store %arg9[%swap3A_1926, %swap3A_1927], %swap3A_1930 {strides = array<i32>} : memref<32x512xf32, #tpu.memory_space<vmem>>, vector<1x16xf32>,
          %swap3A_1931 = arith.index_cast %while3A_1901 : i32 to index
          %swap3A_1932 = arith.constant 96 : index
          %swap3A_1933 = tpu.vector_load %arg9[%swap3A_1931, %swap3A_1932] {strides = array<i32>} : memref<32x512xf32, #tpu.memory_space<vmem>>, vector<1x16xf32>,
          %swap3A_1934 = vector.shape_cast %swap3A_1933 : vector<1x16xf32> to vector<16xf32>
          %swap3A_1935 = vector.shape_cast %broadcast_in_dim3A_1 : vector<16xf32> to vector<1x16xf32>
          tpu.vector_store %arg9[%swap3A_1931, %swap3A_1932], %swap3A_1935 {strides = array<i32>} : memref<32x512xf32, #tpu.memory_space<vmem>>, vector<1x16xf32>,
          %swap3A_1936 = arith.index_cast %while3A_1901 : i32 to index
          %swap3A_1937 = arith.constant 112 : index
          %swap3A_1938 = tpu.vector_load %arg9[%swap3A_1936, %swap3A_1937] {strides = array<i32>} : memref<32x512xf32, #tpu.memory_space<vmem>>, vector<1x16xf32>,
          %swap3A_1939 = vector.shape_cast %swap3A_1938 : vector<1x16xf32> to vector<16xf32>
          %swap3A_1940 = vector.shape_cast %broadcast_in_dim3A_1 : vector<16xf32> to vector<1x16xf32>
          tpu.vector_store %arg9[%swap3A_1936, %swap3A_1937], %swap3A_1940 {strides = array<i32>} : memref<32x512xf32, #tpu.memory_space<vmem>>, vector<1x16xf32>,
          %swap3A_1941 = arith.index_cast %while3A_1901 : i32 to index
          %swap3A_1942 = arith.constant 128 : index
          %swap3A_1943 = tpu.vector_load %arg9[%swap3A_1941, %swap3A_1942] {strides = array<i32>} : memref<32x512xf32, #tpu.memory_space<vmem>>, vector<1x16xf32>,
          %swap3A_1944 = vector.shape_cast %swap3A_1943 : vector<1x16xf32> to vector<16xf32>
          %swap3A_1945 = vector.shape_cast %broadcast_in_dim3A_1 : vector<16xf32> to vector<1x16xf32>
          tpu.vector_store %arg9[%swap3A_1941, %swap3A_1942], %swap3A_1945 {strides = array<i32>} : memref<32x512xf32, #tpu.memory_space<vmem>>, vector<1x16xf32>,
          %swap3A_1946 = arith.index_cast %while3A_1901 : i32 to index
          %swap3A_1947 = arith.constant 144 : index
          %swap3A_1948 = tpu.vector_load %arg9[%swap3A_1946, %swap3A_1947] {strides = array<i32>} : memref<32x512xf32, #tpu.memory_space<vmem>>, vector<1x16xf32>,
          %swap3A_1949 = vector.shape_cast %swap3A_1948 : vector<1x16xf32> to vector<16xf32>
          %swap3A_1950 = vector.shape_cast %broadcast_in_dim3A_1 : vector<16xf32> to vector<1x16xf32>
          tpu.vector_store %arg9[%swap3A_1946, %swap3A_1947], %swap3A_1950 {strides = array<i32>} : memref<32x512xf32, #tpu.memory_space<vmem>>, vector<1x16xf32>,
          %swap3A_1951 = arith.index_cast %while3A_1901 : i32 to index
          %swap3A_1952 = arith.constant 160 : index
          %swap3A_1953 = tpu.vector_load %arg9[%swap3A_1951, %swap3A_1952] {strides = array<i32>} : memref<32x512xf32, #tpu.memory_space<vmem>>, vector<1x16xf32>,
          %swap3A_1954 = vector.shape_cast %swap3A_1953 : vector<1x16xf32> to vector<16xf32>
          %swap3A_1955 = vector.shape_cast %broadcast_in_dim3A_1 : vector<16xf32> to vector<1x16xf32>
          tpu.vector_store %arg9[%swap3A_1951, %swap3A_1952], %swap3A_1955 {strides = array<i32>} : memref<32x512xf32, #tpu.memory_space<vmem>>, vector<1x16xf32>,
          %swap3A_1956 = arith.index_cast %while3A_1901 : i32 to index
          %swap3A_1957 = arith.constant 176 : index
          %swap3A_1958 = tpu.vector_load %arg9[%swap3A_1956, %swap3A_1957] {strides = array<i32>} : memref<32x512xf32, #tpu.memory_space<vmem>>, vector<1x16xf32>,
          %swap3A_1959 = vector.shape_cast %swap3A_1958 : vector<1x16xf32> to vector<16xf32>
          %swap3A_1960 = vector.shape_cast %broadcast_in_dim3A_1 : vector<16xf32> to vector<1x16xf32>
          tpu.vector_store %arg9[%swap3A_1956, %swap3A_1957], %swap3A_1960 {strides = array<i32>} : memref<32x512xf32, #tpu.memory_space<vmem>>, vector<1x16xf32>,
          %swap3A_1961 = arith.index_cast %while3A_1901 : i32 to index
          %swap3A_1962 = arith.constant 192 : index
          %swap3A_1963 = tpu.vector_load %arg9[%swap3A_1961, %swap3A_1962] {strides = array<i32>} : memref<32x512xf32, #tpu.memory_space<vmem>>, vector<1x16xf32>,
          %swap3A_1964 = vector.shape_cast %swap3A_1963 : vector<1x16xf32> to vector<16xf32>
          %swap3A_1965 = vector.shape_cast %broadcast_in_dim3A_1 : vector<16xf32> to vector<1x16xf32>
          tpu.vector_store %arg9[%swap3A_1961, %swap3A_1962], %swap3A_1965 {strides = array<i32>} : memref<32x512xf32, #tpu.memory_space<vmem>>, vector<1x16xf32>,
          %swap3A_1966 = arith.index_cast %while3A_1901 : i32 to index
          %swap3A_1967 = arith.constant 208 : index
          %swap3A_1968 = tpu.vector_load %arg9[%swap3A_1966, %swap3A_1967] {strides = array<i32>} : memref<32x512xf32, #tpu.memory_space<vmem>>, vector<1x16xf32>,
          %swap3A_1969 = vector.shape_cast %swap3A_1968 : vector<1x16xf32> to vector<16xf32>
          %swap3A_1970 = vector.shape_cast %broadcast_in_dim3A_1 : vector<16xf32> to vector<1x16xf32>
          tpu.vector_store %arg9[%swap3A_1966, %swap3A_1967], %swap3A_1970 {strides = array<i32>} : memref<32x512xf32, #tpu.memory_space<vmem>>, vector<1x16xf32>,
          %swap3A_1971 = arith.index_cast %while3A_1901 : i32 to index
          %swap3A_1972 = arith.constant 224 : index
          %swap3A_1973 = tpu.vector_load %arg9[%swap3A_1971, %swap3A_1972] {strides = array<i32>} : memref<32x512xf32, #tpu.memory_space<vmem>>, vector<1x16xf32>,
          %swap3A_1974 = vector.shape_cast %swap3A_1973 : vector<1x16xf32> to vector<16xf32>
          %swap3A_1975 = vector.shape_cast %broadcast_in_dim3A_1 : vector<16xf32> to vector<1x16xf32>
          tpu.vector_store %arg9[%swap3A_1971, %swap3A_1972], %swap3A_1975 {strides = array<i32>} : memref<32x512xf32, #tpu.memory_space<vmem>>, vector<1x16xf32>,
          %swap3A_1976 = arith.index_cast %while3A_1901 : i32 to index
          %swap3A_1977 = arith.constant 240 : index
          %swap3A_1978 = tpu.vector_load %arg9[%swap3A_1976, %swap3A_1977] {strides = array<i32>} : memref<32x512xf32, #tpu.memory_space<vmem>>, vector<1x16xf32>,
          %swap3A_1979 = vector.shape_cast %swap3A_1978 : vector<1x16xf32> to vector<16xf32>
          %swap3A_1980 = vector.shape_cast %broadcast_in_dim3A_1 : vector<16xf32> to vector<1x16xf32>
          tpu.vector_store %arg9[%swap3A_1976, %swap3A_1977], %swap3A_1980 {strides = array<i32>} : memref<32x512xf32, #tpu.memory_space<vmem>>, vector<1x16xf32>,
          %swap3A_1981 = arith.index_cast %while3A_1901 : i32 to index
          %swap3A_1982 = arith.constant 256 : index
          %swap3A_1983 = tpu.vector_load %arg9[%swap3A_1981, %swap3A_1982] {strides = array<i32>} : memref<32x512xf32, #tpu.memory_space<vmem>>, vector<1x16xf32>,
          %swap3A_1984 = vector.shape_cast %swap3A_1983 : vector<1x16xf32> to vector<16xf32>
          %swap3A_1985 = vector.shape_cast %broadcast_in_dim3A_1 : vector<16xf32> to vector<1x16xf32>
          tpu.vector_store %arg9[%swap3A_1981, %swap3A_1982], %swap3A_1985 {strides = array<i32>} : memref<32x512xf32, #tpu.memory_space<vmem>>, vector<1x16xf32>,
          %swap3A_1986 = arith.index_cast %while3A_1901 : i32 to index
          %swap3A_1987 = arith.constant 272 : index
          %swap3A_1988 = tpu.vector_load %arg9[%swap3A_1986, %swap3A_1987] {strides = array<i32>} : memref<32x512xf32, #tpu.memory_space<vmem>>, vector<1x16xf32>,
          %swap3A_1989 = vector.shape_cast %swap3A_1988 : vector<1x16xf32> to vector<16xf32>
          %swap3A_1990 = vector.shape_cast %broadcast_in_dim3A_1 : vector<16xf32> to vector<1x16xf32>
          tpu.vector_store %arg9[%swap3A_1986, %swap3A_1987], %swap3A_1990 {strides = array<i32>} : memref<32x512xf32, #tpu.memory_space<vmem>>, vector<1x16xf32>,
          %swap3A_1991 = arith.index_cast %while3A_1901 : i32 to index
          %swap3A_1992 = arith.constant 288 : index
          %swap3A_1993 = tpu.vector_load %arg9[%swap3A_1991, %swap3A_1992] {strides = array<i32>} : memref<32x512xf32, #tpu.memory_space<vmem>>, vector<1x16xf32>,
          %swap3A_1994 = vector.shape_cast %swap3A_1993 : vector<1x16xf32> to vector<16xf32>
          %swap3A_1995 = vector.shape_cast %broadcast_in_dim3A_1 : vector<16xf32> to vector<1x16xf32>
          tpu.vector_store %arg9[%swap3A_1991, %swap3A_1992], %swap3A_1995 {strides = array<i32>} : memref<32x512xf32, #tpu.memory_space<vmem>>, vector<1x16xf32>,
          %swap3A_1996 = arith.index_cast %while3A_1901 : i32 to index
          %swap3A_1997 = arith.constant 304 : index
          %swap3A_1998 = tpu.vector_load %arg9[%swap3A_1996, %swap3A_1997] {strides = array<i32>} : memref<32x512xf32, #tpu.memory_space<vmem>>, vector<1x16xf32>,
          %swap3A_1999 = vector.shape_cast %swap3A_1998 : vector<1x16xf32> to vector<16xf32>
          %swap3A_2000 = vector.shape_cast %broadcast_in_dim3A_1 : vector<16xf32> to vector<1x16xf32>
          tpu.vector_store %arg9[%swap3A_1996, %swap3A_1997], %swap3A_2000 {strides = array<i32>} : memref<32x512xf32, #tpu.memory_space<vmem>>, vector<1x16xf32>,
          %swap3A_2001 = arith.index_cast %while3A_1901 : i32 to index
          %swap3A_2002 = arith.constant 320 : index
          %swap3A_2003 = tpu.vector_load %arg9[%swap3A_2001, %swap3A_2002] {strides = array<i32>} : memref<32x512xf32, #tpu.memory_space<vmem>>, vector<1x16xf32>,
          %swap3A_2004 = vector.shape_cast %swap3A_2003 : vector<1x16xf32> to vector<16xf32>
          %swap3A_2005 = vector.shape_cast %broadcast_in_dim3A_1 : vector<16xf32> to vector<1x16xf32>
          tpu.vector_store %arg9[%swap3A_2001, %swap3A_2002], %swap3A_2005 {strides = array<i32>} : memref<32x512xf32, #tpu.memory_space<vmem>>, vector<1x16xf32>,
          %swap3A_2006 = arith.index_cast %while3A_1901 : i32 to index
          %swap3A_2007 = arith.constant 336 : index
          %swap3A_2008 = tpu.vector_load %arg9[%swap3A_2006, %swap3A_2007] {strides = array<i32>} : memref<32x512xf32, #tpu.memory_space<vmem>>, vector<1x16xf32>,
          %swap3A_2009 = vector.shape_cast %swap3A_2008 : vector<1x16xf32> to vector<16xf32>
          %swap3A_2010 = vector.shape_cast %broadcast_in_dim3A_1 : vector<16xf32> to vector<1x16xf32>
          tpu.vector_store %arg9[%swap3A_2006, %swap3A_2007], %swap3A_2010 {strides = array<i32>} : memref<32x512xf32, #tpu.memory_space<vmem>>, vector<1x16xf32>,
          %swap3A_2011 = arith.index_cast %while3A_1901 : i32 to index
          %swap3A_2012 = arith.constant 352 : index
          %swap3A_2013 = tpu.vector_load %arg9[%swap3A_2011, %swap3A_2012] {strides = array<i32>} : memref<32x512xf32, #tpu.memory_space<vmem>>, vector<1x16xf32>,
          %swap3A_2014 = vector.shape_cast %swap3A_2013 : vector<1x16xf32> to vector<16xf32>
          %swap3A_2015 = vector.shape_cast %broadcast_in_dim3A_1 : vector<16xf32> to vector<1x16xf32>
          tpu.vector_store %arg9[%swap3A_2011, %swap3A_2012], %swap3A_2015 {strides = array<i32>} : memref<32x512xf32, #tpu.memory_space<vmem>>, vector<1x16xf32>,
          %swap3A_2016 = arith.index_cast %while3A_1901 : i32 to index
          %swap3A_2017 = arith.constant 368 : index
          %swap3A_2018 = tpu.vector_load %arg9[%swap3A_2016, %swap3A_2017] {strides = array<i32>} : memref<32x512xf32, #tpu.memory_space<vmem>>, vector<1x16xf32>,
          %swap3A_2019 = vector.shape_cast %swap3A_2018 : vector<1x16xf32> to vector<16xf32>
          %swap3A_2020 = vector.shape_cast %broadcast_in_dim3A_1 : vector<16xf32> to vector<1x16xf32>
          tpu.vector_store %arg9[%swap3A_2016, %swap3A_2017], %swap3A_2020 {strides = array<i32>} : memref<32x512xf32, #tpu.memory_space<vmem>>, vector<1x16xf32>,
          %swap3A_2021 = arith.index_cast %while3A_1901 : i32 to index
          %swap3A_2022 = arith.constant 384 : index
          %swap3A_2023 = tpu.vector_load %arg9[%swap3A_2021, %swap3A_2022] {strides = array<i32>} : memref<32x512xf32, #tpu.memory_space<vmem>>, vector<1x16xf32>,
          %swap3A_2024 = vector.shape_cast %swap3A_2023 : vector<1x16xf32> to vector<16xf32>
          %swap3A_2025 = vector.shape_cast %broadcast_in_dim3A_1 : vector<16xf32> to vector<1x16xf32>
          tpu.vector_store %arg9[%swap3A_2021, %swap3A_2022], %swap3A_2025 {strides = array<i32>} : memref<32x512xf32, #tpu.memory_space<vmem>>, vector<1x16xf32>,
          %swap3A_2026 = arith.index_cast %while3A_1901 : i32 to index
          %swap3A_2027 = arith.constant 400 : index
          %swap3A_2028 = tpu.vector_load %arg9[%swap3A_2026, %swap3A_2027] {strides = array<i32>} : memref<32x512xf32, #tpu.memory_space<vmem>>, vector<1x16xf32>,
          %swap3A_2029 = vector.shape_cast %swap3A_2028 : vector<1x16xf32> to vector<16xf32>
          %swap3A_2030 = vector.shape_cast %broadcast_in_dim3A_1 : vector<16xf32> to vector<1x16xf32>
          tpu.vector_store %arg9[%swap3A_2026, %swap3A_2027], %swap3A_2030 {strides = array<i32>} : memref<32x512xf32, #tpu.memory_space<vmem>>, vector<1x16xf32>,
          %swap3A_2031 = arith.index_cast %while3A_1901 : i32 to index
          %swap3A_2032 = arith.constant 416 : index
          %swap3A_2033 = tpu.vector_load %arg9[%swap3A_2031, %swap3A_2032] {strides = array<i32>} : memref<32x512xf32, #tpu.memory_space<vmem>>, vector<1x16xf32>,
          %swap3A_2034 = vector.shape_cast %swap3A_2033 : vector<1x16xf32> to vector<16xf32>
          %swap3A_2035 = vector.shape_cast %broadcast_in_dim3A_1 : vector<16xf32> to vector<1x16xf32>
          tpu.vector_store %arg9[%swap3A_2031, %swap3A_2032], %swap3A_2035 {strides = array<i32>} : memref<32x512xf32, #tpu.memory_space<vmem>>, vector<1x16xf32>,
          %swap3A_2036 = arith.index_cast %while3A_1901 : i32 to index
          %swap3A_2037 = arith.constant 432 : index
          %swap3A_2038 = tpu.vector_load %arg9[%swap3A_2036, %swap3A_2037] {strides = array<i32>} : memref<32x512xf32, #tpu.memory_space<vmem>>, vector<1x16xf32>,
          %swap3A_2039 = vector.shape_cast %swap3A_2038 : vector<1x16xf32> to vector<16xf32>
          %swap3A_2040 = vector.shape_cast %broadcast_in_dim3A_1 : vector<16xf32> to vector<1x16xf32>
          tpu.vector_store %arg9[%swap3A_2036, %swap3A_2037], %swap3A_2040 {strides = array<i32>} : memref<32x512xf32, #tpu.memory_space<vmem>>, vector<1x16xf32>,
          %swap3A_2041 = arith.index_cast %while3A_1901 : i32 to index
          %swap3A_2042 = arith.constant 448 : index
          %swap3A_2043 = tpu.vector_load %arg9[%swap3A_2041, %swap3A_2042] {strides = array<i32>} : memref<32x512xf32, #tpu.memory_space<vmem>>, vector<1x16xf32>,
          %swap3A_2044 = vector.shape_cast %swap3A_2043 : vector<1x16xf32> to vector<16xf32>
          %swap3A_2045 = vector.shape_cast %broadcast_in_dim3A_1 : vector<16xf32> to vector<1x16xf32>
          tpu.vector_store %arg9[%swap3A_2041, %swap3A_2042], %swap3A_2045 {strides = array<i32>} : memref<32x512xf32, #tpu.memory_space<vmem>>, vector<1x16xf32>,
          %swap3A_2046 = arith.index_cast %while3A_1901 : i32 to index
          %swap3A_2047 = arith.constant 464 : index
          %swap3A_2048 = tpu.vector_load %arg9[%swap3A_2046, %swap3A_2047] {strides = array<i32>} : memref<32x512xf32, #tpu.memory_space<vmem>>, vector<1x16xf32>,
          %swap3A_2049 = vector.shape_cast %swap3A_2048 : vector<1x16xf32> to vector<16xf32>
          %swap3A_2050 = vector.shape_cast %broadcast_in_dim3A_1 : vector<16xf32> to vector<1x16xf32>
          tpu.vector_store %arg9[%swap3A_2046, %swap3A_2047], %swap3A_2050 {strides = array<i32>} : memref<32x512xf32, #tpu.memory_space<vmem>>, vector<1x16xf32>,
          %swap3A_2051 = arith.index_cast %while3A_1901 : i32 to index
          %swap3A_2052 = arith.constant 480 : index
          %swap3A_2053 = tpu.vector_load %arg9[%swap3A_2051, %swap3A_2052] {strides = array<i32>} : memref<32x512xf32, #tpu.memory_space<vmem>>, vector<1x16xf32>,
          %swap3A_2054 = vector.shape_cast %swap3A_2053 : vector<1x16xf32> to vector<16xf32>
          %swap3A_2055 = vector.shape_cast %broadcast_in_dim3A_1 : vector<16xf32> to vector<1x16xf32>
          tpu.vector_store %arg9[%swap3A_2051, %swap3A_2052], %swap3A_2055 {strides = array<i32>} : memref<32x512xf32, #tpu.memory_space<vmem>>, vector<1x16xf32>,
          %swap3A_2056 = arith.index_cast %while3A_1901 : i32 to index
          %swap3A_2057 = arith.constant 496 : index
          %swap3A_2058 = tpu.vector_load %arg9[%swap3A_2056, %swap3A_2057] {strides = array<i32>} : memref<32x512xf32, #tpu.memory_space<vmem>>, vector<1x16xf32>,
          %swap3A_2059 = vector.shape_cast %swap3A_2058 : vector<1x16xf32> to vector<16xf32>
          %swap3A_2060 = vector.shape_cast %broadcast_in_dim3A_1 : vector<16xf32> to vector<1x16xf32>
          tpu.vector_store %arg9[%swap3A_2056, %swap3A_2057], %swap3A_2060 {strides = array<i32>} : memref<32x512xf32, #tpu.memory_space<vmem>>, vector<1x16xf32>,
        }
        %mul3A_1841 = arith.constant 32 : i32
        %mul3A_1842 = arith.muli %add3A_1391, %mul3A_1841 : i32
        %add3A_1843 = arith.addi %add3A, %mul3A_1842 : i32
        %jit3A_1844 = arith.constant 128 : i32
        %div3A_1845 = arith.divsi %add3A_1843, %jit3A_1844 : i32
        %sign3A_1846 = arith.constant 0 : i32
        %sign3A_1847 = arith.cmpi sgt, %add3A_1843, %sign3A_1846 : i32
        %sign3A_1848 = arith.extui %sign3A_1847 : i1 to i32
        %sign3A_1849 = arith.constant 0 : i32
        %sign3A_1850 = arith.cmpi slt, %add3A_1843, %sign3A_1849 : i32
        %sign3A_1851 = arith.extui %sign3A_1850 : i1 to i32
        %sign3A_1852 = arith.subi %sign3A_1848, %sign3A_1851 : i32
        %sign3A_1853 = arith.constant 0 : i32
        %sign3A_1854 = arith.cmpi sgt, %jit3A_1844, %sign3A_1853 : i32
        %sign3A_1855 = arith.extui %sign3A_1854 : i1 to i32
        %sign3A_1856 = arith.constant 0 : i32
        %sign3A_1857 = arith.cmpi slt, %jit3A_1844, %sign3A_1856 : i32
        %sign3A_1858 = arith.extui %sign3A_1857 : i1 to i32
        %sign3A_1859 = arith.subi %sign3A_1855, %sign3A_1858 : i32
        %ne3A_1860 = arith.cmpi ne, %sign3A_1852, %sign3A_1859 : i32
        %rem3A_1861 = arith.remsi %add3A_1843, %jit3A_1844 : i32
        %ne3A_1862 = arith.constant 0 : i32
        %ne3A_1863 = arith.cmpi ne, %rem3A_1861, %ne3A_1862 : i32
        %and3A_1864 = arith.andi %ne3A_1860, %ne3A_1863 : i1
        %sub3A_1865 = arith.constant 1 : i32
        %sub3A_1866 = arith.subi %div3A_1845, %sub3A_1865 : i32
        %select_n3A_1867 = arith.select %and3A_1864, %sub3A_1866, %div3A_1845 : i32
        %jit3A_1868 = arith.constant 0 : i32
        %jit3A_1869 = arith.constant 15 : i32
        %max3A_1870 = arith.maxsi %jit3A_1868, %select_n3A_1867 : i32
        %min3A_1871 = arith.minsi %jit3A_1869, %max3A_1870 : i32
        %jit3A_1872 = arith.constant 128 : i32
        %eq3A_1873 = arith.constant 0 : i32
        %eq3A_1874 = arith.cmpi eq, %jit3A_1872, %eq3A_1873 : i32
        %jit3A_1875 = arith.constant 1 : i32
        %select_n3A_1876 = arith.select %eq3A_1874, %jit3A_1875, %jit3A_1872 : i32
        %rem3A_1877 = arith.remsi %add3A_1843, %select_n3A_1876 : i32
        %ne3A_1878 = arith.constant 0 : i32
        %ne3A_1879 = arith.cmpi ne, %rem3A_1877, %ne3A_1878 : i32
        %lt3A_1880 = arith.constant 0 : i32
        %lt3A_1881 = arith.cmpi slt, %rem3A_1877, %lt3A_1880 : i32
        %lt3A_1882 = arith.constant 0 : i32
        %lt3A_1883 = arith.cmpi slt, %select_n3A_1876, %lt3A_1882 : i32
        %ne3A_1884 = arith.xori %lt3A_1881, %lt3A_1883 : i1
        %and3A_1885 = arith.andi %ne3A_1884, %ne3A_1879 : i1
        %add3A_1886 = arith.addi %rem3A_1877, %select_n3A_1876 : i32
        %select_n3A_1887 = arith.select %and3A_1885, %add3A_1886, %rem3A_1877 : i32
        %mul3A_1888 = arith.constant 32 : i32
        %mul3A_1889 = arith.muli %select_n3A_1887, %mul3A_1888 : i32
        %get3A_1890 = arith.index_cast %min3A_1871 : i32 to index
        %get3A_1891 = tpu.vector_load %arg5[%get3A_1890] {strides = array<i32>} : memref<32xi32, #tpu.memory_space<vmem>>, vector<16xi32>,
        %get3A_1892 = vector.shape_cast %get3A_1891 : vector<16xi32> to vector<16xi32>
        %slice3A_1893 = vector.extract_strided_slice %get3A_1892 {offsets = [0], sizes = [1], strides = [1]} : vector<16xi32> to vector<1xi32>
        %squeeze3A_1894 = vector.extract %slice3A_1893[0] : i32 from vector<1xi32>
        %sub3A_1895 = arith.subi %squeeze3A_1894, %mul3A_1889 : i32
        %dma_start3A = arith.constant 0 : i32
        %dma_start3A_1896 = tpu.memref_slice %arg4[%min3A_1871, %mul3A_1889, %dma_start3A] : memref<16x4096x512xf32, #tpu.memory_space<hbm>> -> memref<1x32x512xf32, #tpu.memory_space<hbm>>
        %dma_start3A_1897 = tpu.memref_squeeze %dma_start3A_1896 : memref<1x32x512xf32, #tpu.memory_space<hbm>> -> memref<32x512xf32, #tpu.memory_space<hbm>>
        %dma_start3A_1898 = arith.constant 0 : i32
        %dma_start3A_1899 = tpu.memref_slice %arg4[%min3A_1871, %mul3A_1889, %dma_start3A_1898] : memref<16x4096x512xf32, #tpu.memory_space<hbm>> -> memref<1x32x512xf32, #tpu.memory_space<hbm>>
        %dma_start3A_1900 = tpu.memref_squeeze %dma_start3A_1899 : memref<1x32x512xf32, #tpu.memory_space<hbm>> -> memref<32x512xf32, #tpu.memory_space<hbm>>
        tpu.enqueue_dma source(%arg9 : memref<32x512xf32, #tpu.memory_space<vmem>>) target(%dma_start3A_1900 : memref<32x512xf32, #tpu.memory_space<hbm>>) target_semaphore(%arg18 : memref<!tpu.dma_semaphore, #tpu.memory_space<semaphore_mem>>)
      } else {
      }
      %mul3A_1647 = arith.constant 32 : i32
      %mul3A_1648 = arith.muli %add3A_1391, %mul3A_1647 : i32
      %add3A_1649 = arith.addi %add3A, %mul3A_1648 : i32
      %jit3A_1650 = arith.constant 128 : i32
      %div3A_1651 = arith.divsi %add3A_1649, %jit3A_1650 : i32
      %sign3A_1652 = arith.constant 0 : i32
      %sign3A_1653 = arith.cmpi sgt, %add3A_1649, %sign3A_1652 : i32
      %sign3A_1654 = arith.extui %sign3A_1653 : i1 to i32
      %sign3A_1655 = arith.constant 0 : i32
      %sign3A_1656 = arith.cmpi slt, %add3A_1649, %sign3A_1655 : i32
      %sign3A_1657 = arith.extui %sign3A_1656 : i1 to i32
      %sign3A_1658 = arith.subi %sign3A_1654, %sign3A_1657 : i32
      %sign3A_1659 = arith.constant 0 : i32
      %sign3A_1660 = arith.cmpi sgt, %jit3A_1650, %sign3A_1659 : i32
      %sign3A_1661 = arith.extui %sign3A_1660 : i1 to i32
      %sign3A_1662 = arith.constant 0 : i32
      %sign3A_1663 = arith.cmpi slt, %jit3A_1650, %sign3A_1662 : i32
      %sign3A_1664 = arith.extui %sign3A_1663 : i1 to i32
      %sign3A_1665 = arith.subi %sign3A_1661, %sign3A_1664 : i32
      %ne3A_1666 = arith.cmpi ne, %sign3A_1658, %sign3A_1665 : i32
      %rem3A_1667 = arith.remsi %add3A_1649, %jit3A_1650 : i32
      %ne3A_1668 = arith.constant 0 : i32
      %ne3A_1669 = arith.cmpi ne, %rem3A_1667, %ne3A_1668 : i32
      %and3A_1670 = arith.andi %ne3A_1666, %ne3A_1669 : i1
      %sub3A_1671 = arith.constant 1 : i32
      %sub3A_1672 = arith.subi %div3A_1651, %sub3A_1671 : i32
      %select_n3A_1673 = arith.select %and3A_1670, %sub3A_1672, %div3A_1651 : i32
      %jit3A_1674 = arith.constant 0 : i32
      %jit3A_1675 = arith.constant 15 : i32
      %max3A_1676 = arith.maxsi %jit3A_1674, %select_n3A_1673 : i32
      %min3A_1677 = arith.minsi %jit3A_1675, %max3A_1676 : i32
      %jit3A_1678 = arith.constant 128 : i32
      %eq3A_1679 = arith.constant 0 : i32
      %eq3A_1680 = arith.cmpi eq, %jit3A_1678, %eq3A_1679 : i32
      %jit3A_1681 = arith.constant 1 : i32
      %select_n3A_1682 = arith.select %eq3A_1680, %jit3A_1681, %jit3A_1678 : i32
      %rem3A_1683 = arith.remsi %add3A_1649, %select_n3A_1682 : i32
      %ne3A_1684 = arith.constant 0 : i32
      %ne3A_1685 = arith.cmpi ne, %rem3A_1683, %ne3A_1684 : i32
      %lt3A_1686 = arith.constant 0 : i32
      %lt3A_1687 = arith.cmpi slt, %rem3A_1683, %lt3A_1686 : i32
      %lt3A_1688 = arith.constant 0 : i32
      %lt3A_1689 = arith.cmpi slt, %select_n3A_1682, %lt3A_1688 : i32
      %ne3A_1690 = arith.xori %lt3A_1687, %lt3A_1689 : i1
      %and3A_1691 = arith.andi %ne3A_1690, %ne3A_1685 : i1
      %add3A_1692 = arith.addi %rem3A_1683, %select_n3A_1682 : i32
      %select_n3A_1693 = arith.select %and3A_1691, %add3A_1692, %rem3A_1683 : i32
      %mul3A_1694 = arith.constant 32 : i32
      %mul3A_1695 = arith.muli %select_n3A_1693, %mul3A_1694 : i32
      %get3A_1696 = arith.index_cast %min3A_1677 : i32 to index
      %get3A_1697 = tpu.vector_load %arg5[%get3A_1696] {strides = array<i32>} : memref<32xi32, #tpu.memory_space<vmem>>, vector<16xi32>,
      %get3A_1698 = vector.shape_cast %get3A_1697 : vector<16xi32> to vector<16xi32>
      %slice3A_1699 = vector.extract_strided_slice %get3A_1698 {offsets = [0], sizes = [1], strides = [1]} : vector<16xi32> to vector<1xi32>
      %squeeze3A_1700 = vector.extract %slice3A_1699[0] : i32 from vector<1xi32>
      %sub3A_1701 = arith.subi %squeeze3A_1700, %mul3A_1695 : i32
      %le3A_1702 = arith.constant 0 : i32
      %le3A_1703 = arith.cmpi sle, %sub3A_1701, %le3A_1702 : i32
      %convert_element_type3A_1704 = arith.extui %le3A_1703 : i1 to i32
      %cond3A_1705 = arith.constant 0 : i32
      %cond3A_1706 = arith.cmpi ne, %convert_element_type3A_1704, %cond3A_1705 : i32
      scf.if %cond3A_1706 {
        %mul3A_1772 = arith.constant 32 : i32
        %mul3A_1773 = arith.muli %add3A_1391, %mul3A_1772 : i32
        %add3A_1774 = arith.addi %add3A, %mul3A_1773 : i32
        %jit3A_1775 = arith.constant 128 : i32
        %div3A_1776 = arith.divsi %add3A_1774, %jit3A_1775 : i32
        %sign3A_1777 = arith.constant 0 : i32
        %sign3A_1778 = arith.cmpi sgt, %add3A_1774, %sign3A_1777 : i32
        %sign3A_1779 = arith.extui %sign3A_1778 : i1 to i32
        %sign3A_1780 = arith.constant 0 : i32
        %sign3A_1781 = arith.cmpi slt, %add3A_1774, %sign3A_1780 : i32
        %sign3A_1782 = arith.extui %sign3A_1781 : i1 to i32
        %sign3A_1783 = arith.subi %sign3A_1779, %sign3A_1782 : i32
        %sign3A_1784 = arith.constant 0 : i32
        %sign3A_1785 = arith.cmpi sgt, %jit3A_1775, %sign3A_1784 : i32
        %sign3A_1786 = arith.extui %sign3A_1785 : i1 to i32
        %sign3A_1787 = arith.constant 0 : i32
        %sign3A_1788 = arith.cmpi slt, %jit3A_1775, %sign3A_1787 : i32
        %sign3A_1789 = arith.extui %sign3A_1788 : i1 to i32
        %sign3A_1790 = arith.subi %sign3A_1786, %sign3A_1789 : i32
        %ne3A_1791 = arith.cmpi ne, %sign3A_1783, %sign3A_1790 : i32
        %rem3A_1792 = arith.remsi %add3A_1774, %jit3A_1775 : i32
        %ne3A_1793 = arith.constant 0 : i32
        %ne3A_1794 = arith.cmpi ne, %rem3A_1792, %ne3A_1793 : i32
        %and3A_1795 = arith.andi %ne3A_1791, %ne3A_1794 : i1
        %sub3A_1796 = arith.constant 1 : i32
        %sub3A_1797 = arith.subi %div3A_1776, %sub3A_1796 : i32
        %select_n3A_1798 = arith.select %and3A_1795, %sub3A_1797, %div3A_1776 : i32
        %jit3A_1799 = arith.constant 0 : i32
        %jit3A_1800 = arith.constant 15 : i32
        %max3A_1801 = arith.maxsi %jit3A_1799, %select_n3A_1798 : i32
        %min3A_1802 = arith.minsi %jit3A_1800, %max3A_1801 : i32
        %jit3A_1803 = arith.constant 128 : i32
        %eq3A_1804 = arith.constant 0 : i32
        %eq3A_1805 = arith.cmpi eq, %jit3A_1803, %eq3A_1804 : i32
        %jit3A_1806 = arith.constant 1 : i32
        %select_n3A_1807 = arith.select %eq3A_1805, %jit3A_1806, %jit3A_1803 : i32
        %rem3A_1808 = arith.remsi %add3A_1774, %select_n3A_1807 : i32
        %ne3A_1809 = arith.constant 0 : i32
        %ne3A_1810 = arith.cmpi ne, %rem3A_1808, %ne3A_1809 : i32
        %lt3A_1811 = arith.constant 0 : i32
        %lt3A_1812 = arith.cmpi slt, %rem3A_1808, %lt3A_1811 : i32
        %lt3A_1813 = arith.constant 0 : i32
        %lt3A_1814 = arith.cmpi slt, %select_n3A_1807, %lt3A_1813 : i32
        %ne3A_1815 = arith.xori %lt3A_1812, %lt3A_1814 : i1
        %and3A_1816 = arith.andi %ne3A_1815, %ne3A_1810 : i1
        %add3A_1817 = arith.addi %rem3A_1808, %select_n3A_1807 : i32
        %select_n3A_1818 = arith.select %and3A_1816, %add3A_1817, %rem3A_1808 : i32
        %mul3A_1819 = arith.constant 32 : i32
        %mul3A_1820 = arith.muli %select_n3A_1818, %mul3A_1819 : i32
        %get3A_1821 = arith.index_cast %min3A_1802 : i32 to index
        %get3A_1822 = tpu.vector_load %arg5[%get3A_1821] {strides = array<i32>} : memref<32xi32, #tpu.memory_space<vmem>>, vector<16xi32>,
        %get3A_1823 = vector.shape_cast %get3A_1822 : vector<16xi32> to vector<16xi32>
        %slice3A_1824 = vector.extract_strided_slice %get3A_1823 {offsets = [0], sizes = [1], strides = [1]} : vector<16xi32> to vector<1xi32>
        %squeeze3A_1825 = vector.extract %slice3A_1824[0] : i32 from vector<1xi32>
        %sub3A_1826 = arith.subi %squeeze3A_1825, %mul3A_1820 : i32
        %dma_start3A = arith.constant 0 : i32
        %dma_start3A_1827 = tpu.memref_slice %arg4[%min3A_1802, %mul3A_1820, %dma_start3A] : memref<16x4096x512xf32, #tpu.memory_space<hbm>> -> memref<1x32x512xf32, #tpu.memory_space<hbm>>
        %dma_start3A_1828 = tpu.memref_squeeze %dma_start3A_1827 : memref<1x32x512xf32, #tpu.memory_space<hbm>> -> memref<32x512xf32, #tpu.memory_space<hbm>>
        %dma_start3A_1829 = arith.constant 0 : i32
        %dma_start3A_1830 = tpu.memref_slice %arg4[%min3A_1802, %mul3A_1820, %dma_start3A_1829] : memref<16x4096x512xf32, #tpu.memory_space<hbm>> -> memref<1x32x512xf32, #tpu.memory_space<hbm>>
        %dma_start3A_1831 = tpu.memref_squeeze %dma_start3A_1830 : memref<1x32x512xf32, #tpu.memory_space<hbm>> -> memref<32x512xf32, #tpu.memory_space<hbm>>
        tpu.enqueue_dma source(%arg10 : memref<32x512xf32, #tpu.memory_space<vmem>>) target(%dma_start3A_1831 : memref<32x512xf32, #tpu.memory_space<hbm>>) target_semaphore(%arg19 : memref<!tpu.dma_semaphore, #tpu.memory_space<semaphore_mem>>)
      } else {
      }
      %ge3A_1707 = arith.constant 32 : i32
      %ge3A_1708 = arith.cmpi sge, %add3A_1391, %ge3A_1707 : i32
      %sub3A_1709 = arith.constant 32 : i32
      %sub3A_1710 = arith.subi %add3A_1391, %sub3A_1709 : i32
      %mul3A_1711 = arith.constant 32 : i32
      %mul3A_1712 = arith.muli %sub3A_1710, %mul3A_1711 : i32
      %add3A_1713 = arith.addi %add3A, %mul3A_1712 : i32
      %jit3A_1714 = arith.constant 128 : i32
      %div3A_1715 = arith.divsi %add3A_1713, %jit3A_1714 : i32
      %sign3A_1716 = arith.constant 0 : i32
      %sign3A_1717 = arith.cmpi sgt, %add3A_1713, %sign3A_1716 : i32
      %sign3A_1718 = arith.extui %sign3A_1717 : i1 to i32
      %sign3A_1719 = arith.constant 0 : i32
      %sign3A_1720 = arith.cmpi slt, %add3A_1713, %sign3A_1719 : i32
      %sign3A_1721 = arith.extui %sign3A_1720 : i1 to i32
      %sign3A_1722 = arith.subi %sign3A_1718, %sign3A_1721 : i32
      %sign3A_1723 = arith.constant 0 : i32
      %sign3A_1724 = arith.cmpi sgt, %jit3A_1714, %sign3A_1723 : i32
      %sign3A_1725 = arith.extui %sign3A_1724 : i1 to i32
      %sign3A_1726 = arith.constant 0 : i32
      %sign3A_1727 = arith.cmpi slt, %jit3A_1714, %sign3A_1726 : i32
      %sign3A_1728 = arith.extui %sign3A_1727 : i1 to i32
      %sign3A_1729 = arith.subi %sign3A_1725, %sign3A_1728 : i32
      %ne3A_1730 = arith.cmpi ne, %sign3A_1722, %sign3A_1729 : i32
      %rem3A_1731 = arith.remsi %add3A_1713, %jit3A_1714 : i32
      %ne3A_1732 = arith.constant 0 : i32
      %ne3A_1733 = arith.cmpi ne, %rem3A_1731, %ne3A_1732 : i32
      %and3A_1734 = arith.andi %ne3A_1730, %ne3A_1733 : i1
      %sub3A_1735 = arith.constant 1 : i32
      %sub3A_1736 = arith.subi %div3A_1715, %sub3A_1735 : i32
      %select_n3A_1737 = arith.select %and3A_1734, %sub3A_1736, %div3A_1715 : i32
      %jit3A_1738 = arith.constant 0 : i32
      %jit3A_1739 = arith.constant 15 : i32
      %max3A_1740 = arith.maxsi %jit3A_1738, %select_n3A_1737 : i32
      %min3A_1741 = arith.minsi %jit3A_1739, %max3A_1740 : i32
      %jit3A_1742 = arith.constant 128 : i32
      %eq3A_1743 = arith.constant 0 : i32
      %eq3A_1744 = arith.cmpi eq, %jit3A_1742, %eq3A_1743 : i32
      %jit3A_1745 = arith.constant 1 : i32
      %select_n3A_1746 = arith.select %eq3A_1744, %jit3A_1745, %jit3A_1742 : i32
      %rem3A_1747 = arith.remsi %add3A_1713, %select_n3A_1746 : i32
      %ne3A_1748 = arith.constant 0 : i32
      %ne3A_1749 = arith.cmpi ne, %rem3A_1747, %ne3A_1748 : i32
      %lt3A_1750 = arith.constant 0 : i32
      %lt3A_1751 = arith.cmpi slt, %rem3A_1747, %lt3A_1750 : i32
      %lt3A_1752 = arith.constant 0 : i32
      %lt3A_1753 = arith.cmpi slt, %select_n3A_1746, %lt3A_1752 : i32
      %ne3A_1754 = arith.xori %lt3A_1751, %lt3A_1753 : i1
      %and3A_1755 = arith.andi %ne3A_1754, %ne3A_1749 : i1
      %add3A_1756 = arith.addi %rem3A_1747, %select_n3A_1746 : i32
      %select_n3A_1757 = arith.select %and3A_1755, %add3A_1756, %rem3A_1747 : i32
      %mul3A_1758 = arith.constant 32 : i32
      %mul3A_1759 = arith.muli %select_n3A_1757, %mul3A_1758 : i32
      %get3A_1760 = arith.index_cast %min3A_1741 : i32 to index
      %get3A_1761 = tpu.vector_load %arg5[%get3A_1760] {strides = array<i32>} : memref<32xi32, #tpu.memory_space<vmem>>, vector<16xi32>,
      %get3A_1762 = vector.shape_cast %get3A_1761 : vector<16xi32> to vector<16xi32>
      %slice3A_1763 = vector.extract_strided_slice %get3A_1762 {offsets = [0], sizes = [1], strides = [1]} : vector<16xi32> to vector<1xi32>
      %squeeze3A_1764 = vector.extract %slice3A_1763[0] : i32 from vector<1xi32>
      %sub3A_1765 = arith.subi %squeeze3A_1764, %mul3A_1759 : i32
      %le3A_1766 = arith.constant 0 : i32
      %le3A_1767 = arith.cmpi sle, %sub3A_1765, %le3A_1766 : i32
      %and3A_1768 = arith.andi %ge3A_1708, %le3A_1767 : i1
      %convert_element_type3A_1769 = arith.extui %and3A_1768 : i1 to i32
      %cond3A_1770 = arith.constant 0 : i32
      %cond3A_1771 = arith.cmpi ne, %convert_element_type3A_1769, %cond3A_1770 : i32
      scf.if %cond3A_1771 {
        %sub3A_1772 = arith.constant 32 : i32
        %sub3A_1773 = arith.subi %add3A_1391, %sub3A_1772 : i32
        %mul3A_1774 = arith.constant 32 : i32
        %mul3A_1775 = arith.muli %sub3A_1773, %mul3A_1774 : i32
        %add3A_1776 = arith.addi %add3A, %mul3A_1775 : i32
        %jit3A_1777 = arith.constant 128 : i32
        %div3A_1778 = arith.divsi %add3A_1776, %jit3A_1777 : i32
        %sign3A_1779 = arith.constant 0 : i32
        %sign3A_1780 = arith.cmpi sgt, %add3A_1776, %sign3A_1779 : i32
        %sign3A_1781 = arith.extui %sign3A_1780 : i1 to i32
        %sign3A_1782 = arith.constant 0 : i32
        %sign3A_1783 = arith.cmpi slt, %add3A_1776, %sign3A_1782 : i32
        %sign3A_1784 = arith.extui %sign3A_1783 : i1 to i32
        %sign3A_1785 = arith.subi %sign3A_1781, %sign3A_1784 : i32
        %sign3A_1786 = arith.constant 0 : i32
        %sign3A_1787 = arith.cmpi sgt, %jit3A_1777, %sign3A_1786 : i32
        %sign3A_1788 = arith.extui %sign3A_1787 : i1 to i32
        %sign3A_1789 = arith.constant 0 : i32
        %sign3A_1790 = arith.cmpi slt, %jit3A_1777, %sign3A_1789 : i32
        %sign3A_1791 = arith.extui %sign3A_1790 : i1 to i32
        %sign3A_1792 = arith.subi %sign3A_1788, %sign3A_1791 : i32
        %ne3A_1793 = arith.cmpi ne, %sign3A_1785, %sign3A_1792 : i32
        %rem3A_1794 = arith.remsi %add3A_1776, %jit3A_1777 : i32
        %ne3A_1795 = arith.constant 0 : i32
        %ne3A_1796 = arith.cmpi ne, %rem3A_1794, %ne3A_1795 : i32
        %and3A_1797 = arith.andi %ne3A_1793, %ne3A_1796 : i1
        %sub3A_1798 = arith.constant 1 : i32
        %sub3A_1799 = arith.subi %div3A_1778, %sub3A_1798 : i32
        %select_n3A_1800 = arith.select %and3A_1797, %sub3A_1799, %div3A_1778 : i32
        %jit3A_1801 = arith.constant 0 : i32
        %jit3A_1802 = arith.constant 15 : i32
        %max3A_1803 = arith.maxsi %jit3A_1801, %select_n3A_1800 : i32
        %min3A_1804 = arith.minsi %jit3A_1802, %max3A_1803 : i32
        %jit3A_1805 = arith.constant 128 : i32
        %eq3A_1806 = arith.constant 0 : i32
        %eq3A_1807 = arith.cmpi eq, %jit3A_1805, %eq3A_1806 : i32
        %jit3A_1808 = arith.constant 1 : i32
        %select_n3A_1809 = arith.select %eq3A_1807, %jit3A_1808, %jit3A_1805 : i32
        %rem3A_1810 = arith.remsi %add3A_1776, %select_n3A_1809 : i32
        %ne3A_1811 = arith.constant 0 : i32
        %ne3A_1812 = arith.cmpi ne, %rem3A_1810, %ne3A_1811 : i32
        %lt3A_1813 = arith.constant 0 : i32
        %lt3A_1814 = arith.cmpi slt, %rem3A_1810, %lt3A_1813 : i32
        %lt3A_1815 = arith.constant 0 : i32
        %lt3A_1816 = arith.cmpi slt, %select_n3A_1809, %lt3A_1815 : i32
        %ne3A_1817 = arith.xori %lt3A_1814, %lt3A_1816 : i1
        %and3A_1818 = arith.andi %ne3A_1817, %ne3A_1812 : i1
        %add3A_1819 = arith.addi %rem3A_1810, %select_n3A_1809 : i32
        %select_n3A_1820 = arith.select %and3A_1818, %add3A_1819, %rem3A_1810 : i32
        %mul3A_1821 = arith.constant 32 : i32
        %mul3A_1822 = arith.muli %select_n3A_1820, %mul3A_1821 : i32
        %get3A_1823 = arith.index_cast %min3A_1804 : i32 to index
        %get3A_1824 = tpu.vector_load %arg5[%get3A_1823] {strides = array<i32>} : memref<32xi32, #tpu.memory_space<vmem>>, vector<16xi32>,
        %get3A_1825 = vector.shape_cast %get3A_1824 : vector<16xi32> to vector<16xi32>
        %slice3A_1826 = vector.extract_strided_slice %get3A_1825 {offsets = [0], sizes = [1], strides = [1]} : vector<16xi32> to vector<1xi32>
        %squeeze3A_1827 = vector.extract %slice3A_1826[0] : i32 from vector<1xi32>
        %sub3A_1828 = arith.subi %squeeze3A_1827, %mul3A_1822 : i32
        %dma_wait3A = arith.constant 0 : i32
        %dma_wait3A_1829 = tpu.memref_slice %arg4[%min3A_1804, %mul3A_1822, %dma_wait3A] : memref<16x4096x512xf32, #tpu.memory_space<hbm>> -> memref<1x32x512xf32, #tpu.memory_space<hbm>>
        %dma_wait3A_1830 = tpu.memref_squeeze %dma_wait3A_1829 : memref<1x32x512xf32, #tpu.memory_space<hbm>> -> memref<32x512xf32, #tpu.memory_space<hbm>>
        %dma_wait3A_1831 = arith.constant 0 : i32
        %dma_wait3A_1832 = tpu.memref_slice %arg4[%min3A_1804, %mul3A_1822, %dma_wait3A_1831] : memref<16x4096x512xf32, #tpu.memory_space<hbm>> -> memref<1x32x512xf32, #tpu.memory_space<hbm>>
        %dma_wait3A_1833 = tpu.memref_squeeze %dma_wait3A_1832 : memref<1x32x512xf32, #tpu.memory_space<hbm>> -> memref<32x512xf32, #tpu.memory_space<hbm>>
        tpu.wait_dma2 semaphore(%arg19 : memref<!tpu.dma_semaphore, #tpu.memory_space<semaphore_mem>>) src(%arg10 : memref<32x512xf32, #tpu.memory_space<vmem>>) dst(%dma_wait3A_1833 : memref<32x512xf32, #tpu.memory_space<hbm>>)
      } else {
      }
    }
    %scan3A_112 = arith.constant 16 : i32
    %add3A_113 = arith.constant 1984 : i32
    %add3A_114 = arith.addi %add3A, %add3A_113 : i32
    %jit3A_115 = arith.constant 128 : i32
    %div3A_116 = arith.divsi %add3A_114, %jit3A_115 : i32
    %sign3A_117 = arith.constant 0 : i32
    %sign3A_118 = arith.cmpi sgt, %add3A_114, %sign3A_117 : i32
    %sign3A_119 = arith.extui %sign3A_118 : i1 to i32
    %sign3A_120 = arith.constant 0 : i32
    %sign3A_121 = arith.cmpi slt, %add3A_114, %sign3A_120 : i32
    %sign3A_122 = arith.extui %sign3A_121 : i1 to i32
    %sign3A_123 = arith.subi %sign3A_119, %sign3A_122 : i32
    %sign3A_124 = arith.constant 0 : i32
    %sign3A_125 = arith.cmpi sgt, %jit3A_115, %sign3A_124 : i32
    %sign3A_126 = arith.extui %sign3A_125 : i1 to i32
    %sign3A_127 = arith.constant 0 : i32
    %sign3A_128 = arith.cmpi slt, %jit3A_115, %sign3A_127 : i32
    %sign3A_129 = arith.extui %sign3A_128 : i1 to i32
    %sign3A_130 = arith.subi %sign3A_126, %sign3A_129 : i32
    %ne3A_131 = arith.cmpi ne, %sign3A_123, %sign3A_130 : i32
    %rem3A_132 = arith.remsi %add3A_114, %jit3A_115 : i32
    %ne3A_133 = arith.constant 0 : i32
    %ne3A_134 = arith.cmpi ne, %rem3A_132, %ne3A_133 : i32
    %and3A_135 = arith.andi %ne3A_131, %ne3A_134 : i1
    %sub3A_136 = arith.constant 1 : i32
    %sub3A_137 = arith.subi %div3A_116, %sub3A_136 : i32
    %select_n3A_138 = arith.select %and3A_135, %sub3A_137, %div3A_116 : i32
    %jit3A_139 = arith.constant 0 : i32
    %jit3A_140 = arith.constant 15 : i32
    %max3A_141 = arith.maxsi %jit3A_139, %select_n3A_138 : i32
    %min3A_142 = arith.minsi %jit3A_140, %max3A_141 : i32
    %jit3A_143 = arith.constant 128 : i32
    %eq3A_144 = arith.constant 0 : i32
    %eq3A_145 = arith.cmpi eq, %jit3A_143, %eq3A_144 : i32
    %jit3A_146 = arith.constant 1 : i32
    %select_n3A_147 = arith.select %eq3A_145, %jit3A_146, %jit3A_143 : i32
    %rem3A_148 = arith.remsi %add3A_114, %select_n3A_147 : i32
    %ne3A_149 = arith.constant 0 : i32
    %ne3A_150 = arith.cmpi ne, %rem3A_148, %ne3A_149 : i32
    %lt3A_151 = arith.constant 0 : i32
    %lt3A_152 = arith.cmpi slt, %rem3A_148, %lt3A_151 : i32
    %lt3A_153 = arith.constant 0 : i32
    %lt3A_154 = arith.cmpi slt, %select_n3A_147, %lt3A_153 : i32
    %ne3A_155 = arith.xori %lt3A_152, %lt3A_154 : i1
    %and3A_156 = arith.andi %ne3A_155, %ne3A_150 : i1
    %add3A_157 = arith.addi %rem3A_148, %select_n3A_147 : i32
    %select_n3A_158 = arith.select %and3A_156, %add3A_157, %rem3A_148 : i32
    %mul3A_159 = arith.constant 32 : i32
    %mul3A_160 = arith.muli %select_n3A_158, %mul3A_159 : i32
    %get3A_161 = arith.index_cast %min3A_142 : i32 to index
    %get3A_162 = tpu.vector_load %arg5[%get3A_161] {strides = array<i32>} : memref<32xi32, #tpu.memory_space<vmem>>, vector<16xi32>,
    %get3A_163 = vector.shape_cast %get3A_162 : vector<16xi32> to vector<16xi32>
    %slice3A_164 = vector.extract_strided_slice %get3A_163 {offsets = [0], sizes = [1], strides = [1]} : vector<16xi32> to vector<1xi32>
    %squeeze3A_165 = vector.extract %slice3A_164[0] : i32 from vector<1xi32>
    %sub3A_166 = arith.subi %squeeze3A_165, %mul3A_160 : i32
    %gt3A_167 = arith.constant 0 : i32
    %gt3A_168 = arith.cmpi sgt, %sub3A_166, %gt3A_167 : i32
    %convert_element_type3A_169 = arith.extui %gt3A_168 : i1 to i32
    %cond3A_170 = arith.constant 0 : i32
    %cond3A_171 = arith.cmpi ne, %convert_element_type3A_169, %cond3A_170 : i32
    scf.if %cond3A_171 {
      %add3A_237 = arith.constant 0 : i32
      %add3A_238 = arith.addi %add3A, %add3A_237 : i32
      %jit3A_239 = arith.constant 128 : i32
      %div3A_240 = arith.divsi %add3A_238, %jit3A_239 : i32
      %sign3A_241 = arith.constant 0 : i32
      %sign3A_242 = arith.cmpi sgt, %add3A_238, %sign3A_241 : i32
      %sign3A_243 = arith.extui %sign3A_242 : i1 to i32
      %sign3A_244 = arith.constant 0 : i32
      %sign3A_245 = arith.cmpi slt, %add3A_238, %sign3A_244 : i32
      %sign3A_246 = arith.extui %sign3A_245 : i1 to i32
      %sign3A_247 = arith.subi %sign3A_243, %sign3A_246 : i32
      %sign3A_248 = arith.constant 0 : i32
      %sign3A_249 = arith.cmpi sgt, %jit3A_239, %sign3A_248 : i32
      %sign3A_250 = arith.extui %sign3A_249 : i1 to i32
      %sign3A_251 = arith.constant 0 : i32
      %sign3A_252 = arith.cmpi slt, %jit3A_239, %sign3A_251 : i32
      %sign3A_253 = arith.extui %sign3A_252 : i1 to i32
      %sign3A_254 = arith.subi %sign3A_250, %sign3A_253 : i32
      %ne3A_255 = arith.cmpi ne, %sign3A_247, %sign3A_254 : i32
      %rem3A_256 = arith.remsi %add3A_238, %jit3A_239 : i32
      %ne3A_257 = arith.constant 0 : i32
      %ne3A_258 = arith.cmpi ne, %rem3A_256, %ne3A_257 : i32
      %and3A_259 = arith.andi %ne3A_255, %ne3A_258 : i1
      %sub3A_260 = arith.constant 1 : i32
      %sub3A_261 = arith.subi %div3A_240, %sub3A_260 : i32
      %select_n3A_262 = arith.select %and3A_259, %sub3A_261, %div3A_240 : i32
      %jit3A_263 = arith.constant 0 : i32
      %jit3A_264 = arith.constant 15 : i32
      %max3A_265 = arith.maxsi %jit3A_263, %select_n3A_262 : i32
      %min3A_266 = arith.minsi %jit3A_264, %max3A_265 : i32
      %jit3A_267 = arith.constant 128 : i32
      %eq3A_268 = arith.constant 0 : i32
      %eq3A_269 = arith.cmpi eq, %jit3A_267, %eq3A_268 : i32
      %jit3A_270 = arith.constant 1 : i32
      %select_n3A_271 = arith.select %eq3A_269, %jit3A_270, %jit3A_267 : i32
      %rem3A_272 = arith.remsi %add3A_238, %select_n3A_271 : i32
      %ne3A_273 = arith.constant 0 : i32
      %ne3A_274 = arith.cmpi ne, %rem3A_272, %ne3A_273 : i32
      %lt3A_275 = arith.constant 0 : i32
      %lt3A_276 = arith.cmpi slt, %rem3A_272, %lt3A_275 : i32
      %lt3A_277 = arith.constant 0 : i32
      %lt3A_278 = arith.cmpi slt, %select_n3A_271, %lt3A_277 : i32
      %ne3A_279 = arith.xori %lt3A_276, %lt3A_278 : i1
      %and3A_280 = arith.andi %ne3A_279, %ne3A_274 : i1
      %add3A_281 = arith.addi %rem3A_272, %select_n3A_271 : i32
      %select_n3A_282 = arith.select %and3A_280, %add3A_281, %rem3A_272 : i32
      %mul3A_283 = arith.constant 32 : i32
      %mul3A_284 = arith.muli %select_n3A_282, %mul3A_283 : i32
      %get3A_285 = arith.index_cast %min3A_266 : i32 to index
      %get3A_286 = tpu.vector_load %arg5[%get3A_285] {strides = array<i32>} : memref<32xi32, #tpu.memory_space<vmem>>, vector<16xi32>,
      %get3A_287 = vector.shape_cast %get3A_286 : vector<16xi32> to vector<16xi32>
      %slice3A_288 = vector.extract_strided_slice %get3A_287 {offsets = [0], sizes = [1], strides = [1]} : vector<16xi32> to vector<1xi32>
      %squeeze3A_289 = vector.extract %slice3A_288[0] : i32 from vector<1xi32>
      %sub3A_290 = arith.subi %squeeze3A_289, %mul3A_284 : i32
      %dma_wait3A = arith.constant 0 : i32
      %dma_wait3A_291 = tpu.memref_slice %arg4[%min3A_266, %mul3A_284, %dma_wait3A] : memref<16x4096x512xf32, #tpu.memory_space<hbm>> -> memref<1x32x512xf32, #tpu.memory_space<hbm>>
      %dma_wait3A_292 = tpu.memref_squeeze %dma_wait3A_291 : memref<1x32x512xf32, #tpu.memory_space<hbm>> -> memref<32x512xf32, #tpu.memory_space<hbm>>
      %dma_wait3A_293 = arith.constant 0 : i32
      %dma_wait3A_294 = tpu.memref_slice %arg4[%min3A_266, %mul3A_284, %dma_wait3A_293] : memref<16x4096x512xf32, #tpu.memory_space<hbm>> -> memref<1x32x512xf32, #tpu.memory_space<hbm>>
      %dma_wait3A_295 = tpu.memref_squeeze %dma_wait3A_294 : memref<1x32x512xf32, #tpu.memory_space<hbm>> -> memref<32x512xf32, #tpu.memory_space<hbm>>
      tpu.wait_dma2 semaphore(%arg17 : memref<!tpu.dma_semaphore, #tpu.memory_space<semaphore_mem>>) src(%arg8 : memref<32x512xf32, #tpu.memory_space<vmem>>) dst(%dma_wait3A_295 : memref<32x512xf32, #tpu.memory_space<hbm>>)
    } else {
    }
    %add3A_172 = arith.constant 2016 : i32
    %add3A_173 = arith.addi %add3A, %add3A_172 : i32
    %jit3A_174 = arith.constant 128 : i32
    %div3A_175 = arith.divsi %add3A_173, %jit3A_174 : i32
    %sign3A_176 = arith.constant 0 : i32
    %sign3A_177 = arith.cmpi sgt, %add3A_173, %sign3A_176 : i32
    %sign3A_178 = arith.extui %sign3A_177 : i1 to i32
    %sign3A_179 = arith.constant 0 : i32
    %sign3A_180 = arith.cmpi slt, %add3A_173, %sign3A_179 : i32
    %sign3A_181 = arith.extui %sign3A_180 : i1 to i32
    %sign3A_182 = arith.subi %sign3A_178, %sign3A_181 : i32
    %sign3A_183 = arith.constant 0 : i32
    %sign3A_184 = arith.cmpi sgt, %jit3A_174, %sign3A_183 : i32
    %sign3A_185 = arith.extui %sign3A_184 : i1 to i32
    %sign3A_186 = arith.constant 0 : i32
    %sign3A_187 = arith.cmpi slt, %jit3A_174, %sign3A_186 : i32
    %sign3A_188 = arith.extui %sign3A_187 : i1 to i32
    %sign3A_189 = arith.subi %sign3A_185, %sign3A_188 : i32
    %ne3A_190 = arith.cmpi ne, %sign3A_182, %sign3A_189 : i32
    %rem3A_191 = arith.remsi %add3A_173, %jit3A_174 : i32
    %ne3A_192 = arith.constant 0 : i32
    %ne3A_193 = arith.cmpi ne, %rem3A_191, %ne3A_192 : i32
    %and3A_194 = arith.andi %ne3A_190, %ne3A_193 : i1
    %sub3A_195 = arith.constant 1 : i32
    %sub3A_196 = arith.subi %div3A_175, %sub3A_195 : i32
    %select_n3A_197 = arith.select %and3A_194, %sub3A_196, %div3A_175 : i32
    %jit3A_198 = arith.constant 0 : i32
    %jit3A_199 = arith.constant 15 : i32
    %max3A_200 = arith.maxsi %jit3A_198, %select_n3A_197 : i32
    %min3A_201 = arith.minsi %jit3A_199, %max3A_200 : i32
    %jit3A_202 = arith.constant 128 : i32
    %eq3A_203 = arith.constant 0 : i32
    %eq3A_204 = arith.cmpi eq, %jit3A_202, %eq3A_203 : i32
    %jit3A_205 = arith.constant 1 : i32
    %select_n3A_206 = arith.select %eq3A_204, %jit3A_205, %jit3A_202 : i32
    %rem3A_207 = arith.remsi %add3A_173, %select_n3A_206 : i32
    %ne3A_208 = arith.constant 0 : i32
    %ne3A_209 = arith.cmpi ne, %rem3A_207, %ne3A_208 : i32
    %lt3A_210 = arith.constant 0 : i32
    %lt3A_211 = arith.cmpi slt, %rem3A_207, %lt3A_210 : i32
    %lt3A_212 = arith.constant 0 : i32
    %lt3A_213 = arith.cmpi slt, %select_n3A_206, %lt3A_212 : i32
    %ne3A_214 = arith.xori %lt3A_211, %lt3A_213 : i1
    %and3A_215 = arith.andi %ne3A_214, %ne3A_209 : i1
    %add3A_216 = arith.addi %rem3A_207, %select_n3A_206 : i32
    %select_n3A_217 = arith.select %and3A_215, %add3A_216, %rem3A_207 : i32
    %mul3A_218 = arith.constant 32 : i32
    %mul3A_219 = arith.muli %select_n3A_217, %mul3A_218 : i32
    %get3A_220 = arith.index_cast %min3A_201 : i32 to index
    %get3A_221 = tpu.vector_load %arg5[%get3A_220] {strides = array<i32>} : memref<32xi32, #tpu.memory_space<vmem>>, vector<16xi32>,
    %get3A_222 = vector.shape_cast %get3A_221 : vector<16xi32> to vector<16xi32>
    %slice3A_223 = vector.extract_strided_slice %get3A_222 {offsets = [0], sizes = [1], strides = [1]} : vector<16xi32> to vector<1xi32>
    %squeeze3A_224 = vector.extract %slice3A_223[0] : i32 from vector<1xi32>
    %sub3A_225 = arith.subi %squeeze3A_224, %mul3A_219 : i32
    %gt3A_226 = arith.constant 0 : i32
    %gt3A_227 = arith.cmpi sgt, %sub3A_225, %gt3A_226 : i32
    %convert_element_type3A_228 = arith.extui %gt3A_227 : i1 to i32
    %cond3A_229 = arith.constant 0 : i32
    %cond3A_230 = arith.cmpi ne, %convert_element_type3A_228, %cond3A_229 : i32
    scf.if %cond3A_230 {
      %add3A_237 = arith.constant 0 : i32
      %add3A_238 = arith.addi %add3A, %add3A_237 : i32
      %jit3A_239 = arith.constant 128 : i32
      %div3A_240 = arith.divsi %add3A_238, %jit3A_239 : i32
      %sign3A_241 = arith.constant 0 : i32
      %sign3A_242 = arith.cmpi sgt, %add3A_238, %sign3A_241 : i32
      %sign3A_243 = arith.extui %sign3A_242 : i1 to i32
      %sign3A_244 = arith.constant 0 : i32
      %sign3A_245 = arith.cmpi slt, %add3A_238, %sign3A_244 : i32
      %sign3A_246 = arith.extui %sign3A_245 : i1 to i32
      %sign3A_247 = arith.subi %sign3A_243, %sign3A_246 : i32
      %sign3A_248 = arith.constant 0 : i32
      %sign3A_249 = arith.cmpi sgt, %jit3A_239, %sign3A_248 : i32
      %sign3A_250 = arith.extui %sign3A_249 : i1 to i32
      %sign3A_251 = arith.constant 0 : i32
      %sign3A_252 = arith.cmpi slt, %jit3A_239, %sign3A_251 : i32
      %sign3A_253 = arith.extui %sign3A_252 : i1 to i32
      %sign3A_254 = arith.subi %sign3A_250, %sign3A_253 : i32
      %ne3A_255 = arith.cmpi ne, %sign3A_247, %sign3A_254 : i32
      %rem3A_256 = arith.remsi %add3A_238, %jit3A_239 : i32
      %ne3A_257 = arith.constant 0 : i32
      %ne3A_258 = arith.cmpi ne, %rem3A_256, %ne3A_257 : i32
      %and3A_259 = arith.andi %ne3A_255, %ne3A_258 : i1
      %sub3A_260 = arith.constant 1 : i32
      %sub3A_261 = arith.subi %div3A_240, %sub3A_260 : i32
      %select_n3A_262 = arith.select %and3A_259, %sub3A_261, %div3A_240 : i32
      %jit3A_263 = arith.constant 0 : i32
      %jit3A_264 = arith.constant 15 : i32
      %max3A_265 = arith.maxsi %jit3A_263, %select_n3A_262 : i32
      %min3A_266 = arith.minsi %jit3A_264, %max3A_265 : i32
      %jit3A_267 = arith.constant 128 : i32
      %eq3A_268 = arith.constant 0 : i32
      %eq3A_269 = arith.cmpi eq, %jit3A_267, %eq3A_268 : i32
      %jit3A_270 = arith.constant 1 : i32
      %select_n3A_271 = arith.select %eq3A_269, %jit3A_270, %jit3A_267 : i32
      %rem3A_272 = arith.remsi %add3A_238, %select_n3A_271 : i32
      %ne3A_273 = arith.constant 0 : i32
      %ne3A_274 = arith.cmpi ne, %rem3A_272, %ne3A_273 : i32
      %lt3A_275 = arith.constant 0 : i32
      %lt3A_276 = arith.cmpi slt, %rem3A_272, %lt3A_275 : i32
      %lt3A_277 = arith.constant 0 : i32
      %lt3A_278 = arith.cmpi slt, %select_n3A_271, %lt3A_277 : i32
      %ne3A_279 = arith.xori %lt3A_276, %lt3A_278 : i1
      %and3A_280 = arith.andi %ne3A_279, %ne3A_274 : i1
      %add3A_281 = arith.addi %rem3A_272, %select_n3A_271 : i32
      %select_n3A_282 = arith.select %and3A_280, %add3A_281, %rem3A_272 : i32
      %mul3A_283 = arith.constant 32 : i32
      %mul3A_284 = arith.muli %select_n3A_282, %mul3A_283 : i32
      %get3A_285 = arith.index_cast %min3A_266 : i32 to index
      %get3A_286 = tpu.vector_load %arg5[%get3A_285] {strides = array<i32>} : memref<32xi32, #tpu.memory_space<vmem>>, vector<16xi32>,
      %get3A_287 = vector.shape_cast %get3A_286 : vector<16xi32> to vector<16xi32>
      %slice3A_288 = vector.extract_strided_slice %get3A_287 {offsets = [0], sizes = [1], strides = [1]} : vector<16xi32> to vector<1xi32>
      %squeeze3A_289 = vector.extract %slice3A_288[0] : i32 from vector<1xi32>
      %sub3A_290 = arith.subi %squeeze3A_289, %mul3A_284 : i32
      %dma_wait3A = arith.constant 0 : i32
      %dma_wait3A_291 = tpu.memref_slice %arg4[%min3A_266, %mul3A_284, %dma_wait3A] : memref<16x4096x512xf32, #tpu.memory_space<hbm>> -> memref<1x32x512xf32, #tpu.memory_space<hbm>>
      %dma_wait3A_292 = tpu.memref_squeeze %dma_wait3A_291 : memref<1x32x512xf32, #tpu.memory_space<hbm>> -> memref<32x512xf32, #tpu.memory_space<hbm>>
      %dma_wait3A_293 = arith.constant 0 : i32
      %dma_wait3A_294 = tpu.memref_slice %arg4[%min3A_266, %mul3A_284, %dma_wait3A_293] : memref<16x4096x512xf32, #tpu.memory_space<hbm>> -> memref<1x32x512xf32, #tpu.memory_space<hbm>>
      %dma_wait3A_295 = tpu.memref_squeeze %dma_wait3A_294 : memref<1x32x512xf32, #tpu.memory_space<hbm>> -> memref<32x512xf32, #tpu.memory_space<hbm>>
      tpu.wait_dma2 semaphore(%arg18 : memref<!tpu.dma_semaphore, #tpu.memory_space<semaphore_mem>>) src(%arg9 : memref<32x512xf32, #tpu.memory_space<vmem>>) dst(%dma_wait3A_295 : memref<32x512xf32, #tpu.memory_space<hbm>>)
    } else {
    }
    %scan3A_231 = arith.constant 0 : i32
    %scan3A_232 = arith.constant 32 : i32
    %scan3A_233 = arith.constant 32 : i32
    %scan3A_234 = arith.addi %scan3A_232, %scan3A_233 : i32
    %scan3A_235 = arith.constant 1 : i32
    scf.for %scan3A_237 = %scan3A_232 to %scan3A_234 step %scan3A_235  : i32 {
      %mul3A_238 = arith.constant 32 : i32
      %mul3A_239 = arith.muli %scan3A_237, %mul3A_238 : i32
      %add3A_240 = arith.addi %add3A, %mul3A_239 : i32
      %jit3A_241 = arith.constant 128 : i32
      %div3A_242 = arith.divsi %add3A_240, %jit3A_241 : i32
      %sign3A_243 = arith.constant 0 : i32
      %sign3A_244 = arith.cmpi sgt, %add3A_240, %sign3A_243 : i32
      %sign3A_245 = arith.extui %sign3A_244 : i1 to i32
      %sign3A_246 = arith.constant 0 : i32
      %sign3A_247 = arith.cmpi slt, %add3A_240, %sign3A_246 : i32
      %sign3A_248 = arith.extui %sign3A_247 : i1 to i32
      %sign3A_249 = arith.subi %sign3A_245, %sign3A_248 : i32
      %sign3A_250 = arith.constant 0 : i32
      %sign3A_251 = arith.cmpi sgt, %jit3A_241, %sign3A_250 : i32
      %sign3A_252 = arith.extui %sign3A_251 : i1 to i32
      %sign3A_253 = arith.constant 0 : i32
      %sign3A_254 = arith.cmpi slt, %jit3A_241, %sign3A_253 : i32
      %sign3A_255 = arith.extui %sign3A_254 : i1 to i32
      %sign3A_256 = arith.subi %sign3A_252, %sign3A_255 : i32
      %ne3A_257 = arith.cmpi ne, %sign3A_249, %sign3A_256 : i32
      %rem3A_258 = arith.remsi %add3A_240, %jit3A_241 : i32
      %ne3A_259 = arith.constant 0 : i32
      %ne3A_260 = arith.cmpi ne, %rem3A_258, %ne3A_259 : i32
      %and3A_261 = arith.andi %ne3A_257, %ne3A_260 : i1
      %sub3A_262 = arith.constant 1 : i32
      %sub3A_263 = arith.subi %div3A_242, %sub3A_262 : i32
      %select_n3A_264 = arith.select %and3A_261, %sub3A_263, %div3A_242 : i32
      %jit3A_265 = arith.constant 0 : i32
      %jit3A_266 = arith.constant 15 : i32
      %max3A_267 = arith.maxsi %jit3A_265, %select_n3A_264 : i32
      %min3A_268 = arith.minsi %jit3A_266, %max3A_267 : i32
      %jit3A_269 = arith.constant 128 : i32
      %eq3A_270 = arith.constant 0 : i32
      %eq3A_271 = arith.cmpi eq, %jit3A_269, %eq3A_270 : i32
      %jit3A_272 = arith.constant 1 : i32
      %select_n3A_273 = arith.select %eq3A_271, %jit3A_272, %jit3A_269 : i32
      %rem3A_274 = arith.remsi %add3A_240, %select_n3A_273 : i32
      %ne3A_275 = arith.constant 0 : i32
      %ne3A_276 = arith.cmpi ne, %rem3A_274, %ne3A_275 : i32
      %lt3A_277 = arith.constant 0 : i32
      %lt3A_278 = arith.cmpi slt, %rem3A_274, %lt3A_277 : i32
      %lt3A_279 = arith.constant 0 : i32
      %lt3A_280 = arith.cmpi slt, %select_n3A_273, %lt3A_279 : i32
      %ne3A_281 = arith.xori %lt3A_278, %lt3A_280 : i1
      %and3A_282 = arith.andi %ne3A_281, %ne3A_276 : i1
      %add3A_283 = arith.addi %rem3A_274, %select_n3A_273 : i32
      %select_n3A_284 = arith.select %and3A_282, %add3A_283, %rem3A_274 : i32
      %mul3A_285 = arith.constant 32 : i32
      %mul3A_286 = arith.muli %select_n3A_284, %mul3A_285 : i32
      %get3A_287 = arith.index_cast %min3A_268 : i32 to index
      %get3A_288 = tpu.vector_load %arg5[%get3A_287] {strides = array<i32>} : memref<32xi32, #tpu.memory_space<vmem>>, vector<16xi32>,
      %get3A_289 = vector.shape_cast %get3A_288 : vector<16xi32> to vector<16xi32>
      %slice3A_290 = vector.extract_strided_slice %get3A_289 {offsets = [0], sizes = [1], strides = [1]} : vector<16xi32> to vector<1xi32>
      %squeeze3A_291 = vector.extract %slice3A_290[0] : i32 from vector<1xi32>
      %sub3A_292 = arith.subi %squeeze3A_291, %mul3A_286 : i32
      %le3A = arith.constant 0 : i32
      %le3A_293 = arith.cmpi sle, %sub3A_292, %le3A : i32
      %convert_element_type3A_294 = arith.extui %le3A_293 : i1 to i32
      %cond3A_295 = arith.constant 0 : i32
      %cond3A_296 = arith.cmpi ne, %convert_element_type3A_294, %cond3A_295 : i32
      scf.if %cond3A_296 {
        %mul3A_297 = arith.constant 32 : i32
        %mul3A_298 = arith.muli %scan3A_237, %mul3A_297 : i32
        %add3A_299 = arith.addi %add3A, %mul3A_298 : i32
        %jit3A_300 = arith.constant 128 : i32
        %div3A_301 = arith.divsi %add3A_299, %jit3A_300 : i32
        %sign3A_302 = arith.constant 0 : i32
        %sign3A_303 = arith.cmpi sgt, %add3A_299, %sign3A_302 : i32
        %sign3A_304 = arith.extui %sign3A_303 : i1 to i32
        %sign3A_305 = arith.constant 0 : i32
        %sign3A_306 = arith.cmpi slt, %add3A_299, %sign3A_305 : i32
        %sign3A_307 = arith.extui %sign3A_306 : i1 to i32
        %sign3A_308 = arith.subi %sign3A_304, %sign3A_307 : i32
        %sign3A_309 = arith.constant 0 : i32
        %sign3A_310 = arith.cmpi sgt, %jit3A_300, %sign3A_309 : i32
        %sign3A_311 = arith.extui %sign3A_310 : i1 to i32
        %sign3A_312 = arith.constant 0 : i32
        %sign3A_313 = arith.cmpi slt, %jit3A_300, %sign3A_312 : i32
        %sign3A_314 = arith.extui %sign3A_313 : i1 to i32
        %sign3A_315 = arith.subi %sign3A_311, %sign3A_314 : i32
        %ne3A_316 = arith.cmpi ne, %sign3A_308, %sign3A_315 : i32
        %rem3A_317 = arith.remsi %add3A_299, %jit3A_300 : i32
        %ne3A_318 = arith.constant 0 : i32
        %ne3A_319 = arith.cmpi ne, %rem3A_317, %ne3A_318 : i32
        %and3A_320 = arith.andi %ne3A_316, %ne3A_319 : i1
        %sub3A_321 = arith.constant 1 : i32
        %sub3A_322 = arith.subi %div3A_301, %sub3A_321 : i32
        %select_n3A_323 = arith.select %and3A_320, %sub3A_322, %div3A_301 : i32
        %jit3A_324 = arith.constant 0 : i32
        %jit3A_325 = arith.constant 15 : i32
        %max3A_326 = arith.maxsi %jit3A_324, %select_n3A_323 : i32
        %min3A_327 = arith.minsi %jit3A_325, %max3A_326 : i32
        %jit3A_328 = arith.constant 128 : i32
        %eq3A_329 = arith.constant 0 : i32
        %eq3A_330 = arith.cmpi eq, %jit3A_328, %eq3A_329 : i32
        %jit3A_331 = arith.constant 1 : i32
        %select_n3A_332 = arith.select %eq3A_330, %jit3A_331, %jit3A_328 : i32
        %rem3A_333 = arith.remsi %add3A_299, %select_n3A_332 : i32
        %ne3A_334 = arith.constant 0 : i32
        %ne3A_335 = arith.cmpi ne, %rem3A_333, %ne3A_334 : i32
        %lt3A_336 = arith.constant 0 : i32
        %lt3A_337 = arith.cmpi slt, %rem3A_333, %lt3A_336 : i32
        %lt3A_338 = arith.constant 0 : i32
        %lt3A_339 = arith.cmpi slt, %select_n3A_332, %lt3A_338 : i32
        %ne3A_340 = arith.xori %lt3A_337, %lt3A_339 : i1
        %and3A_341 = arith.andi %ne3A_340, %ne3A_335 : i1
        %add3A_342 = arith.addi %rem3A_333, %select_n3A_332 : i32
        %select_n3A_343 = arith.select %and3A_341, %add3A_342, %rem3A_333 : i32
        %mul3A_344 = arith.constant 32 : i32
        %mul3A_345 = arith.muli %select_n3A_343, %mul3A_344 : i32
        %get3A_346 = arith.index_cast %min3A_327 : i32 to index
        %get3A_347 = tpu.vector_load %arg5[%get3A_346] {strides = array<i32>} : memref<32xi32, #tpu.memory_space<vmem>>, vector<16xi32>,
        %get3A_348 = vector.shape_cast %get3A_347 : vector<16xi32> to vector<16xi32>
        %slice3A_349 = vector.extract_strided_slice %get3A_348 {offsets = [0], sizes = [1], strides = [1]} : vector<16xi32> to vector<1xi32>
        %squeeze3A_350 = vector.extract %slice3A_349[0] : i32 from vector<1xi32>
        %sub3A_351 = arith.subi %squeeze3A_350, %mul3A_345 : i32
        %dma_wait3A = arith.constant 0 : i32
        %dma_wait3A_352 = tpu.memref_slice %arg4[%min3A_327, %mul3A_345, %dma_wait3A] : memref<16x4096x512xf32, #tpu.memory_space<hbm>> -> memref<1x32x512xf32, #tpu.memory_space<hbm>>
        %dma_wait3A_353 = tpu.memref_squeeze %dma_wait3A_352 : memref<1x32x512xf32, #tpu.memory_space<hbm>> -> memref<32x512xf32, #tpu.memory_space<hbm>>
        %dma_wait3A_354 = arith.constant 0 : i32
        %dma_wait3A_355 = tpu.memref_slice %arg4[%min3A_327, %mul3A_345, %dma_wait3A_354] : memref<16x4096x512xf32, #tpu.memory_space<hbm>> -> memref<1x32x512xf32, #tpu.memory_space<hbm>>
        %dma_wait3A_356 = tpu.memref_squeeze %dma_wait3A_355 : memref<1x32x512xf32, #tpu.memory_space<hbm>> -> memref<32x512xf32, #tpu.memory_space<hbm>>
        tpu.wait_dma2 semaphore(%arg19 : memref<!tpu.dma_semaphore, #tpu.memory_space<semaphore_mem>>) src(%arg10 : memref<32x512xf32, #tpu.memory_space<vmem>>) dst(%dma_wait3A_356 : memref<32x512xf32, #tpu.memory_space<hbm>>)
      } else {
      }
    }
    %scan3A_236 = arith.constant 32 : i32
    return
  }
}

</mosaic_0001>

<sc_bundles>
// kernel: kernel.3.cloned.1.call-start
scs
__scs_entry_jumppad:
0x0: {  	(pc) =	sbr.rel $0x88, $3  }
0x1: {  	(tag) =	ssettag $0x0;
	lr =	simm.s32 $0x1  }
0x2: {  	[smem:$0x3F9F] =	sst lr;
	_ =	strace $0xD0000000  }
0x3: {  	_ = 	snop  }
0x4: {  	_ = 	snop  }
0x5: {  	_ = 	snop  }
0x6: {  	_ = 	snop  }
0x7: {  	_ = 	snop  }
__scs_overlays_trampoline_lowered:
0x8: {  	[smem:$0x3FAE] =	sst s0  }
0x9: {  	[smem:$0x3FAF] =	sst s1  }
0xa: {  	[smem:$0x3FB0] =	sst s2  }
0xb: {  	[smem:$0x3FB1] =	sst s3  }
0xc: {  	[smem:$0x3FB2] =	sst s4  }
0xd: {  	[smem:$0x3FB3] =	sst s5  }
0xe: {  	[smem:$0x3FB4] =	sst s6  }
0xf: {  	[smem:$0x3FB5] =	sst s7  }
0x10: {  	[smem:$0x3FB6] =	sst s8  }
0x11: {  	[smem:$0x3FB7] =	sst s9;
	s0 =	simm.s32 @!p0 $0x0  }
0x12: {  	s1 =	sld [smem:$0x3F9D];
	s0 =	simm.s32 @p0 $0x1  }
0x13: {  	[smem:$0x3FB8] =	sst s0;
	s0 =	simm.s32 @!p1 $0x0  }
0x14: {  	s2 =	sld [smem:$0x3F9C];
	s0 =	simm.s32 @p1 $0x1  }
0x15: {  	[smem:$0x3FB9] =	sst s0;
	s0 =	simm.s32 @!p2 $0x0  }
0x16: {  	s3 =	sld [smem:$0x3FDB];
	s0 =	simm.s32 @p2 $0x1  }
0x17: {  	s4 =	simm.s32 $0x1BF5;
	[smem:$0x3FBB] =	sst s0  }
0x18: {  	s0 =	sld [smem:$0x3F9E];
	_ =	swait.ge [sflag:s4], $0x0  }
0x19: {  	s7 =	sld [smem:$0x3F9F]  }
0x1a: {  	s8 =	sadd.s32 $0xFFFFE003, lr  }
0x1b: {  	s9 =	sadd.s32 $0xFFFFFEF7, lr;
	s5 =	simm.s32 $0xFFFFFFFF;
	p2 =	slt.u32 s8, $0xFFFFF086  }
0x1c: {  	p1 =	slt.u32 s9, $0xF7A;
	s5 =	simm.s32 @!p2 $0x0  }
0x1d: {  	s5 =	simm.s32 @p1 $0x1;
	p0 =	seq.s32 s7, s2  }
0x1e: {  	s7 =	smul.u32 @!p0 $0xF7A, s2;
	p2 =	seq.s32 @!p0 s5, $0x0  }
0x1f: {  	s9 =	smul.u32 $0xF7A, s1;
	s8 =	simm.s32 @!p0 $0x1BF5;
	p2 =	por !p2, p0  }
0x20: {  	[sflag:s8] =	ssyncset.s32 @!p0 $0xFFFFF086;
	s6 =	sadd.s32 @!p0 s3, s7;
	s7 =	simm.s32 @!p0 $0x108  }
0x21: {  	s3 =	sadd.s32 s3, s9;
	s6 =	sadd.s32 @!p0 $0x88, s6;
	s7 =	simm.s32 @p2 $0x1082  }
0x22: {  	[simem:s7], [sflag:s8] =	dma.local @!p0 [hbm:s6], $0xF7A  }
0x23: {  	s9 =	sor.u32 $0xD0000000, s2;
	s6 =	simm.s32 $0x108;
	_ =	swait.ge @!p0 [sflag:s8], $0x0  }
0x24: {  	s3 =	sadd.s32 $0x88, s3;
	s6 =	simm.s32 @!p1 $0x1082;
	[sflag:s4] =	ssyncset.s32 $0xFFFFF086  }
0x25: {  	[simem:s6], [sflag:s4] =	dma.local [hbm:s3], $0xF7A  }
0x26: {  	[smem:$0x3F9F] =	sst s1;
	(tag) =	ssettag s2;
	_ =	strace s9  }
0x27: {  	s1 =	sld [smem:$0x3FAF]  }
0x28: {  	s2 =	sld [smem:$0x3FB0]  }
0x29: {  	s4 =	sld [smem:$0x3FB2]  }
0x2a: {  	p0 =	seq.s32 s5, $0x0;
	s5 =	sld [smem:$0x3FB3]  }
0x2b: {  	s6 =	sld [smem:$0x3FB4]  }
0x2c: {  	s7 =	sld [smem:$0x3FB5]  }
0x2d: {  	s3 =	simm.s32 $0x108;
	s8 =	sld [smem:$0x3FB6]  }
0x2e: {  	s3 =	simm.s32 @!p0 $0x1082;
	s9 =	sld [smem:$0x3FB7]  }
0x2f: {  	lr =	sadd.s32 s0, s3;
	s0 =	sld [smem:$0x3FAE]  }
0x30: {  	s3 =	sld [smem:$0x3FB1]  }
0x31: {  	[smem:$0x3FBA] =	sst s10  }
0x32: {  	s10 =	sld [smem:$0x3FB8];
	_ =	sdelay $0x3  }
0x33: {  	p0 =	seq.s32 s10, $0x1;
	s10 =	sld [smem:$0x3FBA];
	_ =	sdelay $0x3  }
0x34: {  	[smem:$0x3FBA] =	sst s10  }
0x35: {  	s10 =	sld [smem:$0x3FB9];
	_ =	sdelay $0x3  }
0x36: {  	p1 =	seq.s32 s10, $0x1;
	s10 =	sld [smem:$0x3FBA];
	_ =	sdelay $0x3  }
0x37: {  	[smem:$0x3FBA] =	sst s10  }
0x38: {  	s10 =	sld [smem:$0x3FBB]  }
0x39: {  	_ = 	snop;
	(pc) =	sbr.ind lr, $3  }
0x3a: {  	_ = 	snop  }
0x3b: {  	_ = 	snop  }
0x3c: {  	p2 =	seq.s32 s10, $0x1;
	s10 =	sld [smem:$0x3FBA]  }
0x3d: {  	_ =	shalt  }
0x3e: {  	_ =	shalt  }
0x3f: {  	_ =	shalt  }
0x40: {  	_ =	shalt  }
0x41: {  	_ =	shalt  }
0x42: {  	_ =	shalt  }
0x43: {  	_ =	shalt  }
0x44: {  	_ =	shalt  }
0x45: {  	_ =	shalt  }
0x46: {  	_ =	shalt  }
0x47: {  	_ =	shalt  }
0x48: {  	_ =	shalt  }
0x49: {  	_ =	shalt  }
0x4a: {  	_ =	shalt  }
0x4b: {  	_ =	shalt  }
0x4c: {  	_ =	shalt  }
0x4d: {  	_ =	shalt  }
0x4e: {  	_ =	shalt  }
0x4f: {  	_ =	shalt  }
0x50: {  	_ =	shalt  }
0x51: {  	_ =	shalt  }
0x52: {  	_ =	shalt  }
0x53: {  	_ =	shalt  }
0x54: {  	_ =	shalt  }
0x55: {  	_ =	shalt  }
0x56: {  	_ =	shalt  }
0x57: {  	_ =	shalt  }
0x58: {  	_ =	shalt  }
0x59: {  	_ =	shalt  }
0x5a: {  	_ =	shalt  }
0x5b: {  	_ =	shalt  }
0x5c: {  	_ =	shalt  }
0x5d: {  	_ =	shalt  }
0x5e: {  	_ =	shalt  }
0x5f: {  	_ =	shalt  }
0x60: {  	_ =	shalt  }
0x61: {  	_ =	shalt  }
0x62: {  	_ =	shalt  }
0x63: {  	_ =	shalt  }
0x64: {  	_ =	shalt  }
0x65: {  	_ =	shalt  }
0x66: {  	_ =	shalt  }
0x67: {  	_ =	shalt  }
0x68: {  	_ =	shalt  }
0x69: {  	_ =	shalt  }
0x6a: {  	_ =	shalt  }
0x6b: {  	_ =	shalt  }
0x6c: {  	_ =	shalt  }
0x6d: {  	_ =	shalt  }
0x6e: {  	_ =	shalt  }
0x6f: {  	_ =	shalt  }
0x70: {  	_ =	shalt  }
0x71: {  	_ =	shalt  }
0x72: {  	_ =	shalt  }
0x73: {  	_ =	shalt  }
0x74: {  	_ =	shalt  }
0x75: {  	_ =	shalt  }
0x76: {  	_ =	shalt  }
0x77: {  	_ =	shalt  }
0x78: {  	_ =	shalt  }
0x79: {  	_ =	shalt  }
0x7a: {  	_ =	shalt  }
0x7b: {  	_ =	shalt  }
0x7c: {  	_ =	shalt  }
0x7d: {  	_ =	shalt  }
0x7e: {  	_ =	shalt  }
0x7f: {  	_ =	shalt  }
0x80: {  	_ =	shalt  }
0x81: {  	_ =	shalt  }
0x82: {  	_ =	shalt  }
0x83: {  	_ =	shalt  }
0x84: {  	_ =	shalt  }
0x85: {  	_ =	shalt  }
0x86: {  	_ =	shalt  }
0x87: {  	_ =	shalt  }
.Lfunc_end0:
.L_simem_size_0:
called_computation_lowered:
.L_overlay_start_0:
0x88: {  	s2 =	sld [smem:$0x3FD9]  }
0x89: {  	s3 =	sld [smem:$0x3FFE];
	_ =	sdelay $0x1  }
0x8a: {  	s1 =	srdreg.scid  }
0x8b: {  	s0 =	sand.u32 $0x1, s1  }
0x8c: {  	s15 =	sshll.u32 s0, $0xA;
	s2 =	sadd.s32 s3, s2  }
0x8d: {  	s2 =	sadd.s32 s2, s15  }
0x8e: {  	[smem:$0x3FC6] =	sst s2  }
0x8f: {  	_ = 	snop  }
0x90: {  	s2 =	sld [smem:$0x3FD0];
	_ =	sdelay $0x1  }
0x91: {  	s16 =	sld [smem:$0x3FC9]  }
0x92: {  	s5 =	simm.s32 $0xA;
	s6 =	simm.s32 $0x10;
	s4 =	sld [smem:$0x3FC8]  }
0x93: {  	[smem:s6], [sflag:s5] =	dma.local [hbm:s2], $0x1  }
0x94: {  	_ =	swait.eq [sflag:s5], $0x1  }
0x95: {  	[sflag:s5] =	ssyncset.done $0x0  }
0x96: {  	[sflag:s5] =	ssyncadd.s32 $0xFFFFFFFF  }
0x97: {  	s17 =	sld [smem:$0x10];
	(tm) =	ssettm $0x1  }
0x98: {  	s18 =	sld [smem:$0x3FFB];
	_ =	sdelay $0x3  }
0x99: {  	_ =	strace s18  }
0x9a: {  	s5 =	sld [smem:$0x3FFC];
	_ =	sdelay $0x3  }
0x9b: {  	_ =	strace s5  }
0x9c: {  	s5 =	sld [smem:$0x3FFD];
	_ =	sdelay $0x3  }
0x9d: {  	_ =	strace s5  }
0x9e: {  	_ =	strace $0x8FFFFFFF  }
0x9f: {  	s19 =	sld [smem:$0x3FDB];
	_ =	sdelay $0x1  }
0xa0: {  	s20 =	simm.s32 $_scs_section_size  }
0xa1: {  	s7 =	simm.s32 $_size__tile_overlayer_lowered;
	s8 =	simm.s32 $_tile_overlayer_lowered  }
0xa2: {  	s23 =	simm.s32 $0x1BFF;
	s22 =	sshll.u32 s8, $0x1;
	s5 =	sadd.s32 s20, s19  }
0xa3: {  	s9 =	simm.s32 $0x0;
	s21 =	sshll.u32 s7, $0x1;
	s7 =	sadd.s32 s22, s5  }
0xa4: {  	[timem:s9], [sflag:s23] =	dma.local [hbm:s7], s21  }
0xa5: {  	_ =	swait.ge [sflag:s23], s21  }
0xa6: {  	s6 =	ssub.s32 $0x0, s21;
	[sflag:s23] =	ssyncset.done $0x0  }
0xa7: {  	[sflag:s23] =	ssyncadd.s32 s6;
	_ =	sdelay $0x1  }
0xa8: {  	s24 =	simm.s32 $0x1B8B  }
0xa9: {  	_ =	swait.ge [sflag:s24], $0x1  }
0xaa: {  	[sflag:s24] =	ssyncset.done $0x0  }
0xab: {  	s25 =	simm.s32 $0x1B8E;
	[sflag:s24] =	ssyncadd.s32 $0xFFFFFFFF  }
0xac: {  	s26 =	simm.s32 $execute0_lowered;
	[smem:$0x3FD2] =	sst s25  }
0xad: {  	s6 =	sshll.u32 s26, $0x1;
	_ =	strace $0x80000046;
	[dreg:$0x1] =	wrdreg $0xFFFFFFFF  }
0xae: {  	s28 =	simm.s32 $_size_execute0_lowered;
	s5 =	sadd.s32 s5, s6;
	[dreg:$0x0] =	wrdreg $0x0  }
0xaf: {  	s6 =	sshll.u32 s28, $0x1;
	[dreg:$0x2] =	wrdreg s5  }
0xb0: {  	[dreg:$0x3] =	wrdreg s6  }
0xb1: {  	[dreg:$0x4] =	wrdreg $0xC0  }
0xb2: {  	_ =	task [dreg:s9], $0x5FFFF  }
0xb3: {  	[dreg:$0x1] =	wrdreg $0xFFFFFFFF  }
0xb4: {  	[dreg:$0x0] =	wrdreg $0x60  }
0xb5: {  	[dreg:$0x2] =	wrdreg s16  }
0xb6: {  	[dreg:$0x3] =	wrdreg s4  }
0xb7: {  	[dreg:$0x4] =	wrdreg s17  }
0xb8: {  	[dreg:$0x5] =	wrdreg $0x9  }
0xb9: {  	_ =	task.clear_ibuf [dreg:s9], $0x6FFFF;
	_ =	strace $0x90000046  }
0xba: {  	s29 =	simm.s32 $0x9;
	_ =	strace $0x80000048  }
0xbb: {  	_ =	swait.ge [sflag:s29], $0x1  }
0xbc: {  	[sflag:s29] =	ssyncadd.s32 $0xFFFFFFFF  }
0xbd: {  	_ =	strace $0x90000048  }
0xbe: {  	_ =	sfence  }
0xbf: {  	s30 =	sld [smem:$0x0];
	_ =	sdelay $0x2  }
0xc0: {  	s31 =	sshll.u32 s1, $0xD;
	s1 =	sshrl.u32 s1, $0x2  }
0xc1: {  	s3 =	sand.u32 $0x4000, s31;
	s1 =	sadd.s32 s1, s30  }
0xc2: {  	s0 =	sor.u32 s3, s0;
	s1 =	sshll.u32 s1, $0x11  }
0xc3: {  	s0 =	sor.u32 s1, s0  }
0xc4: {  	s0 =	sadd.s32 $0x8F2B, s0  }
0xc5: {  	[sflag:s0] =	ssyncadd.remote.s32 $0x1  }
0xc6: {  	_ =	sfence.sel $0xFFFF  }
0xc7: {  	[dreg:$0x0] =	wrdreg $0xFFFFFFFF;
	(pc) =	sbr.abs _section_cstart, $3  }
0xc8: {  	[dreg:$0x1] =	wrdreg $0xFFFFFFFF  }
0xc9: {  	_ =	task.clear_ibuf [dreg:s9], $0x2FFFF;
	_ =	strace $0x9FFFFFFF  }
0xca: {  	(tm) =	ssettm $0x7FFFFFFF  }
0xcb: {  	_ =	shalt  }
tec
execute0_lowered:
.L_overlay_start_1:
0x0: {  	(tag) =	ssettag $0x1  }
0x1: {  	s0 =	rddreg [dreg:$0x0];
	s1 =	srdreg.scid  }
0x2: {  	s3 =	stileid.u32;
	s2 =	rddreg [dreg:$0x2]  }
0x3: {  	s1 =	sand.u32 $0x1, s1;
	s4 =	sshll.u32 s3, $0x1;
	s3 =	simm.s32 $0x0  }
0x4: {  	s4 =	sor.u32 s1, s4;
	[smem:$0x7FF] =	sst s3;
	s1 =	ssub.s32 $0x2, s1  }
0x5: {  	s5 =	sshll.u32 s4, $0x5;
	_ =	strace $0x80000047;
	s7 =	sshrl.u32 s1, $0x1  }
0x6: {  	s18 =	sshll.u32 s4, $0xB;
	s9 =	sor.u32 $0xFFFFFFC0, s4;
	s10 =	sor.u32 $0xFFFFFC00, s4  }
0x7: {  	s11 =	sor.u32 $0xFFFFFFE0, s4;
	s12 =	sor.u32 $0xFFFFFC20, s4;
	s13 =	sor.u32 $0xFFFFFC40, s4  }
0x8: {  	s16 =	sor.u32 $0xFFFFFC60, s4;
	p0 =	sne.s32 s4, $0x0;
	s6 =	sor.u32 $0x400, s5  }
0x9: {  	s1 =	ssub.s32 s1, s7;
	s7 =	sadd.s32 s0, s18;
	s14 =	sor.u32 $0x800, s5  }
0xa: {  	s15 =	sor.u32 $0xC00, s5;
	s18 =	sadd.s32 s2, s18;
	s20 =	sshll.u32 s6, $0x6  }
0xb: {  	s21 =	sshll.u32 s14, $0x6;
	s22 =	sshll.u32 s15, $0x6;
	s31 =	smax.u32 s1, $0x1  }
0xc: {  	s1 =	simm.s32 $0x4;
	s8 =	sadd.s32 s0, s20;
	s17 =	sadd.s32 s0, s21  }
0xd: {  	s19 =	sadd.s32 s0, s22;
	s20 =	sadd.s32 s2, s20;
	s21 =	sadd.s32 s2, s21  }
0xe: {  	v0 =	vimm.f32 $0.0e+00;
	s22 =	sadd.s32 s2, s22;
	[dreg:$0x4] =	wrdreg s31;
	s2 =	simm.s32 $0x0  }
.LBB2_1:
0xf: {  	[dreg:$0x5] =	wrdreg s2  }
0x10: {  	s0 =	rddreg [dreg:$0x1];
	s25 =	simm.s32 $0xA  }
0x11: {  	[tilespmem:s3], [sflag:$0xA] =	stream.linear.gather [hbm4b:s0+s3], $0x10, $0x38;
	[tilespmem:$0x14080] =	vst v63  }
0x12: {  	_ =	swait.ge [sflag:s25], $0x10  }
0x13: {  	[sflag:s25] =	ssyncset.done $0x0  }
0x14: {  	[sflag:s25] =	ssyncadd.s32 $0xFFFFFFF0  }
0x15: {  	v1 =	vld [tilespmem:$0x0];
	_ =	sdelay $0x4  }
0x16: {  	(v2sf) =	vpush v1, $0x0;
	_ =	sdelay $0xe  }
0x17: {  	s26 =	spop (v2sf)  }
0x18: {  	s0 =	ssub.s32 s26, s5  }
0x19: {  	p1 =	slt.s32 s0, $0x1  }
0x1a: {  	s0 =	simm.s32 @!p1 $0x0;
	s2 =	simm.s32 @!p1 $0x80  }
0x1b: {  	[tilespmem:s2], [sflag:$0x1] =	stream.linear.gather @!p1 [hbm4b:s7+s0], $0x4000, $0x38;
	[tilespmem:$0x14080] =	vst v63  }
0x1c: {  	v1 =	vld [tilespmem:$0x0];
	_ =	sdelay $0x4  }
0x1d: {  	(v2sf) =	vpush v1, $0x0;
	_ =	sdelay $0xe  }
0x1e: {  	s28 =	spop (v2sf)  }
0x1f: {  	s0 =	ssub.s32 s28, s6  }
0x20: {  	s29 =	sand.u32 $0x3000, s3;
	p1 =	slt.s32 s0, $0x1  }
0x21: {  	s30 =	sand.u32 $0x380, s3;
	s0 =	simm.s32 @!p1 $0x0;
	s2 =	simm.s32 @!p1 $0x4080  }
0x22: {  	[tilespmem:s2], [sflag:$0x2] =	stream.linear.gather @!p1 [hbm4b:s8+s0], $0x4000, $0x38;
	[tilespmem:$0x14080] =	vst v63  }
0x23: {  	s0 =	sor.u32 s30, s29  }
0x24: {  	s2 =	sadd.s32 $0x10080, s0;
	[tilespmem:s0+$0x10080] =	vst v0  }
0x25: {  	[tilespmem:s2+$0x10] =	vst v0  }
0x26: {  	[tilespmem:s2+$0x20] =	vst v0  }
0x27: {  	[tilespmem:s2+$0x30] =	vst v0  }
0x28: {  	[tilespmem:s2+$0x40] =	vst v0  }
0x29: {  	[tilespmem:s2+$0x50] =	vst v0  }
0x2a: {  	[tilespmem:s2+$0x60] =	vst v0  }
0x2b: {  	[tilespmem:s2+$0x70] =	vst v0  }
0x2c: {  	[tilespmem:s2+$0x400] =	vst v0  }
0x2d: {  	[tilespmem:s2+$0x410] =	vst v0  }
0x2e: {  	[tilespmem:s2+$0x420] =	vst v0  }
0x2f: {  	[tilespmem:s2+$0x430] =	vst v0  }
0x30: {  	[tilespmem:s2+$0x440] =	vst v0  }
0x31: {  	[tilespmem:s2+$0x450] =	vst v0  }
0x32: {  	[tilespmem:s2+$0x460] =	vst v0  }
0x33: {  	[tilespmem:s2+$0x470] =	vst v0  }
0x34: {  	[tilespmem:s2+$0x800] =	vst v0  }
0x35: {  	[tilespmem:s2+$0x810] =	vst v0  }
0x36: {  	[tilespmem:s2+$0x820] =	vst v0  }
0x37: {  	[tilespmem:s2+$0x830] =	vst v0  }
0x38: {  	[tilespmem:s2+$0x840] =	vst v0  }
0x39: {  	[tilespmem:s2+$0x850] =	vst v0  }
0x3a: {  	[tilespmem:s2+$0x860] =	vst v0  }
0x3b: {  	[tilespmem:s2+$0x870] =	vst v0  }
0x3c: {  	[tilespmem:s2+$0xC00] =	vst v0  }
0x3d: {  	[tilespmem:s2+$0xC10] =	vst v0  }
0x3e: {  	[tilespmem:s2+$0xC20] =	vst v0  }
0x3f: {  	[tilespmem:s2+$0xC30] =	vst v0  }
0x40: {  	[tilespmem:s2+$0xC40] =	vst v0  }
0x41: {  	s31 =	simm.s32 $0x200;
	s23 =	simm.s32 $0x80;
	[tilespmem:s2+$0xC50] =	vst v0  }
0x42: {  	s24 =	sand.u32 $0x3000, s31;
	s25 =	sand.u32 $0x380, s23;
	s0 =	simm.s32 $0x400;
	[tilespmem:s2+$0xC60] =	vst v0  }
.LBB2_2:
0x43: {  	p1 =	sne.s32 s0, $0x3E00;
	s24 =	sor.u32 s25, s24;
	[tilespmem:s2+$0xC70] =	vst v0  }
0x44: {  	s2 =	sadd.s32 $0x10080, s24;
	[tilespmem:s24+$0x10080] =	vst v0  }
0x45: {  	[tilespmem:s2+$0x10] =	vst v0  }
0x46: {  	[tilespmem:s2+$0x20] =	vst v0  }
0x47: {  	[tilespmem:s2+$0x30] =	vst v0  }
0x48: {  	[tilespmem:s2+$0x40] =	vst v0  }
0x49: {  	[tilespmem:s2+$0x50] =	vst v0  }
0x4a: {  	[tilespmem:s2+$0x60] =	vst v0  }
0x4b: {  	[tilespmem:s2+$0x70] =	vst v0  }
0x4c: {  	[tilespmem:s2+$0x400] =	vst v0  }
0x4d: {  	[tilespmem:s2+$0x410] =	vst v0  }
0x4e: {  	[tilespmem:s2+$0x420] =	vst v0  }
0x4f: {  	[tilespmem:s2+$0x430] =	vst v0  }
0x50: {  	[tilespmem:s2+$0x440] =	vst v0  }
0x51: {  	[tilespmem:s2+$0x450] =	vst v0  }
0x52: {  	[tilespmem:s2+$0x460] =	vst v0  }
0x53: {  	[tilespmem:s2+$0x470] =	vst v0  }
0x54: {  	[tilespmem:s2+$0x800] =	vst v0  }
0x55: {  	[tilespmem:s2+$0x810] =	vst v0  }
0x56: {  	[tilespmem:s2+$0x820] =	vst v0  }
0x57: {  	[tilespmem:s2+$0x830] =	vst v0  }
0x58: {  	[tilespmem:s2+$0x840] =	vst v0  }
0x59: {  	[tilespmem:s2+$0x850] =	vst v0  }
0x5a: {  	[tilespmem:s2+$0x860] =	vst v0  }
0x5b: {  	[tilespmem:s2+$0x870] =	vst v0  }
0x5c: {  	[tilespmem:s2+$0xC00] =	vst v0  }
0x5d: {  	[tilespmem:s2+$0xC10] =	vst v0  }
.Ltmp0:
0x5e: {  	[tilespmem:s2+$0xC20] =	vst v0;
	(pc) =	sbr.rel @p1 .LBB2_2-.Ltmp0, $4  }
0x5f: {  	[tilespmem:s2+$0xC30] =	vst v0  }
0x60: {  	[tilespmem:s2+$0xC40] =	vst v0  }
0x61: {  	s23 =	sadd.s32 $0x80, s23;
	[tilespmem:s2+$0xC50] =	vst v0  }
0x62: {  	s24 =	sand.u32 $0x3000, s0;
	s25 =	sand.u32 $0x380, s23;
	s0 =	sadd.s32 $0x200, s0;
	[tilespmem:s2+$0xC60] =	vst v0  }
0x63: {  	s0 =	sor.u32 s25, s24;
	[tilespmem:s2+$0xC70] =	vst v0  }
0x64: {  	s31 =	sadd.s32 $0x10080, s0;
	[tilespmem:s0+$0x10080] =	vst v0  }
0x65: {  	[tilespmem:s31+$0x10] =	vst v0  }
0x66: {  	[tilespmem:s31+$0x20] =	vst v0  }
0x67: {  	[tilespmem:s31+$0x30] =	vst v0  }
0x68: {  	[tilespmem:s31+$0x40] =	vst v0  }
0x69: {  	[tilespmem:s31+$0x50] =	vst v0  }
0x6a: {  	[tilespmem:s31+$0x60] =	vst v0  }
0x6b: {  	[tilespmem:s31+$0x70] =	vst v0  }
0x6c: {  	[tilespmem:s31+$0x400] =	vst v0  }
0x6d: {  	[tilespmem:s31+$0x410] =	vst v0  }
0x6e: {  	[tilespmem:s31+$0x420] =	vst v0  }
0x6f: {  	[tilespmem:s31+$0x430] =	vst v0  }
0x70: {  	[tilespmem:s31+$0x440] =	vst v0  }
0x71: {  	[tilespmem:s31+$0x450] =	vst v0  }
0x72: {  	[tilespmem:s31+$0x460] =	vst v0  }
0x73: {  	[tilespmem:s31+$0x470] =	vst v0  }
0x74: {  	[tilespmem:s31+$0x800] =	vst v0  }
0x75: {  	[tilespmem:s31+$0x810] =	vst v0  }
0x76: {  	[tilespmem:s31+$0x820] =	vst v0  }
0x77: {  	[tilespmem:s31+$0x830] =	vst v0  }
0x78: {  	[tilespmem:s31+$0x840] =	vst v0  }
0x79: {  	[tilespmem:s31+$0x850] =	vst v0  }
0x7a: {  	[tilespmem:s31+$0x860] =	vst v0  }
0x7b: {  	[tilespmem:s31+$0x870] =	vst v0  }
0x7c: {  	[tilespmem:s31+$0xC00] =	vst v0  }
0x7d: {  	[tilespmem:s31+$0xC10] =	vst v0  }
0x7e: {  	[tilespmem:s31+$0xC20] =	vst v0  }
.Ltmp1:
0x7f: {  	[tilespmem:s31+$0xC30] =	vst v0;
	(pc) =	sbr.rel .LBB2_4-.Ltmp1, $4  }
0x80: {  	[tilespmem:s31+$0xC40] =	vst v0  }
0x81: {  	[tilespmem:s31+$0xC50] =	vst v0  }
0x82: {  	[tilespmem:s31+$0xC60] =	vst v0  }
0x83: {  	s23 =	simm.s32 $0x0;
	[tilespmem:s31+$0xC70] =	vst v0  }
.LBB2_21:
0x84: {  	[tilespmem:s2+$0xCCD0] =	vst v0;
	s0 =	sshll.u32 s23, $0x12  }
0x85: {  	[tilespmem:s2+$0xCCE0] =	vst v0;
	s31 =	simm.s32 $0xC080;
	s0 =	sadd.s32 s0, s22  }
0x86: {  	[hbm4b:s0+s3] =	stream.linear.scatter [tilespmem:s31], [sflag:$0x8], $0x4000, $0x38;
	[tilespmem:$0x14080] =	vst v63  }
.LBB2_22:
0x87: {  	v1 =	vld [tilespmem:s23+$0x0];
	_ =	sdelay $0x4  }
0x88: {  	(v2sf) =	vpush v1, $0x0;
	_ =	sdelay $0xe  }
0x89: {  	s0 =	spop (v2sf)  }
0x8a: {  	s0 =	ssub.s32 s0, s15  }
0x8b: {  	s29 =	sadd.s32 s16, s24;
	p2 =	sgt.s32 s0, $0x0  }
0x8c: {  	s30 =	sshra.s32 s29, $0x1F;
	s0 =	sshll.u32 @!p2 s23, $0x12  }
0x8d: {  	s2 =	simm.s32 @!p2 $0x0;
	s25 =	simm.s32 @!p2 $0x10080;
	s0 =	sadd.s32 @!p2 s0, s22  }
0x8e: {  	[hbm4b:s0+s2] =	stream.linear.scatter @!p2 [tilespmem:s25], [sflag:$0x9], $0x4000, $0x38;
	[tilespmem:$0x14080] =	vst v63  }
0x8f: {  	s2 =	sshrl.u32 s30, $0x19  }
0x90: {  	s24 =	simm.s32 $0x1;
	p2 =	slt.s32 s29, $0x1;
	s2 =	sadd.s32 s2, s29  }
0x91: {  	s24 =	simm.s32 @!p2 $0x0;
	s2 =	sshra.s32 s2, $0x7  }
0x92: {  	s2 =	ssub.s32 s2, s24  }
0x93: {  	p2 =	sgt.s32 s2, $0x0  }
0x94: {  	s2 =	simm.s32 @!p2 $0x0  }
0x95: {  	s2 =	smin.u32 s2, $0xF  }
0x96: {  	v1 =	vld [tilespmem:s2+$0x0];
	_ =	sdelay $0x4  }
0x97: {  	(v2sf) =	vpush v1, $0x0;
	_ =	sdelay $0xd  }
0x98: {  	s0 =	sshll.u32 s29, $0x5  }
0x99: {  	s0 =	sand.u32 $0xFE0, s0;
	s31 =	spop (v2sf)  }
0x9a: {  	s0 =	ssub.s32 s31, s0  }
0x9b: {  	s23 =	sadd.s32 $0x1, s23;
	p2 =	sgt.s32 @!p1 s0, $0x0  }
0x9c: {  	p1 =	por p2, p1;
	p2 =	sne.s32 s23, $0x10  }
.Ltmp2:
0x9d: {  	_ = 	snop;
	(pc) =	sbr.rel @!p2 .LBB2_23-.Ltmp2, $4  }
0x9e: {  	s0 =	simm.s32 @!p1 $0x9  }
0x9f: {  	_ =	swait.ge @!p1 [sflag:s0], $0x4000  }
0xa0: {  	[sflag:s0] =	ssyncset.done @!p1 $0x0  }
0xa1: {  	[sflag:s0] =	ssyncadd.s32 @!p1 $0xFFFFC000  }
.LBB2_4:
0xa2: {  	s24 =	sshll.u32 s23, $0x7  }
0xa3: {  	s0 =	sadd.s32 s9, s24  }
0xa4: {  	s2 =	sshra.s32 s0, $0x1F  }
0xa5: {  	s2 =	sshrl.u32 s2, $0x19  }
0xa6: {  	s25 =	simm.s32 $0x1;
	p1 =	slt.s32 s0, $0x1;
	s2 =	sadd.s32 s2, s0  }
0xa7: {  	s25 =	simm.s32 @!p1 $0x0;
	s2 =	sshra.s32 s2, $0x7  }
0xa8: {  	s2 =	ssub.s32 s2, s25  }
0xa9: {  	p1 =	sgt.s32 s2, $0x0  }
0xaa: {  	s2 =	simm.s32 @!p1 $0x0  }
0xab: {  	s2 =	smin.u32 s2, $0xF  }
0xac: {  	v1 =	vld [tilespmem:s2+$0x0];
	_ =	sdelay $0x4  }
0xad: {  	(v2sf) =	vpush v1, $0x0;
	_ =	sdelay $0xd  }
0xae: {  	s0 =	sshll.u32 s0, $0x5  }
0xaf: {  	s0 =	sand.u32 $0xFE0, s0;
	s25 =	spop (v2sf)  }
0xb0: {  	p2 =	seq.s32 s23, $0x0;
	s0 =	ssub.s32 s25, s0  }
0xb1: {  	p1 =	slt.s32 @!p2 s0, $0x1  }
0xb2: {  	p1 =	por p1, p2  }
0xb3: {  	s0 =	simm.s32 @!p1 $0x7  }
0xb4: {  	_ =	swait.ge @!p1 [sflag:s0], $0x4000  }
0xb5: {  	[sflag:s0] =	ssyncset.done @!p1 $0x0  }
0xb6: {  	[sflag:s0] =	ssyncadd.s32 @!p1 $0xFFFFC000  }
0xb7: {  	v1 =	vld [tilespmem:s23+$0x0];
	_ =	sdelay $0x4  }
0xb8: {  	(v2sf) =	vpush v1, $0x0;
	_ =	sdelay $0xe  }
0xb9: {  	s26 =	spop (v2sf)  }
0xba: {  	s0 =	ssub.s32 s26, s14  }
0xbb: {  	s28 =	sor.u32 s4, s23;
	p1 =	slt.s32 s0, $0x1  }
0xbc: {  	p6 =	seq.s32 s28, $0x0;
	s0 =	sshll.u32 @!p1 s23, $0x12  }
0xbd: {  	s2 =	simm.s32 @!p1 $0x0;
	s25 =	simm.s32 @!p1 $0x8080;
	s0 =	sadd.s32 @!p1 s0, s17  }
0xbe: {  	[tilespmem:s25], [sflag:$0x3] =	stream.linear.gather @!p1 [hbm4b:s0+s2], $0x4000, $0x38;
	[tilespmem:$0x14080] =	vst v63  }
0xbf: {  	p1 =	por !p0, !p6  }
0xc0: {  	s0 =	simm.s32 $0x1;
	p1 =	por !p1, !p1  }
0xc1: {  	s0 =	simm.s32 @!p1 $0x0  }
0xc2: {  	s2 =	ssub.s32 s23, s0  }
0xc3: {  	p1 =	sgt.s32 s2, $0x0  }
0xc4: {  	s2 =	simm.s32 @!p1 $0x0  }
0xc5: {  	v1 =	vld [tilespmem:s2+$0x0];
	_ =	sdelay $0x4  }
0xc6: {  	(v2sf) =	vpush v1, $0x0;
	_ =	sdelay $0xe  }
0xc7: {  	s29 =	spop (v2sf)  }
0xc8: {  	s0 =	ssub.s32 s29, s5  }
0xc9: {  	p1 =	slt.s32 s0, $0x20  }
0xca: {  	s0 =	simm.s32 @!p1 $0x1  }
0xcb: {  	_ =	swait.ge @!p1 [sflag:s0], $0x4000  }
0xcc: {  	[sflag:s0] =	ssyncset.done @!p1 $0x0  }
0xcd: {  	[sflag:s0] =	ssyncadd.s32 @!p1 $0xFFFFC000;
	s0 =	sshll.u32 @!p1 s2, $0x12  }
0xce: {  	s25 =	simm.s32 @!p1 $0x0;
	s26 =	simm.s32 @!p1 $0x80;
	s0 =	sadd.s32 @!p1 s0, s18  }
0xcf: {  	[hbm4b:s0+s25] =	stream.linear.scatter @!p1 [tilespmem:s26], [sflag:$0x5], $0x4000, $0x38;
	[tilespmem:$0x14080] =	vst v63  }
0xd0: {  	v1 =	vld [tilespmem:s2+$0x0];
	_ =	sdelay $0x4  }
0xd1: {  	(v2sf) =	vpush v1, $0x0;
	_ =	sdelay $0xe  }
0xd2: {  	s30 =	spop (v2sf)  }
0xd3: {  	s0 =	ssub.s32 s30, s5  }
0xd4: {  	s31 =	sadd.s32 $0xFFFFFFFF, s0  }
0xd5: {  	p1 =	sgt.u32 s31, $0x1E  }
.Ltmp3:
0xd6: {  	_ = 	snop;
	(pc) =	sbr.rel @p1 .LBB2_10-.Ltmp3, $1  }
0xd7: {  	_ =	sdelay $0x3  }
0xd8: {  	s31 =	ssub.s32 $0x20, s0  }
0xd9: {  	p3 =	sne.s32 s31, $0x1  }
.Ltmp4:
0xda: {  	_ = 	snop;
	(pc) =	sbr.rel @!p3 .LBB2_6-.Ltmp4, $4  }
0xdb: {  	s25 =	simm.s32 $0x1  }
0xdc: {  	s29 =	sshll.u32 s0, $0x9;
	s0 =	sshll.u32 s0, $0x7;
	_ =	swait.ge [sflag:s25], $0x4000  }
0xdd: {  	p1 =	por $0x0, $0x0;
	s28 =	sand.u32 $0xFFFFF000, s29;
	[sflag:s25] =	ssyncset.done $0x0  }
0xde: {  	s30 =	sand.u32 $0x380, s0;
	[sflag:s25] =	ssyncadd.s32 $0xFFFFC000;
	s25 =	sadd.s32 $0xFFFFFFFF, s31  }
0xdf: {  	s26 =	sor.u32 s30, s28  }
0xe0: {  	[tilespmem:s26+$0xCF0] =	vst v0  }
0xe1: {  	[tilespmem:s26+$0x80] =	vst v0  }
0xe2: {  	[tilespmem:s26+$0x90] =	vst v0  }
0xe3: {  	[tilespmem:s26+$0xA0] =	vst v0  }
0xe4: {  	[tilespmem:s26+$0xB0] =	vst v0  }
0xe5: {  	[tilespmem:s26+$0xC0] =	vst v0  }
0xe6: {  	[tilespmem:s26+$0xD0] =	vst v0  }
0xe7: {  	[tilespmem:s26+$0xE0] =	vst v0  }
0xe8: {  	[tilespmem:s26+$0xF0] =	vst v0  }
0xe9: {  	[tilespmem:s26+$0x480] =	vst v0  }
0xea: {  	[tilespmem:s26+$0x490] =	vst v0  }
0xeb: {  	[tilespmem:s26+$0x4A0] =	vst v0  }
0xec: {  	[tilespmem:s26+$0x4B0] =	vst v0  }
0xed: {  	[tilespmem:s26+$0x4C0] =	vst v0  }
0xee: {  	[tilespmem:s26+$0x4D0] =	vst v0  }
0xef: {  	[tilespmem:s26+$0x4E0] =	vst v0  }
0xf0: {  	[tilespmem:s26+$0x4F0] =	vst v0  }
0xf1: {  	[tilespmem:s26+$0x880] =	vst v0  }
0xf2: {  	[tilespmem:s26+$0x890] =	vst v0  }
0xf3: {  	[tilespmem:s26+$0x8A0] =	vst v0  }
0xf4: {  	[tilespmem:s26+$0x8B0] =	vst v0  }
0xf5: {  	[tilespmem:s26+$0x8C0] =	vst v0  }
0xf6: {  	[tilespmem:s26+$0x8D0] =	vst v0  }
0xf7: {  	[tilespmem:s26+$0x8E0] =	vst v0  }
0xf8: {  	[tilespmem:s26+$0x8F0] =	vst v0  }
0xf9: {  	p3 =	sne.s32 s25, $0x1;
	[tilespmem:s26+$0xC80] =	vst v0  }
.Ltmp5:
0xfa: {  	[tilespmem:s26+$0xC90] =	vst v0;
	(pc) =	sbr.rel @!p3 .LBB2_9-.Ltmp5, $4  }
0xfb: {  	[tilespmem:s26+$0xCA0] =	vst v0  }
0xfc: {  	[tilespmem:s26+$0xCB0] =	vst v0  }
0xfd: {  	s29 =	sadd.s32 $0x200, s29;
	s31 =	sadd.s32 $0x80, s0;
	s0 =	sadd.s32 $0xFFFFFFFF, s25;
	[tilespmem:s26+$0xCC0] =	vst v0  }
0xfe: {  	p1 =	por $0x1, $0x1;
	s28 =	sand.u32 $0xFFFFF000, s29;
	s30 =	sand.u32 $0x380, s31;
	[tilespmem:s26+$0xCD0] =	vst v0  }
.LBB2_8:
0xff: {  	p3 =	sne.s32 s0, $0x1;
	[tilespmem:s26+$0xCE0] =	vst v0;
	s26 =	sor.u32 s30, s28  }
0x100: {  	[tilespmem:s26+$0xCF0] =	vst v0  }
0x101: {  	[tilespmem:s26+$0x80] =	vst v0  }
0x102: {  	[tilespmem:s26+$0x90] =	vst v0  }
0x103: {  	[tilespmem:s26+$0xA0] =	vst v0  }
0x104: {  	[tilespmem:s26+$0xB0] =	vst v0  }
0x105: {  	[tilespmem:s26+$0xC0] =	vst v0  }
0x106: {  	[tilespmem:s26+$0xD0] =	vst v0  }
0x107: {  	[tilespmem:s26+$0xE0] =	vst v0  }
0x108: {  	[tilespmem:s26+$0xF0] =	vst v0  }
0x109: {  	[tilespmem:s26+$0x480] =	vst v0  }
0x10a: {  	[tilespmem:s26+$0x490] =	vst v0  }
0x10b: {  	[tilespmem:s26+$0x4A0] =	vst v0  }
0x10c: {  	[tilespmem:s26+$0x4B0] =	vst v0  }
0x10d: {  	[tilespmem:s26+$0x4C0] =	vst v0  }
0x10e: {  	[tilespmem:s26+$0x4D0] =	vst v0  }
0x10f: {  	[tilespmem:s26+$0x4E0] =	vst v0  }
0x110: {  	[tilespmem:s26+$0x4F0] =	vst v0  }
0x111: {  	[tilespmem:s26+$0x880] =	vst v0  }
0x112: {  	[tilespmem:s26+$0x890] =	vst v0  }
0x113: {  	[tilespmem:s26+$0x8A0] =	vst v0  }
0x114: {  	[tilespmem:s26+$0x8B0] =	vst v0  }
0x115: {  	[tilespmem:s26+$0x8C0] =	vst v0  }
0x116: {  	[tilespmem:s26+$0x8D0] =	vst v0  }
0x117: {  	[tilespmem:s26+$0x8E0] =	vst v0  }
0x118: {  	[tilespmem:s26+$0x8F0] =	vst v0  }
0x119: {  	[tilespmem:s26+$0xC80] =	vst v0  }
.Ltmp6:
0x11a: {  	[tilespmem:s26+$0xC90] =	vst v0;
	(pc) =	sbr.rel @p3 .LBB2_8-.Ltmp6, $4  }
0x11b: {  	[tilespmem:s26+$0xCA0] =	vst v0  }
0x11c: {  	[tilespmem:s26+$0xCB0] =	vst v0  }
0x11d: {  	s31 =	sadd.s32 $0x80, s31;
	s29 =	sadd.s32 $0x200, s29;
	[tilespmem:s26+$0xCC0] =	vst v0  }
0x11e: {  	s0 =	sadd.s32 $0xFFFFFFFF, s0;
	s28 =	sand.u32 $0xFFFFF000, s29;
	s30 =	sand.u32 $0x380, s31;
	[tilespmem:s26+$0xCD0] =	vst v0  }
.LBB2_9:
0x11f: {  	s0 =	sor.u32 s30, s28;
	[tilespmem:s26+$0xCE0] =	vst @p1 v0  }
0x120: {  	[tilespmem:s0+$0xCF0] =	vst v0  }
0x121: {  	[tilespmem:s0+$0x80] =	vst v0  }
0x122: {  	[tilespmem:s0+$0x90] =	vst v0  }
0x123: {  	[tilespmem:s0+$0xA0] =	vst v0  }
0x124: {  	[tilespmem:s0+$0xB0] =	vst v0  }
0x125: {  	[tilespmem:s0+$0xC0] =	vst v0  }
0x126: {  	[tilespmem:s0+$0xD0] =	vst v0  }
0x127: {  	[tilespmem:s0+$0xE0] =	vst v0  }
0x128: {  	[tilespmem:s0+$0xF0] =	vst v0  }
0x129: {  	[tilespmem:s0+$0x480] =	vst v0  }
0x12a: {  	[tilespmem:s0+$0x490] =	vst v0  }
0x12b: {  	[tilespmem:s0+$0x4A0] =	vst v0  }
0x12c: {  	[tilespmem:s0+$0x4B0] =	vst v0  }
0x12d: {  	[tilespmem:s0+$0x4C0] =	vst v0  }
0x12e: {  	[tilespmem:s0+$0x4D0] =	vst v0  }
0x12f: {  	[tilespmem:s0+$0x4E0] =	vst v0  }
0x130: {  	[tilespmem:s0+$0x4F0] =	vst v0  }
0x131: {  	[tilespmem:s0+$0x880] =	vst v0  }
0x132: {  	[tilespmem:s0+$0x890] =	vst v0  }
0x133: {  	[tilespmem:s0+$0x8A0] =	vst v0  }
0x134: {  	[tilespmem:s0+$0x8B0] =	vst v0  }
0x135: {  	[tilespmem:s0+$0x8C0] =	vst v0  }
0x136: {  	[tilespmem:s0+$0x8D0] =	vst v0  }
0x137: {  	[tilespmem:s0+$0x8E0] =	vst v0  }
0x138: {  	[tilespmem:s0+$0x8F0] =	vst v0  }
0x139: {  	[tilespmem:s0+$0xC80] =	vst v0  }
0x13a: {  	[tilespmem:s0+$0xC90] =	vst v0  }
0x13b: {  	[tilespmem:s0+$0xCA0] =	vst v0  }
0x13c: {  	[tilespmem:s0+$0xCB0] =	vst v0  }
0x13d: {  	[tilespmem:s0+$0xCC0] =	vst v0  }
0x13e: {  	s25 =	sshll.u32 s2, $0x12;
	[tilespmem:s0+$0xCD0] =	vst v0  }
0x13f: {  	s31 =	simm.s32 $0x80;
	[tilespmem:s0+$0xCE0] =	vst v0;
	s30 =	sadd.s32 s25, s18  }
0x140: {  	[hbm4b:s30+s3] =	stream.linear.scatter [tilespmem:s31], [sflag:$0x5], $0x4000, $0x38;
	[tilespmem:$0x14080] =	vst v63  }
.LBB2_10:
0x141: {  	v1 =	vld [tilespmem:s2+$0x0];
	_ =	sdelay $0x4  }
0x142: {  	(v2sf) =	vpush v1, $0x0;
	_ =	sdelay $0xe  }
0x143: {  	s0 =	spop (v2sf)  }
0x144: {  	s0 =	ssub.s32 s0, s5  }
0x145: {  	p1 =	sgt.s32 s0, $0x0  }
0x146: {  	s31 =	sadd.s32 s10, s24;
	s0 =	sshll.u32 @!p1 s2, $0x12  }
0x147: {  	s25 =	simm.s32 @!p1 $0x0;
	s26 =	simm.s32 @!p1 $0x10080;
	s0 =	sadd.s32 @!p1 s0, s18  }
0x148: {  	[hbm4b:s0+s25] =	stream.linear.scatter @!p1 [tilespmem:s26], [sflag:$0x9], $0x4000, $0x38;
	[tilespmem:$0x14080] =	vst v63  }
0x149: {  	s26 =	sshra.s32 s31, $0x1F  }
0x14a: {  	s25 =	sshrl.u32 s26, $0x19  }
0x14b: {  	s25 =	sadd.s32 s25, s31  }
0x14c: {  	s28 =	sand.u32 $0xFFFFFF80, s25  }
0x14d: {  	p6 =	slt.s32 s31, $0x1;
	p3 =	sne.s32 s31, s28  }
0x14e: {  	p1 =	por !p6, !p3  }
0x14f: {  	s26 =	simm.s32 $0x1;
	p1 =	por !p1, !p1  }
0x150: {  	s25 =	sshra.s32 s25, $0x7;
	s26 =	simm.s32 @!p1 $0x0  }
0x151: {  	s25 =	ssub.s32 s25, s26  }
0x152: {  	p1 =	sgt.s32 s25, $0x0  }
0x153: {  	s25 =	simm.s32 @!p1 $0x0  }
0x154: {  	s25 =	smin.u32 s25, $0xF  }
0x155: {  	v1 =	vld [tilespmem:s25+$0x0];
	_ =	sdelay $0x4  }
0x156: {  	(v2sf) =	vpush v1, $0x0;
	_ =	sdelay $0xc  }
0x157: {  	s30 =	sadd.s32 s11, s24;
	s0 =	sshll.u32 s31, $0x5  }
0x158: {  	p4 =	slt.s32 s30, $0x1;
	s0 =	sadd.s32 $0x1000, s0  }
0x159: {  	s0 =	sand.u32 $0xFE0, s0;
	s31 =	sshra.s32 s30, $0x1F;
	s29 =	spop (v2sf)  }
0x15a: {  	p1 =	slt.u32 s23, $0x8;
	s25 =	sshrl.u32 s31, $0x19;
	s0 =	ssub.s32 s29, s0  }
0x15b: {  	p3 =	sgt.s32 @!p1 s0, $0x0;
	s0 =	sadd.s32 s25, s30;
	s25 =	simm.s32 $0x1  }
0x15c: {  	p3 =	por p3, p1;
	s0 =	sshra.s32 s0, $0x7;
	s25 =	simm.s32 @!p4 $0x0  }
0x15d: {  	s28 =	simm.s32 @!p3 $0x9;
	s0 =	ssub.s32 s0, s25  }
0x15e: {  	_ =	swait.ge @!p3 [sflag:s28], $0x4000;
	p4 =	sgt.s32 s0, $0x0  }
0x15f: {  	[sflag:s28] =	ssyncset.done @!p3 $0x0;
	s0 =	simm.s32 @!p4 $0x0  }
0x160: {  	[sflag:s28] =	ssyncadd.s32 @!p3 $0xFFFFC000;
	s0 =	smin.u32 s0, $0xF  }
0x161: {  	v1 =	vld [tilespmem:s0+$0x0];
	_ =	sdelay $0x4  }
0x162: {  	(v2sf) =	vpush v1, $0x0;
	_ =	sdelay $0xd  }
0x163: {  	s26 =	sshll.u32 s30, $0x5  }
0x164: {  	s0 =	sand.u32 $0xFE0, s26;
	s28 =	spop (v2sf)  }
0x165: {  	s0 =	ssub.s32 s28, s0  }
0x166: {  	p3 =	slt.s32 @!p2 s0, $0x1  }
0x167: {  	p2 =	por p3, p2  }
0x168: {  	s0 =	simm.s32 @!p2 $0x8  }
0x169: {  	_ =	swait.ge @!p2 [sflag:s0], $0x4000  }
0x16a: {  	[sflag:s0] =	ssyncset.done @!p2 $0x0  }
0x16b: {  	[sflag:s0] =	ssyncadd.s32 @!p2 $0xFFFFC000  }
0x16c: {  	v1 =	vld [tilespmem:s23+$0x0];
	_ =	sdelay $0x4  }
0x16d: {  	(v2sf) =	vpush v1, $0x0;
	_ =	sdelay $0xe  }
0x16e: {  	s29 =	spop (v2sf)  }
0x16f: {  	s0 =	ssub.s32 s29, s15  }
0x170: {  	p2 =	slt.s32 s0, $0x1  }
0x171: {  	s0 =	sshll.u32 @!p2 s23, $0x12  }
0x172: {  	s25 =	simm.s32 @!p2 $0x0;
	s26 =	simm.s32 @!p2 $0xC080;
	s0 =	sadd.s32 @!p2 s0, s19  }
0x173: {  	[tilespmem:s26], [sflag:$0x4] =	stream.linear.gather @!p2 [hbm4b:s0+s25], $0x4000, $0x38;
	[tilespmem:$0x14080] =	vst v63  }
0x174: {  	v1 =	vld [tilespmem:s23+$0x0];
	_ =	sdelay $0x4  }
0x175: {  	(v2sf) =	vpush v1, $0x0;
	_ =	sdelay $0xe  }
0x176: {  	s30 =	spop (v2sf)  }
0x177: {  	s0 =	ssub.s32 s30, s6  }
0x178: {  	p2 =	slt.s32 s0, $0x20  }
0x179: {  	s0 =	simm.s32 @!p2 $0x2  }
0x17a: {  	_ =	swait.ge @!p2 [sflag:s0], $0x4000  }
0x17b: {  	[sflag:s0] =	ssyncset.done @!p2 $0x0  }
0x17c: {  	[sflag:s0] =	ssyncadd.s32 @!p2 $0xFFFFC000;
	s0 =	sshll.u32 @!p2 s23, $0x12  }
0x17d: {  	s25 =	simm.s32 @!p2 $0x0;
	s26 =	simm.s32 @!p2 $0x4080;
	s0 =	sadd.s32 @!p2 s0, s20  }
0x17e: {  	[hbm4b:s0+s25] =	stream.linear.scatter @!p2 [tilespmem:s26], [sflag:$0x6], $0x4000, $0x38;
	[tilespmem:$0x14080] =	vst v63  }
0x17f: {  	v1 =	vld [tilespmem:s23+$0x0];
	_ =	sdelay $0x4  }
0x180: {  	(v2sf) =	vpush v1, $0x0;
	_ =	sdelay $0xe  }
0x181: {  	s31 =	spop (v2sf)  }
0x182: {  	s25 =	ssub.s32 s31, s6  }
0x183: {  	s0 =	sadd.s32 $0xFFFFFFFF, s25  }
0x184: {  	p2 =	sgt.u32 s0, $0x1E  }
.Ltmp7:
0x185: {  	_ = 	snop;
	(pc) =	sbr.rel @p2 .LBB2_14-.Ltmp7, $1  }
0x186: {  	_ =	sdelay $0x3  }
0x187: {  	s30 =	simm.s32 $0x2  }
0x188: {  	s28 =	sshll.u32 s25, $0x7;
	s25 =	sshll.u32 s25, $0x9;
	_ =	swait.ge [sflag:s30], $0x4000  }
0x189: {  	s26 =	sand.u32 $0xFFFFF000, s25;
	s29 =	sand.u32 $0x380, s28;
	[sflag:s30] =	ssyncset.done $0x0  }
0x18a: {  	s26 =	sor.u32 s29, s26;
	[sflag:s30] =	ssyncadd.s32 $0xFFFFC000  }
0x18b: {  	[tilespmem:s26+$0x4CF0] =	vst v0  }
0x18c: {  	[tilespmem:s26+$0x4080] =	vst v0  }
0x18d: {  	[tilespmem:s26+$0x4090] =	vst v0  }
0x18e: {  	[tilespmem:s26+$0x40A0] =	vst v0  }
0x18f: {  	[tilespmem:s26+$0x40B0] =	vst v0  }
0x190: {  	[tilespmem:s26+$0x40C0] =	vst v0  }
0x191: {  	[tilespmem:s26+$0x40D0] =	vst v0  }
0x192: {  	[tilespmem:s26+$0x40E0] =	vst v0  }
0x193: {  	[tilespmem:s26+$0x40F0] =	vst v0  }
0x194: {  	[tilespmem:s26+$0x4480] =	vst v0  }
0x195: {  	[tilespmem:s26+$0x4490] =	vst v0  }
0x196: {  	[tilespmem:s26+$0x44A0] =	vst v0  }
0x197: {  	[tilespmem:s26+$0x44B0] =	vst v0  }
0x198: {  	[tilespmem:s26+$0x44C0] =	vst v0  }
0x199: {  	[tilespmem:s26+$0x44D0] =	vst v0  }
0x19a: {  	[tilespmem:s26+$0x44E0] =	vst v0  }
0x19b: {  	[tilespmem:s26+$0x44F0] =	vst v0  }
0x19c: {  	[tilespmem:s26+$0x4880] =	vst v0  }
0x19d: {  	[tilespmem:s26+$0x4890] =	vst v0  }
0x19e: {  	[tilespmem:s26+$0x48A0] =	vst v0  }
0x19f: {  	[tilespmem:s26+$0x48B0] =	vst v0  }
0x1a0: {  	[tilespmem:s26+$0x48C0] =	vst v0  }
0x1a1: {  	[tilespmem:s26+$0x48D0] =	vst v0  }
0x1a2: {  	s29 =	sadd.s32 $0x1, s0;
	[tilespmem:s26+$0x48E0] =	vst v0  }
0x1a3: {  	p2 =	slt.s32 s29, $0x1F;
	[tilespmem:s26+$0x48F0] =	vst v0  }
.Ltmp8:
0x1a4: {  	[tilespmem:s26+$0x4C80] =	vst v0;
	(pc) =	sbr.rel @!p2 .LBB2_13-.Ltmp8, $4  }
0x1a5: {  	[tilespmem:s26+$0x4C90] =	vst v0  }
0x1a6: {  	[tilespmem:s26+$0x4CA0] =	vst v0  }
0x1a7: {  	[tilespmem:s26+$0x4CB0] =	vst v0  }
0x1a8: {  	s31 =	sadd.s32 $0x80, s28;
	s0 =	sadd.s32 $0x200, s25;
	[tilespmem:s26+$0x4CC0] =	vst v0  }
.LBB2_12:
0x1a9: {  	s25 =	sand.u32 $0xFFFFF000, s0;
	s28 =	sand.u32 $0x380, s31;
	s29 =	sadd.s32 $0x1, s29;
	[tilespmem:s26+$0x4CD0] =	vst v0  }
0x1aa: {  	p2 =	slt.s32 s29, $0x1F;
	[tilespmem:s26+$0x4CE0] =	vst v0;
	s26 =	sor.u32 s28, s25  }
0x1ab: {  	[tilespmem:s26+$0x4CF0] =	vst v0  }
0x1ac: {  	[tilespmem:s26+$0x4080] =	vst v0  }
0x1ad: {  	[tilespmem:s26+$0x4090] =	vst v0  }
0x1ae: {  	[tilespmem:s26+$0x40A0] =	vst v0  }
0x1af: {  	[tilespmem:s26+$0x40B0] =	vst v0  }
0x1b0: {  	[tilespmem:s26+$0x40C0] =	vst v0  }
0x1b1: {  	[tilespmem:s26+$0x40D0] =	vst v0  }
0x1b2: {  	[tilespmem:s26+$0x40E0] =	vst v0  }
0x1b3: {  	[tilespmem:s26+$0x40F0] =	vst v0  }
0x1b4: {  	[tilespmem:s26+$0x4480] =	vst v0  }
0x1b5: {  	[tilespmem:s26+$0x4490] =	vst v0  }
0x1b6: {  	[tilespmem:s26+$0x44A0] =	vst v0  }
0x1b7: {  	[tilespmem:s26+$0x44B0] =	vst v0  }
0x1b8: {  	[tilespmem:s26+$0x44C0] =	vst v0  }
0x1b9: {  	[tilespmem:s26+$0x44D0] =	vst v0  }
0x1ba: {  	[tilespmem:s26+$0x44E0] =	vst v0  }
0x1bb: {  	[tilespmem:s26+$0x44F0] =	vst v0  }
0x1bc: {  	[tilespmem:s26+$0x4880] =	vst v0  }
0x1bd: {  	[tilespmem:s26+$0x4890] =	vst v0  }
0x1be: {  	[tilespmem:s26+$0x48A0] =	vst v0  }
0x1bf: {  	[tilespmem:s26+$0x48B0] =	vst v0  }
0x1c0: {  	[tilespmem:s26+$0x48C0] =	vst v0  }
0x1c1: {  	[tilespmem:s26+$0x48D0] =	vst v0  }
0x1c2: {  	[tilespmem:s26+$0x48E0] =	vst v0  }
0x1c3: {  	[tilespmem:s26+$0x48F0] =	vst v0  }
.Ltmp9:
0x1c4: {  	[tilespmem:s26+$0x4C80] =	vst v0;
	(pc) =	sbr.rel @p2 .LBB2_12-.Ltmp9, $4  }
0x1c5: {  	[tilespmem:s26+$0x4C90] =	vst v0  }
0x1c6: {  	[tilespmem:s26+$0x4CA0] =	vst v0  }
0x1c7: {  	[tilespmem:s26+$0x4CB0] =	vst v0  }
0x1c8: {  	s31 =	sadd.s32 $0x80, s31;
	s0 =	sadd.s32 $0x200, s0;
	[tilespmem:s26+$0x4CC0] =	vst v0  }
.LBB2_13:
0x1c9: {  	[tilespmem:s26+$0x4CD0] =	vst v0;
	s0 =	sshll.u32 s23, $0x12  }
0x1ca: {  	[tilespmem:s26+$0x4CE0] =	vst v0;
	s25 =	simm.s32 $0x4080;
	s0 =	sadd.s32 s0, s20  }
0x1cb: {  	[hbm4b:s0+s3] =	stream.linear.scatter [tilespmem:s25], [sflag:$0x6], $0x4000, $0x38;
	[tilespmem:$0x14080] =	vst v63  }
.LBB2_14:
0x1cc: {  	v1 =	vld [tilespmem:s23+$0x0];
	_ =	sdelay $0x4  }
0x1cd: {  	(v2sf) =	vpush v1, $0x0;
	_ =	sdelay $0xe  }
0x1ce: {  	s0 =	spop (v2sf)  }
0x1cf: {  	s0 =	ssub.s32 s0, s6  }
0x1d0: {  	s30 =	sadd.s32 s12, s24;
	p2 =	sgt.s32 s0, $0x0  }
0x1d1: {  	s31 =	sshra.s32 s30, $0x1F;
	s0 =	sshll.u32 @!p2 s23, $0x12  }
0x1d2: {  	s25 =	simm.s32 @!p2 $0x0;
	s26 =	simm.s32 @!p2 $0x10080;
	s0 =	sadd.s32 @!p2 s0, s20  }
0x1d3: {  	[hbm4b:s0+s25] =	stream.linear.scatter @!p2 [tilespmem:s26], [sflag:$0x9], $0x4000, $0x38;
	[tilespmem:$0x14080] =	vst v63  }
0x1d4: {  	s25 =	sshrl.u32 s31, $0x19  }
0x1d5: {  	p2 =	slt.s32 s30, $0x1;
	s26 =	simm.s32 $0x1;
	s25 =	sadd.s32 s25, s30  }
0x1d6: {  	s26 =	simm.s32 @!p2 $0x0;
	s25 =	sshra.s32 s25, $0x7  }
0x1d7: {  	s25 =	ssub.s32 s25, s26  }
0x1d8: {  	p2 =	sgt.s32 s25, $0x0  }
0x1d9: {  	s25 =	simm.s32 @!p2 $0x0  }
0x1da: {  	s25 =	smin.u32 s25, $0xF  }
0x1db: {  	v1 =	vld [tilespmem:s25+$0x0];
	_ =	sdelay $0x4  }
0x1dc: {  	(v2sf) =	vpush v1, $0x0;
	_ =	sdelay $0xd  }
0x1dd: {  	s0 =	sshll.u32 s30, $0x5  }
0x1de: {  	s0 =	sand.u32 $0xFE0, s0;
	s26 =	spop (v2sf)  }
0x1df: {  	s0 =	ssub.s32 s26, s0  }
0x1e0: {  	p2 =	sgt.s32 @!p1 s0, $0x0  }
0x1e1: {  	p2 =	por p2, p1  }
0x1e2: {  	s0 =	simm.s32 @!p2 $0x9  }
0x1e3: {  	_ =	swait.ge @!p2 [sflag:s0], $0x4000  }
0x1e4: {  	[sflag:s0] =	ssyncset.done @!p2 $0x0  }
0x1e5: {  	[sflag:s0] =	ssyncadd.s32 @!p2 $0xFFFFC000  }
0x1e6: {  	v1 =	vld [tilespmem:s2+$0x0];
	_ =	sdelay $0x4  }
0x1e7: {  	(v2sf) =	vpush v1, $0x0;
	_ =	sdelay $0xe  }
0x1e8: {  	s28 =	spop (v2sf)  }
0x1e9: {  	s0 =	ssub.s32 s28, s5  }
0x1ea: {  	p2 =	slt.s32 s0, $0x1  }
0x1eb: {  	s0 =	simm.s32 @!p2 $0x5  }
0x1ec: {  	_ =	swait.ge @!p2 [sflag:s0], $0x4000  }
0x1ed: {  	p3 =	slt.s32 s23, $0xE;
	s2 =	smov.u32 s23;
	[sflag:s0] =	ssyncset.done @!p2 $0x0  }
0x1ee: {  	s2 =	simm.s32 @!p3 $0xE;
	[sflag:s0] =	ssyncadd.s32 @!p2 $0xFFFFC000  }
0x1ef: {  	v1 =	vld [tilespmem:s2+$0x1];
	_ =	sdelay $0x4  }
0x1f0: {  	(v2sf) =	vpush v1, $0x0;
	_ =	sdelay $0xe  }
0x1f1: {  	s29 =	spop (v2sf)  }
0x1f2: {  	p2 =	seq.s32 s23, $0xF;
	s0 =	ssub.s32 s29, s5  }
0x1f3: {  	p3 =	slt.s32 @!p2 s0, $0x1  }
0x1f4: {  	s26 =	sadd.s32 $0x1, s2;
	p3 =	por p3, p2  }
0x1f5: {  	s0 =	sshll.u32 @!p3 s26, $0x12  }
0x1f6: {  	s25 =	simm.s32 @!p3 $0x0;
	s28 =	simm.s32 @!p3 $0x80;
	s0 =	sadd.s32 @!p3 s0, s7  }
0x1f7: {  	[tilespmem:s28], [sflag:$0x1] =	stream.linear.gather @!p3 [hbm4b:s0+s25], $0x4000, $0x38;
	[tilespmem:$0x14080] =	vst v63  }
0x1f8: {  	v1 =	vld [tilespmem:s23+$0x0];
	_ =	sdelay $0x4  }
0x1f9: {  	(v2sf) =	vpush v1, $0x0;
	_ =	sdelay $0xe  }
0x1fa: {  	s30 =	spop (v2sf)  }
0x1fb: {  	s0 =	ssub.s32 s30, s14  }
0x1fc: {  	p3 =	slt.s32 s0, $0x20  }
0x1fd: {  	s0 =	simm.s32 @!p3 $0x3  }
0x1fe: {  	_ =	swait.ge @!p3 [sflag:s0], $0x4000  }
0x1ff: {  	[sflag:s0] =	ssyncset.done @!p3 $0x0  }
0x200: {  	[sflag:s0] =	ssyncadd.s32 @!p3 $0xFFFFC000;
	s0 =	sshll.u32 @!p3 s23, $0x12  }
0x201: {  	s25 =	simm.s32 @!p3 $0x0;
	s28 =	simm.s32 @!p3 $0x8080;
	s0 =	sadd.s32 @!p3 s0, s21  }
0x202: {  	[hbm4b:s0+s25] =	stream.linear.scatter @!p3 [tilespmem:s28], [sflag:$0x7], $0x4000, $0x38;
	[tilespmem:$0x14080] =	vst v63  }
0x203: {  	v1 =	vld [tilespmem:s23+$0x0];
	_ =	sdelay $0x4  }
0x204: {  	(v2sf) =	vpush v1, $0x0;
	_ =	sdelay $0xe  }
0x205: {  	s31 =	spop (v2sf)  }
0x206: {  	s25 =	ssub.s32 s31, s14  }
0x207: {  	s0 =	sadd.s32 $0xFFFFFFFF, s25  }
0x208: {  	p3 =	sgt.u32 s0, $0x1E  }
.Ltmp10:
0x209: {  	_ = 	snop;
	(pc) =	sbr.rel @p3 .LBB2_18-.Ltmp10, $1  }
0x20a: {  	_ =	sdelay $0x3  }
0x20b: {  	s31 =	simm.s32 $0x3  }
0x20c: {  	s28 =	sshll.u32 s25, $0x7;
	s25 =	sshll.u32 s25, $0x9;
	_ =	swait.ge [sflag:s31], $0x4000  }
0x20d: {  	s29 =	sand.u32 $0xFFFFF000, s25;
	s30 =	sand.u32 $0x380, s28;
	[sflag:s31] =	ssyncset.done $0x0  }
0x20e: {  	s29 =	sor.u32 s30, s29;
	[sflag:s31] =	ssyncadd.s32 $0xFFFFC000  }
0x20f: {  	[tilespmem:s29+$0x8CF0] =	vst v0  }
0x210: {  	[tilespmem:s29+$0x8080] =	vst v0  }
0x211: {  	[tilespmem:s29+$0x8090] =	vst v0  }
0x212: {  	[tilespmem:s29+$0x80A0] =	vst v0  }
0x213: {  	[tilespmem:s29+$0x80B0] =	vst v0  }
0x214: {  	[tilespmem:s29+$0x80C0] =	vst v0  }
0x215: {  	[tilespmem:s29+$0x80D0] =	vst v0  }
0x216: {  	[tilespmem:s29+$0x80E0] =	vst v0  }
0x217: {  	[tilespmem:s29+$0x80F0] =	vst v0  }
0x218: {  	[tilespmem:s29+$0x8480] =	vst v0  }
0x219: {  	[tilespmem:s29+$0x8490] =	vst v0  }
0x21a: {  	[tilespmem:s29+$0x84A0] =	vst v0  }
0x21b: {  	[tilespmem:s29+$0x84B0] =	vst v0  }
0x21c: {  	[tilespmem:s29+$0x84C0] =	vst v0  }
0x21d: {  	[tilespmem:s29+$0x84D0] =	vst v0  }
0x21e: {  	[tilespmem:s29+$0x84E0] =	vst v0  }
0x21f: {  	[tilespmem:s29+$0x84F0] =	vst v0  }
0x220: {  	[tilespmem:s29+$0x8880] =	vst v0  }
0x221: {  	[tilespmem:s29+$0x8890] =	vst v0  }
0x222: {  	[tilespmem:s29+$0x88A0] =	vst v0  }
0x223: {  	[tilespmem:s29+$0x88B0] =	vst v0  }
0x224: {  	[tilespmem:s29+$0x88C0] =	vst v0  }
0x225: {  	[tilespmem:s29+$0x88D0] =	vst v0  }
0x226: {  	s31 =	sadd.s32 $0x1, s0;
	[tilespmem:s29+$0x88E0] =	vst v0  }
0x227: {  	[tilespmem:s29+$0x88F0] =	vst v0;
	p3 =	slt.s32 s31, $0x1F  }
.Ltmp11:
0x228: {  	[tilespmem:s29+$0x8C80] =	vst v0;
	(pc) =	sbr.rel @!p3 .LBB2_17-.Ltmp11, $4  }
0x229: {  	[tilespmem:s29+$0x8C90] =	vst v0  }
0x22a: {  	[tilespmem:s29+$0x8CA0] =	vst v0  }
0x22b: {  	[tilespmem:s29+$0x8CB0] =	vst v0  }
0x22c: {  	s25 =	sadd.s32 $0x200, s25;
	s0 =	sadd.s32 $0x80, s28;
	[tilespmem:s29+$0x8CC0] =	vst v0  }
.LBB2_16:
0x22d: {  	s28 =	sand.u32 $0xFFFFF000, s25;
	s30 =	sand.u32 $0x380, s0;
	s31 =	sadd.s32 $0x1, s31;
	[tilespmem:s29+$0x8CD0] =	vst v0  }
0x22e: {  	p3 =	slt.s32 s31, $0x1F;
	[tilespmem:s29+$0x8CE0] =	vst v0;
	s29 =	sor.u32 s30, s28  }
0x22f: {  	[tilespmem:s29+$0x8CF0] =	vst v0  }
0x230: {  	[tilespmem:s29+$0x8080] =	vst v0  }
0x231: {  	[tilespmem:s29+$0x8090] =	vst v0  }
0x232: {  	[tilespmem:s29+$0x80A0] =	vst v0  }
0x233: {  	[tilespmem:s29+$0x80B0] =	vst v0  }
0x234: {  	[tilespmem:s29+$0x80C0] =	vst v0  }
0x235: {  	[tilespmem:s29+$0x80D0] =	vst v0  }
0x236: {  	[tilespmem:s29+$0x80E0] =	vst v0  }
0x237: {  	[tilespmem:s29+$0x80F0] =	vst v0  }
0x238: {  	[tilespmem:s29+$0x8480] =	vst v0  }
0x239: {  	[tilespmem:s29+$0x8490] =	vst v0  }
0x23a: {  	[tilespmem:s29+$0x84A0] =	vst v0  }
0x23b: {  	[tilespmem:s29+$0x84B0] =	vst v0  }
0x23c: {  	[tilespmem:s29+$0x84C0] =	vst v0  }
0x23d: {  	[tilespmem:s29+$0x84D0] =	vst v0  }
0x23e: {  	[tilespmem:s29+$0x84E0] =	vst v0  }
0x23f: {  	[tilespmem:s29+$0x84F0] =	vst v0  }
0x240: {  	[tilespmem:s29+$0x8880] =	vst v0  }
0x241: {  	[tilespmem:s29+$0x8890] =	vst v0  }
0x242: {  	[tilespmem:s29+$0x88A0] =	vst v0  }
0x243: {  	[tilespmem:s29+$0x88B0] =	vst v0  }
0x244: {  	[tilespmem:s29+$0x88C0] =	vst v0  }
0x245: {  	[tilespmem:s29+$0x88D0] =	vst v0  }
0x246: {  	[tilespmem:s29+$0x88E0] =	vst v0  }
0x247: {  	[tilespmem:s29+$0x88F0] =	vst v0  }
.Ltmp12:
0x248: {  	[tilespmem:s29+$0x8C80] =	vst v0;
	(pc) =	sbr.rel @p3 .LBB2_16-.Ltmp12, $4  }
0x249: {  	[tilespmem:s29+$0x8C90] =	vst v0  }
0x24a: {  	[tilespmem:s29+$0x8CA0] =	vst v0  }
0x24b: {  	[tilespmem:s29+$0x8CB0] =	vst v0  }
0x24c: {  	s0 =	sadd.s32 $0x80, s0;
	s25 =	sadd.s32 $0x200, s25;
	[tilespmem:s29+$0x8CC0] =	vst v0  }
.LBB2_17:
0x24d: {  	[tilespmem:s29+$0x8CD0] =	vst v0;
	s0 =	sshll.u32 s23, $0x12  }
0x24e: {  	[tilespmem:s29+$0x8CE0] =	vst v0;
	s25 =	simm.s32 $0x8080;
	s0 =	sadd.s32 s0, s21  }
0x24f: {  	[hbm4b:s0+s3] =	stream.linear.scatter [tilespmem:s25], [sflag:$0x7], $0x4000, $0x38;
	[tilespmem:$0x14080] =	vst v63  }
.LBB2_18:
0x250: {  	v1 =	vld [tilespmem:s23+$0x0];
	_ =	sdelay $0x4  }
0x251: {  	(v2sf) =	vpush v1, $0x0;
	_ =	sdelay $0xe  }
0x252: {  	s0 =	spop (v2sf)  }
0x253: {  	s0 =	ssub.s32 s0, s14  }
0x254: {  	s29 =	sadd.s32 s13, s24;
	p3 =	sgt.s32 s0, $0x0  }
0x255: {  	s30 =	sshra.s32 s29, $0x1F;
	s0 =	sshll.u32 @!p3 s23, $0x12  }
0x256: {  	s25 =	simm.s32 @!p3 $0x0;
	s28 =	simm.s32 @!p3 $0x10080;
	s0 =	sadd.s32 @!p3 s0, s21  }
0x257: {  	[hbm4b:s0+s25] =	stream.linear.scatter @!p3 [tilespmem:s28], [sflag:$0x9], $0x4000, $0x38;
	[tilespmem:$0x14080] =	vst v63  }
0x258: {  	s25 =	sshrl.u32 s30, $0x19  }
0x259: {  	p3 =	slt.s32 s29, $0x1;
	s28 =	simm.s32 $0x1;
	s25 =	sadd.s32 s25, s29  }
0x25a: {  	s28 =	simm.s32 @!p3 $0x0;
	s25 =	sshra.s32 s25, $0x7  }
0x25b: {  	s25 =	ssub.s32 s25, s28  }
0x25c: {  	p3 =	sgt.s32 s25, $0x0  }
0x25d: {  	s25 =	simm.s32 @!p3 $0x0  }
0x25e: {  	s25 =	smin.u32 s25, $0xF  }
0x25f: {  	v1 =	vld [tilespmem:s25+$0x0];
	_ =	sdelay $0x4  }
0x260: {  	(v2sf) =	vpush v1, $0x0;
	_ =	sdelay $0xd  }
0x261: {  	s0 =	sshll.u32 s29, $0x5  }
0x262: {  	s0 =	sand.u32 $0xFE0, s0;
	s31 =	spop (v2sf)  }
0x263: {  	s0 =	ssub.s32 s31, s0  }
0x264: {  	p3 =	sgt.s32 @!p1 s0, $0x0  }
0x265: {  	p3 =	por p3, p1  }
0x266: {  	s0 =	simm.s32 @!p3 $0x9  }
0x267: {  	_ =	swait.ge @!p3 [sflag:s0], $0x4000  }
0x268: {  	[sflag:s0] =	ssyncset.done @!p3 $0x0  }
0x269: {  	[sflag:s0] =	ssyncadd.s32 @!p3 $0xFFFFC000  }
0x26a: {  	v1 =	vld [tilespmem:s23+$0x0];
	_ =	sdelay $0x4  }
0x26b: {  	(v2sf) =	vpush v1, $0x0;
	_ =	sdelay $0xe  }
0x26c: {  	s28 =	spop (v2sf)  }
0x26d: {  	s0 =	ssub.s32 s28, s6  }
0x26e: {  	p3 =	slt.s32 s0, $0x1  }
0x26f: {  	s0 =	simm.s32 @!p3 $0x6  }
0x270: {  	_ =	swait.ge @!p3 [sflag:s0], $0x4000  }
0x271: {  	[sflag:s0] =	ssyncset.done @!p3 $0x0  }
0x272: {  	[sflag:s0] =	ssyncadd.s32 @!p3 $0xFFFFC000  }
0x273: {  	v1 =	vld [tilespmem:s2+$0x1];
	_ =	sdelay $0x4  }
0x274: {  	(v2sf) =	vpush v1, $0x0;
	_ =	sdelay $0xe  }
0x275: {  	s29 =	spop (v2sf)  }
0x276: {  	s0 =	ssub.s32 s29, s6  }
0x277: {  	p3 =	slt.s32 @!p2 s0, $0x1  }
0x278: {  	p2 =	por p3, p2  }
0x279: {  	s0 =	sshll.u32 @!p2 s26, $0x12  }
0x27a: {  	s2 =	simm.s32 @!p2 $0x0;
	s25 =	simm.s32 @!p2 $0x4080;
	s0 =	sadd.s32 @!p2 s0, s8  }
0x27b: {  	[tilespmem:s25], [sflag:$0x2] =	stream.linear.gather @!p2 [hbm4b:s0+s2], $0x4000, $0x38;
	[tilespmem:$0x14080] =	vst v63  }
0x27c: {  	v1 =	vld [tilespmem:s23+$0x0];
	_ =	sdelay $0x4  }
0x27d: {  	(v2sf) =	vpush v1, $0x0;
	_ =	sdelay $0xe  }
0x27e: {  	s30 =	spop (v2sf)  }
0x27f: {  	s0 =	ssub.s32 s30, s15  }
0x280: {  	p2 =	slt.s32 s0, $0x20  }
0x281: {  	s0 =	simm.s32 @!p2 $0x4  }
0x282: {  	_ =	swait.ge @!p2 [sflag:s0], $0x4000  }
0x283: {  	[sflag:s0] =	ssyncset.done @!p2 $0x0  }
0x284: {  	[sflag:s0] =	ssyncadd.s32 @!p2 $0xFFFFC000;
	s0 =	sshll.u32 @!p2 s23, $0x12  }
0x285: {  	s2 =	simm.s32 @!p2 $0x0;
	s25 =	simm.s32 @!p2 $0xC080;
	s0 =	sadd.s32 @!p2 s0, s22  }
0x286: {  	[hbm4b:s0+s2] =	stream.linear.scatter @!p2 [tilespmem:s25], [sflag:$0x8], $0x4000, $0x38;
	[tilespmem:$0x14080] =	vst v63  }
0x287: {  	v1 =	vld [tilespmem:s23+$0x0];
	_ =	sdelay $0x4  }
0x288: {  	(v2sf) =	vpush v1, $0x0;
	_ =	sdelay $0xe  }
0x289: {  	s31 =	spop (v2sf)  }
0x28a: {  	s2 =	ssub.s32 s31, s15  }
0x28b: {  	s0 =	sadd.s32 $0xFFFFFFFF, s2  }
0x28c: {  	p2 =	sgt.u32 s0, $0x1E  }
.Ltmp13:
0x28d: {  	_ = 	snop;
	(pc) =	sbr.rel @p2 .LBB2_22-.Ltmp13, $1  }
0x28e: {  	_ =	sdelay $0x3  }
0x28f: {  	_ =	swait.ge [sflag:s1], $0x4000;
	s25 =	sshll.u32 s2, $0x7;
	s28 =	sshll.u32 s2, $0x9  }
0x290: {  	[sflag:s1] =	ssyncset.done $0x0;
	s2 =	sand.u32 $0xFFFFF000, s28;
	s26 =	sand.u32 $0x380, s25  }
0x291: {  	[sflag:s1] =	ssyncadd.s32 $0xFFFFC000;
	s2 =	sor.u32 s26, s2  }
0x292: {  	[tilespmem:s2+$0xCCF0] =	vst v0  }
0x293: {  	[tilespmem:s2+$0xC080] =	vst v0  }
0x294: {  	[tilespmem:s2+$0xC090] =	vst v0  }
0x295: {  	[tilespmem:s2+$0xC0A0] =	vst v0  }
0x296: {  	[tilespmem:s2+$0xC0B0] =	vst v0  }
0x297: {  	[tilespmem:s2+$0xC0C0] =	vst v0  }
0x298: {  	[tilespmem:s2+$0xC0D0] =	vst v0  }
0x299: {  	[tilespmem:s2+$0xC0E0] =	vst v0  }
0x29a: {  	[tilespmem:s2+$0xC0F0] =	vst v0  }
0x29b: {  	[tilespmem:s2+$0xC480] =	vst v0  }
0x29c: {  	[tilespmem:s2+$0xC490] =	vst v0  }
0x29d: {  	[tilespmem:s2+$0xC4A0] =	vst v0  }
0x29e: {  	[tilespmem:s2+$0xC4B0] =	vst v0  }
0x29f: {  	[tilespmem:s2+$0xC4C0] =	vst v0  }
0x2a0: {  	[tilespmem:s2+$0xC4D0] =	vst v0  }
0x2a1: {  	[tilespmem:s2+$0xC4E0] =	vst v0  }
0x2a2: {  	[tilespmem:s2+$0xC4F0] =	vst v0  }
0x2a3: {  	[tilespmem:s2+$0xC880] =	vst v0  }
0x2a4: {  	[tilespmem:s2+$0xC890] =	vst v0  }
0x2a5: {  	[tilespmem:s2+$0xC8A0] =	vst v0  }
0x2a6: {  	[tilespmem:s2+$0xC8B0] =	vst v0  }
0x2a7: {  	[tilespmem:s2+$0xC8C0] =	vst v0  }
0x2a8: {  	[tilespmem:s2+$0xC8D0] =	vst v0  }
0x2a9: {  	s26 =	sadd.s32 $0x1, s0;
	[tilespmem:s2+$0xC8E0] =	vst v0  }
0x2aa: {  	[tilespmem:s2+$0xC8F0] =	vst v0;
	p2 =	slt.s32 s26, $0x1F  }
.Ltmp14:
0x2ab: {  	[tilespmem:s2+$0xCC80] =	vst v0;
	(pc) =	sbr.rel @!p2 .LBB2_21-.Ltmp14, $4  }
0x2ac: {  	[tilespmem:s2+$0xCC90] =	vst v0  }
0x2ad: {  	[tilespmem:s2+$0xCCA0] =	vst v0  }
0x2ae: {  	[tilespmem:s2+$0xCCB0] =	vst v0  }
0x2af: {  	s0 =	sadd.s32 $0x80, s25;
	s25 =	sadd.s32 $0x200, s28;
	[tilespmem:s2+$0xCCC0] =	vst v0  }
.LBB2_20:
0x2b0: {  	s28 =	sand.u32 $0xFFFFF000, s25;
	s29 =	sand.u32 $0x380, s0;
	s26 =	sadd.s32 $0x1, s26;
	[tilespmem:s2+$0xCCD0] =	vst v0  }
0x2b1: {  	p2 =	slt.s32 s26, $0x1F;
	[tilespmem:s2+$0xCCE0] =	vst v0;
	s2 =	sor.u32 s29, s28  }
0x2b2: {  	[tilespmem:s2+$0xCCF0] =	vst v0  }
0x2b3: {  	[tilespmem:s2+$0xC080] =	vst v0  }
0x2b4: {  	[tilespmem:s2+$0xC090] =	vst v0  }
0x2b5: {  	[tilespmem:s2+$0xC0A0] =	vst v0  }
0x2b6: {  	[tilespmem:s2+$0xC0B0] =	vst v0  }
0x2b7: {  	[tilespmem:s2+$0xC0C0] =	vst v0  }
0x2b8: {  	[tilespmem:s2+$0xC0D0] =	vst v0  }
0x2b9: {  	[tilespmem:s2+$0xC0E0] =	vst v0  }
0x2ba: {  	[tilespmem:s2+$0xC0F0] =	vst v0  }
0x2bb: {  	[tilespmem:s2+$0xC480] =	vst v0  }
0x2bc: {  	[tilespmem:s2+$0xC490] =	vst v0  }
0x2bd: {  	[tilespmem:s2+$0xC4A0] =	vst v0  }
0x2be: {  	[tilespmem:s2+$0xC4B0] =	vst v0  }
0x2bf: {  	[tilespmem:s2+$0xC4C0] =	vst v0  }
0x2c0: {  	[tilespmem:s2+$0xC4D0] =	vst v0  }
0x2c1: {  	[tilespmem:s2+$0xC4E0] =	vst v0  }
0x2c2: {  	[tilespmem:s2+$0xC4F0] =	vst v0  }
0x2c3: {  	[tilespmem:s2+$0xC880] =	vst v0  }
0x2c4: {  	[tilespmem:s2+$0xC890] =	vst v0  }
0x2c5: {  	[tilespmem:s2+$0xC8A0] =	vst v0  }
0x2c6: {  	[tilespmem:s2+$0xC8B0] =	vst v0  }
0x2c7: {  	[tilespmem:s2+$0xC8C0] =	vst v0  }
0x2c8: {  	[tilespmem:s2+$0xC8D0] =	vst v0  }
0x2c9: {  	[tilespmem:s2+$0xC8E0] =	vst v0  }
0x2ca: {  	[tilespmem:s2+$0xC8F0] =	vst v0  }
.Ltmp15:
0x2cb: {  	[tilespmem:s2+$0xCC80] =	vst v0;
	(pc) =	sbr.rel @p2 .LBB2_20-.Ltmp15, $4  }
0x2cc: {  	[tilespmem:s2+$0xCC90] =	vst v0  }
0x2cd: {  	[tilespmem:s2+$0xCCA0] =	vst v0  }
0x2ce: {  	[tilespmem:s2+$0xCCB0] =	vst v0  }
0x2cf: {  	s0 =	sadd.s32 $0x80, s0;
	s25 =	sadd.s32 $0x200, s25;
	[tilespmem:s2+$0xCCC0] =	vst v0  }
.Ltmp16:
0x2d0: {  	_ = 	snop;
	(pc) =	sbr.rel .LBB2_21-.Ltmp16, $1  }
0x2d1: {  	_ =	sdelay $0x3  }
.LBB2_6:
.Ltmp17:
0x2d2: {  	(pc) =	sbr.rel .LBB2_9-.Ltmp17, $2  }
0x2d3: {  	_ =	sdelay $0x2  }
0x2d4: {  	_ = 	snop  }
.LBB2_23:
0x2d5: {  	v1 =	vld [tilespmem:$0xF];
	_ =	sdelay $0x4  }
0x2d6: {  	(v2sf) =	vpush v1, $0x0;
	_ =	sdelay $0xe  }
0x2d7: {  	s0 =	spop (v2sf)  }
0x2d8: {  	s0 =	ssub.s32 s0, s5  }
0x2d9: {  	s2 =	sadd.s32 $0xFFFFF800, s0  }
0x2da: {  	p1 =	slt.s32 s2, $0x1  }
0x2db: {  	s2 =	simm.s32 @!p1 $0x7  }
0x2dc: {  	s0 =	sadd.s32 $0xFFFFF400, s0;
	_ =	swait.ge @!p1 [sflag:s2], $0x4000  }
0x2dd: {  	p2 =	slt.s32 s0, $0x1;
	[sflag:s2] =	ssyncset.done @!p1 $0x0  }
0x2de: {  	s0 =	simm.s32 @!p2 $0x8;
	[sflag:s2] =	ssyncadd.s32 @!p1 $0xFFFFC000  }
0x2df: {  	_ =	swait.ge @!p2 [sflag:s0], $0x4000  }
0x2e0: {  	[sflag:s0] =	ssyncset.done @!p2 $0x0  }
0x2e1: {  	s29 =	simm.s32 $0x8;
	[sflag:s0] =	ssyncadd.s32 @!p2 $0xFFFFC000  }
0x2e2: {  	v1 =	vld [tilespmem:s29+$0x0];
	_ =	sdelay $0x4  }
0x2e3: {  	(v2sf) =	vpush v1, $0x0;
	_ =	sdelay $0xc  }
0x2e4: {  	s30 =	simm.s32 $0x8000  }
0x2e5: {  	s0 =	sand.u32 $0xC00, s30  }
0x2e6: {  	s0 =	sor.u32 s5, s0;
	s31 =	spop (v2sf)  }
0x2e7: {  	s0 =	ssub.s32 s31, s0  }
0x2e8: {  	p2 =	sgt.s32 s0, $0x0  }
0x2e9: {  	s23 =	simm.s32 @!p2 $0x9  }
0x2ea: {  	_ =	swait.ge @!p2 [sflag:s23], $0x4000  }
0x2eb: {  	s2 =	simm.s32 $0x21;
	s0 =	simm.s32 $0x8400;
	[sflag:s23] =	ssyncset.done @!p2 $0x0  }
.LBB2_24:
0x2ec: {  	s24 =	sshrl.u32 s2, $0x2;
	[sflag:s23] =	ssyncadd.s32 @!p2 $0xFFFFC000;
	s23 =	smov.u32 s0  }
0x2ed: {  	s0 =	sadd.s32 $0x400, s0;
	v1 =	vld [tilespmem:s24+$0x0]  }
0x2ee: {  	p1 =	sne.s32 s0, $0x10000;
	_ =	sdelay $0x3  }
0x2ef: {  	(v2sf) =	vpush v1, $0x0;
	_ =	sdelay $0xd  }
0x2f0: {  	s23 =	sand.u32 $0xC00, s23  }
0x2f1: {  	s23 =	sor.u32 s5, s23;
	s24 =	spop (v2sf)  }
.Ltmp18:
0x2f2: {  	s23 =	ssub.s32 s24, s23;
	(pc) =	sbr.rel @p1 .LBB2_24-.Ltmp18, $4  }
0x2f3: {  	p2 =	sgt.s32 s23, $0x0  }
0x2f4: {  	s23 =	simm.s32 @!p2 $0x9  }
0x2f5: {  	_ =	swait.ge @!p2 [sflag:s23], $0x4000  }
0x2f6: {  	s2 =	sadd.s32 $0x1, s2;
	[sflag:s23] =	ssyncset.done @!p2 $0x0  }
0x2f7: {  	s2 =	rddreg [dreg:$0x5]  }
0x2f8: {  	s0 =	rddreg [dreg:$0x4];
	s2 =	sadd.s32 $0x1, s2  }
0x2f9: {  	p1 =	sne.s32 s2, s0  }
.Ltmp19:
0x2fa: {  	_ = 	snop;
	(pc) =	sbr.rel @p1 .LBB2_1-.Ltmp19, $2  }
0x2fb: {  	_ =	sdelay $0x2  }
0x2fc: {  	[sflag:s23] =	ssyncadd.s32 @!p2 $0xFFFFC000  }
0x2fd: {  	_ =	sfence.sel $0x180000  }
0x2fe: {  	[bflag:$0x0] =	sbarrier.arrive $0xFFFF  }
0x2ff: {  	_ =	strace $0x90000047  }
0x300: {  	s0 =	stileid.u32;
	[bflag:$0x2] =	sbarrier.arrive $0xFFFF  }
0x301: {  	p0 =	sne.s32 s0, $0x0;
	s0 =	rddreg [dreg:$0x3]  }
0x302: {  	s0 =	sadd.s32 @!p0 $0x100000, s0  }
0x303: {  	[sflag:s0] =	ssyncadd.tile.s32 @!p0 $0x1;
	_ =	shalt  }
.Lfunc_end2:
_tile_overlayer_lowered:
.L_overlay_start_2:
0x304: {  	(tag) =	ssettag $0x2  }
0x305: {  	s0 =	rddreg [dreg:$0x0];
	s2 =	stileid.u32  }
0x306: {  	s1 =	rddreg [dreg:$0x1];
	p0 =	sne.s32 s2, $0x0  }
0x307: {  	s3 =	rddreg [dreg:$0x2];
	[bflag:$0x3] =	sbarrier.arrive $0xFFFF;
	s2 =	simm.s32 @!p0 $0x1C0A  }
0x308: {  	[timem:s3], [sflag:s2] =	dma.local @!p0 [hbm:s0], s1  }
0x309: {  	s0 =	simm.s32 @!p0 $0xA  }
0x30a: {  	_ =	swait.ge @!p0 [sflag:s0], s1  }
0x30b: {  	s1 =	ssub.s32 @!p0 $0x0, s1;
	[sflag:s0] =	ssyncset.done @!p0 $0x0  }
0x30c: {  	[sflag:s0] =	ssyncadd.s32 @!p0 s1  }
0x30d: {  	[bflag:$0x3] =	sbarrier.arrive $0xFFFF  }
0x30e: {  	_ =	shalt  }

</sc_bundles>
